<compile_context>
chip_gen: v7x
topology: tpu7x:2x2x1
jax: 0.10.2.dev20260603
libtpu: 0.0.44.dev20260713+nightly
codegen_flags: <defaults>
</compile_context>

<pallas_src>
import jax
import jax.numpy as jnp
from jax import lax
from jax.experimental import pallas as pl
from jax.experimental.pallas import tpu as pltpu
from jax.experimental.pallas import tpu_sc as plsc

N = 100000
E = 3200000
HEADS = 4
NCLASS = 40
NLAYERS = 4
DT = 1.0
ALPHA = 1.0
GAMMA = 1.0

NC = 2
NS = 16
NW = NC * NS
TPT = 3136
NP = NW * TPT
GPT = TPT // 16
TABW = GPT * 8 + 16
CW = 1024
CSH = 10
NBUF = 4
EPAD = E + NBUF * CW + 8
NEG = -1e30


def _splat(v):
    return jnp.repeat(v.astype(jnp.float32), 16)


def _layer_body(x_hbm, y_hbm, src_hbm, rplo_hbm, rphi_hbm, par_hbm,
                tab_hbm, xo_hbm, yo_hbm,
                xv, yv, rplo, rphi, win, xov, yov, pv, tab_v, sem):
    wid = lax.axis_index("s") * NC + lax.axis_index("c")
    tb = wid * TPT

    pltpu.sync_copy(x_hbm, xv)
    pltpu.sync_copy(y_hbm.at[pl.ds(tb, TPT)], yv)
    pltpu.sync_copy(rplo_hbm.at[pl.ds(tb, TPT)], rplo)
    pltpu.sync_copy(rphi_hbm.at[pl.ds(tb, TPT)], rphi)
    pltpu.sync_copy(tab_hbm.at[pl.ds(wid * TABW, TABW)], tab_v)
    pltpu.sync_copy(par_hbm, pv)

    cs = [pv[pl.ds(h * 16, 16)] for h in range(HEADS)]
    cd = [pv[pl.ds((HEADS + h) * 16, 16)] for h in range(HEADS)]
    w0 = [pv[pl.ds((2 * HEADS + h) * 16, 16)] for h in range(HEADS)]
    bg = [pv[pl.ds((3 * HEADS + h) * 16, 16)] for h in range(HEADS)]

    def group(g, _):
        nb = g * 16
        rp0 = rplo[pl.ds(nb, 16)]
        rp1 = rphi[pl.ds(nb, 16)]
        xd = xv[pl.ds(tb + nb, 16)]

        cdxd = [cd[h] * xd for h in range(HEADS)]
        rm, ss, ww = [], [], []
        for h in range(HEADS):
            pre = cs[h] * xd + cdxd[h]
            rm.append(jnp.maximum(pre, 0.2 * pre))
            ss.append(jnp.full((16,), 1.0, jnp.float32))
            ww.append(xd)

        tv = tab_v[pl.ds(g * 8, 16)]
        wa = tv[0]
        wend = tv[1]
        kmx = tv[2]
        ntrips = lax.shift_right_logical(wend - wa + (CW - 1), CSH)

        @plsc.parallel_loop(0, ntrips, carry=(*rm, *ss, *ww))
        def blk(i, st):
            rm = list(st[:HEADS])
            ss = list(st[HEADS:2 * HEADS])
            ww = list(st[2 * HEADS:3 * HEADS])
            slot = i & (NBUF - 1)
            sbase = slot * CW
            wb = pl.multiple_of(wa + i * CW, 8)
            pltpu.sync_copy(src_hbm.at[pl.ds(wb, CW)],
                            win.at[pl.ds(sbase, CW)])
            wbv = jnp.zeros((16,), jnp.int32) + wb
            lo = jnp.maximum(rp0 - wbv, 0)
            hi = jnp.minimum(rp1 - wbv, CW)
            cnt = hi - lo
            lob = lo + sbase

            @plsc.parallel_loop(0, kmx, carry=(*rm, *ss, *ww))
            def edges(j, st2):
                rm = list(st2[:HEADS])
                ss = list(st2[HEADS:2 * HEADS])
                ww = list(st2[2 * HEADS:3 * HEADS])
                msk = j < cnt
                idx = jnp.where(msk, lob + j, 0)
                sv = plsc.load_gather(win, [idx], mask=msk)
                sv = jnp.where(msk, sv, 0)
                xs = plsc.load_gather(xv, [sv], mask=msk)
                for h in range(HEADS):
                    pre = cs[h] * xs + cdxd[h]
                    l = jnp.maximum(pre, 0.2 * pre)
                    l = jnp.where(msk, l, NEG)
                    nm = jnp.maximum(rm[h], l)
                    scale = jnp.exp(rm[h] - nm)
                    p = jnp.exp(l - nm)
                    ss[h] = ss[h] * scale + p
                    ww[h] = ww[h] * scale + p * xs
                    rm[h] = nm
                return (*rm, *ss, *ww)

            return edges

        st = blk
        ss = list(st[HEADS:2 * HEADS])
        ww = list(st[2 * HEADS:3 * HEADS])

        agg = jnp.full((16,), 0.0, jnp.float32)
        for h in range(HEADS):
            outh = (ww[h] / ss[h]) * w0[h] + bg[h]
            eluh = jnp.where(outh > 0, outh, jnp.exp(outh) - 1.0)
            agg = agg + eluh
        agg = agg * (1.0 / HEADS)

        yd = yv[pl.ds(nb, 16)]
        yn = yd + DT * (agg - ALPHA * yd - GAMMA * xd)
        xn = xd + DT * yn
        xov[pl.ds(nb, 16)] = xn
        yov[pl.ds(nb, 16)] = yn
        return _

    lax.fori_loop(0, GPT, group, None)

    pltpu.sync_copy(xov, xo_hbm.at[pl.ds(tb, TPT)])
    pltpu.sync_copy(yov, yo_hbm.at[pl.ds(tb, TPT)])


_sc_layer = pl.kernel(
    _layer_body,
    out_type=(jax.ShapeDtypeStruct((NP,), jnp.float32),
              jax.ShapeDtypeStruct((NP,), jnp.float32)),
    mesh=plsc.VectorSubcoreMesh(core_axis_name="c", subcore_axis_name="s",
                                num_cores=NC, num_subcores=NS),
    compiler_params=pltpu.CompilerParams(needs_layout_passes=False),
    scratch_types=[
        pltpu.VMEM((NP,), jnp.float32),
        pltpu.VMEM((TPT,), jnp.float32),
        pltpu.VMEM((TPT,), jnp.int32),
        pltpu.VMEM((TPT,), jnp.int32),
        pltpu.VMEM((NBUF * CW,), jnp.int32),
        pltpu.VMEM((TPT,), jnp.float32),
        pltpu.VMEM((TPT,), jnp.float32),
        pltpu.VMEM((16 * HEADS * 4,), jnp.float32),
        pltpu.VMEM((TABW,), jnp.int32),
        pltpu.SemaphoreType.DMA,
    ],
)


def _readout_body(x_ref, w_ref, b_ref, o_ref):
    o_ref[:, :] = x_ref[:, :] * w_ref[:, :] + b_ref[:, :]


def _readout(X, W_read, b_read):
    BN = 800
    wr = W_read[:, 0][None, :]
    br = b_read[None, :]
    return pl.pallas_call(
        _readout_body,
        out_shape=jax.ShapeDtypeStruct((N, NCLASS), jnp.float32),
        grid=(N // BN,),
        in_specs=[
            pl.BlockSpec((BN, 1), lambda i: (i, 0)),
            pl.BlockSpec((1, NCLASS), lambda i: (0, 0)),
            pl.BlockSpec((1, NCLASS), lambda i: (0, 0)),
        ],
        out_specs=pl.BlockSpec((BN, NCLASS), lambda i: (i, 0)),
    )(X[:, None], wr, br)


def kernel(x, edge_index, W_gat, att_src, att_dst, bias_gat, W_read, b_read):
    src, dst = edge_index[0], edge_index[1]
    keys = jnp.where(src == dst, N, dst).astype(jnp.int32)
    keys_s, src_s = lax.sort_key_val(keys, src.astype(jnp.int32))
    row_ptr = jnp.searchsorted(keys_s, jnp.arange(NP + 1, dtype=jnp.int32),
                               side="left", method="sort").astype(jnp.int32)
    rp_lo = row_ptr[:NP]
    rp_hi = row_ptr[1:NP + 1]
    src_pad = jnp.concatenate([src_s, jnp.zeros((EPAD - E,), jnp.int32)])

    gnodes = (jnp.arange(NW) * TPT)[:, None] + 16 * jnp.arange(GPT + 1)[None, :]
    raw = row_ptr[gnodes]
    deg = (rp_hi - rp_lo).reshape(NW, GPT, 16)
    rec = jnp.stack([raw[:, :GPT] & ~7,
                     raw[:, 1:GPT + 1],
                     jnp.max(deg, axis=2),
                     ], axis=2)
    rec = jnp.pad(rec, ((0, 0), (0, 0), (0, 5))).reshape(NW, GPT * 8)
    tab = jnp.pad(rec, ((0, 0), (0, TABW - GPT * 8))).reshape(-1)

    W0 = W_gat[:, 0]
    cs = W0 * att_src[:, 0]
    cd = W0 * att_dst[:, 0]
    params = jnp.concatenate([_splat(cs), _splat(cd), _splat(W0),
                              _splat(bias_gat)])

    zpad = jnp.zeros((NP - N,), jnp.float32)
    X = jnp.concatenate([x, zpad])
    Y = X
    X_list = [X]
    Y_list = [Y]
    for _ in range(NLAYERS):
        X, Y = _sc_layer(X, Y, src_pad, rp_lo, rp_hi, params, tab)
        X_list.append(X)
        Y_list.append(Y)

    out = _readout(X[:N], W_read, b_read)
    X_all = jnp.stack([v[:N] for v in X_list], axis=1)
    Y_all = jnp.stack([v[:N] for v in Y_list], axis=1)
    return (out, X_all, Y_all)

# --- scband reference (transcript-rebuilt; emitter-appended) ---
"""Pipeline reference for scband-graph-con-gat-33320356282950 (READ-ONLY COPY).

The authoritative reference and input builder live on the scoring server;
editing this copy changes nothing except your own understanding.
"""

import jax, jax.numpy as jnp
import numpy as np

N = 100000
E = 3200000
HEADS = 4
NHID = 1
NCLASS = 40
NLAYERS = 4
DT = 1.0
ALPHA = 1.0
GAMMA = 1.0


def setup_inputs(seed: int = 0) -> dict:
    key = jax.random.key(seed)
    ks = jax.random.split(key, 8)
    x = jax.random.normal(ks[0], (N,), dtype=jnp.float32)
    edge_index = jax.random.randint(ks[1], (2, E), 0, N, dtype=jnp.int32)
    # GATConv(nhid, nhid, heads=HEADS) parameters (PyG layout)
    W_gat = jax.random.normal(ks[2], (HEADS * NHID, NHID), dtype=jnp.float32) * 0.5
    att_src = jax.random.normal(ks[3], (HEADS, NHID), dtype=jnp.float32) * 0.5
    att_dst = jax.random.normal(ks[4], (HEADS, NHID), dtype=jnp.float32) * 0.5
    bias_gat = jnp.zeros((HEADS * NHID,), dtype=jnp.float32)
    # readout Linear(nhid, nclass)
    W_read = jax.random.normal(ks[5], (NCLASS, NHID), dtype=jnp.float32) * 0.5
    b_read = jnp.zeros((NCLASS,), dtype=jnp.float32)
    return {"x": x, "edge_index": edge_index, "W_gat": W_gat, "att_src": att_src,
            "att_dst": att_dst, "bias_gat": bias_gat, "W_read": W_read, "b_read": b_read}


def _gat_conv(x2d, src, dst, mask, W_gat, att_src, att_dst, bias_gat):
    # x2d: [N, NHID]
    xp = (x2d @ W_gat.T).reshape(N, HEADS, NHID)          # [N, H, C]
    a_src = (xp * att_src[None, :, :]).sum(-1)             # [N, H]
    a_dst = (xp * att_dst[None, :, :]).sum(-1)             # [N, H]
    logits = a_src[src] + a_dst[dst]                       # [E', H]
    logits = jax.nn.leaky_relu(logits, negative_slope=0.2)
    logits = jnp.where(mask[:, None], logits, -1e30)       # drop original self-loops (remove_self_loops)
    seg_max = jax.ops.segment_max(logits, dst, num_segments=N)
    e = jnp.exp(logits - seg_max[dst]) * mask[:, None].astype(logits.dtype)
    denom = jax.ops.segment_sum(e, dst, num_segments=N)
    attn = e / jnp.maximum(denom[dst], 1e-16)              # softmax per dst node
    msg = attn[:, :, None] * xp[src]                       # [E', H, C]
    out = jax.ops.segment_sum(msg, dst, num_segments=N)    # [N, H, C]
    return out.reshape(N, HEADS * NHID) + bias_gat


def reference(x, edge_index, W_gat, att_src, att_dst, bias_gat, W_read, b_read):
    src, dst = edge_index[0], edge_index[1]
    loop = jnp.arange(N, dtype=src.dtype)
    # GATConv default: remove_self_loops then add_self_loops
    src_f = jnp.concatenate([src, loop])
    dst_f = jnp.concatenate([dst, loop])
    mask = jnp.concatenate([src != dst, jnp.ones((N,), dtype=bool)])
    # emb = Identity; dropout p=0 / eval mode -> no-op
    Y = x[:, None]  # [N, 1]
    X = Y
    Y_all = [Y]
    X_all = [X]
    for _ in range(NLAYERS):
        conv = _gat_conv(X, src_f, dst_f, mask, W_gat, att_src, att_dst, bias_gat)  # [N, H]
        agg = jax.nn.elu(conv).reshape(N, -1, HEADS).mean(axis=-1)                   # [N, 1]
        Y = Y + DT * (agg - ALPHA * Y - GAMMA * X)
        X = X + DT * Y
        Y_all.append(Y)
        X_all.append(X)
    out = X @ W_read.T + b_read                              # [N, NCLASS]
    Y_all = jnp.stack(Y_all, axis=1).squeeze(-1)             # [N, NLAYERS+1]
    X_all = jnp.stack(X_all, axis=1).squeeze(-1)             # [N, NLAYERS+1]
    return (out, X_all, Y_all)

if __name__ == "__main__":
    import jax
    _d = setup_inputs()
    print(jax.jit(kernel)(*tuple(_d.values())))

</pallas_src>

<mosaic_0001>
#map = affine_map<(d0, d1) -> (0)>
module attributes {stable_mosaic.version = 14 : i64} {
  func.func @_layer_body(%arg0: i32, %arg1: i32, %arg2: memref<100352xf32, #tpu.memory_space<hbm>>, %arg3: memref<100352xf32, #tpu.memory_space<hbm>>, %arg4: memref<3204104xi32, #tpu.memory_space<hbm>>, %arg5: memref<100352xi32, #tpu.memory_space<hbm>>, %arg6: memref<100352xi32, #tpu.memory_space<hbm>>, %arg7: memref<256xf32, #tpu.memory_space<hbm>>, %arg8: memref<50688xi32, #tpu.memory_space<hbm>>, %arg9: memref<100352xf32, #tpu.memory_space<hbm>>, %arg10: memref<100352xf32, #tpu.memory_space<hbm>>, %arg11: memref<100352xf32, #tpu.memory_space<vmem>>, %arg12: memref<3136xf32, #tpu.memory_space<vmem>>, %arg13: memref<3136xi32, #tpu.memory_space<vmem>>, %arg14: memref<3136xi32, #tpu.memory_space<vmem>>, %arg15: memref<4096xi32, #tpu.memory_space<vmem>>, %arg16: memref<3136xf32, #tpu.memory_space<vmem>>, %arg17: memref<3136xf32, #tpu.memory_space<vmem>>, %arg18: memref<256xf32, #tpu.memory_space<vmem>>, %arg19: memref<1584xi32, #tpu.memory_space<vmem>>, %arg20: memref<!tpu.dma_semaphore, #tpu.memory_space<semaphore_mem>>) attributes {dimension_semantics = [#tpu.dimension_semantics<core_parallel>, #tpu.dimension_semantics<subcore_parallel>], iteration_bounds = array<i64: 2, 16>, scalar_prefetch = 0 : i64, scratch_operands = 10 : i64, tpu.core_type = #tpu.core_type<sc_vector_subcore>, window_params = [{transform_indices = #map}, {transform_indices = #map}, {transform_indices = #map}, {transform_indices = #map}, {transform_indices = #map}, {transform_indices = #map}, {transform_indices = #map}, {transform_indices = #map}, {transform_indices = #map}]} {
    %mul3A = arith.constant 2 : i32
    %mul3A_0 = arith.muli %arg1, %mul3A : i32
    %add3A = arith.addi %mul3A_0, %arg0 : i32
    %mul3A_1 = arith.constant 3136 : i32
    %mul3A_2 = arith.muli %add3A, %mul3A_1 : i32
    "tpu.region"() ({
      %run_scoped3A = tpu.sem_alloc : memref<!tpu.dma_semaphore, #tpu.memory_space<semaphore_mem>>
      tpu.enqueue_dma source(%arg2 : memref<100352xf32, #tpu.memory_space<hbm>>) target(%arg11 : memref<100352xf32, #tpu.memory_space<vmem>>) target_semaphore(%run_scoped3A : memref<!tpu.dma_semaphore, #tpu.memory_space<semaphore_mem>>)
      tpu.wait_dma2 semaphore(%run_scoped3A : memref<!tpu.dma_semaphore, #tpu.memory_space<semaphore_mem>>) src(%arg2 : memref<100352xf32, #tpu.memory_space<hbm>>) dst(%arg11 : memref<100352xf32, #tpu.memory_space<vmem>>)
      tpu.yield
    }) : () -> ()
    "tpu.region"() ({
      %run_scoped3A = tpu.sem_alloc : memref<!tpu.dma_semaphore, #tpu.memory_space<semaphore_mem>>
      %dma_start3A = tpu.memref_slice %arg3[%mul3A_2] : memref<100352xf32, #tpu.memory_space<hbm>> -> memref<3136xf32, #tpu.memory_space<hbm>>
      %dma_start3A_40 = tpu.memref_slice %arg3[%mul3A_2] : memref<100352xf32, #tpu.memory_space<hbm>> -> memref<3136xf32, #tpu.memory_space<hbm>>
      tpu.enqueue_dma source(%dma_start3A_40 : memref<3136xf32, #tpu.memory_space<hbm>>) target(%arg12 : memref<3136xf32, #tpu.memory_space<vmem>>) target_semaphore(%run_scoped3A : memref<!tpu.dma_semaphore, #tpu.memory_space<semaphore_mem>>)
      %dma_wait3A = tpu.memref_slice %arg3[%mul3A_2] : memref<100352xf32, #tpu.memory_space<hbm>> -> memref<3136xf32, #tpu.memory_space<hbm>>
      %dma_wait3A_41 = tpu.memref_slice %arg3[%mul3A_2] : memref<100352xf32, #tpu.memory_space<hbm>> -> memref<3136xf32, #tpu.memory_space<hbm>>
      tpu.wait_dma2 semaphore(%run_scoped3A : memref<!tpu.dma_semaphore, #tpu.memory_space<semaphore_mem>>) src(%dma_wait3A_41 : memref<3136xf32, #tpu.memory_space<hbm>>) dst(%arg12 : memref<3136xf32, #tpu.memory_space<vmem>>)
      tpu.yield
    }) : () -> ()
    "tpu.region"() ({
      %run_scoped3A = tpu.sem_alloc : memref<!tpu.dma_semaphore, #tpu.memory_space<semaphore_mem>>
      %dma_start3A = tpu.memref_slice %arg5[%mul3A_2] : memref<100352xi32, #tpu.memory_space<hbm>> -> memref<3136xi32, #tpu.memory_space<hbm>>
      %dma_start3A_40 = tpu.memref_slice %arg5[%mul3A_2] : memref<100352xi32, #tpu.memory_space<hbm>> -> memref<3136xi32, #tpu.memory_space<hbm>>
      tpu.enqueue_dma source(%dma_start3A_40 : memref<3136xi32, #tpu.memory_space<hbm>>) target(%arg13 : memref<3136xi32, #tpu.memory_space<vmem>>) target_semaphore(%run_scoped3A : memref<!tpu.dma_semaphore, #tpu.memory_space<semaphore_mem>>)
      %dma_wait3A = tpu.memref_slice %arg5[%mul3A_2] : memref<100352xi32, #tpu.memory_space<hbm>> -> memref<3136xi32, #tpu.memory_space<hbm>>
      %dma_wait3A_41 = tpu.memref_slice %arg5[%mul3A_2] : memref<100352xi32, #tpu.memory_space<hbm>> -> memref<3136xi32, #tpu.memory_space<hbm>>
      tpu.wait_dma2 semaphore(%run_scoped3A : memref<!tpu.dma_semaphore, #tpu.memory_space<semaphore_mem>>) src(%dma_wait3A_41 : memref<3136xi32, #tpu.memory_space<hbm>>) dst(%arg13 : memref<3136xi32, #tpu.memory_space<vmem>>)
      tpu.yield
    }) : () -> ()
    "tpu.region"() ({
      %run_scoped3A = tpu.sem_alloc : memref<!tpu.dma_semaphore, #tpu.memory_space<semaphore_mem>>
      %dma_start3A = tpu.memref_slice %arg6[%mul3A_2] : memref<100352xi32, #tpu.memory_space<hbm>> -> memref<3136xi32, #tpu.memory_space<hbm>>
      %dma_start3A_40 = tpu.memref_slice %arg6[%mul3A_2] : memref<100352xi32, #tpu.memory_space<hbm>> -> memref<3136xi32, #tpu.memory_space<hbm>>
      tpu.enqueue_dma source(%dma_start3A_40 : memref<3136xi32, #tpu.memory_space<hbm>>) target(%arg14 : memref<3136xi32, #tpu.memory_space<vmem>>) target_semaphore(%run_scoped3A : memref<!tpu.dma_semaphore, #tpu.memory_space<semaphore_mem>>)
      %dma_wait3A = tpu.memref_slice %arg6[%mul3A_2] : memref<100352xi32, #tpu.memory_space<hbm>> -> memref<3136xi32, #tpu.memory_space<hbm>>
      %dma_wait3A_41 = tpu.memref_slice %arg6[%mul3A_2] : memref<100352xi32, #tpu.memory_space<hbm>> -> memref<3136xi32, #tpu.memory_space<hbm>>
      tpu.wait_dma2 semaphore(%run_scoped3A : memref<!tpu.dma_semaphore, #tpu.memory_space<semaphore_mem>>) src(%dma_wait3A_41 : memref<3136xi32, #tpu.memory_space<hbm>>) dst(%arg14 : memref<3136xi32, #tpu.memory_space<vmem>>)
      tpu.yield
    }) : () -> ()
    %mul3A_3 = arith.constant 1584 : i32
    %mul3A_4 = arith.muli %add3A, %mul3A_3 : i32
    "tpu.region"() ({
      %run_scoped3A = tpu.sem_alloc : memref<!tpu.dma_semaphore, #tpu.memory_space<semaphore_mem>>
      %dma_start3A = tpu.memref_slice %arg8[%mul3A_4] : memref<50688xi32, #tpu.memory_space<hbm>> -> memref<1584xi32, #tpu.memory_space<hbm>>
      %dma_start3A_40 = tpu.memref_slice %arg8[%mul3A_4] : memref<50688xi32, #tpu.memory_space<hbm>> -> memref<1584xi32, #tpu.memory_space<hbm>>
      tpu.enqueue_dma source(%dma_start3A_40 : memref<1584xi32, #tpu.memory_space<hbm>>) target(%arg19 : memref<1584xi32, #tpu.memory_space<vmem>>) target_semaphore(%run_scoped3A : memref<!tpu.dma_semaphore, #tpu.memory_space<semaphore_mem>>)
      %dma_wait3A = tpu.memref_slice %arg8[%mul3A_4] : memref<50688xi32, #tpu.memory_space<hbm>> -> memref<1584xi32, #tpu.memory_space<hbm>>
      %dma_wait3A_41 = tpu.memref_slice %arg8[%mul3A_4] : memref<50688xi32, #tpu.memory_space<hbm>> -> memref<1584xi32, #tpu.memory_space<hbm>>
      tpu.wait_dma2 semaphore(%run_scoped3A : memref<!tpu.dma_semaphore, #tpu.memory_space<semaphore_mem>>) src(%dma_wait3A_41 : memref<1584xi32, #tpu.memory_space<hbm>>) dst(%arg19 : memref<1584xi32, #tpu.memory_space<vmem>>)
      tpu.yield
    }) : () -> ()
    "tpu.region"() ({
      %run_scoped3A = tpu.sem_alloc : memref<!tpu.dma_semaphore, #tpu.memory_space<semaphore_mem>>
      tpu.enqueue_dma source(%arg7 : memref<256xf32, #tpu.memory_space<hbm>>) target(%arg18 : memref<256xf32, #tpu.memory_space<vmem>>) target_semaphore(%run_scoped3A : memref<!tpu.dma_semaphore, #tpu.memory_space<semaphore_mem>>)
      tpu.wait_dma2 semaphore(%run_scoped3A : memref<!tpu.dma_semaphore, #tpu.memory_space<semaphore_mem>>) src(%arg7 : memref<256xf32, #tpu.memory_space<hbm>>) dst(%arg18 : memref<256xf32, #tpu.memory_space<vmem>>)
      tpu.yield
    }) : () -> ()
    %get3A = arith.constant 0 : index
    %get3A_5 = tpu.vector_load %arg18[%get3A] {strides = array<i32>} : memref<256xf32, #tpu.memory_space<vmem>>, vector<16xf32>,
    %get3A_6 = arith.constant 16 : index
    %get3A_7 = tpu.vector_load %arg18[%get3A_6] {strides = array<i32>} : memref<256xf32, #tpu.memory_space<vmem>>, vector<16xf32>,
    %get3A_8 = arith.constant 32 : index
    %get3A_9 = tpu.vector_load %arg18[%get3A_8] {strides = array<i32>} : memref<256xf32, #tpu.memory_space<vmem>>, vector<16xf32>,
    %get3A_10 = arith.constant 48 : index
    %get3A_11 = tpu.vector_load %arg18[%get3A_10] {strides = array<i32>} : memref<256xf32, #tpu.memory_space<vmem>>, vector<16xf32>,
    %get3A_12 = arith.constant 64 : index
    %get3A_13 = tpu.vector_load %arg18[%get3A_12] {strides = array<i32>} : memref<256xf32, #tpu.memory_space<vmem>>, vector<16xf32>,
    %get3A_14 = arith.constant 80 : index
    %get3A_15 = tpu.vector_load %arg18[%get3A_14] {strides = array<i32>} : memref<256xf32, #tpu.memory_space<vmem>>, vector<16xf32>,
    %get3A_16 = arith.constant 96 : index
    %get3A_17 = tpu.vector_load %arg18[%get3A_16] {strides = array<i32>} : memref<256xf32, #tpu.memory_space<vmem>>, vector<16xf32>,
    %get3A_18 = arith.constant 112 : index
    %get3A_19 = tpu.vector_load %arg18[%get3A_18] {strides = array<i32>} : memref<256xf32, #tpu.memory_space<vmem>>, vector<16xf32>,
    %get3A_20 = arith.constant 128 : index
    %get3A_21 = tpu.vector_load %arg18[%get3A_20] {strides = array<i32>} : memref<256xf32, #tpu.memory_space<vmem>>, vector<16xf32>,
    %get3A_22 = arith.constant 144 : index
    %get3A_23 = tpu.vector_load %arg18[%get3A_22] {strides = array<i32>} : memref<256xf32, #tpu.memory_space<vmem>>, vector<16xf32>,
    %get3A_24 = arith.constant 160 : index
    %get3A_25 = tpu.vector_load %arg18[%get3A_24] {strides = array<i32>} : memref<256xf32, #tpu.memory_space<vmem>>, vector<16xf32>,
    %get3A_26 = arith.constant 176 : index
    %get3A_27 = tpu.vector_load %arg18[%get3A_26] {strides = array<i32>} : memref<256xf32, #tpu.memory_space<vmem>>, vector<16xf32>,
    %get3A_28 = arith.constant 192 : index
    %get3A_29 = tpu.vector_load %arg18[%get3A_28] {strides = array<i32>} : memref<256xf32, #tpu.memory_space<vmem>>, vector<16xf32>,
    %get3A_30 = arith.constant 208 : index
    %get3A_31 = tpu.vector_load %arg18[%get3A_30] {strides = array<i32>} : memref<256xf32, #tpu.memory_space<vmem>>, vector<16xf32>,
    %get3A_32 = arith.constant 224 : index
    %get3A_33 = tpu.vector_load %arg18[%get3A_32] {strides = array<i32>} : memref<256xf32, #tpu.memory_space<vmem>>, vector<16xf32>,
    %get3A_34 = arith.constant 240 : index
    %get3A_35 = tpu.vector_load %arg18[%get3A_34] {strides = array<i32>} : memref<256xf32, #tpu.memory_space<vmem>>, vector<16xf32>,
    %scan3A = arith.constant 0 : i32
    %scan3A_36 = arith.constant 196 : i32
    %scan3A_37 = arith.addi %scan3A, %scan3A_36 : i32
    %scan3A_38 = arith.constant 1 : i32
    scf.for %scan3A_40 = %scan3A to %scan3A_37 step %scan3A_38  : i32 {
      %mul3A_41 = arith.constant 16 : i32
      %mul3A_42 = arith.muli %scan3A_40, %mul3A_41 : i32
      %get3A_43 = arith.index_cast %mul3A_42 : i32 to index
      %get3A_44 = tpu.vector_load %arg13[%get3A_43] {strides = array<i32>} : memref<3136xi32, #tpu.memory_space<vmem>>, vector<16xi32>,
      %get3A_45 = arith.index_cast %mul3A_42 : i32 to index
      %get3A_46 = tpu.vector_load %arg14[%get3A_45] {strides = array<i32>} : memref<3136xi32, #tpu.memory_space<vmem>>, vector<16xi32>,
      %add3A_47 = arith.addi %mul3A_2, %mul3A_42 : i32
      %get3A_48 = arith.index_cast %add3A_47 : i32 to index
      %get3A_49 = tpu.vector_load %arg11[%get3A_48] {strides = array<i32>} : memref<100352xf32, #tpu.memory_space<vmem>>, vector<16xf32>,
      %mul3A_50 = arith.mulf %get3A_13, %get3A_49 : vector<16xf32>
      %mul3A_51 = arith.mulf %get3A_15, %get3A_49 : vector<16xf32>
      %mul3A_52 = arith.mulf %get3A_17, %get3A_49 : vector<16xf32>
      %mul3A_53 = arith.mulf %get3A_19, %get3A_49 : vector<16xf32>
      %mul3A_54 = arith.mulf %get3A_5, %get3A_49 : vector<16xf32>
      %add3A_55 = arith.addf %mul3A_54, %mul3A_50 : vector<16xf32>
      %mul3A_56 = arith.constant 2.000000e-01 : f32
      %mul3A_57 = vector.broadcast %mul3A_56 : f32 to vector<16xf32>
      %mul3A_58 = arith.mulf %mul3A_57, %add3A_55 : vector<16xf32>
      %max3A = arith.maximumf %add3A_55, %mul3A_58 : vector<16xf32>
      %broadcast_in_dim3A = arith.constant 1.000000e+00 : f32
      %broadcast_in_dim3A_59 = vector.broadcast %broadcast_in_dim3A : f32 to vector<16xf32>
      %mul3A_60 = arith.mulf %get3A_7, %get3A_49 : vector<16xf32>
      %add3A_61 = arith.addf %mul3A_60, %mul3A_51 : vector<16xf32>
      %mul3A_62 = arith.constant 2.000000e-01 : f32
      %mul3A_63 = vector.broadcast %mul3A_62 : f32 to vector<16xf32>
      %mul3A_64 = arith.mulf %mul3A_63, %add3A_61 : vector<16xf32>
      %max3A_65 = arith.maximumf %add3A_61, %mul3A_64 : vector<16xf32>
      %broadcast_in_dim3A_66 = arith.constant 1.000000e+00 : f32
      %broadcast_in_dim3A_67 = vector.broadcast %broadcast_in_dim3A_66 : f32 to vector<16xf32>
      %mul3A_68 = arith.mulf %get3A_9, %get3A_49 : vector<16xf32>
      %add3A_69 = arith.addf %mul3A_68, %mul3A_52 : vector<16xf32>
      %mul3A_70 = arith.constant 2.000000e-01 : f32
      %mul3A_71 = vector.broadcast %mul3A_70 : f32 to vector<16xf32>
      %mul3A_72 = arith.mulf %mul3A_71, %add3A_69 : vector<16xf32>
      %max3A_73 = arith.maximumf %add3A_69, %mul3A_72 : vector<16xf32>
      %broadcast_in_dim3A_74 = arith.constant 1.000000e+00 : f32
      %broadcast_in_dim3A_75 = vector.broadcast %broadcast_in_dim3A_74 : f32 to vector<16xf32>
      %mul3A_76 = arith.mulf %get3A_11, %get3A_49 : vector<16xf32>
      %add3A_77 = arith.addf %mul3A_76, %mul3A_53 : vector<16xf32>
      %mul3A_78 = arith.constant 2.000000e-01 : f32
      %mul3A_79 = vector.broadcast %mul3A_78 : f32 to vector<16xf32>
      %mul3A_80 = arith.mulf %mul3A_79, %add3A_77 : vector<16xf32>
      %max3A_81 = arith.maximumf %add3A_77, %mul3A_80 : vector<16xf32>
      %broadcast_in_dim3A_82 = arith.constant 1.000000e+00 : f32
      %broadcast_in_dim3A_83 = vector.broadcast %broadcast_in_dim3A_82 : f32 to vector<16xf32>
      %mul3A_84 = arith.constant 8 : i32
      %mul3A_85 = arith.muli %scan3A_40, %mul3A_84 : i32
      %get3A_86 = arith.index_cast %mul3A_85 : i32 to index
      %get3A_87 = tpu.vector_load %arg19[%get3A_86] {strides = array<i32>} : memref<1584xi32, #tpu.memory_space<vmem>>, vector<16xi32>,
      %slice3A = vector.extract_strided_slice %get3A_87 {offsets = [0], sizes = [1], strides = [1]} : vector<16xi32> to vector<1xi32>
      %squeeze3A = vector.extract %slice3A[0] : i32 from vector<1xi32>
      %slice3A_88 = vector.extract_strided_slice %get3A_87 {offsets = [1], sizes = [1], strides = [1]} : vector<16xi32> to vector<1xi32>
      %squeeze3A_89 = vector.extract %slice3A_88[0] : i32 from vector<1xi32>
      %slice3A_90 = vector.extract_strided_slice %get3A_87 {offsets = [2], sizes = [1], strides = [1]} : vector<16xi32> to vector<1xi32>
      %squeeze3A_91 = vector.extract %slice3A_90[0] : i32 from vector<1xi32>
      %sub3A = arith.subi %squeeze3A_89, %squeeze3A : i32
      %add3A_92 = arith.constant 1023 : i32
      %add3A_93 = arith.addi %sub3A, %add3A_92 : i32
      %shift_right_logical3A = arith.constant 10 : i32
      %shift_right_logical3A_94 = arith.shrui %add3A_93, %shift_right_logical3A : i32
      %parallel_loop3A = arith.constant 0 : i32
      %parallel_loop3A_95 = arith.constant 1 : i32
      %parallel_loop3A_96:12 = scf.for %parallel_loop3A_167 = %parallel_loop3A to %shift_right_logical3A_94 step %parallel_loop3A_95 iter_args(%parallel_loop3A_168 = %max3A, %parallel_loop3A_169 = %max3A_65, %parallel_loop3A_170 = %max3A_73, %parallel_loop3A_171 = %max3A_81, %parallel_loop3A_172 = %broadcast_in_dim3A_59, %parallel_loop3A_173 = %broadcast_in_dim3A_67, %parallel_loop3A_174 = %broadcast_in_dim3A_75, %parallel_loop3A_175 = %broadcast_in_dim3A_83, %parallel_loop3A_176 = %get3A_49, %parallel_loop3A_177 = %get3A_49, %parallel_loop3A_178 = %get3A_49, %parallel_loop3A_179 = %get3A_49) -> (vector<16xf32>, vector<16xf32>, vector<16xf32>, vector<16xf32>, vector<16xf32>, vector<16xf32>, vector<16xf32>, vector<16xf32>, vector<16xf32>, vector<16xf32>, vector<16xf32>, vector<16xf32>)  : i32 {
        %parallel_loop3A_180 = arith.constant 3 : i32
        %parallel_loop3A_181 = arith.andi %parallel_loop3A_167, %parallel_loop3A_180 : i32
        %parallel_loop3A_182 = arith.constant 1024 : i32
        %parallel_loop3A_183 = arith.muli %parallel_loop3A_181, %parallel_loop3A_182 : i32
        %parallel_loop3A_184 = arith.constant 1024 : i32
        %parallel_loop3A_185 = arith.muli %parallel_loop3A_167, %parallel_loop3A_184 : i32
        %parallel_loop3A_186 = arith.addi %squeeze3A, %parallel_loop3A_185 : i32
        %parallel_loop3A_187 = tpu.assume_multiple %parallel_loop3A_186, 8 : i32
        "tpu.region"() ({
          %parallel_loop3A_206 = tpu.sem_alloc : memref<!tpu.dma_semaphore, #tpu.memory_space<semaphore_mem>>
          %parallel_loop3A_207 = tpu.memref_slice %arg15[%parallel_loop3A_183] : memref<4096xi32, #tpu.memory_space<vmem>> -> memref<1024xi32, #tpu.memory_space<vmem>>
          %parallel_loop3A_208 = tpu.memref_slice %arg4[%parallel_loop3A_187] : memref<3204104xi32, #tpu.memory_space<hbm>> -> memref<1024xi32, #tpu.memory_space<hbm>>
          %parallel_loop3A_209 = tpu.memref_slice %arg15[%parallel_loop3A_183] : memref<4096xi32, #tpu.memory_space<vmem>> -> memref<1024xi32, #tpu.memory_space<vmem>>
          %parallel_loop3A_210 = tpu.memref_slice %arg4[%parallel_loop3A_187] : memref<3204104xi32, #tpu.memory_space<hbm>> -> memref<1024xi32, #tpu.memory_space<hbm>>
          tpu.enqueue_dma source(%parallel_loop3A_210 : memref<1024xi32, #tpu.memory_space<hbm>>) target(%parallel_loop3A_209 : memref<1024xi32, #tpu.memory_space<vmem>>) target_semaphore(%parallel_loop3A_206 : memref<!tpu.dma_semaphore, #tpu.memory_space<semaphore_mem>>)
          %parallel_loop3A_211 = tpu.memref_slice %arg15[%parallel_loop3A_183] : memref<4096xi32, #tpu.memory_space<vmem>> -> memref<1024xi32, #tpu.memory_space<vmem>>
          %parallel_loop3A_212 = tpu.memref_slice %arg4[%parallel_loop3A_187] : memref<3204104xi32, #tpu.memory_space<hbm>> -> memref<1024xi32, #tpu.memory_space<hbm>>
          %parallel_loop3A_213 = tpu.memref_slice %arg15[%parallel_loop3A_183] : memref<4096xi32, #tpu.memory_space<vmem>> -> memref<1024xi32, #tpu.memory_space<vmem>>
          %parallel_loop3A_214 = tpu.memref_slice %arg4[%parallel_loop3A_187] : memref<3204104xi32, #tpu.memory_space<hbm>> -> memref<1024xi32, #tpu.memory_space<hbm>>
          tpu.wait_dma2 semaphore(%parallel_loop3A_206 : memref<!tpu.dma_semaphore, #tpu.memory_space<semaphore_mem>>) src(%parallel_loop3A_214 : memref<1024xi32, #tpu.memory_space<hbm>>) dst(%parallel_loop3A_213 : memref<1024xi32, #tpu.memory_space<vmem>>)
          tpu.yield
        }) : () -> ()
        %parallel_loop3A_188 = arith.constant 0 : i32
        %parallel_loop3A_189 = vector.broadcast %parallel_loop3A_188 : i32 to vector<16xi32>
        %parallel_loop3A_190 = vector.broadcast %parallel_loop3A_187 : i32 to vector<16xi32>
        %parallel_loop3A_191 = arith.addi %parallel_loop3A_189, %parallel_loop3A_190 : vector<16xi32>
        %parallel_loop3A_192 = arith.subi %get3A_44, %parallel_loop3A_191 : vector<16xi32>
        %parallel_loop3A_193 = arith.constant 0 : i32
        %parallel_loop3A_194 = vector.broadcast %parallel_loop3A_193 : i32 to vector<16xi32>
        %parallel_loop3A_195 = arith.maxsi %parallel_loop3A_192, %parallel_loop3A_194 : vector<16xi32>
        %parallel_loop3A_196 = arith.subi %get3A_46, %parallel_loop3A_191 : vector<16xi32>
        %parallel_loop3A_197 = arith.constant 1024 : i32
        %parallel_loop3A_198 = vector.broadcast %parallel_loop3A_197 : i32 to vector<16xi32>
        %parallel_loop3A_199 = arith.minsi %parallel_loop3A_196, %parallel_loop3A_198 : vector<16xi32>
        %parallel_loop3A_200 = arith.subi %parallel_loop3A_199, %parallel_loop3A_195 : vector<16xi32>
        %parallel_loop3A_201 = vector.broadcast %parallel_loop3A_183 : i32 to vector<16xi32>
        %parallel_loop3A_202 = arith.addi %parallel_loop3A_195, %parallel_loop3A_201 : vector<16xi32>
        %parallel_loop3A_203 = arith.constant 0 : i32
        %parallel_loop3A_204 = arith.constant 1 : i32
        %parallel_loop3A_205:12 = scf.for %parallel_loop3A_206 = %parallel_loop3A_203 to %squeeze3A_91 step %parallel_loop3A_204 iter_args(%parallel_loop3A_207 = %parallel_loop3A_168, %parallel_loop3A_208 = %parallel_loop3A_169, %parallel_loop3A_209 = %parallel_loop3A_170, %parallel_loop3A_210 = %parallel_loop3A_171, %parallel_loop3A_211 = %parallel_loop3A_172, %parallel_loop3A_212 = %parallel_loop3A_173, %parallel_loop3A_213 = %parallel_loop3A_174, %parallel_loop3A_214 = %parallel_loop3A_175, %parallel_loop3A_215 = %parallel_loop3A_176, %parallel_loop3A_216 = %parallel_loop3A_177, %parallel_loop3A_217 = %parallel_loop3A_178, %parallel_loop3A_218 = %parallel_loop3A_179) -> (vector<16xf32>, vector<16xf32>, vector<16xf32>, vector<16xf32>, vector<16xf32>, vector<16xf32>, vector<16xf32>, vector<16xf32>, vector<16xf32>, vector<16xf32>, vector<16xf32>, vector<16xf32>)  : i32 {
          %parallel_loop3A_219 = vector.broadcast %parallel_loop3A_206 : i32 to vector<16xi32>
          %parallel_loop3A_220 = arith.cmpi slt, %parallel_loop3A_219, %parallel_loop3A_200 : vector<16xi32>
          %parallel_loop3A_221 = vector.broadcast %parallel_loop3A_206 : i32 to vector<16xi32>
          %parallel_loop3A_222 = arith.addi %parallel_loop3A_202, %parallel_loop3A_221 : vector<16xi32>
          %parallel_loop3A_223 = arith.constant 0 : i32
          %parallel_loop3A_224 = vector.broadcast %parallel_loop3A_223 : i32 to vector<16xi32>
          %parallel_loop3A_225 = arith.select %parallel_loop3A_220, %parallel_loop3A_222, %parallel_loop3A_224 : vector<16xi1>, vector<16xi32>
          %parallel_loop3A_226 = tpu.vector_load_idx %arg15[%parallel_loop3A_225] masked %parallel_loop3A_220 : memref<4096xi32, #tpu.memory_space<vmem>>[vector<16xi32>], vector<16xi32>, vector<16xi1>
          %parallel_loop3A_227 = arith.constant 0 : i32
          %parallel_loop3A_228 = vector.broadcast %parallel_loop3A_227 : i32 to vector<16xi32>
          %parallel_loop3A_229 = arith.select %parallel_loop3A_220, %parallel_loop3A_226, %parallel_loop3A_228 : vector<16xi1>, vector<16xi32>
          %parallel_loop3A_230 = tpu.vector_load_idx %arg11[%parallel_loop3A_229] masked %parallel_loop3A_220 : memref<100352xf32, #tpu.memory_space<vmem>>[vector<16xi32>], vector<16xf32>, vector<16xi1>
          %parallel_loop3A_231 = arith.mulf %get3A_5, %parallel_loop3A_230 : vector<16xf32>
          %parallel_loop3A_232 = arith.addf %parallel_loop3A_231, %mul3A_50 : vector<16xf32>
          %parallel_loop3A_233 = arith.constant 2.000000e-01 : f32
          %parallel_loop3A_234 = vector.broadcast %parallel_loop3A_233 : f32 to vector<16xf32>
          %parallel_loop3A_235 = arith.mulf %parallel_loop3A_234, %parallel_loop3A_232 : vector<16xf32>
          %parallel_loop3A_236 = arith.maximumf %parallel_loop3A_232, %parallel_loop3A_235 : vector<16xf32>
          %parallel_loop3A_237 = arith.constant -1.000000e+30 : f32
          %parallel_loop3A_238 = vector.broadcast %parallel_loop3A_237 : f32 to vector<16xf32>
          %parallel_loop3A_239 = arith.select %parallel_loop3A_220, %parallel_loop3A_236, %parallel_loop3A_238 : vector<16xi1>, vector<16xf32>
          %parallel_loop3A_240 = arith.maximumf %parallel_loop3A_207, %parallel_loop3A_239 : vector<16xf32>
          %parallel_loop3A_241 = arith.subf %parallel_loop3A_207, %parallel_loop3A_240 : vector<16xf32>
          %parallel_loop3A_242 = math.exp %parallel_loop3A_241 : vector<16xf32>
          %parallel_loop3A_243 = arith.subf %parallel_loop3A_239, %parallel_loop3A_240 : vector<16xf32>
          %parallel_loop3A_244 = math.exp %parallel_loop3A_243 : vector<16xf32>
          %parallel_loop3A_245 = arith.mulf %parallel_loop3A_211, %parallel_loop3A_242 : vector<16xf32>
          %parallel_loop3A_246 = arith.addf %parallel_loop3A_245, %parallel_loop3A_244 : vector<16xf32>
          %parallel_loop3A_247 = arith.mulf %parallel_loop3A_215, %parallel_loop3A_242 : vector<16xf32>
          %parallel_loop3A_248 = arith.mulf %parallel_loop3A_244, %parallel_loop3A_230 : vector<16xf32>
          %parallel_loop3A_249 = arith.addf %parallel_loop3A_247, %parallel_loop3A_248 : vector<16xf32>
          %parallel_loop3A_250 = arith.mulf %get3A_7, %parallel_loop3A_230 : vector<16xf32>
          %parallel_loop3A_251 = arith.addf %parallel_loop3A_250, %mul3A_51 : vector<16xf32>
          %parallel_loop3A_252 = arith.constant 2.000000e-01 : f32
          %parallel_loop3A_253 = vector.broadcast %parallel_loop3A_252 : f32 to vector<16xf32>
          %parallel_loop3A_254 = arith.mulf %parallel_loop3A_253, %parallel_loop3A_251 : vector<16xf32>
          %parallel_loop3A_255 = arith.maximumf %parallel_loop3A_251, %parallel_loop3A_254 : vector<16xf32>
          %parallel_loop3A_256 = arith.constant -1.000000e+30 : f32
          %parallel_loop3A_257 = vector.broadcast %parallel_loop3A_256 : f32 to vector<16xf32>
          %parallel_loop3A_258 = arith.select %parallel_loop3A_220, %parallel_loop3A_255, %parallel_loop3A_257 : vector<16xi1>, vector<16xf32>
          %parallel_loop3A_259 = arith.maximumf %parallel_loop3A_208, %parallel_loop3A_258 : vector<16xf32>
          %parallel_loop3A_260 = arith.subf %parallel_loop3A_208, %parallel_loop3A_259 : vector<16xf32>
          %parallel_loop3A_261 = math.exp %parallel_loop3A_260 : vector<16xf32>
          %parallel_loop3A_262 = arith.subf %parallel_loop3A_258, %parallel_loop3A_259 : vector<16xf32>
          %parallel_loop3A_263 = math.exp %parallel_loop3A_262 : vector<16xf32>
          %parallel_loop3A_264 = arith.mulf %parallel_loop3A_212, %parallel_loop3A_261 : vector<16xf32>
          %parallel_loop3A_265 = arith.addf %parallel_loop3A_264, %parallel_loop3A_263 : vector<16xf32>
          %parallel_loop3A_266 = arith.mulf %parallel_loop3A_216, %parallel_loop3A_261 : vector<16xf32>
          %parallel_loop3A_267 = arith.mulf %parallel_loop3A_263, %parallel_loop3A_230 : vector<16xf32>
          %parallel_loop3A_268 = arith.addf %parallel_loop3A_266, %parallel_loop3A_267 : vector<16xf32>
          %parallel_loop3A_269 = arith.mulf %get3A_9, %parallel_loop3A_230 : vector<16xf32>
          %parallel_loop3A_270 = arith.addf %parallel_loop3A_269, %mul3A_52 : vector<16xf32>
          %parallel_loop3A_271 = arith.constant 2.000000e-01 : f32
          %parallel_loop3A_272 = vector.broadcast %parallel_loop3A_271 : f32 to vector<16xf32>
          %parallel_loop3A_273 = arith.mulf %parallel_loop3A_272, %parallel_loop3A_270 : vector<16xf32>
          %parallel_loop3A_274 = arith.maximumf %parallel_loop3A_270, %parallel_loop3A_273 : vector<16xf32>
          %parallel_loop3A_275 = arith.constant -1.000000e+30 : f32
          %parallel_loop3A_276 = vector.broadcast %parallel_loop3A_275 : f32 to vector<16xf32>
          %parallel_loop3A_277 = arith.select %parallel_loop3A_220, %parallel_loop3A_274, %parallel_loop3A_276 : vector<16xi1>, vector<16xf32>
          %parallel_loop3A_278 = arith.maximumf %parallel_loop3A_209, %parallel_loop3A_277 : vector<16xf32>
          %parallel_loop3A_279 = arith.subf %parallel_loop3A_209, %parallel_loop3A_278 : vector<16xf32>
          %parallel_loop3A_280 = math.exp %parallel_loop3A_279 : vector<16xf32>
          %parallel_loop3A_281 = arith.subf %parallel_loop3A_277, %parallel_loop3A_278 : vector<16xf32>
          %parallel_loop3A_282 = math.exp %parallel_loop3A_281 : vector<16xf32>
          %parallel_loop3A_283 = arith.mulf %parallel_loop3A_213, %parallel_loop3A_280 : vector<16xf32>
          %parallel_loop3A_284 = arith.addf %parallel_loop3A_283, %parallel_loop3A_282 : vector<16xf32>
          %parallel_loop3A_285 = arith.mulf %parallel_loop3A_217, %parallel_loop3A_280 : vector<16xf32>
          %parallel_loop3A_286 = arith.mulf %parallel_loop3A_282, %parallel_loop3A_230 : vector<16xf32>
          %parallel_loop3A_287 = arith.addf %parallel_loop3A_285, %parallel_loop3A_286 : vector<16xf32>
          %parallel_loop3A_288 = arith.mulf %get3A_11, %parallel_loop3A_230 : vector<16xf32>
          %parallel_loop3A_289 = arith.addf %parallel_loop3A_288, %mul3A_53 : vector<16xf32>
          %parallel_loop3A_290 = arith.constant 2.000000e-01 : f32
          %parallel_loop3A_291 = vector.broadcast %parallel_loop3A_290 : f32 to vector<16xf32>
          %parallel_loop3A_292 = arith.mulf %parallel_loop3A_291, %parallel_loop3A_289 : vector<16xf32>
          %parallel_loop3A_293 = arith.maximumf %parallel_loop3A_289, %parallel_loop3A_292 : vector<16xf32>
          %parallel_loop3A_294 = arith.constant -1.000000e+30 : f32
          %parallel_loop3A_295 = vector.broadcast %parallel_loop3A_294 : f32 to vector<16xf32>
          %parallel_loop3A_296 = arith.select %parallel_loop3A_220, %parallel_loop3A_293, %parallel_loop3A_295 : vector<16xi1>, vector<16xf32>
          %parallel_loop3A_297 = arith.maximumf %parallel_loop3A_210, %parallel_loop3A_296 : vector<16xf32>
          %parallel_loop3A_298 = arith.subf %parallel_loop3A_210, %parallel_loop3A_297 : vector<16xf32>
          %parallel_loop3A_299 = math.exp %parallel_loop3A_298 : vector<16xf32>
          %parallel_loop3A_300 = arith.subf %parallel_loop3A_296, %parallel_loop3A_297 : vector<16xf32>
          %parallel_loop3A_301 = math.exp %parallel_loop3A_300 : vector<16xf32>
          %parallel_loop3A_302 = arith.mulf %parallel_loop3A_214, %parallel_loop3A_299 : vector<16xf32>
          %parallel_loop3A_303 = arith.addf %parallel_loop3A_302, %parallel_loop3A_301 : vector<16xf32>
          %parallel_loop3A_304 = arith.mulf %parallel_loop3A_218, %parallel_loop3A_299 : vector<16xf32>
          %parallel_loop3A_305 = arith.mulf %parallel_loop3A_301, %parallel_loop3A_230 : vector<16xf32>
          %parallel_loop3A_306 = arith.addf %parallel_loop3A_304, %parallel_loop3A_305 : vector<16xf32>
          scf.yield %parallel_loop3A_240, %parallel_loop3A_259, %parallel_loop3A_278, %parallel_loop3A_297, %parallel_loop3A_246, %parallel_loop3A_265, %parallel_loop3A_284, %parallel_loop3A_303, %parallel_loop3A_249, %parallel_loop3A_268, %parallel_loop3A_287, %parallel_loop3A_306 : vector<16xf32>, vector<16xf32>, vector<16xf32>, vector<16xf32>, vector<16xf32>, vector<16xf32>, vector<16xf32>, vector<16xf32>, vector<16xf32>, vector<16xf32>, vector<16xf32>, vector<16xf32>
        } {sc.loop_unroll_factor = 1 : i64, sc.parallel_access}
        scf.yield %parallel_loop3A_205#0, %parallel_loop3A_205#1, %parallel_loop3A_205#2, %parallel_loop3A_205#3, %parallel_loop3A_205#4, %parallel_loop3A_205#5, %parallel_loop3A_205#6, %parallel_loop3A_205#7, %parallel_loop3A_205#8, %parallel_loop3A_205#9, %parallel_loop3A_205#10, %parallel_loop3A_205#11 : vector<16xf32>, vector<16xf32>, vector<16xf32>, vector<16xf32>, vector<16xf32>, vector<16xf32>, vector<16xf32>, vector<16xf32>, vector<16xf32>, vector<16xf32>, vector<16xf32>, vector<16xf32>
      } {sc.loop_unroll_factor = 1 : i64, sc.parallel_access}
      %broadcast_in_dim3A_97 = arith.constant 0.000000e+00 : f32
      %broadcast_in_dim3A_98 = vector.broadcast %broadcast_in_dim3A_97 : f32 to vector<16xf32>
      %div3A = arith.divf %parallel_loop3A_96#8, %parallel_loop3A_96#4 : vector<16xf32>
      %mul3A_99 = arith.mulf %div3A, %get3A_21 : vector<16xf32>
      %add3A_100 = arith.addf %mul3A_99, %get3A_29 : vector<16xf32>
      %gt3A = arith.constant 0.000000e+00 : f32
      %gt3A_101 = vector.broadcast %gt3A : f32 to vector<16xf32>
      %gt3A_102 = arith.cmpf ogt, %add3A_100, %gt3A_101 : vector<16xf32>
      %exp3A = math.exp %add3A_100 : vector<16xf32>
      %sub3A_103 = arith.constant 1.000000e+00 : f32
      %sub3A_104 = vector.broadcast %sub3A_103 : f32 to vector<16xf32>
      %sub3A_105 = arith.subf %exp3A, %sub3A_104 : vector<16xf32>
      %select_n3A = arith.select %gt3A_102, %add3A_100, %sub3A_105 : vector<16xi1>, vector<16xf32>
      %add3A_106 = arith.addf %broadcast_in_dim3A_98, %select_n3A : vector<16xf32>
      %div3A_107 = arith.divf %parallel_loop3A_96#9, %parallel_loop3A_96#5 : vector<16xf32>
      %mul3A_108 = arith.mulf %div3A_107, %get3A_23 : vector<16xf32>
      %add3A_109 = arith.addf %mul3A_108, %get3A_31 : vector<16xf32>
      %gt3A_110 = arith.constant 0.000000e+00 : f32
      %gt3A_111 = vector.broadcast %gt3A_110 : f32 to vector<16xf32>
      %gt3A_112 = arith.cmpf ogt, %add3A_109, %gt3A_111 : vector<16xf32>
      %exp3A_113 = math.exp %add3A_109 : vector<16xf32>
      %sub3A_114 = arith.constant 1.000000e+00 : f32
      %sub3A_115 = vector.broadcast %sub3A_114 : f32 to vector<16xf32>
      %sub3A_116 = arith.subf %exp3A_113, %sub3A_115 : vector<16xf32>
      %select_n3A_117 = arith.select %gt3A_112, %add3A_109, %sub3A_116 : vector<16xi1>, vector<16xf32>
      %add3A_118 = arith.addf %add3A_106, %select_n3A_117 : vector<16xf32>
      %div3A_119 = arith.divf %parallel_loop3A_96#10, %parallel_loop3A_96#6 : vector<16xf32>
      %mul3A_120 = arith.mulf %div3A_119, %get3A_25 : vector<16xf32>
      %add3A_121 = arith.addf %mul3A_120, %get3A_33 : vector<16xf32>
      %gt3A_122 = arith.constant 0.000000e+00 : f32
      %gt3A_123 = vector.broadcast %gt3A_122 : f32 to vector<16xf32>
      %gt3A_124 = arith.cmpf ogt, %add3A_121, %gt3A_123 : vector<16xf32>
      %exp3A_125 = math.exp %add3A_121 : vector<16xf32>
      %sub3A_126 = arith.constant 1.000000e+00 : f32
      %sub3A_127 = vector.broadcast %sub3A_126 : f32 to vector<16xf32>
      %sub3A_128 = arith.subf %exp3A_125, %sub3A_127 : vector<16xf32>
      %select_n3A_129 = arith.select %gt3A_124, %add3A_121, %sub3A_128 : vector<16xi1>, vector<16xf32>
      %add3A_130 = arith.addf %add3A_118, %select_n3A_129 : vector<16xf32>
      %div3A_131 = arith.divf %parallel_loop3A_96#11, %parallel_loop3A_96#7 : vector<16xf32>
      %mul3A_132 = arith.mulf %div3A_131, %get3A_27 : vector<16xf32>
      %add3A_133 = arith.addf %mul3A_132, %get3A_35 : vector<16xf32>
      %gt3A_134 = arith.constant 0.000000e+00 : f32
      %gt3A_135 = vector.broadcast %gt3A_134 : f32 to vector<16xf32>
      %gt3A_136 = arith.cmpf ogt, %add3A_133, %gt3A_135 : vector<16xf32>
      %exp3A_137 = math.exp %add3A_133 : vector<16xf32>
      %sub3A_138 = arith.constant 1.000000e+00 : f32
      %sub3A_139 = vector.broadcast %sub3A_138 : f32 to vector<16xf32>
      %sub3A_140 = arith.subf %exp3A_137, %sub3A_139 : vector<16xf32>
      %select_n3A_141 = arith.select %gt3A_136, %add3A_133, %sub3A_140 : vector<16xi1>, vector<16xf32>
      %add3A_142 = arith.addf %add3A_130, %select_n3A_141 : vector<16xf32>
      %mul3A_143 = arith.constant 2.500000e-01 : f32
      %mul3A_144 = vector.broadcast %mul3A_143 : f32 to vector<16xf32>
      %mul3A_145 = arith.mulf %add3A_142, %mul3A_144 : vector<16xf32>
      %get3A_146 = arith.index_cast %mul3A_42 : i32 to index
      %get3A_147 = tpu.vector_load %arg12[%get3A_146] {strides = array<i32>} : memref<3136xf32, #tpu.memory_space<vmem>>, vector<16xf32>,
      %mul3A_148 = arith.constant 1.000000e+00 : f32
      %mul3A_149 = vector.broadcast %mul3A_148 : f32 to vector<16xf32>
      %mul3A_150 = arith.mulf %mul3A_149, %get3A_147 : vector<16xf32>
      %sub3A_151 = arith.subf %mul3A_145, %mul3A_150 : vector<16xf32>
      %mul3A_152 = arith.constant 1.000000e+00 : f32
      %mul3A_153 = vector.broadcast %mul3A_152 : f32 to vector<16xf32>
      %mul3A_154 = arith.mulf %mul3A_153, %get3A_49 : vector<16xf32>
      %sub3A_155 = arith.subf %sub3A_151, %mul3A_154 : vector<16xf32>
      %mul3A_156 = arith.constant 1.000000e+00 : f32
      %mul3A_157 = vector.broadcast %mul3A_156 : f32 to vector<16xf32>
      %mul3A_158 = arith.mulf %mul3A_157, %sub3A_155 : vector<16xf32>
      %add3A_159 = arith.addf %get3A_147, %mul3A_158 : vector<16xf32>
      %mul3A_160 = arith.constant 1.000000e+00 : f32
      %mul3A_161 = vector.broadcast %mul3A_160 : f32 to vector<16xf32>
      %mul3A_162 = arith.mulf %mul3A_161, %add3A_159 : vector<16xf32>
      %add3A_163 = arith.addf %get3A_49, %mul3A_162 : vector<16xf32>
      %swap3A = arith.index_cast %mul3A_42 : i32 to index
      %swap3A_164 = tpu.vector_load %arg16[%swap3A] {strides = array<i32>} : memref<3136xf32, #tpu.memory_space<vmem>>, vector<16xf32>,
      tpu.vector_store %arg16[%swap3A], %add3A_163 {strides = array<i32>} : memref<3136xf32, #tpu.memory_space<vmem>>, vector<16xf32>,
      %swap3A_165 = arith.index_cast %mul3A_42 : i32 to index
      %swap3A_166 = tpu.vector_load %arg17[%swap3A_165] {strides = array<i32>} : memref<3136xf32, #tpu.memory_space<vmem>>, vector<16xf32>,
      tpu.vector_store %arg17[%swap3A_165], %add3A_159 {strides = array<i32>} : memref<3136xf32, #tpu.memory_space<vmem>>, vector<16xf32>,
    }
    %scan3A_39 = arith.constant 196 : i32
    "tpu.region"() ({
      %run_scoped3A = tpu.sem_alloc : memref<!tpu.dma_semaphore, #tpu.memory_space<semaphore_mem>>
      %dma_start3A = tpu.memref_slice %arg9[%mul3A_2] : memref<100352xf32, #tpu.memory_space<hbm>> -> memref<3136xf32, #tpu.memory_space<hbm>>
      %dma_start3A_40 = tpu.memref_slice %arg9[%mul3A_2] : memref<100352xf32, #tpu.memory_space<hbm>> -> memref<3136xf32, #tpu.memory_space<hbm>>
      tpu.enqueue_dma source(%arg16 : memref<3136xf32, #tpu.memory_space<vmem>>) target(%dma_start3A_40 : memref<3136xf32, #tpu.memory_space<hbm>>) target_semaphore(%run_scoped3A : memref<!tpu.dma_semaphore, #tpu.memory_space<semaphore_mem>>)
      %dma_wait3A = tpu.memref_slice %arg9[%mul3A_2] : memref<100352xf32, #tpu.memory_space<hbm>> -> memref<3136xf32, #tpu.memory_space<hbm>>
      %dma_wait3A_41 = tpu.memref_slice %arg9[%mul3A_2] : memref<100352xf32, #tpu.memory_space<hbm>> -> memref<3136xf32, #tpu.memory_space<hbm>>
      tpu.wait_dma2 semaphore(%run_scoped3A : memref<!tpu.dma_semaphore, #tpu.memory_space<semaphore_mem>>) src(%arg16 : memref<3136xf32, #tpu.memory_space<vmem>>) dst(%dma_wait3A_41 : memref<3136xf32, #tpu.memory_space<hbm>>)
      tpu.yield
    }) : () -> ()
    "tpu.region"() ({
      %run_scoped3A = tpu.sem_alloc : memref<!tpu.dma_semaphore, #tpu.memory_space<semaphore_mem>>
      %dma_start3A = tpu.memref_slice %arg10[%mul3A_2] : memref<100352xf32, #tpu.memory_space<hbm>> -> memref<3136xf32, #tpu.memory_space<hbm>>
      %dma_start3A_40 = tpu.memref_slice %arg10[%mul3A_2] : memref<100352xf32, #tpu.memory_space<hbm>> -> memref<3136xf32, #tpu.memory_space<hbm>>
      tpu.enqueue_dma source(%arg17 : memref<3136xf32, #tpu.memory_space<vmem>>) target(%dma_start3A_40 : memref<3136xf32, #tpu.memory_space<hbm>>) target_semaphore(%run_scoped3A : memref<!tpu.dma_semaphore, #tpu.memory_space<semaphore_mem>>)
      %dma_wait3A = tpu.memref_slice %arg10[%mul3A_2] : memref<100352xf32, #tpu.memory_space<hbm>> -> memref<3136xf32, #tpu.memory_space<hbm>>
      %dma_wait3A_41 = tpu.memref_slice %arg10[%mul3A_2] : memref<100352xf32, #tpu.memory_space<hbm>> -> memref<3136xf32, #tpu.memory_space<hbm>>
      tpu.wait_dma2 semaphore(%run_scoped3A : memref<!tpu.dma_semaphore, #tpu.memory_space<semaphore_mem>>) src(%arg17 : memref<3136xf32, #tpu.memory_space<vmem>>) dst(%dma_wait3A_41 : memref<3136xf32, #tpu.memory_space<hbm>>)
      tpu.yield
    }) : () -> ()
    return
  }
}

#map = affine_map<(d0, d1) -> (0)>
module attributes {stable_mosaic.version = 14 : i64} {
  func.func @_layer_body(%arg0: i32, %arg1: i32, %arg2: memref<100352xf32, #tpu.memory_space<hbm>>, %arg3: memref<100352xf32, #tpu.memory_space<hbm>>, %arg4: memref<3204104xi32, #tpu.memory_space<hbm>>, %arg5: memref<100352xi32, #tpu.memory_space<hbm>>, %arg6: memref<100352xi32, #tpu.memory_space<hbm>>, %arg7: memref<256xf32, #tpu.memory_space<hbm>>, %arg8: memref<50688xi32, #tpu.memory_space<hbm>>, %arg9: memref<100352xf32, #tpu.memory_space<hbm>>, %arg10: memref<100352xf32, #tpu.memory_space<hbm>>, %arg11: memref<100352xf32, #tpu.memory_space<vmem>>, %arg12: memref<3136xf32, #tpu.memory_space<vmem>>, %arg13: memref<3136xi32, #tpu.memory_space<vmem>>, %arg14: memref<3136xi32, #tpu.memory_space<vmem>>, %arg15: memref<4096xi32, #tpu.memory_space<vmem>>, %arg16: memref<3136xf32, #tpu.memory_space<vmem>>, %arg17: memref<3136xf32, #tpu.memory_space<vmem>>, %arg18: memref<256xf32, #tpu.memory_space<vmem>>, %arg19: memref<1584xi32, #tpu.memory_space<vmem>>, %arg20: memref<!tpu.dma_semaphore, #tpu.memory_space<semaphore_mem>>) attributes {dimension_semantics = [#tpu.dimension_semantics<core_parallel>, #tpu.dimension_semantics<subcore_parallel>], iteration_bounds = array<i64: 2, 16>, scalar_prefetch = 0 : i64, scratch_operands = 10 : i64, tpu.core_type = #tpu.core_type<sc_vector_subcore>, window_params = [{transform_indices = #map}, {transform_indices = #map}, {transform_indices = #map}, {transform_indices = #map}, {transform_indices = #map}, {transform_indices = #map}, {transform_indices = #map}, {transform_indices = #map}, {transform_indices = #map}]} {
    %mul3A = arith.constant 2 : i32
    %mul3A_0 = arith.muli %arg1, %mul3A : i32
    %add3A = arith.addi %mul3A_0, %arg0 : i32
    %mul3A_1 = arith.constant 3136 : i32
    %mul3A_2 = arith.muli %add3A, %mul3A_1 : i32
    "tpu.region"() ({
      %run_scoped3A = tpu.sem_alloc : memref<!tpu.dma_semaphore, #tpu.memory_space<semaphore_mem>>
      tpu.enqueue_dma source(%arg2 : memref<100352xf32, #tpu.memory_space<hbm>>) target(%arg11 : memref<100352xf32, #tpu.memory_space<vmem>>) target_semaphore(%run_scoped3A : memref<!tpu.dma_semaphore, #tpu.memory_space<semaphore_mem>>)
      tpu.wait_dma2 semaphore(%run_scoped3A : memref<!tpu.dma_semaphore, #tpu.memory_space<semaphore_mem>>) src(%arg2 : memref<100352xf32, #tpu.memory_space<hbm>>) dst(%arg11 : memref<100352xf32, #tpu.memory_space<vmem>>)
      tpu.yield
    }) : () -> ()
    "tpu.region"() ({
      %run_scoped3A = tpu.sem_alloc : memref<!tpu.dma_semaphore, #tpu.memory_space<semaphore_mem>>
      %dma_start3A = tpu.memref_slice %arg3[%mul3A_2] : memref<100352xf32, #tpu.memory_space<hbm>> -> memref<3136xf32, #tpu.memory_space<hbm>>
      %dma_start3A_40 = tpu.memref_slice %arg3[%mul3A_2] : memref<100352xf32, #tpu.memory_space<hbm>> -> memref<3136xf32, #tpu.memory_space<hbm>>
      tpu.enqueue_dma source(%dma_start3A_40 : memref<3136xf32, #tpu.memory_space<hbm>>) target(%arg12 : memref<3136xf32, #tpu.memory_space<vmem>>) target_semaphore(%run_scoped3A : memref<!tpu.dma_semaphore, #tpu.memory_space<semaphore_mem>>)
      %dma_wait3A = tpu.memref_slice %arg3[%mul3A_2] : memref<100352xf32, #tpu.memory_space<hbm>> -> memref<3136xf32, #tpu.memory_space<hbm>>
      %dma_wait3A_41 = tpu.memref_slice %arg3[%mul3A_2] : memref<100352xf32, #tpu.memory_space<hbm>> -> memref<3136xf32, #tpu.memory_space<hbm>>
      tpu.wait_dma2 semaphore(%run_scoped3A : memref<!tpu.dma_semaphore, #tpu.memory_space<semaphore_mem>>) src(%dma_wait3A_41 : memref<3136xf32, #tpu.memory_space<hbm>>) dst(%arg12 : memref<3136xf32, #tpu.memory_space<vmem>>)
      tpu.yield
    }) : () -> ()
    "tpu.region"() ({
      %run_scoped3A = tpu.sem_alloc : memref<!tpu.dma_semaphore, #tpu.memory_space<semaphore_mem>>
      %dma_start3A = tpu.memref_slice %arg5[%mul3A_2] : memref<100352xi32, #tpu.memory_space<hbm>> -> memref<3136xi32, #tpu.memory_space<hbm>>
      %dma_start3A_40 = tpu.memref_slice %arg5[%mul3A_2] : memref<100352xi32, #tpu.memory_space<hbm>> -> memref<3136xi32, #tpu.memory_space<hbm>>
      tpu.enqueue_dma source(%dma_start3A_40 : memref<3136xi32, #tpu.memory_space<hbm>>) target(%arg13 : memref<3136xi32, #tpu.memory_space<vmem>>) target_semaphore(%run_scoped3A : memref<!tpu.dma_semaphore, #tpu.memory_space<semaphore_mem>>)
      %dma_wait3A = tpu.memref_slice %arg5[%mul3A_2] : memref<100352xi32, #tpu.memory_space<hbm>> -> memref<3136xi32, #tpu.memory_space<hbm>>
      %dma_wait3A_41 = tpu.memref_slice %arg5[%mul3A_2] : memref<100352xi32, #tpu.memory_space<hbm>> -> memref<3136xi32, #tpu.memory_space<hbm>>
      tpu.wait_dma2 semaphore(%run_scoped3A : memref<!tpu.dma_semaphore, #tpu.memory_space<semaphore_mem>>) src(%dma_wait3A_41 : memref<3136xi32, #tpu.memory_space<hbm>>) dst(%arg13 : memref<3136xi32, #tpu.memory_space<vmem>>)
      tpu.yield
    }) : () -> ()
    "tpu.region"() ({
      %run_scoped3A = tpu.sem_alloc : memref<!tpu.dma_semaphore, #tpu.memory_space<semaphore_mem>>
      %dma_start3A = tpu.memref_slice %arg6[%mul3A_2] : memref<100352xi32, #tpu.memory_space<hbm>> -> memref<3136xi32, #tpu.memory_space<hbm>>
      %dma_start3A_40 = tpu.memref_slice %arg6[%mul3A_2] : memref<100352xi32, #tpu.memory_space<hbm>> -> memref<3136xi32, #tpu.memory_space<hbm>>
      tpu.enqueue_dma source(%dma_start3A_40 : memref<3136xi32, #tpu.memory_space<hbm>>) target(%arg14 : memref<3136xi32, #tpu.memory_space<vmem>>) target_semaphore(%run_scoped3A : memref<!tpu.dma_semaphore, #tpu.memory_space<semaphore_mem>>)
      %dma_wait3A = tpu.memref_slice %arg6[%mul3A_2] : memref<100352xi32, #tpu.memory_space<hbm>> -> memref<3136xi32, #tpu.memory_space<hbm>>
      %dma_wait3A_41 = tpu.memref_slice %arg6[%mul3A_2] : memref<100352xi32, #tpu.memory_space<hbm>> -> memref<3136xi32, #tpu.memory_space<hbm>>
      tpu.wait_dma2 semaphore(%run_scoped3A : memref<!tpu.dma_semaphore, #tpu.memory_space<semaphore_mem>>) src(%dma_wait3A_41 : memref<3136xi32, #tpu.memory_space<hbm>>) dst(%arg14 : memref<3136xi32, #tpu.memory_space<vmem>>)
      tpu.yield
    }) : () -> ()
    %mul3A_3 = arith.constant 1584 : i32
    %mul3A_4 = arith.muli %add3A, %mul3A_3 : i32
    "tpu.region"() ({
      %run_scoped3A = tpu.sem_alloc : memref<!tpu.dma_semaphore, #tpu.memory_space<semaphore_mem>>
      %dma_start3A = tpu.memref_slice %arg8[%mul3A_4] : memref<50688xi32, #tpu.memory_space<hbm>> -> memref<1584xi32, #tpu.memory_space<hbm>>
      %dma_start3A_40 = tpu.memref_slice %arg8[%mul3A_4] : memref<50688xi32, #tpu.memory_space<hbm>> -> memref<1584xi32, #tpu.memory_space<hbm>>
      tpu.enqueue_dma source(%dma_start3A_40 : memref<1584xi32, #tpu.memory_space<hbm>>) target(%arg19 : memref<1584xi32, #tpu.memory_space<vmem>>) target_semaphore(%run_scoped3A : memref<!tpu.dma_semaphore, #tpu.memory_space<semaphore_mem>>)
      %dma_wait3A = tpu.memref_slice %arg8[%mul3A_4] : memref<50688xi32, #tpu.memory_space<hbm>> -> memref<1584xi32, #tpu.memory_space<hbm>>
      %dma_wait3A_41 = tpu.memref_slice %arg8[%mul3A_4] : memref<50688xi32, #tpu.memory_space<hbm>> -> memref<1584xi32, #tpu.memory_space<hbm>>
      tpu.wait_dma2 semaphore(%run_scoped3A : memref<!tpu.dma_semaphore, #tpu.memory_space<semaphore_mem>>) src(%dma_wait3A_41 : memref<1584xi32, #tpu.memory_space<hbm>>) dst(%arg19 : memref<1584xi32, #tpu.memory_space<vmem>>)
      tpu.yield
    }) : () -> ()
    "tpu.region"() ({
      %run_scoped3A = tpu.sem_alloc : memref<!tpu.dma_semaphore, #tpu.memory_space<semaphore_mem>>
      tpu.enqueue_dma source(%arg7 : memref<256xf32, #tpu.memory_space<hbm>>) target(%arg18 : memref<256xf32, #tpu.memory_space<vmem>>) target_semaphore(%run_scoped3A : memref<!tpu.dma_semaphore, #tpu.memory_space<semaphore_mem>>)
      tpu.wait_dma2 semaphore(%run_scoped3A : memref<!tpu.dma_semaphore, #tpu.memory_space<semaphore_mem>>) src(%arg7 : memref<256xf32, #tpu.memory_space<hbm>>) dst(%arg18 : memref<256xf32, #tpu.memory_space<vmem>>)
      tpu.yield
    }) : () -> ()
    %get3A = arith.constant 0 : index
    %get3A_5 = tpu.vector_load %arg18[%get3A] {strides = array<i32>} : memref<256xf32, #tpu.memory_space<vmem>>, vector<16xf32>,
    %get3A_6 = arith.constant 16 : index
    %get3A_7 = tpu.vector_load %arg18[%get3A_6] {strides = array<i32>} : memref<256xf32, #tpu.memory_space<vmem>>, vector<16xf32>,
    %get3A_8 = arith.constant 32 : index
    %get3A_9 = tpu.vector_load %arg18[%get3A_8] {strides = array<i32>} : memref<256xf32, #tpu.memory_space<vmem>>, vector<16xf32>,
    %get3A_10 = arith.constant 48 : index
    %get3A_11 = tpu.vector_load %arg18[%get3A_10] {strides = array<i32>} : memref<256xf32, #tpu.memory_space<vmem>>, vector<16xf32>,
    %get3A_12 = arith.constant 64 : index
    %get3A_13 = tpu.vector_load %arg18[%get3A_12] {strides = array<i32>} : memref<256xf32, #tpu.memory_space<vmem>>, vector<16xf32>,
    %get3A_14 = arith.constant 80 : index
    %get3A_15 = tpu.vector_load %arg18[%get3A_14] {strides = array<i32>} : memref<256xf32, #tpu.memory_space<vmem>>, vector<16xf32>,
    %get3A_16 = arith.constant 96 : index
    %get3A_17 = tpu.vector_load %arg18[%get3A_16] {strides = array<i32>} : memref<256xf32, #tpu.memory_space<vmem>>, vector<16xf32>,
    %get3A_18 = arith.constant 112 : index
    %get3A_19 = tpu.vector_load %arg18[%get3A_18] {strides = array<i32>} : memref<256xf32, #tpu.memory_space<vmem>>, vector<16xf32>,
    %get3A_20 = arith.constant 128 : index
    %get3A_21 = tpu.vector_load %arg18[%get3A_20] {strides = array<i32>} : memref<256xf32, #tpu.memory_space<vmem>>, vector<16xf32>,
    %get3A_22 = arith.constant 144 : index
    %get3A_23 = tpu.vector_load %arg18[%get3A_22] {strides = array<i32>} : memref<256xf32, #tpu.memory_space<vmem>>, vector<16xf32>,
    %get3A_24 = arith.constant 160 : index
    %get3A_25 = tpu.vector_load %arg18[%get3A_24] {strides = array<i32>} : memref<256xf32, #tpu.memory_space<vmem>>, vector<16xf32>,
    %get3A_26 = arith.constant 176 : index
    %get3A_27 = tpu.vector_load %arg18[%get3A_26] {strides = array<i32>} : memref<256xf32, #tpu.memory_space<vmem>>, vector<16xf32>,
    %get3A_28 = arith.constant 192 : index
    %get3A_29 = tpu.vector_load %arg18[%get3A_28] {strides = array<i32>} : memref<256xf32, #tpu.memory_space<vmem>>, vector<16xf32>,
    %get3A_30 = arith.constant 208 : index
    %get3A_31 = tpu.vector_load %arg18[%get3A_30] {strides = array<i32>} : memref<256xf32, #tpu.memory_space<vmem>>, vector<16xf32>,
    %get3A_32 = arith.constant 224 : index
    %get3A_33 = tpu.vector_load %arg18[%get3A_32] {strides = array<i32>} : memref<256xf32, #tpu.memory_space<vmem>>, vector<16xf32>,
    %get3A_34 = arith.constant 240 : index
    %get3A_35 = tpu.vector_load %arg18[%get3A_34] {strides = array<i32>} : memref<256xf32, #tpu.memory_space<vmem>>, vector<16xf32>,
    %scan3A = arith.constant 0 : i32
    %scan3A_36 = arith.constant 196 : i32
    %scan3A_37 = arith.addi %scan3A, %scan3A_36 : i32
    %scan3A_38 = arith.constant 1 : i32
    scf.for %scan3A_40 = %scan3A to %scan3A_37 step %scan3A_38  : i32 {
      %mul3A_41 = arith.constant 16 : i32
      %mul3A_42 = arith.muli %scan3A_40, %mul3A_41 : i32
      %get3A_43 = arith.index_cast %mul3A_42 : i32 to index
      %get3A_44 = tpu.vector_load %arg13[%get3A_43] {strides = array<i32>} : memref<3136xi32, #tpu.memory_space<vmem>>, vector<16xi32>,
      %get3A_45 = arith.index_cast %mul3A_42 : i32 to index
      %get3A_46 = tpu.vector_load %arg14[%get3A_45] {strides = array<i32>} : memref<3136xi32, #tpu.memory_space<vmem>>, vector<16xi32>,
      %add3A_47 = arith.addi %mul3A_2, %mul3A_42 : i32
      %get3A_48 = arith.index_cast %add3A_47 : i32 to index
      %get3A_49 = tpu.vector_load %arg11[%get3A_48] {strides = array<i32>} : memref<100352xf32, #tpu.memory_space<vmem>>, vector<16xf32>,
      %mul3A_50 = arith.mulf %get3A_13, %get3A_49 : vector<16xf32>
      %mul3A_51 = arith.mulf %get3A_15, %get3A_49 : vector<16xf32>
      %mul3A_52 = arith.mulf %get3A_17, %get3A_49 : vector<16xf32>
      %mul3A_53 = arith.mulf %get3A_19, %get3A_49 : vector<16xf32>
      %mul3A_54 = arith.mulf %get3A_5, %get3A_49 : vector<16xf32>
      %add3A_55 = arith.addf %mul3A_54, %mul3A_50 : vector<16xf32>
      %mul3A_56 = arith.constant 2.000000e-01 : f32
      %mul3A_57 = vector.broadcast %mul3A_56 : f32 to vector<16xf32>
      %mul3A_58 = arith.mulf %mul3A_57, %add3A_55 : vector<16xf32>
      %max3A = arith.maximumf %add3A_55, %mul3A_58 : vector<16xf32>
      %broadcast_in_dim3A = arith.constant 1.000000e+00 : f32
      %broadcast_in_dim3A_59 = vector.broadcast %broadcast_in_dim3A : f32 to vector<16xf32>
      %mul3A_60 = arith.mulf %get3A_7, %get3A_49 : vector<16xf32>
      %add3A_61 = arith.addf %mul3A_60, %mul3A_51 : vector<16xf32>
      %mul3A_62 = arith.constant 2.000000e-01 : f32
      %mul3A_63 = vector.broadcast %mul3A_62 : f32 to vector<16xf32>
      %mul3A_64 = arith.mulf %mul3A_63, %add3A_61 : vector<16xf32>
      %max3A_65 = arith.maximumf %add3A_61, %mul3A_64 : vector<16xf32>
      %broadcast_in_dim3A_66 = arith.constant 1.000000e+00 : f32
      %broadcast_in_dim3A_67 = vector.broadcast %broadcast_in_dim3A_66 : f32 to vector<16xf32>
      %mul3A_68 = arith.mulf %get3A_9, %get3A_49 : vector<16xf32>
      %add3A_69 = arith.addf %mul3A_68, %mul3A_52 : vector<16xf32>
      %mul3A_70 = arith.constant 2.000000e-01 : f32
      %mul3A_71 = vector.broadcast %mul3A_70 : f32 to vector<16xf32>
      %mul3A_72 = arith.mulf %mul3A_71, %add3A_69 : vector<16xf32>
      %max3A_73 = arith.maximumf %add3A_69, %mul3A_72 : vector<16xf32>
      %broadcast_in_dim3A_74 = arith.constant 1.000000e+00 : f32
      %broadcast_in_dim3A_75 = vector.broadcast %broadcast_in_dim3A_74 : f32 to vector<16xf32>
      %mul3A_76 = arith.mulf %get3A_11, %get3A_49 : vector<16xf32>
      %add3A_77 = arith.addf %mul3A_76, %mul3A_53 : vector<16xf32>
      %mul3A_78 = arith.constant 2.000000e-01 : f32
      %mul3A_79 = vector.broadcast %mul3A_78 : f32 to vector<16xf32>
      %mul3A_80 = arith.mulf %mul3A_79, %add3A_77 : vector<16xf32>
      %max3A_81 = arith.maximumf %add3A_77, %mul3A_80 : vector<16xf32>
      %broadcast_in_dim3A_82 = arith.constant 1.000000e+00 : f32
      %broadcast_in_dim3A_83 = vector.broadcast %broadcast_in_dim3A_82 : f32 to vector<16xf32>
      %mul3A_84 = arith.constant 8 : i32
      %mul3A_85 = arith.muli %scan3A_40, %mul3A_84 : i32
      %get3A_86 = arith.index_cast %mul3A_85 : i32 to index
      %get3A_87 = tpu.vector_load %arg19[%get3A_86] {strides = array<i32>} : memref<1584xi32, #tpu.memory_space<vmem>>, vector<16xi32>,
      %slice3A = vector.extract_strided_slice %get3A_87 {offsets = [0], sizes = [1], strides = [1]} : vector<16xi32> to vector<1xi32>
      %squeeze3A = vector.extract %slice3A[0] : i32 from vector<1xi32>
      %slice3A_88 = vector.extract_strided_slice %get3A_87 {offsets = [1], sizes = [1], strides = [1]} : vector<16xi32> to vector<1xi32>
      %squeeze3A_89 = vector.extract %slice3A_88[0] : i32 from vector<1xi32>
      %slice3A_90 = vector.extract_strided_slice %get3A_87 {offsets = [2], sizes = [1], strides = [1]} : vector<16xi32> to vector<1xi32>
      %squeeze3A_91 = vector.extract %slice3A_90[0] : i32 from vector<1xi32>
      %sub3A = arith.subi %squeeze3A_89, %squeeze3A : i32
      %add3A_92 = arith.constant 1023 : i32
      %add3A_93 = arith.addi %sub3A, %add3A_92 : i32
      %shift_right_logical3A = arith.constant 10 : i32
      %shift_right_logical3A_94 = arith.shrui %add3A_93, %shift_right_logical3A : i32
      %parallel_loop3A = arith.constant 0 : i32
      %parallel_loop3A_95 = arith.constant 1 : i32
      %parallel_loop3A_96:12 = scf.for %parallel_loop3A_167 = %parallel_loop3A to %shift_right_logical3A_94 step %parallel_loop3A_95 iter_args(%parallel_loop3A_168 = %max3A, %parallel_loop3A_169 = %max3A_65, %parallel_loop3A_170 = %max3A_73, %parallel_loop3A_171 = %max3A_81, %parallel_loop3A_172 = %broadcast_in_dim3A_59, %parallel_loop3A_173 = %broadcast_in_dim3A_67, %parallel_loop3A_174 = %broadcast_in_dim3A_75, %parallel_loop3A_175 = %broadcast_in_dim3A_83, %parallel_loop3A_176 = %get3A_49, %parallel_loop3A_177 = %get3A_49, %parallel_loop3A_178 = %get3A_49, %parallel_loop3A_179 = %get3A_49) -> (vector<16xf32>, vector<16xf32>, vector<16xf32>, vector<16xf32>, vector<16xf32>, vector<16xf32>, vector<16xf32>, vector<16xf32>, vector<16xf32>, vector<16xf32>, vector<16xf32>, vector<16xf32>)  : i32 {
        %parallel_loop3A_180 = arith.constant 3 : i32
        %parallel_loop3A_181 = arith.andi %parallel_loop3A_167, %parallel_loop3A_180 : i32
        %parallel_loop3A_182 = arith.constant 1024 : i32
        %parallel_loop3A_183 = arith.muli %parallel_loop3A_181, %parallel_loop3A_182 : i32
        %parallel_loop3A_184 = arith.constant 1024 : i32
        %parallel_loop3A_185 = arith.muli %parallel_loop3A_167, %parallel_loop3A_184 : i32
        %parallel_loop3A_186 = arith.addi %squeeze3A, %parallel_loop3A_185 : i32
        %parallel_loop3A_187 = tpu.assume_multiple %parallel_loop3A_186, 8 : i32
        "tpu.region"() ({
          %parallel_loop3A_206 = tpu.sem_alloc : memref<!tpu.dma_semaphore, #tpu.memory_space<semaphore_mem>>
          %parallel_loop3A_207 = tpu.memref_slice %arg15[%parallel_loop3A_183] : memref<4096xi32, #tpu.memory_space<vmem>> -> memref<1024xi32, #tpu.memory_space<vmem>>
          %parallel_loop3A_208 = tpu.memref_slice %arg4[%parallel_loop3A_187] : memref<3204104xi32, #tpu.memory_space<hbm>> -> memref<1024xi32, #tpu.memory_space<hbm>>
          %parallel_loop3A_209 = tpu.memref_slice %arg15[%parallel_loop3A_183] : memref<4096xi32, #tpu.memory_space<vmem>> -> memref<1024xi32, #tpu.memory_space<vmem>>
          %parallel_loop3A_210 = tpu.memref_slice %arg4[%parallel_loop3A_187] : memref<3204104xi32, #tpu.memory_space<hbm>> -> memref<1024xi32, #tpu.memory_space<hbm>>
          tpu.enqueue_dma source(%parallel_loop3A_210 : memref<1024xi32, #tpu.memory_space<hbm>>) target(%parallel_loop3A_209 : memref<1024xi32, #tpu.memory_space<vmem>>) target_semaphore(%parallel_loop3A_206 : memref<!tpu.dma_semaphore, #tpu.memory_space<semaphore_mem>>)
          %parallel_loop3A_211 = tpu.memref_slice %arg15[%parallel_loop3A_183] : memref<4096xi32, #tpu.memory_space<vmem>> -> memref<1024xi32, #tpu.memory_space<vmem>>
          %parallel_loop3A_212 = tpu.memref_slice %arg4[%parallel_loop3A_187] : memref<3204104xi32, #tpu.memory_space<hbm>> -> memref<1024xi32, #tpu.memory_space<hbm>>
          %parallel_loop3A_213 = tpu.memref_slice %arg15[%parallel_loop3A_183] : memref<4096xi32, #tpu.memory_space<vmem>> -> memref<1024xi32, #tpu.memory_space<vmem>>
          %parallel_loop3A_214 = tpu.memref_slice %arg4[%parallel_loop3A_187] : memref<3204104xi32, #tpu.memory_space<hbm>> -> memref<1024xi32, #tpu.memory_space<hbm>>
          tpu.wait_dma2 semaphore(%parallel_loop3A_206 : memref<!tpu.dma_semaphore, #tpu.memory_space<semaphore_mem>>) src(%parallel_loop3A_214 : memref<1024xi32, #tpu.memory_space<hbm>>) dst(%parallel_loop3A_213 : memref<1024xi32, #tpu.memory_space<vmem>>)
          tpu.yield
        }) : () -> ()
        %parallel_loop3A_188 = arith.constant 0 : i32
        %parallel_loop3A_189 = vector.broadcast %parallel_loop3A_188 : i32 to vector<16xi32>
        %parallel_loop3A_190 = vector.broadcast %parallel_loop3A_187 : i32 to vector<16xi32>
        %parallel_loop3A_191 = arith.addi %parallel_loop3A_189, %parallel_loop3A_190 : vector<16xi32>
        %parallel_loop3A_192 = arith.subi %get3A_44, %parallel_loop3A_191 : vector<16xi32>
        %parallel_loop3A_193 = arith.constant 0 : i32
        %parallel_loop3A_194 = vector.broadcast %parallel_loop3A_193 : i32 to vector<16xi32>
        %parallel_loop3A_195 = arith.maxsi %parallel_loop3A_192, %parallel_loop3A_194 : vector<16xi32>
        %parallel_loop3A_196 = arith.subi %get3A_46, %parallel_loop3A_191 : vector<16xi32>
        %parallel_loop3A_197 = arith.constant 1024 : i32
        %parallel_loop3A_198 = vector.broadcast %parallel_loop3A_197 : i32 to vector<16xi32>
        %parallel_loop3A_199 = arith.minsi %parallel_loop3A_196, %parallel_loop3A_198 : vector<16xi32>
        %parallel_loop3A_200 = arith.subi %parallel_loop3A_199, %parallel_loop3A_195 : vector<16xi32>
        %parallel_loop3A_201 = vector.broadcast %parallel_loop3A_183 : i32 to vector<16xi32>
        %parallel_loop3A_202 = arith.addi %parallel_loop3A_195, %parallel_loop3A_201 : vector<16xi32>
        %parallel_loop3A_203 = arith.constant 0 : i32
        %parallel_loop3A_204 = arith.constant 1 : i32
        %parallel_loop3A_205:12 = scf.for %parallel_loop3A_206 = %parallel_loop3A_203 to %squeeze3A_91 step %parallel_loop3A_204 iter_args(%parallel_loop3A_207 = %parallel_loop3A_168, %parallel_loop3A_208 = %parallel_loop3A_169, %parallel_loop3A_209 = %parallel_loop3A_170, %parallel_loop3A_210 = %parallel_loop3A_171, %parallel_loop3A_211 = %parallel_loop3A_172, %parallel_loop3A_212 = %parallel_loop3A_173, %parallel_loop3A_213 = %parallel_loop3A_174, %parallel_loop3A_214 = %parallel_loop3A_175, %parallel_loop3A_215 = %parallel_loop3A_176, %parallel_loop3A_216 = %parallel_loop3A_177, %parallel_loop3A_217 = %parallel_loop3A_178, %parallel_loop3A_218 = %parallel_loop3A_179) -> (vector<16xf32>, vector<16xf32>, vector<16xf32>, vector<16xf32>, vector<16xf32>, vector<16xf32>, vector<16xf32>, vector<16xf32>, vector<16xf32>, vector<16xf32>, vector<16xf32>, vector<16xf32>)  : i32 {
          %parallel_loop3A_219 = vector.broadcast %parallel_loop3A_206 : i32 to vector<16xi32>
          %parallel_loop3A_220 = arith.cmpi slt, %parallel_loop3A_219, %parallel_loop3A_200 : vector<16xi32>
          %parallel_loop3A_221 = vector.broadcast %parallel_loop3A_206 : i32 to vector<16xi32>
          %parallel_loop3A_222 = arith.addi %parallel_loop3A_202, %parallel_loop3A_221 : vector<16xi32>
          %parallel_loop3A_223 = arith.constant 0 : i32
          %parallel_loop3A_224 = vector.broadcast %parallel_loop3A_223 : i32 to vector<16xi32>
          %parallel_loop3A_225 = arith.select %parallel_loop3A_220, %parallel_loop3A_222, %parallel_loop3A_224 : vector<16xi1>, vector<16xi32>
          %parallel_loop3A_226 = tpu.vector_load_idx %arg15[%parallel_loop3A_225] masked %parallel_loop3A_220 : memref<4096xi32, #tpu.memory_space<vmem>>[vector<16xi32>], vector<16xi32>, vector<16xi1>
          %parallel_loop3A_227 = arith.constant 0 : i32
          %parallel_loop3A_228 = vector.broadcast %parallel_loop3A_227 : i32 to vector<16xi32>
          %parallel_loop3A_229 = arith.select %parallel_loop3A_220, %parallel_loop3A_226, %parallel_loop3A_228 : vector<16xi1>, vector<16xi32>
          %parallel_loop3A_230 = tpu.vector_load_idx %arg11[%parallel_loop3A_229] masked %parallel_loop3A_220 : memref<100352xf32, #tpu.memory_space<vmem>>[vector<16xi32>], vector<16xf32>, vector<16xi1>
          %parallel_loop3A_231 = arith.mulf %get3A_5, %parallel_loop3A_230 : vector<16xf32>
          %parallel_loop3A_232 = arith.addf %parallel_loop3A_231, %mul3A_50 : vector<16xf32>
          %parallel_loop3A_233 = arith.constant 2.000000e-01 : f32
          %parallel_loop3A_234 = vector.broadcast %parallel_loop3A_233 : f32 to vector<16xf32>
          %parallel_loop3A_235 = arith.mulf %parallel_loop3A_234, %parallel_loop3A_232 : vector<16xf32>
          %parallel_loop3A_236 = arith.maximumf %parallel_loop3A_232, %parallel_loop3A_235 : vector<16xf32>
          %parallel_loop3A_237 = arith.constant -1.000000e+30 : f32
          %parallel_loop3A_238 = vector.broadcast %parallel_loop3A_237 : f32 to vector<16xf32>
          %parallel_loop3A_239 = arith.select %parallel_loop3A_220, %parallel_loop3A_236, %parallel_loop3A_238 : vector<16xi1>, vector<16xf32>
          %parallel_loop3A_240 = arith.maximumf %parallel_loop3A_207, %parallel_loop3A_239 : vector<16xf32>
          %parallel_loop3A_241 = arith.subf %parallel_loop3A_207, %parallel_loop3A_240 : vector<16xf32>
          %parallel_loop3A_242 = math.exp %parallel_loop3A_241 : vector<16xf32>
          %parallel_loop3A_243 = arith.subf %parallel_loop3A_239, %parallel_loop3A_240 : vector<16xf32>
          %parallel_loop3A_244 = math.exp %parallel_loop3A_243 : vector<16xf32>
          %parallel_loop3A_245 = arith.mulf %parallel_loop3A_211, %parallel_loop3A_242 : vector<16xf32>
          %parallel_loop3A_246 = arith.addf %parallel_loop3A_245, %parallel_loop3A_244 : vector<16xf32>
          %parallel_loop3A_247 = arith.mulf %parallel_loop3A_215, %parallel_loop3A_242 : vector<16xf32>
          %parallel_loop3A_248 = arith.mulf %parallel_loop3A_244, %parallel_loop3A_230 : vector<16xf32>
          %parallel_loop3A_249 = arith.addf %parallel_loop3A_247, %parallel_loop3A_248 : vector<16xf32>
          %parallel_loop3A_250 = arith.mulf %get3A_7, %parallel_loop3A_230 : vector<16xf32>
          %parallel_loop3A_251 = arith.addf %parallel_loop3A_250, %mul3A_51 : vector<16xf32>
          %parallel_loop3A_252 = arith.constant 2.000000e-01 : f32
          %parallel_loop3A_253 = vector.broadcast %parallel_loop3A_252 : f32 to vector<16xf32>
          %parallel_loop3A_254 = arith.mulf %parallel_loop3A_253, %parallel_loop3A_251 : vector<16xf32>
          %parallel_loop3A_255 = arith.maximumf %parallel_loop3A_251, %parallel_loop3A_254 : vector<16xf32>
          %parallel_loop3A_256 = arith.constant -1.000000e+30 : f32
          %parallel_loop3A_257 = vector.broadcast %parallel_loop3A_256 : f32 to vector<16xf32>
          %parallel_loop3A_258 = arith.select %parallel_loop3A_220, %parallel_loop3A_255, %parallel_loop3A_257 : vector<16xi1>, vector<16xf32>
          %parallel_loop3A_259 = arith.maximumf %parallel_loop3A_208, %parallel_loop3A_258 : vector<16xf32>
          %parallel_loop3A_260 = arith.subf %parallel_loop3A_208, %parallel_loop3A_259 : vector<16xf32>
          %parallel_loop3A_261 = math.exp %parallel_loop3A_260 : vector<16xf32>
          %parallel_loop3A_262 = arith.subf %parallel_loop3A_258, %parallel_loop3A_259 : vector<16xf32>
          %parallel_loop3A_263 = math.exp %parallel_loop3A_262 : vector<16xf32>
          %parallel_loop3A_264 = arith.mulf %parallel_loop3A_212, %parallel_loop3A_261 : vector<16xf32>
          %parallel_loop3A_265 = arith.addf %parallel_loop3A_264, %parallel_loop3A_263 : vector<16xf32>
          %parallel_loop3A_266 = arith.mulf %parallel_loop3A_216, %parallel_loop3A_261 : vector<16xf32>
          %parallel_loop3A_267 = arith.mulf %parallel_loop3A_263, %parallel_loop3A_230 : vector<16xf32>
          %parallel_loop3A_268 = arith.addf %parallel_loop3A_266, %parallel_loop3A_267 : vector<16xf32>
          %parallel_loop3A_269 = arith.mulf %get3A_9, %parallel_loop3A_230 : vector<16xf32>
          %parallel_loop3A_270 = arith.addf %parallel_loop3A_269, %mul3A_52 : vector<16xf32>
          %parallel_loop3A_271 = arith.constant 2.000000e-01 : f32
          %parallel_loop3A_272 = vector.broadcast %parallel_loop3A_271 : f32 to vector<16xf32>
          %parallel_loop3A_273 = arith.mulf %parallel_loop3A_272, %parallel_loop3A_270 : vector<16xf32>
          %parallel_loop3A_274 = arith.maximumf %parallel_loop3A_270, %parallel_loop3A_273 : vector<16xf32>
          %parallel_loop3A_275 = arith.constant -1.000000e+30 : f32
          %parallel_loop3A_276 = vector.broadcast %parallel_loop3A_275 : f32 to vector<16xf32>
          %parallel_loop3A_277 = arith.select %parallel_loop3A_220, %parallel_loop3A_274, %parallel_loop3A_276 : vector<16xi1>, vector<16xf32>
          %parallel_loop3A_278 = arith.maximumf %parallel_loop3A_209, %parallel_loop3A_277 : vector<16xf32>
          %parallel_loop3A_279 = arith.subf %parallel_loop3A_209, %parallel_loop3A_278 : vector<16xf32>
          %parallel_loop3A_280 = math.exp %parallel_loop3A_279 : vector<16xf32>
          %parallel_loop3A_281 = arith.subf %parallel_loop3A_277, %parallel_loop3A_278 : vector<16xf32>
          %parallel_loop3A_282 = math.exp %parallel_loop3A_281 : vector<16xf32>
          %parallel_loop3A_283 = arith.mulf %parallel_loop3A_213, %parallel_loop3A_280 : vector<16xf32>
          %parallel_loop3A_284 = arith.addf %parallel_loop3A_283, %parallel_loop3A_282 : vector<16xf32>
          %parallel_loop3A_285 = arith.mulf %parallel_loop3A_217, %parallel_loop3A_280 : vector<16xf32>
          %parallel_loop3A_286 = arith.mulf %parallel_loop3A_282, %parallel_loop3A_230 : vector<16xf32>
          %parallel_loop3A_287 = arith.addf %parallel_loop3A_285, %parallel_loop3A_286 : vector<16xf32>
          %parallel_loop3A_288 = arith.mulf %get3A_11, %parallel_loop3A_230 : vector<16xf32>
          %parallel_loop3A_289 = arith.addf %parallel_loop3A_288, %mul3A_53 : vector<16xf32>
          %parallel_loop3A_290 = arith.constant 2.000000e-01 : f32
          %parallel_loop3A_291 = vector.broadcast %parallel_loop3A_290 : f32 to vector<16xf32>
          %parallel_loop3A_292 = arith.mulf %parallel_loop3A_291, %parallel_loop3A_289 : vector<16xf32>
          %parallel_loop3A_293 = arith.maximumf %parallel_loop3A_289, %parallel_loop3A_292 : vector<16xf32>
          %parallel_loop3A_294 = arith.constant -1.000000e+30 : f32
          %parallel_loop3A_295 = vector.broadcast %parallel_loop3A_294 : f32 to vector<16xf32>
          %parallel_loop3A_296 = arith.select %parallel_loop3A_220, %parallel_loop3A_293, %parallel_loop3A_295 : vector<16xi1>, vector<16xf32>
          %parallel_loop3A_297 = arith.maximumf %parallel_loop3A_210, %parallel_loop3A_296 : vector<16xf32>
          %parallel_loop3A_298 = arith.subf %parallel_loop3A_210, %parallel_loop3A_297 : vector<16xf32>
          %parallel_loop3A_299 = math.exp %parallel_loop3A_298 : vector<16xf32>
          %parallel_loop3A_300 = arith.subf %parallel_loop3A_296, %parallel_loop3A_297 : vector<16xf32>
          %parallel_loop3A_301 = math.exp %parallel_loop3A_300 : vector<16xf32>
          %parallel_loop3A_302 = arith.mulf %parallel_loop3A_214, %parallel_loop3A_299 : vector<16xf32>
          %parallel_loop3A_303 = arith.addf %parallel_loop3A_302, %parallel_loop3A_301 : vector<16xf32>
          %parallel_loop3A_304 = arith.mulf %parallel_loop3A_218, %parallel_loop3A_299 : vector<16xf32>
          %parallel_loop3A_305 = arith.mulf %parallel_loop3A_301, %parallel_loop3A_230 : vector<16xf32>
          %parallel_loop3A_306 = arith.addf %parallel_loop3A_304, %parallel_loop3A_305 : vector<16xf32>
          scf.yield %parallel_loop3A_240, %parallel_loop3A_259, %parallel_loop3A_278, %parallel_loop3A_297, %parallel_loop3A_246, %parallel_loop3A_265, %parallel_loop3A_284, %parallel_loop3A_303, %parallel_loop3A_249, %parallel_loop3A_268, %parallel_loop3A_287, %parallel_loop3A_306 : vector<16xf32>, vector<16xf32>, vector<16xf32>, vector<16xf32>, vector<16xf32>, vector<16xf32>, vector<16xf32>, vector<16xf32>, vector<16xf32>, vector<16xf32>, vector<16xf32>, vector<16xf32>
        } {sc.loop_unroll_factor = 1 : i64, sc.parallel_access}
        scf.yield %parallel_loop3A_205#0, %parallel_loop3A_205#1, %parallel_loop3A_205#2, %parallel_loop3A_205#3, %parallel_loop3A_205#4, %parallel_loop3A_205#5, %parallel_loop3A_205#6, %parallel_loop3A_205#7, %parallel_loop3A_205#8, %parallel_loop3A_205#9, %parallel_loop3A_205#10, %parallel_loop3A_205#11 : vector<16xf32>, vector<16xf32>, vector<16xf32>, vector<16xf32>, vector<16xf32>, vector<16xf32>, vector<16xf32>, vector<16xf32>, vector<16xf32>, vector<16xf32>, vector<16xf32>, vector<16xf32>
      } {sc.loop_unroll_factor = 1 : i64, sc.parallel_access}
      %broadcast_in_dim3A_97 = arith.constant 0.000000e+00 : f32
      %broadcast_in_dim3A_98 = vector.broadcast %broadcast_in_dim3A_97 : f32 to vector<16xf32>
      %div3A = arith.divf %parallel_loop3A_96#8, %parallel_loop3A_96#4 : vector<16xf32>
      %mul3A_99 = arith.mulf %div3A, %get3A_21 : vector<16xf32>
      %add3A_100 = arith.addf %mul3A_99, %get3A_29 : vector<16xf32>
      %gt3A = arith.constant 0.000000e+00 : f32
      %gt3A_101 = vector.broadcast %gt3A : f32 to vector<16xf32>
      %gt3A_102 = arith.cmpf ogt, %add3A_100, %gt3A_101 : vector<16xf32>
      %exp3A = math.exp %add3A_100 : vector<16xf32>
      %sub3A_103 = arith.constant 1.000000e+00 : f32
      %sub3A_104 = vector.broadcast %sub3A_103 : f32 to vector<16xf32>
      %sub3A_105 = arith.subf %exp3A, %sub3A_104 : vector<16xf32>
      %select_n3A = arith.select %gt3A_102, %add3A_100, %sub3A_105 : vector<16xi1>, vector<16xf32>
      %add3A_106 = arith.addf %broadcast_in_dim3A_98, %select_n3A : vector<16xf32>
      %div3A_107 = arith.divf %parallel_loop3A_96#9, %parallel_loop3A_96#5 : vector<16xf32>
      %mul3A_108 = arith.mulf %div3A_107, %get3A_23 : vector<16xf32>
      %add3A_109 = arith.addf %mul3A_108, %get3A_31 : vector<16xf32>
      %gt3A_110 = arith.constant 0.000000e+00 : f32
      %gt3A_111 = vector.broadcast %gt3A_110 : f32 to vector<16xf32>
      %gt3A_112 = arith.cmpf ogt, %add3A_109, %gt3A_111 : vector<16xf32>
      %exp3A_113 = math.exp %add3A_109 : vector<16xf32>
      %sub3A_114 = arith.constant 1.000000e+00 : f32
      %sub3A_115 = vector.broadcast %sub3A_114 : f32 to vector<16xf32>
      %sub3A_116 = arith.subf %exp3A_113, %sub3A_115 : vector<16xf32>
      %select_n3A_117 = arith.select %gt3A_112, %add3A_109, %sub3A_116 : vector<16xi1>, vector<16xf32>
      %add3A_118 = arith.addf %add3A_106, %select_n3A_117 : vector<16xf32>
      %div3A_119 = arith.divf %parallel_loop3A_96#10, %parallel_loop3A_96#6 : vector<16xf32>
      %mul3A_120 = arith.mulf %div3A_119, %get3A_25 : vector<16xf32>
      %add3A_121 = arith.addf %mul3A_120, %get3A_33 : vector<16xf32>
      %gt3A_122 = arith.constant 0.000000e+00 : f32
      %gt3A_123 = vector.broadcast %gt3A_122 : f32 to vector<16xf32>
      %gt3A_124 = arith.cmpf ogt, %add3A_121, %gt3A_123 : vector<16xf32>
      %exp3A_125 = math.exp %add3A_121 : vector<16xf32>
      %sub3A_126 = arith.constant 1.000000e+00 : f32
      %sub3A_127 = vector.broadcast %sub3A_126 : f32 to vector<16xf32>
      %sub3A_128 = arith.subf %exp3A_125, %sub3A_127 : vector<16xf32>
      %select_n3A_129 = arith.select %gt3A_124, %add3A_121, %sub3A_128 : vector<16xi1>, vector<16xf32>
      %add3A_130 = arith.addf %add3A_118, %select_n3A_129 : vector<16xf32>
      %div3A_131 = arith.divf %parallel_loop3A_96#11, %parallel_loop3A_96#7 : vector<16xf32>
      %mul3A_132 = arith.mulf %div3A_131, %get3A_27 : vector<16xf32>
      %add3A_133 = arith.addf %mul3A_132, %get3A_35 : vector<16xf32>
      %gt3A_134 = arith.constant 0.000000e+00 : f32
      %gt3A_135 = vector.broadcast %gt3A_134 : f32 to vector<16xf32>
      %gt3A_136 = arith.cmpf ogt, %add3A_133, %gt3A_135 : vector<16xf32>
      %exp3A_137 = math.exp %add3A_133 : vector<16xf32>
      %sub3A_138 = arith.constant 1.000000e+00 : f32
      %sub3A_139 = vector.broadcast %sub3A_138 : f32 to vector<16xf32>
      %sub3A_140 = arith.subf %exp3A_137, %sub3A_139 : vector<16xf32>
      %select_n3A_141 = arith.select %gt3A_136, %add3A_133, %sub3A_140 : vector<16xi1>, vector<16xf32>
      %add3A_142 = arith.addf %add3A_130, %select_n3A_141 : vector<16xf32>
      %mul3A_143 = arith.constant 2.500000e-01 : f32
      %mul3A_144 = vector.broadcast %mul3A_143 : f32 to vector<16xf32>
      %mul3A_145 = arith.mulf %add3A_142, %mul3A_144 : vector<16xf32>
      %get3A_146 = arith.index_cast %mul3A_42 : i32 to index
      %get3A_147 = tpu.vector_load %arg12[%get3A_146] {strides = array<i32>} : memref<3136xf32, #tpu.memory_space<vmem>>, vector<16xf32>,
      %mul3A_148 = arith.constant 1.000000e+00 : f32
      %mul3A_149 = vector.broadcast %mul3A_148 : f32 to vector<16xf32>
      %mul3A_150 = arith.mulf %mul3A_149, %get3A_147 : vector<16xf32>
      %sub3A_151 = arith.subf %mul3A_145, %mul3A_150 : vector<16xf32>
      %mul3A_152 = arith.constant 1.000000e+00 : f32
      %mul3A_153 = vector.broadcast %mul3A_152 : f32 to vector<16xf32>
      %mul3A_154 = arith.mulf %mul3A_153, %get3A_49 : vector<16xf32>
      %sub3A_155 = arith.subf %sub3A_151, %mul3A_154 : vector<16xf32>
      %mul3A_156 = arith.constant 1.000000e+00 : f32
      %mul3A_157 = vector.broadcast %mul3A_156 : f32 to vector<16xf32>
      %mul3A_158 = arith.mulf %mul3A_157, %sub3A_155 : vector<16xf32>
      %add3A_159 = arith.addf %get3A_147, %mul3A_158 : vector<16xf32>
      %mul3A_160 = arith.constant 1.000000e+00 : f32
      %mul3A_161 = vector.broadcast %mul3A_160 : f32 to vector<16xf32>
      %mul3A_162 = arith.mulf %mul3A_161, %add3A_159 : vector<16xf32>
      %add3A_163 = arith.addf %get3A_49, %mul3A_162 : vector<16xf32>
      %swap3A = arith.index_cast %mul3A_42 : i32 to index
      %swap3A_164 = tpu.vector_load %arg16[%swap3A] {strides = array<i32>} : memref<3136xf32, #tpu.memory_space<vmem>>, vector<16xf32>,
      tpu.vector_store %arg16[%swap3A], %add3A_163 {strides = array<i32>} : memref<3136xf32, #tpu.memory_space<vmem>>, vector<16xf32>,
      %swap3A_165 = arith.index_cast %mul3A_42 : i32 to index
      %swap3A_166 = tpu.vector_load %arg17[%swap3A_165] {strides = array<i32>} : memref<3136xf32, #tpu.memory_space<vmem>>, vector<16xf32>,
      tpu.vector_store %arg17[%swap3A_165], %add3A_159 {strides = array<i32>} : memref<3136xf32, #tpu.memory_space<vmem>>, vector<16xf32>,
    }
    %scan3A_39 = arith.constant 196 : i32
    "tpu.region"() ({
      %run_scoped3A = tpu.sem_alloc : memref<!tpu.dma_semaphore, #tpu.memory_space<semaphore_mem>>
      %dma_start3A = tpu.memref_slice %arg9[%mul3A_2] : memref<100352xf32, #tpu.memory_space<hbm>> -> memref<3136xf32, #tpu.memory_space<hbm>>
      %dma_start3A_40 = tpu.memref_slice %arg9[%mul3A_2] : memref<100352xf32, #tpu.memory_space<hbm>> -> memref<3136xf32, #tpu.memory_space<hbm>>
      tpu.enqueue_dma source(%arg16 : memref<3136xf32, #tpu.memory_space<vmem>>) target(%dma_start3A_40 : memref<3136xf32, #tpu.memory_space<hbm>>) target_semaphore(%run_scoped3A : memref<!tpu.dma_semaphore, #tpu.memory_space<semaphore_mem>>)
      %dma_wait3A = tpu.memref_slice %arg9[%mul3A_2] : memref<100352xf32, #tpu.memory_space<hbm>> -> memref<3136xf32, #tpu.memory_space<hbm>>
      %dma_wait3A_41 = tpu.memref_slice %arg9[%mul3A_2] : memref<100352xf32, #tpu.memory_space<hbm>> -> memref<3136xf32, #tpu.memory_space<hbm>>
      tpu.wait_dma2 semaphore(%run_scoped3A : memref<!tpu.dma_semaphore, #tpu.memory_space<semaphore_mem>>) src(%arg16 : memref<3136xf32, #tpu.memory_space<vmem>>) dst(%dma_wait3A_41 : memref<3136xf32, #tpu.memory_space<hbm>>)
      tpu.yield
    }) : () -> ()
    "tpu.region"() ({
      %run_scoped3A = tpu.sem_alloc : memref<!tpu.dma_semaphore, #tpu.memory_space<semaphore_mem>>
      %dma_start3A = tpu.memref_slice %arg10[%mul3A_2] : memref<100352xf32, #tpu.memory_space<hbm>> -> memref<3136xf32, #tpu.memory_space<hbm>>
      %dma_start3A_40 = tpu.memref_slice %arg10[%mul3A_2] : memref<100352xf32, #tpu.memory_space<hbm>> -> memref<3136xf32, #tpu.memory_space<hbm>>
      tpu.enqueue_dma source(%arg17 : memref<3136xf32, #tpu.memory_space<vmem>>) target(%dma_start3A_40 : memref<3136xf32, #tpu.memory_space<hbm>>) target_semaphore(%run_scoped3A : memref<!tpu.dma_semaphore, #tpu.memory_space<semaphore_mem>>)
      %dma_wait3A = tpu.memref_slice %arg10[%mul3A_2] : memref<100352xf32, #tpu.memory_space<hbm>> -> memref<3136xf32, #tpu.memory_space<hbm>>
      %dma_wait3A_41 = tpu.memref_slice %arg10[%mul3A_2] : memref<100352xf32, #tpu.memory_space<hbm>> -> memref<3136xf32, #tpu.memory_space<hbm>>
      tpu.wait_dma2 semaphore(%run_scoped3A : memref<!tpu.dma_semaphore, #tpu.memory_space<semaphore_mem>>) src(%arg17 : memref<3136xf32, #tpu.memory_space<vmem>>) dst(%dma_wait3A_41 : memref<3136xf32, #tpu.memory_space<hbm>>)
      tpu.yield
    }) : () -> ()
    return
  }
}

#map = affine_map<(d0, d1) -> (0)>
module attributes {stable_mosaic.version = 14 : i64} {
  func.func @_layer_body(%arg0: i32, %arg1: i32, %arg2: memref<100352xf32, #tpu.memory_space<hbm>>, %arg3: memref<100352xf32, #tpu.memory_space<hbm>>, %arg4: memref<3204104xi32, #tpu.memory_space<hbm>>, %arg5: memref<100352xi32, #tpu.memory_space<hbm>>, %arg6: memref<100352xi32, #tpu.memory_space<hbm>>, %arg7: memref<256xf32, #tpu.memory_space<hbm>>, %arg8: memref<50688xi32, #tpu.memory_space<hbm>>, %arg9: memref<100352xf32, #tpu.memory_space<hbm>>, %arg10: memref<100352xf32, #tpu.memory_space<hbm>>, %arg11: memref<100352xf32, #tpu.memory_space<vmem>>, %arg12: memref<3136xf32, #tpu.memory_space<vmem>>, %arg13: memref<3136xi32, #tpu.memory_space<vmem>>, %arg14: memref<3136xi32, #tpu.memory_space<vmem>>, %arg15: memref<4096xi32, #tpu.memory_space<vmem>>, %arg16: memref<3136xf32, #tpu.memory_space<vmem>>, %arg17: memref<3136xf32, #tpu.memory_space<vmem>>, %arg18: memref<256xf32, #tpu.memory_space<vmem>>, %arg19: memref<1584xi32, #tpu.memory_space<vmem>>, %arg20: memref<!tpu.dma_semaphore, #tpu.memory_space<semaphore_mem>>) attributes {dimension_semantics = [#tpu.dimension_semantics<core_parallel>, #tpu.dimension_semantics<subcore_parallel>], iteration_bounds = array<i64: 2, 16>, scalar_prefetch = 0 : i64, scratch_operands = 10 : i64, tpu.core_type = #tpu.core_type<sc_vector_subcore>, window_params = [{transform_indices = #map}, {transform_indices = #map}, {transform_indices = #map}, {transform_indices = #map}, {transform_indices = #map}, {transform_indices = #map}, {transform_indices = #map}, {transform_indices = #map}, {transform_indices = #map}]} {
    %mul3A = arith.constant 2 : i32
    %mul3A_0 = arith.muli %arg1, %mul3A : i32
    %add3A = arith.addi %mul3A_0, %arg0 : i32
    %mul3A_1 = arith.constant 3136 : i32
    %mul3A_2 = arith.muli %add3A, %mul3A_1 : i32
    "tpu.region"() ({
      %run_scoped3A = tpu.sem_alloc : memref<!tpu.dma_semaphore, #tpu.memory_space<semaphore_mem>>
      tpu.enqueue_dma source(%arg2 : memref<100352xf32, #tpu.memory_space<hbm>>) target(%arg11 : memref<100352xf32, #tpu.memory_space<vmem>>) target_semaphore(%run_scoped3A : memref<!tpu.dma_semaphore, #tpu.memory_space<semaphore_mem>>)
      tpu.wait_dma2 semaphore(%run_scoped3A : memref<!tpu.dma_semaphore, #tpu.memory_space<semaphore_mem>>) src(%arg2 : memref<100352xf32, #tpu.memory_space<hbm>>) dst(%arg11 : memref<100352xf32, #tpu.memory_space<vmem>>)
      tpu.yield
    }) : () -> ()
    "tpu.region"() ({
      %run_scoped3A = tpu.sem_alloc : memref<!tpu.dma_semaphore, #tpu.memory_space<semaphore_mem>>
      %dma_start3A = tpu.memref_slice %arg3[%mul3A_2] : memref<100352xf32, #tpu.memory_space<hbm>> -> memref<3136xf32, #tpu.memory_space<hbm>>
      %dma_start3A_40 = tpu.memref_slice %arg3[%mul3A_2] : memref<100352xf32, #tpu.memory_space<hbm>> -> memref<3136xf32, #tpu.memory_space<hbm>>
      tpu.enqueue_dma source(%dma_start3A_40 : memref<3136xf32, #tpu.memory_space<hbm>>) target(%arg12 : memref<3136xf32, #tpu.memory_space<vmem>>) target_semaphore(%run_scoped3A : memref<!tpu.dma_semaphore, #tpu.memory_space<semaphore_mem>>)
      %dma_wait3A = tpu.memref_slice %arg3[%mul3A_2] : memref<100352xf32, #tpu.memory_space<hbm>> -> memref<3136xf32, #tpu.memory_space<hbm>>
      %dma_wait3A_41 = tpu.memref_slice %arg3[%mul3A_2] : memref<100352xf32, #tpu.memory_space<hbm>> -> memref<3136xf32, #tpu.memory_space<hbm>>
      tpu.wait_dma2 semaphore(%run_scoped3A : memref<!tpu.dma_semaphore, #tpu.memory_space<semaphore_mem>>) src(%dma_wait3A_41 : memref<3136xf32, #tpu.memory_space<hbm>>) dst(%arg12 : memref<3136xf32, #tpu.memory_space<vmem>>)
      tpu.yield
    }) : () -> ()
    "tpu.region"() ({
      %run_scoped3A = tpu.sem_alloc : memref<!tpu.dma_semaphore, #tpu.memory_space<semaphore_mem>>
      %dma_start3A = tpu.memref_slice %arg5[%mul3A_2] : memref<100352xi32, #tpu.memory_space<hbm>> -> memref<3136xi32, #tpu.memory_space<hbm>>
      %dma_start3A_40 = tpu.memref_slice %arg5[%mul3A_2] : memref<100352xi32, #tpu.memory_space<hbm>> -> memref<3136xi32, #tpu.memory_space<hbm>>
      tpu.enqueue_dma source(%dma_start3A_40 : memref<3136xi32, #tpu.memory_space<hbm>>) target(%arg13 : memref<3136xi32, #tpu.memory_space<vmem>>) target_semaphore(%run_scoped3A : memref<!tpu.dma_semaphore, #tpu.memory_space<semaphore_mem>>)
      %dma_wait3A = tpu.memref_slice %arg5[%mul3A_2] : memref<100352xi32, #tpu.memory_space<hbm>> -> memref<3136xi32, #tpu.memory_space<hbm>>
      %dma_wait3A_41 = tpu.memref_slice %arg5[%mul3A_2] : memref<100352xi32, #tpu.memory_space<hbm>> -> memref<3136xi32, #tpu.memory_space<hbm>>
      tpu.wait_dma2 semaphore(%run_scoped3A : memref<!tpu.dma_semaphore, #tpu.memory_space<semaphore_mem>>) src(%dma_wait3A_41 : memref<3136xi32, #tpu.memory_space<hbm>>) dst(%arg13 : memref<3136xi32, #tpu.memory_space<vmem>>)
      tpu.yield
    }) : () -> ()
    "tpu.region"() ({
      %run_scoped3A = tpu.sem_alloc : memref<!tpu.dma_semaphore, #tpu.memory_space<semaphore_mem>>
      %dma_start3A = tpu.memref_slice %arg6[%mul3A_2] : memref<100352xi32, #tpu.memory_space<hbm>> -> memref<3136xi32, #tpu.memory_space<hbm>>
      %dma_start3A_40 = tpu.memref_slice %arg6[%mul3A_2] : memref<100352xi32, #tpu.memory_space<hbm>> -> memref<3136xi32, #tpu.memory_space<hbm>>
      tpu.enqueue_dma source(%dma_start3A_40 : memref<3136xi32, #tpu.memory_space<hbm>>) target(%arg14 : memref<3136xi32, #tpu.memory_space<vmem>>) target_semaphore(%run_scoped3A : memref<!tpu.dma_semaphore, #tpu.memory_space<semaphore_mem>>)
      %dma_wait3A = tpu.memref_slice %arg6[%mul3A_2] : memref<100352xi32, #tpu.memory_space<hbm>> -> memref<3136xi32, #tpu.memory_space<hbm>>
      %dma_wait3A_41 = tpu.memref_slice %arg6[%mul3A_2] : memref<100352xi32, #tpu.memory_space<hbm>> -> memref<3136xi32, #tpu.memory_space<hbm>>
      tpu.wait_dma2 semaphore(%run_scoped3A : memref<!tpu.dma_semaphore, #tpu.memory_space<semaphore_mem>>) src(%dma_wait3A_41 : memref<3136xi32, #tpu.memory_space<hbm>>) dst(%arg14 : memref<3136xi32, #tpu.memory_space<vmem>>)
      tpu.yield
    }) : () -> ()
    %mul3A_3 = arith.constant 1584 : i32
    %mul3A_4 = arith.muli %add3A, %mul3A_3 : i32
    "tpu.region"() ({
      %run_scoped3A = tpu.sem_alloc : memref<!tpu.dma_semaphore, #tpu.memory_space<semaphore_mem>>
      %dma_start3A = tpu.memref_slice %arg8[%mul3A_4] : memref<50688xi32, #tpu.memory_space<hbm>> -> memref<1584xi32, #tpu.memory_space<hbm>>
      %dma_start3A_40 = tpu.memref_slice %arg8[%mul3A_4] : memref<50688xi32, #tpu.memory_space<hbm>> -> memref<1584xi32, #tpu.memory_space<hbm>>
      tpu.enqueue_dma source(%dma_start3A_40 : memref<1584xi32, #tpu.memory_space<hbm>>) target(%arg19 : memref<1584xi32, #tpu.memory_space<vmem>>) target_semaphore(%run_scoped3A : memref<!tpu.dma_semaphore, #tpu.memory_space<semaphore_mem>>)
      %dma_wait3A = tpu.memref_slice %arg8[%mul3A_4] : memref<50688xi32, #tpu.memory_space<hbm>> -> memref<1584xi32, #tpu.memory_space<hbm>>
      %dma_wait3A_41 = tpu.memref_slice %arg8[%mul3A_4] : memref<50688xi32, #tpu.memory_space<hbm>> -> memref<1584xi32, #tpu.memory_space<hbm>>
      tpu.wait_dma2 semaphore(%run_scoped3A : memref<!tpu.dma_semaphore, #tpu.memory_space<semaphore_mem>>) src(%dma_wait3A_41 : memref<1584xi32, #tpu.memory_space<hbm>>) dst(%arg19 : memref<1584xi32, #tpu.memory_space<vmem>>)
      tpu.yield
    }) : () -> ()
    "tpu.region"() ({
      %run_scoped3A = tpu.sem_alloc : memref<!tpu.dma_semaphore, #tpu.memory_space<semaphore_mem>>
      tpu.enqueue_dma source(%arg7 : memref<256xf32, #tpu.memory_space<hbm>>) target(%arg18 : memref<256xf32, #tpu.memory_space<vmem>>) target_semaphore(%run_scoped3A : memref<!tpu.dma_semaphore, #tpu.memory_space<semaphore_mem>>)
      tpu.wait_dma2 semaphore(%run_scoped3A : memref<!tpu.dma_semaphore, #tpu.memory_space<semaphore_mem>>) src(%arg7 : memref<256xf32, #tpu.memory_space<hbm>>) dst(%arg18 : memref<256xf32, #tpu.memory_space<vmem>>)
      tpu.yield
    }) : () -> ()
    %get3A = arith.constant 0 : index
    %get3A_5 = tpu.vector_load %arg18[%get3A] {strides = array<i32>} : memref<256xf32, #tpu.memory_space<vmem>>, vector<16xf32>,
    %get3A_6 = arith.constant 16 : index
    %get3A_7 = tpu.vector_load %arg18[%get3A_6] {strides = array<i32>} : memref<256xf32, #tpu.memory_space<vmem>>, vector<16xf32>,
    %get3A_8 = arith.constant 32 : index
    %get3A_9 = tpu.vector_load %arg18[%get3A_8] {strides = array<i32>} : memref<256xf32, #tpu.memory_space<vmem>>, vector<16xf32>,
    %get3A_10 = arith.constant 48 : index
    %get3A_11 = tpu.vector_load %arg18[%get3A_10] {strides = array<i32>} : memref<256xf32, #tpu.memory_space<vmem>>, vector<16xf32>,
    %get3A_12 = arith.constant 64 : index
    %get3A_13 = tpu.vector_load %arg18[%get3A_12] {strides = array<i32>} : memref<256xf32, #tpu.memory_space<vmem>>, vector<16xf32>,
    %get3A_14 = arith.constant 80 : index
    %get3A_15 = tpu.vector_load %arg18[%get3A_14] {strides = array<i32>} : memref<256xf32, #tpu.memory_space<vmem>>, vector<16xf32>,
    %get3A_16 = arith.constant 96 : index
    %get3A_17 = tpu.vector_load %arg18[%get3A_16] {strides = array<i32>} : memref<256xf32, #tpu.memory_space<vmem>>, vector<16xf32>,
    %get3A_18 = arith.constant 112 : index
    %get3A_19 = tpu.vector_load %arg18[%get3A_18] {strides = array<i32>} : memref<256xf32, #tpu.memory_space<vmem>>, vector<16xf32>,
    %get3A_20 = arith.constant 128 : index
    %get3A_21 = tpu.vector_load %arg18[%get3A_20] {strides = array<i32>} : memref<256xf32, #tpu.memory_space<vmem>>, vector<16xf32>,
    %get3A_22 = arith.constant 144 : index
    %get3A_23 = tpu.vector_load %arg18[%get3A_22] {strides = array<i32>} : memref<256xf32, #tpu.memory_space<vmem>>, vector<16xf32>,
    %get3A_24 = arith.constant 160 : index
    %get3A_25 = tpu.vector_load %arg18[%get3A_24] {strides = array<i32>} : memref<256xf32, #tpu.memory_space<vmem>>, vector<16xf32>,
    %get3A_26 = arith.constant 176 : index
    %get3A_27 = tpu.vector_load %arg18[%get3A_26] {strides = array<i32>} : memref<256xf32, #tpu.memory_space<vmem>>, vector<16xf32>,
    %get3A_28 = arith.constant 192 : index
    %get3A_29 = tpu.vector_load %arg18[%get3A_28] {strides = array<i32>} : memref<256xf32, #tpu.memory_space<vmem>>, vector<16xf32>,
    %get3A_30 = arith.constant 208 : index
    %get3A_31 = tpu.vector_load %arg18[%get3A_30] {strides = array<i32>} : memref<256xf32, #tpu.memory_space<vmem>>, vector<16xf32>,
    %get3A_32 = arith.constant 224 : index
    %get3A_33 = tpu.vector_load %arg18[%get3A_32] {strides = array<i32>} : memref<256xf32, #tpu.memory_space<vmem>>, vector<16xf32>,
    %get3A_34 = arith.constant 240 : index
    %get3A_35 = tpu.vector_load %arg18[%get3A_34] {strides = array<i32>} : memref<256xf32, #tpu.memory_space<vmem>>, vector<16xf32>,
    %scan3A = arith.constant 0 : i32
    %scan3A_36 = arith.constant 196 : i32
    %scan3A_37 = arith.addi %scan3A, %scan3A_36 : i32
    %scan3A_38 = arith.constant 1 : i32
    scf.for %scan3A_40 = %scan3A to %scan3A_37 step %scan3A_38  : i32 {
      %mul3A_41 = arith.constant 16 : i32
      %mul3A_42 = arith.muli %scan3A_40, %mul3A_41 : i32
      %get3A_43 = arith.index_cast %mul3A_42 : i32 to index
      %get3A_44 = tpu.vector_load %arg13[%get3A_43] {strides = array<i32>} : memref<3136xi32, #tpu.memory_space<vmem>>, vector<16xi32>,
      %get3A_45 = arith.index_cast %mul3A_42 : i32 to index
      %get3A_46 = tpu.vector_load %arg14[%get3A_45] {strides = array<i32>} : memref<3136xi32, #tpu.memory_space<vmem>>, vector<16xi32>,
      %add3A_47 = arith.addi %mul3A_2, %mul3A_42 : i32
      %get3A_48 = arith.index_cast %add3A_47 : i32 to index
      %get3A_49 = tpu.vector_load %arg11[%get3A_48] {strides = array<i32>} : memref<100352xf32, #tpu.memory_space<vmem>>, vector<16xf32>,
      %mul3A_50 = arith.mulf %get3A_13, %get3A_49 : vector<16xf32>
      %mul3A_51 = arith.mulf %get3A_15, %get3A_49 : vector<16xf32>
      %mul3A_52 = arith.mulf %get3A_17, %get3A_49 : vector<16xf32>
      %mul3A_53 = arith.mulf %get3A_19, %get3A_49 : vector<16xf32>
      %mul3A_54 = arith.mulf %get3A_5, %get3A_49 : vector<16xf32>
      %add3A_55 = arith.addf %mul3A_54, %mul3A_50 : vector<16xf32>
      %mul3A_56 = arith.constant 2.000000e-01 : f32
      %mul3A_57 = vector.broadcast %mul3A_56 : f32 to vector<16xf32>
      %mul3A_58 = arith.mulf %mul3A_57, %add3A_55 : vector<16xf32>
      %max3A = arith.maximumf %add3A_55, %mul3A_58 : vector<16xf32>
      %broadcast_in_dim3A = arith.constant 1.000000e+00 : f32
      %broadcast_in_dim3A_59 = vector.broadcast %broadcast_in_dim3A : f32 to vector<16xf32>
      %mul3A_60 = arith.mulf %get3A_7, %get3A_49 : vector<16xf32>
      %add3A_61 = arith.addf %mul3A_60, %mul3A_51 : vector<16xf32>
      %mul3A_62 = arith.constant 2.000000e-01 : f32
      %mul3A_63 = vector.broadcast %mul3A_62 : f32 to vector<16xf32>
      %mul3A_64 = arith.mulf %mul3A_63, %add3A_61 : vector<16xf32>
      %max3A_65 = arith.maximumf %add3A_61, %mul3A_64 : vector<16xf32>
      %broadcast_in_dim3A_66 = arith.constant 1.000000e+00 : f32
      %broadcast_in_dim3A_67 = vector.broadcast %broadcast_in_dim3A_66 : f32 to vector<16xf32>
      %mul3A_68 = arith.mulf %get3A_9, %get3A_49 : vector<16xf32>
      %add3A_69 = arith.addf %mul3A_68, %mul3A_52 : vector<16xf32>
      %mul3A_70 = arith.constant 2.000000e-01 : f32
      %mul3A_71 = vector.broadcast %mul3A_70 : f32 to vector<16xf32>
      %mul3A_72 = arith.mulf %mul3A_71, %add3A_69 : vector<16xf32>
      %max3A_73 = arith.maximumf %add3A_69, %mul3A_72 : vector<16xf32>
      %broadcast_in_dim3A_74 = arith.constant 1.000000e+00 : f32
      %broadcast_in_dim3A_75 = vector.broadcast %broadcast_in_dim3A_74 : f32 to vector<16xf32>
      %mul3A_76 = arith.mulf %get3A_11, %get3A_49 : vector<16xf32>
      %add3A_77 = arith.addf %mul3A_76, %mul3A_53 : vector<16xf32>
      %mul3A_78 = arith.constant 2.000000e-01 : f32
      %mul3A_79 = vector.broadcast %mul3A_78 : f32 to vector<16xf32>
      %mul3A_80 = arith.mulf %mul3A_79, %add3A_77 : vector<16xf32>
      %max3A_81 = arith.maximumf %add3A_77, %mul3A_80 : vector<16xf32>
      %broadcast_in_dim3A_82 = arith.constant 1.000000e+00 : f32
      %broadcast_in_dim3A_83 = vector.broadcast %broadcast_in_dim3A_82 : f32 to vector<16xf32>
      %mul3A_84 = arith.constant 8 : i32
      %mul3A_85 = arith.muli %scan3A_40, %mul3A_84 : i32
      %get3A_86 = arith.index_cast %mul3A_85 : i32 to index
      %get3A_87 = tpu.vector_load %arg19[%get3A_86] {strides = array<i32>} : memref<1584xi32, #tpu.memory_space<vmem>>, vector<16xi32>,
      %slice3A = vector.extract_strided_slice %get3A_87 {offsets = [0], sizes = [1], strides = [1]} : vector<16xi32> to vector<1xi32>
      %squeeze3A = vector.extract %slice3A[0] : i32 from vector<1xi32>
      %slice3A_88 = vector.extract_strided_slice %get3A_87 {offsets = [1], sizes = [1], strides = [1]} : vector<16xi32> to vector<1xi32>
      %squeeze3A_89 = vector.extract %slice3A_88[0] : i32 from vector<1xi32>
      %slice3A_90 = vector.extract_strided_slice %get3A_87 {offsets = [2], sizes = [1], strides = [1]} : vector<16xi32> to vector<1xi32>
      %squeeze3A_91 = vector.extract %slice3A_90[0] : i32 from vector<1xi32>
      %sub3A = arith.subi %squeeze3A_89, %squeeze3A : i32
      %add3A_92 = arith.constant 1023 : i32
      %add3A_93 = arith.addi %sub3A, %add3A_92 : i32
      %shift_right_logical3A = arith.constant 10 : i32
      %shift_right_logical3A_94 = arith.shrui %add3A_93, %shift_right_logical3A : i32
      %parallel_loop3A = arith.constant 0 : i32
      %parallel_loop3A_95 = arith.constant 1 : i32
      %parallel_loop3A_96:12 = scf.for %parallel_loop3A_167 = %parallel_loop3A to %shift_right_logical3A_94 step %parallel_loop3A_95 iter_args(%parallel_loop3A_168 = %max3A, %parallel_loop3A_169 = %max3A_65, %parallel_loop3A_170 = %max3A_73, %parallel_loop3A_171 = %max3A_81, %parallel_loop3A_172 = %broadcast_in_dim3A_59, %parallel_loop3A_173 = %broadcast_in_dim3A_67, %parallel_loop3A_174 = %broadcast_in_dim3A_75, %parallel_loop3A_175 = %broadcast_in_dim3A_83, %parallel_loop3A_176 = %get3A_49, %parallel_loop3A_177 = %get3A_49, %parallel_loop3A_178 = %get3A_49, %parallel_loop3A_179 = %get3A_49) -> (vector<16xf32>, vector<16xf32>, vector<16xf32>, vector<16xf32>, vector<16xf32>, vector<16xf32>, vector<16xf32>, vector<16xf32>, vector<16xf32>, vector<16xf32>, vector<16xf32>, vector<16xf32>)  : i32 {
        %parallel_loop3A_180 = arith.constant 3 : i32
        %parallel_loop3A_181 = arith.andi %parallel_loop3A_167, %parallel_loop3A_180 : i32
        %parallel_loop3A_182 = arith.constant 1024 : i32
        %parallel_loop3A_183 = arith.muli %parallel_loop3A_181, %parallel_loop3A_182 : i32
        %parallel_loop3A_184 = arith.constant 1024 : i32
        %parallel_loop3A_185 = arith.muli %parallel_loop3A_167, %parallel_loop3A_184 : i32
        %parallel_loop3A_186 = arith.addi %squeeze3A, %parallel_loop3A_185 : i32
        %parallel_loop3A_187 = tpu.assume_multiple %parallel_loop3A_186, 8 : i32
        "tpu.region"() ({
          %parallel_loop3A_206 = tpu.sem_alloc : memref<!tpu.dma_semaphore, #tpu.memory_space<semaphore_mem>>
          %parallel_loop3A_207 = tpu.memref_slice %arg15[%parallel_loop3A_183] : memref<4096xi32, #tpu.memory_space<vmem>> -> memref<1024xi32, #tpu.memory_space<vmem>>
          %parallel_loop3A_208 = tpu.memref_slice %arg4[%parallel_loop3A_187] : memref<3204104xi32, #tpu.memory_space<hbm>> -> memref<1024xi32, #tpu.memory_space<hbm>>
          %parallel_loop3A_209 = tpu.memref_slice %arg15[%parallel_loop3A_183] : memref<4096xi32, #tpu.memory_space<vmem>> -> memref<1024xi32, #tpu.memory_space<vmem>>
          %parallel_loop3A_210 = tpu.memref_slice %arg4[%parallel_loop3A_187] : memref<3204104xi32, #tpu.memory_space<hbm>> -> memref<1024xi32, #tpu.memory_space<hbm>>
          tpu.enqueue_dma source(%parallel_loop3A_210 : memref<1024xi32, #tpu.memory_space<hbm>>) target(%parallel_loop3A_209 : memref<1024xi32, #tpu.memory_space<vmem>>) target_semaphore(%parallel_loop3A_206 : memref<!tpu.dma_semaphore, #tpu.memory_space<semaphore_mem>>)
          %parallel_loop3A_211 = tpu.memref_slice %arg15[%parallel_loop3A_183] : memref<4096xi32, #tpu.memory_space<vmem>> -> memref<1024xi32, #tpu.memory_space<vmem>>
          %parallel_loop3A_212 = tpu.memref_slice %arg4[%parallel_loop3A_187] : memref<3204104xi32, #tpu.memory_space<hbm>> -> memref<1024xi32, #tpu.memory_space<hbm>>
          %parallel_loop3A_213 = tpu.memref_slice %arg15[%parallel_loop3A_183] : memref<4096xi32, #tpu.memory_space<vmem>> -> memref<1024xi32, #tpu.memory_space<vmem>>
          %parallel_loop3A_214 = tpu.memref_slice %arg4[%parallel_loop3A_187] : memref<3204104xi32, #tpu.memory_space<hbm>> -> memref<1024xi32, #tpu.memory_space<hbm>>
          tpu.wait_dma2 semaphore(%parallel_loop3A_206 : memref<!tpu.dma_semaphore, #tpu.memory_space<semaphore_mem>>) src(%parallel_loop3A_214 : memref<1024xi32, #tpu.memory_space<hbm>>) dst(%parallel_loop3A_213 : memref<1024xi32, #tpu.memory_space<vmem>>)
          tpu.yield
        }) : () -> ()
        %parallel_loop3A_188 = arith.constant 0 : i32
        %parallel_loop3A_189 = vector.broadcast %parallel_loop3A_188 : i32 to vector<16xi32>
        %parallel_loop3A_190 = vector.broadcast %parallel_loop3A_187 : i32 to vector<16xi32>
        %parallel_loop3A_191 = arith.addi %parallel_loop3A_189, %parallel_loop3A_190 : vector<16xi32>
        %parallel_loop3A_192 = arith.subi %get3A_44, %parallel_loop3A_191 : vector<16xi32>
        %parallel_loop3A_193 = arith.constant 0 : i32
        %parallel_loop3A_194 = vector.broadcast %parallel_loop3A_193 : i32 to vector<16xi32>
        %parallel_loop3A_195 = arith.maxsi %parallel_loop3A_192, %parallel_loop3A_194 : vector<16xi32>
        %parallel_loop3A_196 = arith.subi %get3A_46, %parallel_loop3A_191 : vector<16xi32>
        %parallel_loop3A_197 = arith.constant 1024 : i32
        %parallel_loop3A_198 = vector.broadcast %parallel_loop3A_197 : i32 to vector<16xi32>
        %parallel_loop3A_199 = arith.minsi %parallel_loop3A_196, %parallel_loop3A_198 : vector<16xi32>
        %parallel_loop3A_200 = arith.subi %parallel_loop3A_199, %parallel_loop3A_195 : vector<16xi32>
        %parallel_loop3A_201 = vector.broadcast %parallel_loop3A_183 : i32 to vector<16xi32>
        %parallel_loop3A_202 = arith.addi %parallel_loop3A_195, %parallel_loop3A_201 : vector<16xi32>
        %parallel_loop3A_203 = arith.constant 0 : i32
        %parallel_loop3A_204 = arith.constant 1 : i32
        %parallel_loop3A_205:12 = scf.for %parallel_loop3A_206 = %parallel_loop3A_203 to %squeeze3A_91 step %parallel_loop3A_204 iter_args(%parallel_loop3A_207 = %parallel_loop3A_168, %parallel_loop3A_208 = %parallel_loop3A_169, %parallel_loop3A_209 = %parallel_loop3A_170, %parallel_loop3A_210 = %parallel_loop3A_171, %parallel_loop3A_211 = %parallel_loop3A_172, %parallel_loop3A_212 = %parallel_loop3A_173, %parallel_loop3A_213 = %parallel_loop3A_174, %parallel_loop3A_214 = %parallel_loop3A_175, %parallel_loop3A_215 = %parallel_loop3A_176, %parallel_loop3A_216 = %parallel_loop3A_177, %parallel_loop3A_217 = %parallel_loop3A_178, %parallel_loop3A_218 = %parallel_loop3A_179) -> (vector<16xf32>, vector<16xf32>, vector<16xf32>, vector<16xf32>, vector<16xf32>, vector<16xf32>, vector<16xf32>, vector<16xf32>, vector<16xf32>, vector<16xf32>, vector<16xf32>, vector<16xf32>)  : i32 {
          %parallel_loop3A_219 = vector.broadcast %parallel_loop3A_206 : i32 to vector<16xi32>
          %parallel_loop3A_220 = arith.cmpi slt, %parallel_loop3A_219, %parallel_loop3A_200 : vector<16xi32>
          %parallel_loop3A_221 = vector.broadcast %parallel_loop3A_206 : i32 to vector<16xi32>
          %parallel_loop3A_222 = arith.addi %parallel_loop3A_202, %parallel_loop3A_221 : vector<16xi32>
          %parallel_loop3A_223 = arith.constant 0 : i32
          %parallel_loop3A_224 = vector.broadcast %parallel_loop3A_223 : i32 to vector<16xi32>
          %parallel_loop3A_225 = arith.select %parallel_loop3A_220, %parallel_loop3A_222, %parallel_loop3A_224 : vector<16xi1>, vector<16xi32>
          %parallel_loop3A_226 = tpu.vector_load_idx %arg15[%parallel_loop3A_225] masked %parallel_loop3A_220 : memref<4096xi32, #tpu.memory_space<vmem>>[vector<16xi32>], vector<16xi32>, vector<16xi1>
          %parallel_loop3A_227 = arith.constant 0 : i32
          %parallel_loop3A_228 = vector.broadcast %parallel_loop3A_227 : i32 to vector<16xi32>
          %parallel_loop3A_229 = arith.select %parallel_loop3A_220, %parallel_loop3A_226, %parallel_loop3A_228 : vector<16xi1>, vector<16xi32>
          %parallel_loop3A_230 = tpu.vector_load_idx %arg11[%parallel_loop3A_229] masked %parallel_loop3A_220 : memref<100352xf32, #tpu.memory_space<vmem>>[vector<16xi32>], vector<16xf32>, vector<16xi1>
          %parallel_loop3A_231 = arith.mulf %get3A_5, %parallel_loop3A_230 : vector<16xf32>
          %parallel_loop3A_232 = arith.addf %parallel_loop3A_231, %mul3A_50 : vector<16xf32>
          %parallel_loop3A_233 = arith.constant 2.000000e-01 : f32
          %parallel_loop3A_234 = vector.broadcast %parallel_loop3A_233 : f32 to vector<16xf32>
          %parallel_loop3A_235 = arith.mulf %parallel_loop3A_234, %parallel_loop3A_232 : vector<16xf32>
          %parallel_loop3A_236 = arith.maximumf %parallel_loop3A_232, %parallel_loop3A_235 : vector<16xf32>
          %parallel_loop3A_237 = arith.constant -1.000000e+30 : f32
          %parallel_loop3A_238 = vector.broadcast %parallel_loop3A_237 : f32 to vector<16xf32>
          %parallel_loop3A_239 = arith.select %parallel_loop3A_220, %parallel_loop3A_236, %parallel_loop3A_238 : vector<16xi1>, vector<16xf32>
          %parallel_loop3A_240 = arith.maximumf %parallel_loop3A_207, %parallel_loop3A_239 : vector<16xf32>
          %parallel_loop3A_241 = arith.subf %parallel_loop3A_207, %parallel_loop3A_240 : vector<16xf32>
          %parallel_loop3A_242 = math.exp %parallel_loop3A_241 : vector<16xf32>
          %parallel_loop3A_243 = arith.subf %parallel_loop3A_239, %parallel_loop3A_240 : vector<16xf32>
          %parallel_loop3A_244 = math.exp %parallel_loop3A_243 : vector<16xf32>
          %parallel_loop3A_245 = arith.mulf %parallel_loop3A_211, %parallel_loop3A_242 : vector<16xf32>
          %parallel_loop3A_246 = arith.addf %parallel_loop3A_245, %parallel_loop3A_244 : vector<16xf32>
          %parallel_loop3A_247 = arith.mulf %parallel_loop3A_215, %parallel_loop3A_242 : vector<16xf32>
          %parallel_loop3A_248 = arith.mulf %parallel_loop3A_244, %parallel_loop3A_230 : vector<16xf32>
          %parallel_loop3A_249 = arith.addf %parallel_loop3A_247, %parallel_loop3A_248 : vector<16xf32>
          %parallel_loop3A_250 = arith.mulf %get3A_7, %parallel_loop3A_230 : vector<16xf32>
          %parallel_loop3A_251 = arith.addf %parallel_loop3A_250, %mul3A_51 : vector<16xf32>
          %parallel_loop3A_252 = arith.constant 2.000000e-01 : f32
          %parallel_loop3A_253 = vector.broadcast %parallel_loop3A_252 : f32 to vector<16xf32>
          %parallel_loop3A_254 = arith.mulf %parallel_loop3A_253, %parallel_loop3A_251 : vector<16xf32>
          %parallel_loop3A_255 = arith.maximumf %parallel_loop3A_251, %parallel_loop3A_254 : vector<16xf32>
          %parallel_loop3A_256 = arith.constant -1.000000e+30 : f32
          %parallel_loop3A_257 = vector.broadcast %parallel_loop3A_256 : f32 to vector<16xf32>
          %parallel_loop3A_258 = arith.select %parallel_loop3A_220, %parallel_loop3A_255, %parallel_loop3A_257 : vector<16xi1>, vector<16xf32>
          %parallel_loop3A_259 = arith.maximumf %parallel_loop3A_208, %parallel_loop3A_258 : vector<16xf32>
          %parallel_loop3A_260 = arith.subf %parallel_loop3A_208, %parallel_loop3A_259 : vector<16xf32>
          %parallel_loop3A_261 = math.exp %parallel_loop3A_260 : vector<16xf32>
          %parallel_loop3A_262 = arith.subf %parallel_loop3A_258, %parallel_loop3A_259 : vector<16xf32>
          %parallel_loop3A_263 = math.exp %parallel_loop3A_262 : vector<16xf32>
          %parallel_loop3A_264 = arith.mulf %parallel_loop3A_212, %parallel_loop3A_261 : vector<16xf32>
          %parallel_loop3A_265 = arith.addf %parallel_loop3A_264, %parallel_loop3A_263 : vector<16xf32>
          %parallel_loop3A_266 = arith.mulf %parallel_loop3A_216, %parallel_loop3A_261 : vector<16xf32>
          %parallel_loop3A_267 = arith.mulf %parallel_loop3A_263, %parallel_loop3A_230 : vector<16xf32>
          %parallel_loop3A_268 = arith.addf %parallel_loop3A_266, %parallel_loop3A_267 : vector<16xf32>
          %parallel_loop3A_269 = arith.mulf %get3A_9, %parallel_loop3A_230 : vector<16xf32>
          %parallel_loop3A_270 = arith.addf %parallel_loop3A_269, %mul3A_52 : vector<16xf32>
          %parallel_loop3A_271 = arith.constant 2.000000e-01 : f32
          %parallel_loop3A_272 = vector.broadcast %parallel_loop3A_271 : f32 to vector<16xf32>
          %parallel_loop3A_273 = arith.mulf %parallel_loop3A_272, %parallel_loop3A_270 : vector<16xf32>
          %parallel_loop3A_274 = arith.maximumf %parallel_loop3A_270, %parallel_loop3A_273 : vector<16xf32>
          %parallel_loop3A_275 = arith.constant -1.000000e+30 : f32
          %parallel_loop3A_276 = vector.broadcast %parallel_loop3A_275 : f32 to vector<16xf32>
          %parallel_loop3A_277 = arith.select %parallel_loop3A_220, %parallel_loop3A_274, %parallel_loop3A_276 : vector<16xi1>, vector<16xf32>
          %parallel_loop3A_278 = arith.maximumf %parallel_loop3A_209, %parallel_loop3A_277 : vector<16xf32>
          %parallel_loop3A_279 = arith.subf %parallel_loop3A_209, %parallel_loop3A_278 : vector<16xf32>
          %parallel_loop3A_280 = math.exp %parallel_loop3A_279 : vector<16xf32>
          %parallel_loop3A_281 = arith.subf %parallel_loop3A_277, %parallel_loop3A_278 : vector<16xf32>
          %parallel_loop3A_282 = math.exp %parallel_loop3A_281 : vector<16xf32>
          %parallel_loop3A_283 = arith.mulf %parallel_loop3A_213, %parallel_loop3A_280 : vector<16xf32>
          %parallel_loop3A_284 = arith.addf %parallel_loop3A_283, %parallel_loop3A_282 : vector<16xf32>
          %parallel_loop3A_285 = arith.mulf %parallel_loop3A_217, %parallel_loop3A_280 : vector<16xf32>
          %parallel_loop3A_286 = arith.mulf %parallel_loop3A_282, %parallel_loop3A_230 : vector<16xf32>
          %parallel_loop3A_287 = arith.addf %parallel_loop3A_285, %parallel_loop3A_286 : vector<16xf32>
          %parallel_loop3A_288 = arith.mulf %get3A_11, %parallel_loop3A_230 : vector<16xf32>
          %parallel_loop3A_289 = arith.addf %parallel_loop3A_288, %mul3A_53 : vector<16xf32>
          %parallel_loop3A_290 = arith.constant 2.000000e-01 : f32
          %parallel_loop3A_291 = vector.broadcast %parallel_loop3A_290 : f32 to vector<16xf32>
          %parallel_loop3A_292 = arith.mulf %parallel_loop3A_291, %parallel_loop3A_289 : vector<16xf32>
          %parallel_loop3A_293 = arith.maximumf %parallel_loop3A_289, %parallel_loop3A_292 : vector<16xf32>
          %parallel_loop3A_294 = arith.constant -1.000000e+30 : f32
          %parallel_loop3A_295 = vector.broadcast %parallel_loop3A_294 : f32 to vector<16xf32>
          %parallel_loop3A_296 = arith.select %parallel_loop3A_220, %parallel_loop3A_293, %parallel_loop3A_295 : vector<16xi1>, vector<16xf32>
          %parallel_loop3A_297 = arith.maximumf %parallel_loop3A_210, %parallel_loop3A_296 : vector<16xf32>
          %parallel_loop3A_298 = arith.subf %parallel_loop3A_210, %parallel_loop3A_297 : vector<16xf32>
          %parallel_loop3A_299 = math.exp %parallel_loop3A_298 : vector<16xf32>
          %parallel_loop3A_300 = arith.subf %parallel_loop3A_296, %parallel_loop3A_297 : vector<16xf32>
          %parallel_loop3A_301 = math.exp %parallel_loop3A_300 : vector<16xf32>
          %parallel_loop3A_302 = arith.mulf %parallel_loop3A_214, %parallel_loop3A_299 : vector<16xf32>
          %parallel_loop3A_303 = arith.addf %parallel_loop3A_302, %parallel_loop3A_301 : vector<16xf32>
          %parallel_loop3A_304 = arith.mulf %parallel_loop3A_218, %parallel_loop3A_299 : vector<16xf32>
          %parallel_loop3A_305 = arith.mulf %parallel_loop3A_301, %parallel_loop3A_230 : vector<16xf32>
          %parallel_loop3A_306 = arith.addf %parallel_loop3A_304, %parallel_loop3A_305 : vector<16xf32>
          scf.yield %parallel_loop3A_240, %parallel_loop3A_259, %parallel_loop3A_278, %parallel_loop3A_297, %parallel_loop3A_246, %parallel_loop3A_265, %parallel_loop3A_284, %parallel_loop3A_303, %parallel_loop3A_249, %parallel_loop3A_268, %parallel_loop3A_287, %parallel_loop3A_306 : vector<16xf32>, vector<16xf32>, vector<16xf32>, vector<16xf32>, vector<16xf32>, vector<16xf32>, vector<16xf32>, vector<16xf32>, vector<16xf32>, vector<16xf32>, vector<16xf32>, vector<16xf32>
        } {sc.loop_unroll_factor = 1 : i64, sc.parallel_access}
        scf.yield %parallel_loop3A_205#0, %parallel_loop3A_205#1, %parallel_loop3A_205#2, %parallel_loop3A_205#3, %parallel_loop3A_205#4, %parallel_loop3A_205#5, %parallel_loop3A_205#6, %parallel_loop3A_205#7, %parallel_loop3A_205#8, %parallel_loop3A_205#9, %parallel_loop3A_205#10, %parallel_loop3A_205#11 : vector<16xf32>, vector<16xf32>, vector<16xf32>, vector<16xf32>, vector<16xf32>, vector<16xf32>, vector<16xf32>, vector<16xf32>, vector<16xf32>, vector<16xf32>, vector<16xf32>, vector<16xf32>
      } {sc.loop_unroll_factor = 1 : i64, sc.parallel_access}
      %broadcast_in_dim3A_97 = arith.constant 0.000000e+00 : f32
      %broadcast_in_dim3A_98 = vector.broadcast %broadcast_in_dim3A_97 : f32 to vector<16xf32>
      %div3A = arith.divf %parallel_loop3A_96#8, %parallel_loop3A_96#4 : vector<16xf32>
      %mul3A_99 = arith.mulf %div3A, %get3A_21 : vector<16xf32>
      %add3A_100 = arith.addf %mul3A_99, %get3A_29 : vector<16xf32>
      %gt3A = arith.constant 0.000000e+00 : f32
      %gt3A_101 = vector.broadcast %gt3A : f32 to vector<16xf32>
      %gt3A_102 = arith.cmpf ogt, %add3A_100, %gt3A_101 : vector<16xf32>
      %exp3A = math.exp %add3A_100 : vector<16xf32>
      %sub3A_103 = arith.constant 1.000000e+00 : f32
      %sub3A_104 = vector.broadcast %sub3A_103 : f32 to vector<16xf32>
      %sub3A_105 = arith.subf %exp3A, %sub3A_104 : vector<16xf32>
      %select_n3A = arith.select %gt3A_102, %add3A_100, %sub3A_105 : vector<16xi1>, vector<16xf32>
      %add3A_106 = arith.addf %broadcast_in_dim3A_98, %select_n3A : vector<16xf32>
      %div3A_107 = arith.divf %parallel_loop3A_96#9, %parallel_loop3A_96#5 : vector<16xf32>
      %mul3A_108 = arith.mulf %div3A_107, %get3A_23 : vector<16xf32>
      %add3A_109 = arith.addf %mul3A_108, %get3A_31 : vector<16xf32>
      %gt3A_110 = arith.constant 0.000000e+00 : f32
      %gt3A_111 = vector.broadcast %gt3A_110 : f32 to vector<16xf32>
      %gt3A_112 = arith.cmpf ogt, %add3A_109, %gt3A_111 : vector<16xf32>
      %exp3A_113 = math.exp %add3A_109 : vector<16xf32>
      %sub3A_114 = arith.constant 1.000000e+00 : f32
      %sub3A_115 = vector.broadcast %sub3A_114 : f32 to vector<16xf32>
      %sub3A_116 = arith.subf %exp3A_113, %sub3A_115 : vector<16xf32>
      %select_n3A_117 = arith.select %gt3A_112, %add3A_109, %sub3A_116 : vector<16xi1>, vector<16xf32>
      %add3A_118 = arith.addf %add3A_106, %select_n3A_117 : vector<16xf32>
      %div3A_119 = arith.divf %parallel_loop3A_96#10, %parallel_loop3A_96#6 : vector<16xf32>
      %mul3A_120 = arith.mulf %div3A_119, %get3A_25 : vector<16xf32>
      %add3A_121 = arith.addf %mul3A_120, %get3A_33 : vector<16xf32>
      %gt3A_122 = arith.constant 0.000000e+00 : f32
      %gt3A_123 = vector.broadcast %gt3A_122 : f32 to vector<16xf32>
      %gt3A_124 = arith.cmpf ogt, %add3A_121, %gt3A_123 : vector<16xf32>
      %exp3A_125 = math.exp %add3A_121 : vector<16xf32>
      %sub3A_126 = arith.constant 1.000000e+00 : f32
      %sub3A_127 = vector.broadcast %sub3A_126 : f32 to vector<16xf32>
      %sub3A_128 = arith.subf %exp3A_125, %sub3A_127 : vector<16xf32>
      %select_n3A_129 = arith.select %gt3A_124, %add3A_121, %sub3A_128 : vector<16xi1>, vector<16xf32>
      %add3A_130 = arith.addf %add3A_118, %select_n3A_129 : vector<16xf32>
      %div3A_131 = arith.divf %parallel_loop3A_96#11, %parallel_loop3A_96#7 : vector<16xf32>
      %mul3A_132 = arith.mulf %div3A_131, %get3A_27 : vector<16xf32>
      %add3A_133 = arith.addf %mul3A_132, %get3A_35 : vector<16xf32>
      %gt3A_134 = arith.constant 0.000000e+00 : f32
      %gt3A_135 = vector.broadcast %gt3A_134 : f32 to vector<16xf32>
      %gt3A_136 = arith.cmpf ogt, %add3A_133, %gt3A_135 : vector<16xf32>
      %exp3A_137 = math.exp %add3A_133 : vector<16xf32>
      %sub3A_138 = arith.constant 1.000000e+00 : f32
      %sub3A_139 = vector.broadcast %sub3A_138 : f32 to vector<16xf32>
      %sub3A_140 = arith.subf %exp3A_137, %sub3A_139 : vector<16xf32>
      %select_n3A_141 = arith.select %gt3A_136, %add3A_133, %sub3A_140 : vector<16xi1>, vector<16xf32>
      %add3A_142 = arith.addf %add3A_130, %select_n3A_141 : vector<16xf32>
      %mul3A_143 = arith.constant 2.500000e-01 : f32
      %mul3A_144 = vector.broadcast %mul3A_143 : f32 to vector<16xf32>
      %mul3A_145 = arith.mulf %add3A_142, %mul3A_144 : vector<16xf32>
      %get3A_146 = arith.index_cast %mul3A_42 : i32 to index
      %get3A_147 = tpu.vector_load %arg12[%get3A_146] {strides = array<i32>} : memref<3136xf32, #tpu.memory_space<vmem>>, vector<16xf32>,
      %mul3A_148 = arith.constant 1.000000e+00 : f32
      %mul3A_149 = vector.broadcast %mul3A_148 : f32 to vector<16xf32>
      %mul3A_150 = arith.mulf %mul3A_149, %get3A_147 : vector<16xf32>
      %sub3A_151 = arith.subf %mul3A_145, %mul3A_150 : vector<16xf32>
      %mul3A_152 = arith.constant 1.000000e+00 : f32
      %mul3A_153 = vector.broadcast %mul3A_152 : f32 to vector<16xf32>
      %mul3A_154 = arith.mulf %mul3A_153, %get3A_49 : vector<16xf32>
      %sub3A_155 = arith.subf %sub3A_151, %mul3A_154 : vector<16xf32>
      %mul3A_156 = arith.constant 1.000000e+00 : f32
      %mul3A_157 = vector.broadcast %mul3A_156 : f32 to vector<16xf32>
      %mul3A_158 = arith.mulf %mul3A_157, %sub3A_155 : vector<16xf32>
      %add3A_159 = arith.addf %get3A_147, %mul3A_158 : vector<16xf32>
      %mul3A_160 = arith.constant 1.000000e+00 : f32
      %mul3A_161 = vector.broadcast %mul3A_160 : f32 to vector<16xf32>
      %mul3A_162 = arith.mulf %mul3A_161, %add3A_159 : vector<16xf32>
      %add3A_163 = arith.addf %get3A_49, %mul3A_162 : vector<16xf32>
      %swap3A = arith.index_cast %mul3A_42 : i32 to index
      %swap3A_164 = tpu.vector_load %arg16[%swap3A] {strides = array<i32>} : memref<3136xf32, #tpu.memory_space<vmem>>, vector<16xf32>,
      tpu.vector_store %arg16[%swap3A], %add3A_163 {strides = array<i32>} : memref<3136xf32, #tpu.memory_space<vmem>>, vector<16xf32>,
      %swap3A_165 = arith.index_cast %mul3A_42 : i32 to index
      %swap3A_166 = tpu.vector_load %arg17[%swap3A_165] {strides = array<i32>} : memref<3136xf32, #tpu.memory_space<vmem>>, vector<16xf32>,
      tpu.vector_store %arg17[%swap3A_165], %add3A_159 {strides = array<i32>} : memref<3136xf32, #tpu.memory_space<vmem>>, vector<16xf32>,
    }
    %scan3A_39 = arith.constant 196 : i32
    "tpu.region"() ({
      %run_scoped3A = tpu.sem_alloc : memref<!tpu.dma_semaphore, #tpu.memory_space<semaphore_mem>>
      %dma_start3A = tpu.memref_slice %arg9[%mul3A_2] : memref<100352xf32, #tpu.memory_space<hbm>> -> memref<3136xf32, #tpu.memory_space<hbm>>
      %dma_start3A_40 = tpu.memref_slice %arg9[%mul3A_2] : memref<100352xf32, #tpu.memory_space<hbm>> -> memref<3136xf32, #tpu.memory_space<hbm>>
      tpu.enqueue_dma source(%arg16 : memref<3136xf32, #tpu.memory_space<vmem>>) target(%dma_start3A_40 : memref<3136xf32, #tpu.memory_space<hbm>>) target_semaphore(%run_scoped3A : memref<!tpu.dma_semaphore, #tpu.memory_space<semaphore_mem>>)
      %dma_wait3A = tpu.memref_slice %arg9[%mul3A_2] : memref<100352xf32, #tpu.memory_space<hbm>> -> memref<3136xf32, #tpu.memory_space<hbm>>
      %dma_wait3A_41 = tpu.memref_slice %arg9[%mul3A_2] : memref<100352xf32, #tpu.memory_space<hbm>> -> memref<3136xf32, #tpu.memory_space<hbm>>
      tpu.wait_dma2 semaphore(%run_scoped3A : memref<!tpu.dma_semaphore, #tpu.memory_space<semaphore_mem>>) src(%arg16 : memref<3136xf32, #tpu.memory_space<vmem>>) dst(%dma_wait3A_41 : memref<3136xf32, #tpu.memory_space<hbm>>)
      tpu.yield
    }) : () -> ()
    "tpu.region"() ({
      %run_scoped3A = tpu.sem_alloc : memref<!tpu.dma_semaphore, #tpu.memory_space<semaphore_mem>>
      %dma_start3A = tpu.memref_slice %arg10[%mul3A_2] : memref<100352xf32, #tpu.memory_space<hbm>> -> memref<3136xf32, #tpu.memory_space<hbm>>
      %dma_start3A_40 = tpu.memref_slice %arg10[%mul3A_2] : memref<100352xf32, #tpu.memory_space<hbm>> -> memref<3136xf32, #tpu.memory_space<hbm>>
      tpu.enqueue_dma source(%arg17 : memref<3136xf32, #tpu.memory_space<vmem>>) target(%dma_start3A_40 : memref<3136xf32, #tpu.memory_space<hbm>>) target_semaphore(%run_scoped3A : memref<!tpu.dma_semaphore, #tpu.memory_space<semaphore_mem>>)
      %dma_wait3A = tpu.memref_slice %arg10[%mul3A_2] : memref<100352xf32, #tpu.memory_space<hbm>> -> memref<3136xf32, #tpu.memory_space<hbm>>
      %dma_wait3A_41 = tpu.memref_slice %arg10[%mul3A_2] : memref<100352xf32, #tpu.memory_space<hbm>> -> memref<3136xf32, #tpu.memory_space<hbm>>
      tpu.wait_dma2 semaphore(%run_scoped3A : memref<!tpu.dma_semaphore, #tpu.memory_space<semaphore_mem>>) src(%arg17 : memref<3136xf32, #tpu.memory_space<vmem>>) dst(%dma_wait3A_41 : memref<3136xf32, #tpu.memory_space<hbm>>)
      tpu.yield
    }) : () -> ()
    return
  }
}

#map = affine_map<(d0, d1) -> (0)>
module attributes {stable_mosaic.version = 14 : i64} {
  func.func @_layer_body(%arg0: i32, %arg1: i32, %arg2: memref<100352xf32, #tpu.memory_space<hbm>>, %arg3: memref<100352xf32, #tpu.memory_space<hbm>>, %arg4: memref<3204104xi32, #tpu.memory_space<hbm>>, %arg5: memref<100352xi32, #tpu.memory_space<hbm>>, %arg6: memref<100352xi32, #tpu.memory_space<hbm>>, %arg7: memref<256xf32, #tpu.memory_space<hbm>>, %arg8: memref<50688xi32, #tpu.memory_space<hbm>>, %arg9: memref<100352xf32, #tpu.memory_space<hbm>>, %arg10: memref<100352xf32, #tpu.memory_space<hbm>>, %arg11: memref<100352xf32, #tpu.memory_space<vmem>>, %arg12: memref<3136xf32, #tpu.memory_space<vmem>>, %arg13: memref<3136xi32, #tpu.memory_space<vmem>>, %arg14: memref<3136xi32, #tpu.memory_space<vmem>>, %arg15: memref<4096xi32, #tpu.memory_space<vmem>>, %arg16: memref<3136xf32, #tpu.memory_space<vmem>>, %arg17: memref<3136xf32, #tpu.memory_space<vmem>>, %arg18: memref<256xf32, #tpu.memory_space<vmem>>, %arg19: memref<1584xi32, #tpu.memory_space<vmem>>, %arg20: memref<!tpu.dma_semaphore, #tpu.memory_space<semaphore_mem>>) attributes {dimension_semantics = [#tpu.dimension_semantics<core_parallel>, #tpu.dimension_semantics<subcore_parallel>], iteration_bounds = array<i64: 2, 16>, scalar_prefetch = 0 : i64, scratch_operands = 10 : i64, tpu.core_type = #tpu.core_type<sc_vector_subcore>, window_params = [{transform_indices = #map}, {transform_indices = #map}, {transform_indices = #map}, {transform_indices = #map}, {transform_indices = #map}, {transform_indices = #map}, {transform_indices = #map}, {transform_indices = #map}, {transform_indices = #map}]} {
    %mul3A = arith.constant 2 : i32
    %mul3A_0 = arith.muli %arg1, %mul3A : i32
    %add3A = arith.addi %mul3A_0, %arg0 : i32
    %mul3A_1 = arith.constant 3136 : i32
    %mul3A_2 = arith.muli %add3A, %mul3A_1 : i32
    "tpu.region"() ({
      %run_scoped3A = tpu.sem_alloc : memref<!tpu.dma_semaphore, #tpu.memory_space<semaphore_mem>>
      tpu.enqueue_dma source(%arg2 : memref<100352xf32, #tpu.memory_space<hbm>>) target(%arg11 : memref<100352xf32, #tpu.memory_space<vmem>>) target_semaphore(%run_scoped3A : memref<!tpu.dma_semaphore, #tpu.memory_space<semaphore_mem>>)
      tpu.wait_dma2 semaphore(%run_scoped3A : memref<!tpu.dma_semaphore, #tpu.memory_space<semaphore_mem>>) src(%arg2 : memref<100352xf32, #tpu.memory_space<hbm>>) dst(%arg11 : memref<100352xf32, #tpu.memory_space<vmem>>)
      tpu.yield
    }) : () -> ()
    "tpu.region"() ({
      %run_scoped3A = tpu.sem_alloc : memref<!tpu.dma_semaphore, #tpu.memory_space<semaphore_mem>>
      %dma_start3A = tpu.memref_slice %arg3[%mul3A_2] : memref<100352xf32, #tpu.memory_space<hbm>> -> memref<3136xf32, #tpu.memory_space<hbm>>
      %dma_start3A_40 = tpu.memref_slice %arg3[%mul3A_2] : memref<100352xf32, #tpu.memory_space<hbm>> -> memref<3136xf32, #tpu.memory_space<hbm>>
      tpu.enqueue_dma source(%dma_start3A_40 : memref<3136xf32, #tpu.memory_space<hbm>>) target(%arg12 : memref<3136xf32, #tpu.memory_space<vmem>>) target_semaphore(%run_scoped3A : memref<!tpu.dma_semaphore, #tpu.memory_space<semaphore_mem>>)
      %dma_wait3A = tpu.memref_slice %arg3[%mul3A_2] : memref<100352xf32, #tpu.memory_space<hbm>> -> memref<3136xf32, #tpu.memory_space<hbm>>
      %dma_wait3A_41 = tpu.memref_slice %arg3[%mul3A_2] : memref<100352xf32, #tpu.memory_space<hbm>> -> memref<3136xf32, #tpu.memory_space<hbm>>
      tpu.wait_dma2 semaphore(%run_scoped3A : memref<!tpu.dma_semaphore, #tpu.memory_space<semaphore_mem>>) src(%dma_wait3A_41 : memref<3136xf32, #tpu.memory_space<hbm>>) dst(%arg12 : memref<3136xf32, #tpu.memory_space<vmem>>)
      tpu.yield
    }) : () -> ()
    "tpu.region"() ({
      %run_scoped3A = tpu.sem_alloc : memref<!tpu.dma_semaphore, #tpu.memory_space<semaphore_mem>>
      %dma_start3A = tpu.memref_slice %arg5[%mul3A_2] : memref<100352xi32, #tpu.memory_space<hbm>> -> memref<3136xi32, #tpu.memory_space<hbm>>
      %dma_start3A_40 = tpu.memref_slice %arg5[%mul3A_2] : memref<100352xi32, #tpu.memory_space<hbm>> -> memref<3136xi32, #tpu.memory_space<hbm>>
      tpu.enqueue_dma source(%dma_start3A_40 : memref<3136xi32, #tpu.memory_space<hbm>>) target(%arg13 : memref<3136xi32, #tpu.memory_space<vmem>>) target_semaphore(%run_scoped3A : memref<!tpu.dma_semaphore, #tpu.memory_space<semaphore_mem>>)
      %dma_wait3A = tpu.memref_slice %arg5[%mul3A_2] : memref<100352xi32, #tpu.memory_space<hbm>> -> memref<3136xi32, #tpu.memory_space<hbm>>
      %dma_wait3A_41 = tpu.memref_slice %arg5[%mul3A_2] : memref<100352xi32, #tpu.memory_space<hbm>> -> memref<3136xi32, #tpu.memory_space<hbm>>
      tpu.wait_dma2 semaphore(%run_scoped3A : memref<!tpu.dma_semaphore, #tpu.memory_space<semaphore_mem>>) src(%dma_wait3A_41 : memref<3136xi32, #tpu.memory_space<hbm>>) dst(%arg13 : memref<3136xi32, #tpu.memory_space<vmem>>)
      tpu.yield
    }) : () -> ()
    "tpu.region"() ({
      %run_scoped3A = tpu.sem_alloc : memref<!tpu.dma_semaphore, #tpu.memory_space<semaphore_mem>>
      %dma_start3A = tpu.memref_slice %arg6[%mul3A_2] : memref<100352xi32, #tpu.memory_space<hbm>> -> memref<3136xi32, #tpu.memory_space<hbm>>
      %dma_start3A_40 = tpu.memref_slice %arg6[%mul3A_2] : memref<100352xi32, #tpu.memory_space<hbm>> -> memref<3136xi32, #tpu.memory_space<hbm>>
      tpu.enqueue_dma source(%dma_start3A_40 : memref<3136xi32, #tpu.memory_space<hbm>>) target(%arg14 : memref<3136xi32, #tpu.memory_space<vmem>>) target_semaphore(%run_scoped3A : memref<!tpu.dma_semaphore, #tpu.memory_space<semaphore_mem>>)
      %dma_wait3A = tpu.memref_slice %arg6[%mul3A_2] : memref<100352xi32, #tpu.memory_space<hbm>> -> memref<3136xi32, #tpu.memory_space<hbm>>
      %dma_wait3A_41 = tpu.memref_slice %arg6[%mul3A_2] : memref<100352xi32, #tpu.memory_space<hbm>> -> memref<3136xi32, #tpu.memory_space<hbm>>
      tpu.wait_dma2 semaphore(%run_scoped3A : memref<!tpu.dma_semaphore, #tpu.memory_space<semaphore_mem>>) src(%dma_wait3A_41 : memref<3136xi32, #tpu.memory_space<hbm>>) dst(%arg14 : memref<3136xi32, #tpu.memory_space<vmem>>)
      tpu.yield
    }) : () -> ()
    %mul3A_3 = arith.constant 1584 : i32
    %mul3A_4 = arith.muli %add3A, %mul3A_3 : i32
    "tpu.region"() ({
      %run_scoped3A = tpu.sem_alloc : memref<!tpu.dma_semaphore, #tpu.memory_space<semaphore_mem>>
      %dma_start3A = tpu.memref_slice %arg8[%mul3A_4] : memref<50688xi32, #tpu.memory_space<hbm>> -> memref<1584xi32, #tpu.memory_space<hbm>>
      %dma_start3A_40 = tpu.memref_slice %arg8[%mul3A_4] : memref<50688xi32, #tpu.memory_space<hbm>> -> memref<1584xi32, #tpu.memory_space<hbm>>
      tpu.enqueue_dma source(%dma_start3A_40 : memref<1584xi32, #tpu.memory_space<hbm>>) target(%arg19 : memref<1584xi32, #tpu.memory_space<vmem>>) target_semaphore(%run_scoped3A : memref<!tpu.dma_semaphore, #tpu.memory_space<semaphore_mem>>)
      %dma_wait3A = tpu.memref_slice %arg8[%mul3A_4] : memref<50688xi32, #tpu.memory_space<hbm>> -> memref<1584xi32, #tpu.memory_space<hbm>>
      %dma_wait3A_41 = tpu.memref_slice %arg8[%mul3A_4] : memref<50688xi32, #tpu.memory_space<hbm>> -> memref<1584xi32, #tpu.memory_space<hbm>>
      tpu.wait_dma2 semaphore(%run_scoped3A : memref<!tpu.dma_semaphore, #tpu.memory_space<semaphore_mem>>) src(%dma_wait3A_41 : memref<1584xi32, #tpu.memory_space<hbm>>) dst(%arg19 : memref<1584xi32, #tpu.memory_space<vmem>>)
      tpu.yield
    }) : () -> ()
    "tpu.region"() ({
      %run_scoped3A = tpu.sem_alloc : memref<!tpu.dma_semaphore, #tpu.memory_space<semaphore_mem>>
      tpu.enqueue_dma source(%arg7 : memref<256xf32, #tpu.memory_space<hbm>>) target(%arg18 : memref<256xf32, #tpu.memory_space<vmem>>) target_semaphore(%run_scoped3A : memref<!tpu.dma_semaphore, #tpu.memory_space<semaphore_mem>>)
      tpu.wait_dma2 semaphore(%run_scoped3A : memref<!tpu.dma_semaphore, #tpu.memory_space<semaphore_mem>>) src(%arg7 : memref<256xf32, #tpu.memory_space<hbm>>) dst(%arg18 : memref<256xf32, #tpu.memory_space<vmem>>)
      tpu.yield
    }) : () -> ()
    %get3A = arith.constant 0 : index
    %get3A_5 = tpu.vector_load %arg18[%get3A] {strides = array<i32>} : memref<256xf32, #tpu.memory_space<vmem>>, vector<16xf32>,
    %get3A_6 = arith.constant 16 : index
    %get3A_7 = tpu.vector_load %arg18[%get3A_6] {strides = array<i32>} : memref<256xf32, #tpu.memory_space<vmem>>, vector<16xf32>,
    %get3A_8 = arith.constant 32 : index
    %get3A_9 = tpu.vector_load %arg18[%get3A_8] {strides = array<i32>} : memref<256xf32, #tpu.memory_space<vmem>>, vector<16xf32>,
    %get3A_10 = arith.constant 48 : index
    %get3A_11 = tpu.vector_load %arg18[%get3A_10] {strides = array<i32>} : memref<256xf32, #tpu.memory_space<vmem>>, vector<16xf32>,
    %get3A_12 = arith.constant 64 : index
    %get3A_13 = tpu.vector_load %arg18[%get3A_12] {strides = array<i32>} : memref<256xf32, #tpu.memory_space<vmem>>, vector<16xf32>,
    %get3A_14 = arith.constant 80 : index
    %get3A_15 = tpu.vector_load %arg18[%get3A_14] {strides = array<i32>} : memref<256xf32, #tpu.memory_space<vmem>>, vector<16xf32>,
    %get3A_16 = arith.constant 96 : index
    %get3A_17 = tpu.vector_load %arg18[%get3A_16] {strides = array<i32>} : memref<256xf32, #tpu.memory_space<vmem>>, vector<16xf32>,
    %get3A_18 = arith.constant 112 : index
    %get3A_19 = tpu.vector_load %arg18[%get3A_18] {strides = array<i32>} : memref<256xf32, #tpu.memory_space<vmem>>, vector<16xf32>,
    %get3A_20 = arith.constant 128 : index
    %get3A_21 = tpu.vector_load %arg18[%get3A_20] {strides = array<i32>} : memref<256xf32, #tpu.memory_space<vmem>>, vector<16xf32>,
    %get3A_22 = arith.constant 144 : index
    %get3A_23 = tpu.vector_load %arg18[%get3A_22] {strides = array<i32>} : memref<256xf32, #tpu.memory_space<vmem>>, vector<16xf32>,
    %get3A_24 = arith.constant 160 : index
    %get3A_25 = tpu.vector_load %arg18[%get3A_24] {strides = array<i32>} : memref<256xf32, #tpu.memory_space<vmem>>, vector<16xf32>,
    %get3A_26 = arith.constant 176 : index
    %get3A_27 = tpu.vector_load %arg18[%get3A_26] {strides = array<i32>} : memref<256xf32, #tpu.memory_space<vmem>>, vector<16xf32>,
    %get3A_28 = arith.constant 192 : index
    %get3A_29 = tpu.vector_load %arg18[%get3A_28] {strides = array<i32>} : memref<256xf32, #tpu.memory_space<vmem>>, vector<16xf32>,
    %get3A_30 = arith.constant 208 : index
    %get3A_31 = tpu.vector_load %arg18[%get3A_30] {strides = array<i32>} : memref<256xf32, #tpu.memory_space<vmem>>, vector<16xf32>,
    %get3A_32 = arith.constant 224 : index
    %get3A_33 = tpu.vector_load %arg18[%get3A_32] {strides = array<i32>} : memref<256xf32, #tpu.memory_space<vmem>>, vector<16xf32>,
    %get3A_34 = arith.constant 240 : index
    %get3A_35 = tpu.vector_load %arg18[%get3A_34] {strides = array<i32>} : memref<256xf32, #tpu.memory_space<vmem>>, vector<16xf32>,
    %scan3A = arith.constant 0 : i32
    %scan3A_36 = arith.constant 196 : i32
    %scan3A_37 = arith.addi %scan3A, %scan3A_36 : i32
    %scan3A_38 = arith.constant 1 : i32
    scf.for %scan3A_40 = %scan3A to %scan3A_37 step %scan3A_38  : i32 {
      %mul3A_41 = arith.constant 16 : i32
      %mul3A_42 = arith.muli %scan3A_40, %mul3A_41 : i32
      %get3A_43 = arith.index_cast %mul3A_42 : i32 to index
      %get3A_44 = tpu.vector_load %arg13[%get3A_43] {strides = array<i32>} : memref<3136xi32, #tpu.memory_space<vmem>>, vector<16xi32>,
      %get3A_45 = arith.index_cast %mul3A_42 : i32 to index
      %get3A_46 = tpu.vector_load %arg14[%get3A_45] {strides = array<i32>} : memref<3136xi32, #tpu.memory_space<vmem>>, vector<16xi32>,
      %add3A_47 = arith.addi %mul3A_2, %mul3A_42 : i32
      %get3A_48 = arith.index_cast %add3A_47 : i32 to index
      %get3A_49 = tpu.vector_load %arg11[%get3A_48] {strides = array<i32>} : memref<100352xf32, #tpu.memory_space<vmem>>, vector<16xf32>,
      %mul3A_50 = arith.mulf %get3A_13, %get3A_49 : vector<16xf32>
      %mul3A_51 = arith.mulf %get3A_15, %get3A_49 : vector<16xf32>
      %mul3A_52 = arith.mulf %get3A_17, %get3A_49 : vector<16xf32>
      %mul3A_53 = arith.mulf %get3A_19, %get3A_49 : vector<16xf32>
      %mul3A_54 = arith.mulf %get3A_5, %get3A_49 : vector<16xf32>
      %add3A_55 = arith.addf %mul3A_54, %mul3A_50 : vector<16xf32>
      %mul3A_56 = arith.constant 2.000000e-01 : f32
      %mul3A_57 = vector.broadcast %mul3A_56 : f32 to vector<16xf32>
      %mul3A_58 = arith.mulf %mul3A_57, %add3A_55 : vector<16xf32>
      %max3A = arith.maximumf %add3A_55, %mul3A_58 : vector<16xf32>
      %broadcast_in_dim3A = arith.constant 1.000000e+00 : f32
      %broadcast_in_dim3A_59 = vector.broadcast %broadcast_in_dim3A : f32 to vector<16xf32>
      %mul3A_60 = arith.mulf %get3A_7, %get3A_49 : vector<16xf32>
      %add3A_61 = arith.addf %mul3A_60, %mul3A_51 : vector<16xf32>
      %mul3A_62 = arith.constant 2.000000e-01 : f32
      %mul3A_63 = vector.broadcast %mul3A_62 : f32 to vector<16xf32>
      %mul3A_64 = arith.mulf %mul3A_63, %add3A_61 : vector<16xf32>
      %max3A_65 = arith.maximumf %add3A_61, %mul3A_64 : vector<16xf32>
      %broadcast_in_dim3A_66 = arith.constant 1.000000e+00 : f32
      %broadcast_in_dim3A_67 = vector.broadcast %broadcast_in_dim3A_66 : f32 to vector<16xf32>
      %mul3A_68 = arith.mulf %get3A_9, %get3A_49 : vector<16xf32>
      %add3A_69 = arith.addf %mul3A_68, %mul3A_52 : vector<16xf32>
      %mul3A_70 = arith.constant 2.000000e-01 : f32
      %mul3A_71 = vector.broadcast %mul3A_70 : f32 to vector<16xf32>
      %mul3A_72 = arith.mulf %mul3A_71, %add3A_69 : vector<16xf32>
      %max3A_73 = arith.maximumf %add3A_69, %mul3A_72 : vector<16xf32>
      %broadcast_in_dim3A_74 = arith.constant 1.000000e+00 : f32
      %broadcast_in_dim3A_75 = vector.broadcast %broadcast_in_dim3A_74 : f32 to vector<16xf32>
      %mul3A_76 = arith.mulf %get3A_11, %get3A_49 : vector<16xf32>
      %add3A_77 = arith.addf %mul3A_76, %mul3A_53 : vector<16xf32>
      %mul3A_78 = arith.constant 2.000000e-01 : f32
      %mul3A_79 = vector.broadcast %mul3A_78 : f32 to vector<16xf32>
      %mul3A_80 = arith.mulf %mul3A_79, %add3A_77 : vector<16xf32>
      %max3A_81 = arith.maximumf %add3A_77, %mul3A_80 : vector<16xf32>
      %broadcast_in_dim3A_82 = arith.constant 1.000000e+00 : f32
      %broadcast_in_dim3A_83 = vector.broadcast %broadcast_in_dim3A_82 : f32 to vector<16xf32>
      %mul3A_84 = arith.constant 8 : i32
      %mul3A_85 = arith.muli %scan3A_40, %mul3A_84 : i32
      %get3A_86 = arith.index_cast %mul3A_85 : i32 to index
      %get3A_87 = tpu.vector_load %arg19[%get3A_86] {strides = array<i32>} : memref<1584xi32, #tpu.memory_space<vmem>>, vector<16xi32>,
      %slice3A = vector.extract_strided_slice %get3A_87 {offsets = [0], sizes = [1], strides = [1]} : vector<16xi32> to vector<1xi32>
      %squeeze3A = vector.extract %slice3A[0] : i32 from vector<1xi32>
      %slice3A_88 = vector.extract_strided_slice %get3A_87 {offsets = [1], sizes = [1], strides = [1]} : vector<16xi32> to vector<1xi32>
      %squeeze3A_89 = vector.extract %slice3A_88[0] : i32 from vector<1xi32>
      %slice3A_90 = vector.extract_strided_slice %get3A_87 {offsets = [2], sizes = [1], strides = [1]} : vector<16xi32> to vector<1xi32>
      %squeeze3A_91 = vector.extract %slice3A_90[0] : i32 from vector<1xi32>
      %sub3A = arith.subi %squeeze3A_89, %squeeze3A : i32
      %add3A_92 = arith.constant 1023 : i32
      %add3A_93 = arith.addi %sub3A, %add3A_92 : i32
      %shift_right_logical3A = arith.constant 10 : i32
      %shift_right_logical3A_94 = arith.shrui %add3A_93, %shift_right_logical3A : i32
      %parallel_loop3A = arith.constant 0 : i32
      %parallel_loop3A_95 = arith.constant 1 : i32
      %parallel_loop3A_96:12 = scf.for %parallel_loop3A_167 = %parallel_loop3A to %shift_right_logical3A_94 step %parallel_loop3A_95 iter_args(%parallel_loop3A_168 = %max3A, %parallel_loop3A_169 = %max3A_65, %parallel_loop3A_170 = %max3A_73, %parallel_loop3A_171 = %max3A_81, %parallel_loop3A_172 = %broadcast_in_dim3A_59, %parallel_loop3A_173 = %broadcast_in_dim3A_67, %parallel_loop3A_174 = %broadcast_in_dim3A_75, %parallel_loop3A_175 = %broadcast_in_dim3A_83, %parallel_loop3A_176 = %get3A_49, %parallel_loop3A_177 = %get3A_49, %parallel_loop3A_178 = %get3A_49, %parallel_loop3A_179 = %get3A_49) -> (vector<16xf32>, vector<16xf32>, vector<16xf32>, vector<16xf32>, vector<16xf32>, vector<16xf32>, vector<16xf32>, vector<16xf32>, vector<16xf32>, vector<16xf32>, vector<16xf32>, vector<16xf32>)  : i32 {
        %parallel_loop3A_180 = arith.constant 3 : i32
        %parallel_loop3A_181 = arith.andi %parallel_loop3A_167, %parallel_loop3A_180 : i32
        %parallel_loop3A_182 = arith.constant 1024 : i32
        %parallel_loop3A_183 = arith.muli %parallel_loop3A_181, %parallel_loop3A_182 : i32
        %parallel_loop3A_184 = arith.constant 1024 : i32
        %parallel_loop3A_185 = arith.muli %parallel_loop3A_167, %parallel_loop3A_184 : i32
        %parallel_loop3A_186 = arith.addi %squeeze3A, %parallel_loop3A_185 : i32
        %parallel_loop3A_187 = tpu.assume_multiple %parallel_loop3A_186, 8 : i32
        "tpu.region"() ({
          %parallel_loop3A_206 = tpu.sem_alloc : memref<!tpu.dma_semaphore, #tpu.memory_space<semaphore_mem>>
          %parallel_loop3A_207 = tpu.memref_slice %arg15[%parallel_loop3A_183] : memref<4096xi32, #tpu.memory_space<vmem>> -> memref<1024xi32, #tpu.memory_space<vmem>>
          %parallel_loop3A_208 = tpu.memref_slice %arg4[%parallel_loop3A_187] : memref<3204104xi32, #tpu.memory_space<hbm>> -> memref<1024xi32, #tpu.memory_space<hbm>>
          %parallel_loop3A_209 = tpu.memref_slice %arg15[%parallel_loop3A_183] : memref<4096xi32, #tpu.memory_space<vmem>> -> memref<1024xi32, #tpu.memory_space<vmem>>
          %parallel_loop3A_210 = tpu.memref_slice %arg4[%parallel_loop3A_187] : memref<3204104xi32, #tpu.memory_space<hbm>> -> memref<1024xi32, #tpu.memory_space<hbm>>
          tpu.enqueue_dma source(%parallel_loop3A_210 : memref<1024xi32, #tpu.memory_space<hbm>>) target(%parallel_loop3A_209 : memref<1024xi32, #tpu.memory_space<vmem>>) target_semaphore(%parallel_loop3A_206 : memref<!tpu.dma_semaphore, #tpu.memory_space<semaphore_mem>>)
          %parallel_loop3A_211 = tpu.memref_slice %arg15[%parallel_loop3A_183] : memref<4096xi32, #tpu.memory_space<vmem>> -> memref<1024xi32, #tpu.memory_space<vmem>>
          %parallel_loop3A_212 = tpu.memref_slice %arg4[%parallel_loop3A_187] : memref<3204104xi32, #tpu.memory_space<hbm>> -> memref<1024xi32, #tpu.memory_space<hbm>>
          %parallel_loop3A_213 = tpu.memref_slice %arg15[%parallel_loop3A_183] : memref<4096xi32, #tpu.memory_space<vmem>> -> memref<1024xi32, #tpu.memory_space<vmem>>
          %parallel_loop3A_214 = tpu.memref_slice %arg4[%parallel_loop3A_187] : memref<3204104xi32, #tpu.memory_space<hbm>> -> memref<1024xi32, #tpu.memory_space<hbm>>
          tpu.wait_dma2 semaphore(%parallel_loop3A_206 : memref<!tpu.dma_semaphore, #tpu.memory_space<semaphore_mem>>) src(%parallel_loop3A_214 : memref<1024xi32, #tpu.memory_space<hbm>>) dst(%parallel_loop3A_213 : memref<1024xi32, #tpu.memory_space<vmem>>)
          tpu.yield
        }) : () -> ()
        %parallel_loop3A_188 = arith.constant 0 : i32
        %parallel_loop3A_189 = vector.broadcast %parallel_loop3A_188 : i32 to vector<16xi32>
        %parallel_loop3A_190 = vector.broadcast %parallel_loop3A_187 : i32 to vector<16xi32>
        %parallel_loop3A_191 = arith.addi %parallel_loop3A_189, %parallel_loop3A_190 : vector<16xi32>
        %parallel_loop3A_192 = arith.subi %get3A_44, %parallel_loop3A_191 : vector<16xi32>
        %parallel_loop3A_193 = arith.constant 0 : i32
        %parallel_loop3A_194 = vector.broadcast %parallel_loop3A_193 : i32 to vector<16xi32>
        %parallel_loop3A_195 = arith.maxsi %parallel_loop3A_192, %parallel_loop3A_194 : vector<16xi32>
        %parallel_loop3A_196 = arith.subi %get3A_46, %parallel_loop3A_191 : vector<16xi32>
        %parallel_loop3A_197 = arith.constant 1024 : i32
        %parallel_loop3A_198 = vector.broadcast %parallel_loop3A_197 : i32 to vector<16xi32>
        %parallel_loop3A_199 = arith.minsi %parallel_loop3A_196, %parallel_loop3A_198 : vector<16xi32>
        %parallel_loop3A_200 = arith.subi %parallel_loop3A_199, %parallel_loop3A_195 : vector<16xi32>
        %parallel_loop3A_201 = vector.broadcast %parallel_loop3A_183 : i32 to vector<16xi32>
        %parallel_loop3A_202 = arith.addi %parallel_loop3A_195, %parallel_loop3A_201 : vector<16xi32>
        %parallel_loop3A_203 = arith.constant 0 : i32
        %parallel_loop3A_204 = arith.constant 1 : i32
        %parallel_loop3A_205:12 = scf.for %parallel_loop3A_206 = %parallel_loop3A_203 to %squeeze3A_91 step %parallel_loop3A_204 iter_args(%parallel_loop3A_207 = %parallel_loop3A_168, %parallel_loop3A_208 = %parallel_loop3A_169, %parallel_loop3A_209 = %parallel_loop3A_170, %parallel_loop3A_210 = %parallel_loop3A_171, %parallel_loop3A_211 = %parallel_loop3A_172, %parallel_loop3A_212 = %parallel_loop3A_173, %parallel_loop3A_213 = %parallel_loop3A_174, %parallel_loop3A_214 = %parallel_loop3A_175, %parallel_loop3A_215 = %parallel_loop3A_176, %parallel_loop3A_216 = %parallel_loop3A_177, %parallel_loop3A_217 = %parallel_loop3A_178, %parallel_loop3A_218 = %parallel_loop3A_179) -> (vector<16xf32>, vector<16xf32>, vector<16xf32>, vector<16xf32>, vector<16xf32>, vector<16xf32>, vector<16xf32>, vector<16xf32>, vector<16xf32>, vector<16xf32>, vector<16xf32>, vector<16xf32>)  : i32 {
          %parallel_loop3A_219 = vector.broadcast %parallel_loop3A_206 : i32 to vector<16xi32>
          %parallel_loop3A_220 = arith.cmpi slt, %parallel_loop3A_219, %parallel_loop3A_200 : vector<16xi32>
          %parallel_loop3A_221 = vector.broadcast %parallel_loop3A_206 : i32 to vector<16xi32>
          %parallel_loop3A_222 = arith.addi %parallel_loop3A_202, %parallel_loop3A_221 : vector<16xi32>
          %parallel_loop3A_223 = arith.constant 0 : i32
          %parallel_loop3A_224 = vector.broadcast %parallel_loop3A_223 : i32 to vector<16xi32>
          %parallel_loop3A_225 = arith.select %parallel_loop3A_220, %parallel_loop3A_222, %parallel_loop3A_224 : vector<16xi1>, vector<16xi32>
          %parallel_loop3A_226 = tpu.vector_load_idx %arg15[%parallel_loop3A_225] masked %parallel_loop3A_220 : memref<4096xi32, #tpu.memory_space<vmem>>[vector<16xi32>], vector<16xi32>, vector<16xi1>
          %parallel_loop3A_227 = arith.constant 0 : i32
          %parallel_loop3A_228 = vector.broadcast %parallel_loop3A_227 : i32 to vector<16xi32>
          %parallel_loop3A_229 = arith.select %parallel_loop3A_220, %parallel_loop3A_226, %parallel_loop3A_228 : vector<16xi1>, vector<16xi32>
          %parallel_loop3A_230 = tpu.vector_load_idx %arg11[%parallel_loop3A_229] masked %parallel_loop3A_220 : memref<100352xf32, #tpu.memory_space<vmem>>[vector<16xi32>], vector<16xf32>, vector<16xi1>
          %parallel_loop3A_231 = arith.mulf %get3A_5, %parallel_loop3A_230 : vector<16xf32>
          %parallel_loop3A_232 = arith.addf %parallel_loop3A_231, %mul3A_50 : vector<16xf32>
          %parallel_loop3A_233 = arith.constant 2.000000e-01 : f32
          %parallel_loop3A_234 = vector.broadcast %parallel_loop3A_233 : f32 to vector<16xf32>
          %parallel_loop3A_235 = arith.mulf %parallel_loop3A_234, %parallel_loop3A_232 : vector<16xf32>
          %parallel_loop3A_236 = arith.maximumf %parallel_loop3A_232, %parallel_loop3A_235 : vector<16xf32>
          %parallel_loop3A_237 = arith.constant -1.000000e+30 : f32
          %parallel_loop3A_238 = vector.broadcast %parallel_loop3A_237 : f32 to vector<16xf32>
          %parallel_loop3A_239 = arith.select %parallel_loop3A_220, %parallel_loop3A_236, %parallel_loop3A_238 : vector<16xi1>, vector<16xf32>
          %parallel_loop3A_240 = arith.maximumf %parallel_loop3A_207, %parallel_loop3A_239 : vector<16xf32>
          %parallel_loop3A_241 = arith.subf %parallel_loop3A_207, %parallel_loop3A_240 : vector<16xf32>
          %parallel_loop3A_242 = math.exp %parallel_loop3A_241 : vector<16xf32>
          %parallel_loop3A_243 = arith.subf %parallel_loop3A_239, %parallel_loop3A_240 : vector<16xf32>
          %parallel_loop3A_244 = math.exp %parallel_loop3A_243 : vector<16xf32>
          %parallel_loop3A_245 = arith.mulf %parallel_loop3A_211, %parallel_loop3A_242 : vector<16xf32>
          %parallel_loop3A_246 = arith.addf %parallel_loop3A_245, %parallel_loop3A_244 : vector<16xf32>
          %parallel_loop3A_247 = arith.mulf %parallel_loop3A_215, %parallel_loop3A_242 : vector<16xf32>
          %parallel_loop3A_248 = arith.mulf %parallel_loop3A_244, %parallel_loop3A_230 : vector<16xf32>
          %parallel_loop3A_249 = arith.addf %parallel_loop3A_247, %parallel_loop3A_248 : vector<16xf32>
          %parallel_loop3A_250 = arith.mulf %get3A_7, %parallel_loop3A_230 : vector<16xf32>
          %parallel_loop3A_251 = arith.addf %parallel_loop3A_250, %mul3A_51 : vector<16xf32>
          %parallel_loop3A_252 = arith.constant 2.000000e-01 : f32
          %parallel_loop3A_253 = vector.broadcast %parallel_loop3A_252 : f32 to vector<16xf32>
          %parallel_loop3A_254 = arith.mulf %parallel_loop3A_253, %parallel_loop3A_251 : vector<16xf32>
          %parallel_loop3A_255 = arith.maximumf %parallel_loop3A_251, %parallel_loop3A_254 : vector<16xf32>
          %parallel_loop3A_256 = arith.constant -1.000000e+30 : f32
          %parallel_loop3A_257 = vector.broadcast %parallel_loop3A_256 : f32 to vector<16xf32>
          %parallel_loop3A_258 = arith.select %parallel_loop3A_220, %parallel_loop3A_255, %parallel_loop3A_257 : vector<16xi1>, vector<16xf32>
          %parallel_loop3A_259 = arith.maximumf %parallel_loop3A_208, %parallel_loop3A_258 : vector<16xf32>
          %parallel_loop3A_260 = arith.subf %parallel_loop3A_208, %parallel_loop3A_259 : vector<16xf32>
          %parallel_loop3A_261 = math.exp %parallel_loop3A_260 : vector<16xf32>
          %parallel_loop3A_262 = arith.subf %parallel_loop3A_258, %parallel_loop3A_259 : vector<16xf32>
          %parallel_loop3A_263 = math.exp %parallel_loop3A_262 : vector<16xf32>
          %parallel_loop3A_264 = arith.mulf %parallel_loop3A_212, %parallel_loop3A_261 : vector<16xf32>
          %parallel_loop3A_265 = arith.addf %parallel_loop3A_264, %parallel_loop3A_263 : vector<16xf32>
          %parallel_loop3A_266 = arith.mulf %parallel_loop3A_216, %parallel_loop3A_261 : vector<16xf32>
          %parallel_loop3A_267 = arith.mulf %parallel_loop3A_263, %parallel_loop3A_230 : vector<16xf32>
          %parallel_loop3A_268 = arith.addf %parallel_loop3A_266, %parallel_loop3A_267 : vector<16xf32>
          %parallel_loop3A_269 = arith.mulf %get3A_9, %parallel_loop3A_230 : vector<16xf32>
          %parallel_loop3A_270 = arith.addf %parallel_loop3A_269, %mul3A_52 : vector<16xf32>
          %parallel_loop3A_271 = arith.constant 2.000000e-01 : f32
          %parallel_loop3A_272 = vector.broadcast %parallel_loop3A_271 : f32 to vector<16xf32>
          %parallel_loop3A_273 = arith.mulf %parallel_loop3A_272, %parallel_loop3A_270 : vector<16xf32>
          %parallel_loop3A_274 = arith.maximumf %parallel_loop3A_270, %parallel_loop3A_273 : vector<16xf32>
          %parallel_loop3A_275 = arith.constant -1.000000e+30 : f32
          %parallel_loop3A_276 = vector.broadcast %parallel_loop3A_275 : f32 to vector<16xf32>
          %parallel_loop3A_277 = arith.select %parallel_loop3A_220, %parallel_loop3A_274, %parallel_loop3A_276 : vector<16xi1>, vector<16xf32>
          %parallel_loop3A_278 = arith.maximumf %parallel_loop3A_209, %parallel_loop3A_277 : vector<16xf32>
          %parallel_loop3A_279 = arith.subf %parallel_loop3A_209, %parallel_loop3A_278 : vector<16xf32>
          %parallel_loop3A_280 = math.exp %parallel_loop3A_279 : vector<16xf32>
          %parallel_loop3A_281 = arith.subf %parallel_loop3A_277, %parallel_loop3A_278 : vector<16xf32>
          %parallel_loop3A_282 = math.exp %parallel_loop3A_281 : vector<16xf32>
          %parallel_loop3A_283 = arith.mulf %parallel_loop3A_213, %parallel_loop3A_280 : vector<16xf32>
          %parallel_loop3A_284 = arith.addf %parallel_loop3A_283, %parallel_loop3A_282 : vector<16xf32>
          %parallel_loop3A_285 = arith.mulf %parallel_loop3A_217, %parallel_loop3A_280 : vector<16xf32>
          %parallel_loop3A_286 = arith.mulf %parallel_loop3A_282, %parallel_loop3A_230 : vector<16xf32>
          %parallel_loop3A_287 = arith.addf %parallel_loop3A_285, %parallel_loop3A_286 : vector<16xf32>
          %parallel_loop3A_288 = arith.mulf %get3A_11, %parallel_loop3A_230 : vector<16xf32>
          %parallel_loop3A_289 = arith.addf %parallel_loop3A_288, %mul3A_53 : vector<16xf32>
          %parallel_loop3A_290 = arith.constant 2.000000e-01 : f32
          %parallel_loop3A_291 = vector.broadcast %parallel_loop3A_290 : f32 to vector<16xf32>
          %parallel_loop3A_292 = arith.mulf %parallel_loop3A_291, %parallel_loop3A_289 : vector<16xf32>
          %parallel_loop3A_293 = arith.maximumf %parallel_loop3A_289, %parallel_loop3A_292 : vector<16xf32>
          %parallel_loop3A_294 = arith.constant -1.000000e+30 : f32
          %parallel_loop3A_295 = vector.broadcast %parallel_loop3A_294 : f32 to vector<16xf32>
          %parallel_loop3A_296 = arith.select %parallel_loop3A_220, %parallel_loop3A_293, %parallel_loop3A_295 : vector<16xi1>, vector<16xf32>
          %parallel_loop3A_297 = arith.maximumf %parallel_loop3A_210, %parallel_loop3A_296 : vector<16xf32>
          %parallel_loop3A_298 = arith.subf %parallel_loop3A_210, %parallel_loop3A_297 : vector<16xf32>
          %parallel_loop3A_299 = math.exp %parallel_loop3A_298 : vector<16xf32>
          %parallel_loop3A_300 = arith.subf %parallel_loop3A_296, %parallel_loop3A_297 : vector<16xf32>
          %parallel_loop3A_301 = math.exp %parallel_loop3A_300 : vector<16xf32>
          %parallel_loop3A_302 = arith.mulf %parallel_loop3A_214, %parallel_loop3A_299 : vector<16xf32>
          %parallel_loop3A_303 = arith.addf %parallel_loop3A_302, %parallel_loop3A_301 : vector<16xf32>
          %parallel_loop3A_304 = arith.mulf %parallel_loop3A_218, %parallel_loop3A_299 : vector<16xf32>
          %parallel_loop3A_305 = arith.mulf %parallel_loop3A_301, %parallel_loop3A_230 : vector<16xf32>
          %parallel_loop3A_306 = arith.addf %parallel_loop3A_304, %parallel_loop3A_305 : vector<16xf32>
          scf.yield %parallel_loop3A_240, %parallel_loop3A_259, %parallel_loop3A_278, %parallel_loop3A_297, %parallel_loop3A_246, %parallel_loop3A_265, %parallel_loop3A_284, %parallel_loop3A_303, %parallel_loop3A_249, %parallel_loop3A_268, %parallel_loop3A_287, %parallel_loop3A_306 : vector<16xf32>, vector<16xf32>, vector<16xf32>, vector<16xf32>, vector<16xf32>, vector<16xf32>, vector<16xf32>, vector<16xf32>, vector<16xf32>, vector<16xf32>, vector<16xf32>, vector<16xf32>
        } {sc.loop_unroll_factor = 1 : i64, sc.parallel_access}
        scf.yield %parallel_loop3A_205#0, %parallel_loop3A_205#1, %parallel_loop3A_205#2, %parallel_loop3A_205#3, %parallel_loop3A_205#4, %parallel_loop3A_205#5, %parallel_loop3A_205#6, %parallel_loop3A_205#7, %parallel_loop3A_205#8, %parallel_loop3A_205#9, %parallel_loop3A_205#10, %parallel_loop3A_205#11 : vector<16xf32>, vector<16xf32>, vector<16xf32>, vector<16xf32>, vector<16xf32>, vector<16xf32>, vector<16xf32>, vector<16xf32>, vector<16xf32>, vector<16xf32>, vector<16xf32>, vector<16xf32>
      } {sc.loop_unroll_factor = 1 : i64, sc.parallel_access}
      %broadcast_in_dim3A_97 = arith.constant 0.000000e+00 : f32
      %broadcast_in_dim3A_98 = vector.broadcast %broadcast_in_dim3A_97 : f32 to vector<16xf32>
      %div3A = arith.divf %parallel_loop3A_96#8, %parallel_loop3A_96#4 : vector<16xf32>
      %mul3A_99 = arith.mulf %div3A, %get3A_21 : vector<16xf32>
      %add3A_100 = arith.addf %mul3A_99, %get3A_29 : vector<16xf32>
      %gt3A = arith.constant 0.000000e+00 : f32
      %gt3A_101 = vector.broadcast %gt3A : f32 to vector<16xf32>
      %gt3A_102 = arith.cmpf ogt, %add3A_100, %gt3A_101 : vector<16xf32>
      %exp3A = math.exp %add3A_100 : vector<16xf32>
      %sub3A_103 = arith.constant 1.000000e+00 : f32
      %sub3A_104 = vector.broadcast %sub3A_103 : f32 to vector<16xf32>
      %sub3A_105 = arith.subf %exp3A, %sub3A_104 : vector<16xf32>
      %select_n3A = arith.select %gt3A_102, %add3A_100, %sub3A_105 : vector<16xi1>, vector<16xf32>
      %add3A_106 = arith.addf %broadcast_in_dim3A_98, %select_n3A : vector<16xf32>
      %div3A_107 = arith.divf %parallel_loop3A_96#9, %parallel_loop3A_96#5 : vector<16xf32>
      %mul3A_108 = arith.mulf %div3A_107, %get3A_23 : vector<16xf32>
      %add3A_109 = arith.addf %mul3A_108, %get3A_31 : vector<16xf32>
      %gt3A_110 = arith.constant 0.000000e+00 : f32
      %gt3A_111 = vector.broadcast %gt3A_110 : f32 to vector<16xf32>
      %gt3A_112 = arith.cmpf ogt, %add3A_109, %gt3A_111 : vector<16xf32>
      %exp3A_113 = math.exp %add3A_109 : vector<16xf32>
      %sub3A_114 = arith.constant 1.000000e+00 : f32
      %sub3A_115 = vector.broadcast %sub3A_114 : f32 to vector<16xf32>
      %sub3A_116 = arith.subf %exp3A_113, %sub3A_115 : vector<16xf32>
      %select_n3A_117 = arith.select %gt3A_112, %add3A_109, %sub3A_116 : vector<16xi1>, vector<16xf32>
      %add3A_118 = arith.addf %add3A_106, %select_n3A_117 : vector<16xf32>
      %div3A_119 = arith.divf %parallel_loop3A_96#10, %parallel_loop3A_96#6 : vector<16xf32>
      %mul3A_120 = arith.mulf %div3A_119, %get3A_25 : vector<16xf32>
      %add3A_121 = arith.addf %mul3A_120, %get3A_33 : vector<16xf32>
      %gt3A_122 = arith.constant 0.000000e+00 : f32
      %gt3A_123 = vector.broadcast %gt3A_122 : f32 to vector<16xf32>
      %gt3A_124 = arith.cmpf ogt, %add3A_121, %gt3A_123 : vector<16xf32>
      %exp3A_125 = math.exp %add3A_121 : vector<16xf32>
      %sub3A_126 = arith.constant 1.000000e+00 : f32
      %sub3A_127 = vector.broadcast %sub3A_126 : f32 to vector<16xf32>
      %sub3A_128 = arith.subf %exp3A_125, %sub3A_127 : vector<16xf32>
      %select_n3A_129 = arith.select %gt3A_124, %add3A_121, %sub3A_128 : vector<16xi1>, vector<16xf32>
      %add3A_130 = arith.addf %add3A_118, %select_n3A_129 : vector<16xf32>
      %div3A_131 = arith.divf %parallel_loop3A_96#11, %parallel_loop3A_96#7 : vector<16xf32>
      %mul3A_132 = arith.mulf %div3A_131, %get3A_27 : vector<16xf32>
      %add3A_133 = arith.addf %mul3A_132, %get3A_35 : vector<16xf32>
      %gt3A_134 = arith.constant 0.000000e+00 : f32
      %gt3A_135 = vector.broadcast %gt3A_134 : f32 to vector<16xf32>
      %gt3A_136 = arith.cmpf ogt, %add3A_133, %gt3A_135 : vector<16xf32>
      %exp3A_137 = math.exp %add3A_133 : vector<16xf32>
      %sub3A_138 = arith.constant 1.000000e+00 : f32
      %sub3A_139 = vector.broadcast %sub3A_138 : f32 to vector<16xf32>
      %sub3A_140 = arith.subf %exp3A_137, %sub3A_139 : vector<16xf32>
      %select_n3A_141 = arith.select %gt3A_136, %add3A_133, %sub3A_140 : vector<16xi1>, vector<16xf32>
      %add3A_142 = arith.addf %add3A_130, %select_n3A_141 : vector<16xf32>
      %mul3A_143 = arith.constant 2.500000e-01 : f32
      %mul3A_144 = vector.broadcast %mul3A_143 : f32 to vector<16xf32>
      %mul3A_145 = arith.mulf %add3A_142, %mul3A_144 : vector<16xf32>
      %get3A_146 = arith.index_cast %mul3A_42 : i32 to index
      %get3A_147 = tpu.vector_load %arg12[%get3A_146] {strides = array<i32>} : memref<3136xf32, #tpu.memory_space<vmem>>, vector<16xf32>,
      %mul3A_148 = arith.constant 1.000000e+00 : f32
      %mul3A_149 = vector.broadcast %mul3A_148 : f32 to vector<16xf32>
      %mul3A_150 = arith.mulf %mul3A_149, %get3A_147 : vector<16xf32>
      %sub3A_151 = arith.subf %mul3A_145, %mul3A_150 : vector<16xf32>
      %mul3A_152 = arith.constant 1.000000e+00 : f32
      %mul3A_153 = vector.broadcast %mul3A_152 : f32 to vector<16xf32>
      %mul3A_154 = arith.mulf %mul3A_153, %get3A_49 : vector<16xf32>
      %sub3A_155 = arith.subf %sub3A_151, %mul3A_154 : vector<16xf32>
      %mul3A_156 = arith.constant 1.000000e+00 : f32
      %mul3A_157 = vector.broadcast %mul3A_156 : f32 to vector<16xf32>
      %mul3A_158 = arith.mulf %mul3A_157, %sub3A_155 : vector<16xf32>
      %add3A_159 = arith.addf %get3A_147, %mul3A_158 : vector<16xf32>
      %mul3A_160 = arith.constant 1.000000e+00 : f32
      %mul3A_161 = vector.broadcast %mul3A_160 : f32 to vector<16xf32>
      %mul3A_162 = arith.mulf %mul3A_161, %add3A_159 : vector<16xf32>
      %add3A_163 = arith.addf %get3A_49, %mul3A_162 : vector<16xf32>
      %swap3A = arith.index_cast %mul3A_42 : i32 to index
      %swap3A_164 = tpu.vector_load %arg16[%swap3A] {strides = array<i32>} : memref<3136xf32, #tpu.memory_space<vmem>>, vector<16xf32>,
      tpu.vector_store %arg16[%swap3A], %add3A_163 {strides = array<i32>} : memref<3136xf32, #tpu.memory_space<vmem>>, vector<16xf32>,
      %swap3A_165 = arith.index_cast %mul3A_42 : i32 to index
      %swap3A_166 = tpu.vector_load %arg17[%swap3A_165] {strides = array<i32>} : memref<3136xf32, #tpu.memory_space<vmem>>, vector<16xf32>,
      tpu.vector_store %arg17[%swap3A_165], %add3A_159 {strides = array<i32>} : memref<3136xf32, #tpu.memory_space<vmem>>, vector<16xf32>,
    }
    %scan3A_39 = arith.constant 196 : i32
    "tpu.region"() ({
      %run_scoped3A = tpu.sem_alloc : memref<!tpu.dma_semaphore, #tpu.memory_space<semaphore_mem>>
      %dma_start3A = tpu.memref_slice %arg9[%mul3A_2] : memref<100352xf32, #tpu.memory_space<hbm>> -> memref<3136xf32, #tpu.memory_space<hbm>>
      %dma_start3A_40 = tpu.memref_slice %arg9[%mul3A_2] : memref<100352xf32, #tpu.memory_space<hbm>> -> memref<3136xf32, #tpu.memory_space<hbm>>
      tpu.enqueue_dma source(%arg16 : memref<3136xf32, #tpu.memory_space<vmem>>) target(%dma_start3A_40 : memref<3136xf32, #tpu.memory_space<hbm>>) target_semaphore(%run_scoped3A : memref<!tpu.dma_semaphore, #tpu.memory_space<semaphore_mem>>)
      %dma_wait3A = tpu.memref_slice %arg9[%mul3A_2] : memref<100352xf32, #tpu.memory_space<hbm>> -> memref<3136xf32, #tpu.memory_space<hbm>>
      %dma_wait3A_41 = tpu.memref_slice %arg9[%mul3A_2] : memref<100352xf32, #tpu.memory_space<hbm>> -> memref<3136xf32, #tpu.memory_space<hbm>>
      tpu.wait_dma2 semaphore(%run_scoped3A : memref<!tpu.dma_semaphore, #tpu.memory_space<semaphore_mem>>) src(%arg16 : memref<3136xf32, #tpu.memory_space<vmem>>) dst(%dma_wait3A_41 : memref<3136xf32, #tpu.memory_space<hbm>>)
      tpu.yield
    }) : () -> ()
    "tpu.region"() ({
      %run_scoped3A = tpu.sem_alloc : memref<!tpu.dma_semaphore, #tpu.memory_space<semaphore_mem>>
      %dma_start3A = tpu.memref_slice %arg10[%mul3A_2] : memref<100352xf32, #tpu.memory_space<hbm>> -> memref<3136xf32, #tpu.memory_space<hbm>>
      %dma_start3A_40 = tpu.memref_slice %arg10[%mul3A_2] : memref<100352xf32, #tpu.memory_space<hbm>> -> memref<3136xf32, #tpu.memory_space<hbm>>
      tpu.enqueue_dma source(%arg17 : memref<3136xf32, #tpu.memory_space<vmem>>) target(%dma_start3A_40 : memref<3136xf32, #tpu.memory_space<hbm>>) target_semaphore(%run_scoped3A : memref<!tpu.dma_semaphore, #tpu.memory_space<semaphore_mem>>)
      %dma_wait3A = tpu.memref_slice %arg10[%mul3A_2] : memref<100352xf32, #tpu.memory_space<hbm>> -> memref<3136xf32, #tpu.memory_space<hbm>>
      %dma_wait3A_41 = tpu.memref_slice %arg10[%mul3A_2] : memref<100352xf32, #tpu.memory_space<hbm>> -> memref<3136xf32, #tpu.memory_space<hbm>>
      tpu.wait_dma2 semaphore(%run_scoped3A : memref<!tpu.dma_semaphore, #tpu.memory_space<semaphore_mem>>) src(%arg17 : memref<3136xf32, #tpu.memory_space<vmem>>) dst(%dma_wait3A_41 : memref<3136xf32, #tpu.memory_space<hbm>>)
      tpu.yield
    }) : () -> ()
    return
  }
}

module attributes {stable_mosaic.version = 14 : i64} {
  func.func @_readout_body(%arg0: i32, %arg1: memref<800x1xf32, #tpu.memory_space<vmem>>, %arg2: memref<1x40xf32, #tpu.memory_space<vmem>>, %arg3: memref<1x40xf32, #tpu.memory_space<vmem>>, %arg4: memref<800x40xf32, #tpu.memory_space<vmem>>) attributes {dimension_semantics = [#tpu.dimension_semantics<arbitrary>], iteration_bounds = array<i64: 125>, scalar_prefetch = 0 : i64, scratch_operands = 0 : i64, tpu.core_type = #tpu.core_type<tc>, window_params = [{transform_indices = @transform_0, window_bounds = array<i64: 800, 1>}, {pipeline_mode = #tpu.pipeline_mode<synchronous>, transform_indices = @transform_1, window_bounds = array<i64: 1, 40>}, {pipeline_mode = #tpu.pipeline_mode<synchronous>, transform_indices = @transform_2, window_bounds = array<i64: 1, 40>}, {transform_indices = @transform_3, window_bounds = array<i64: 800, 40>}]} {
    %get3A = arith.constant 0 : index
    %get3A_0 = arith.constant 0 : index
    %get3A_1 = vector.load %arg1[%get3A, %get3A_0] : memref<800x1xf32, #tpu.memory_space<vmem>>, vector<800x1xf32>
    %get3A_2 = arith.constant 0 : index
    %get3A_3 = arith.constant 0 : index
    %get3A_4 = vector.load %arg2[%get3A_2, %get3A_3] : memref<1x40xf32, #tpu.memory_space<vmem>>, vector<1x40xf32>
    %mul3A = vector.broadcast %get3A_1 : vector<800x1xf32> to vector<800x40xf32>
    %mul3A_5 = vector.broadcast %get3A_4 : vector<1x40xf32> to vector<800x40xf32>
    %mul3A_6 = arith.mulf %mul3A, %mul3A_5 : vector<800x40xf32>
    %get3A_7 = arith.constant 0 : index
    %get3A_8 = arith.constant 0 : index
    %get3A_9 = vector.load %arg3[%get3A_7, %get3A_8] : memref<1x40xf32, #tpu.memory_space<vmem>>, vector<1x40xf32>
    %add3A = vector.broadcast %get3A_9 : vector<1x40xf32> to vector<800x40xf32>
    %add3A_10 = arith.addf %mul3A_6, %add3A : vector<800x40xf32>
    %swap3A = arith.constant 0 : index
    %swap3A_11 = arith.constant 0 : index
    %swap3A_12 = vector.load %arg4[%swap3A, %swap3A_11] : memref<800x40xf32, #tpu.memory_space<vmem>>, vector<800x40xf32>
    tpu.vector_store %arg4[%swap3A, %swap3A_11], %add3A_10 {strides = array<i32>} : memref<800x40xf32, #tpu.memory_space<vmem>>, vector<800x40xf32>,
    return
  }
  func.func @transform_0(%arg0: i32) -> (i32, i32) {
    %c0_i32 = arith.constant 0 : i32
    %c0_i32_0 = arith.constant 0 : i32
    return %arg0, %c0_i32 : i32, i32
  }
  func.func @transform_1(%arg0: i32) -> (i32, i32) {
    %c0_i32 = arith.constant 0 : i32
    %c0_i32_0 = arith.constant 0 : i32
    %c0_i32_1 = arith.constant 0 : i32
    return %c0_i32, %c0_i32_0 : i32, i32
  }
  func.func @transform_2(%arg0: i32) -> (i32, i32) {
    %c0_i32 = arith.constant 0 : i32
    %c0_i32_0 = arith.constant 0 : i32
    %c0_i32_1 = arith.constant 0 : i32
    return %c0_i32, %c0_i32_0 : i32, i32
  }
  func.func @transform_3(%arg0: i32) -> (i32, i32) {
    %c0_i32 = arith.constant 0 : i32
    %c0_i32_0 = arith.constant 0 : i32
    return %arg0, %c0_i32 : i32, i32
  }
}

</mosaic_0001>

<sc_bundles>
// kernel: gather_offload_async_start
scs
__scs_entry_jumppad:
0x0: {  	(pc) =	sbr.rel $0x88, $3  }
0x1: {  	(tag) =	ssettag $0x0;
	lr =	simm.s32 $0x1  }
0x2: {  	[smem:$0x3F99] =	sst lr;
	_ =	strace $0xD0000000  }
0x3: {  	_ = 	snop  }
0x4: {  	_ = 	snop  }
0x5: {  	_ = 	snop  }
0x6: {  	_ = 	snop  }
0x7: {  	_ = 	snop  }
__scs_overlays_trampoline_lowered:
0x8: {  	[smem:$0x3FA8] =	sst s0  }
0x9: {  	[smem:$0x3FA9] =	sst s1  }
0xa: {  	[smem:$0x3FAA] =	sst s2  }
0xb: {  	[smem:$0x3FAB] =	sst s3  }
0xc: {  	[smem:$0x3FAC] =	sst s4  }
0xd: {  	[smem:$0x3FAD] =	sst s5  }
0xe: {  	[smem:$0x3FAE] =	sst s6  }
0xf: {  	[smem:$0x3FAF] =	sst s7  }
0x10: {  	[smem:$0x3FB0] =	sst s8  }
0x11: {  	[smem:$0x3FB1] =	sst s9;
	s0 =	simm.s32 @!p0 $0x0  }
0x12: {  	s1 =	sld [smem:$0x3F97];
	s0 =	simm.s32 @p0 $0x1  }
0x13: {  	[smem:$0x3FB2] =	sst s0;
	s0 =	simm.s32 @!p1 $0x0  }
0x14: {  	s2 =	sld [smem:$0x3F96];
	s0 =	simm.s32 @p1 $0x1  }
0x15: {  	[smem:$0x3FB3] =	sst s0;
	s0 =	simm.s32 @!p2 $0x0  }
0x16: {  	s3 =	sld [smem:$0x3FDB];
	s0 =	simm.s32 @p2 $0x1  }
0x17: {  	s4 =	simm.s32 $0x1BF5;
	[smem:$0x3FB5] =	sst s0  }
0x18: {  	s0 =	sld [smem:$0x3F98];
	_ =	swait.ge [sflag:s4], $0x0  }
0x19: {  	s7 =	sld [smem:$0x3F99]  }
0x1a: {  	s8 =	sadd.s32 $0xFFFFE003, lr  }
0x1b: {  	s9 =	sadd.s32 $0xFFFFFEF7, lr;
	s5 =	simm.s32 $0xFFFFFFFF;
	p2 =	slt.u32 s8, $0xFFFFF086  }
0x1c: {  	p1 =	slt.u32 s9, $0xF7A;
	s5 =	simm.s32 @!p2 $0x0  }
0x1d: {  	s5 =	simm.s32 @p1 $0x1;
	p0 =	seq.s32 s7, s2  }
0x1e: {  	s7 =	smul.u32 @!p0 $0xF7A, s2;
	p2 =	seq.s32 @!p0 s5, $0x0  }
0x1f: {  	s9 =	smul.u32 $0xF7A, s1;
	s8 =	simm.s32 @!p0 $0x1BF5;
	p2 =	por !p2, p0  }
0x20: {  	[sflag:s8] =	ssyncset.s32 @!p0 $0xFFFFF086;
	s6 =	sadd.s32 @!p0 s3, s7;
	s7 =	simm.s32 @!p0 $0x108  }
0x21: {  	s3 =	sadd.s32 s3, s9;
	s6 =	sadd.s32 @!p0 $0x88, s6;
	s7 =	simm.s32 @p2 $0x1082  }
0x22: {  	[simem:s7], [sflag:s8] =	dma.local @!p0 [hbm:s6], $0xF7A  }
0x23: {  	s9 =	sor.u32 $0xD0000000, s2;
	s6 =	simm.s32 $0x108;
	_ =	swait.ge @!p0 [sflag:s8], $0x0  }
0x24: {  	s3 =	sadd.s32 $0x88, s3;
	s6 =	simm.s32 @!p1 $0x1082;
	[sflag:s4] =	ssyncset.s32 $0xFFFFF086  }
0x25: {  	[simem:s6], [sflag:s4] =	dma.local [hbm:s3], $0xF7A  }
0x26: {  	[smem:$0x3F99] =	sst s1;
	(tag) =	ssettag s2;
	_ =	strace s9  }
0x27: {  	s1 =	sld [smem:$0x3FA9]  }
0x28: {  	s2 =	sld [smem:$0x3FAA]  }
0x29: {  	s4 =	sld [smem:$0x3FAC]  }
0x2a: {  	p0 =	seq.s32 s5, $0x0;
	s5 =	sld [smem:$0x3FAD]  }
0x2b: {  	s6 =	sld [smem:$0x3FAE]  }
0x2c: {  	s7 =	sld [smem:$0x3FAF]  }
0x2d: {  	s3 =	simm.s32 $0x108;
	s8 =	sld [smem:$0x3FB0]  }
0x2e: {  	s3 =	simm.s32 @!p0 $0x1082;
	s9 =	sld [smem:$0x3FB1]  }
0x2f: {  	lr =	sadd.s32 s0, s3;
	s0 =	sld [smem:$0x3FA8]  }
0x30: {  	s3 =	sld [smem:$0x3FAB]  }
0x31: {  	[smem:$0x3FB4] =	sst s10  }
0x32: {  	s10 =	sld [smem:$0x3FB2];
	_ =	sdelay $0x3  }
0x33: {  	p0 =	seq.s32 s10, $0x1;
	s10 =	sld [smem:$0x3FB4];
	_ =	sdelay $0x3  }
0x34: {  	[smem:$0x3FB4] =	sst s10  }
0x35: {  	s10 =	sld [smem:$0x3FB3];
	_ =	sdelay $0x3  }
0x36: {  	p1 =	seq.s32 s10, $0x1;
	s10 =	sld [smem:$0x3FB4];
	_ =	sdelay $0x3  }
0x37: {  	[smem:$0x3FB4] =	sst s10  }
0x38: {  	s10 =	sld [smem:$0x3FB5]  }
0x39: {  	_ = 	snop;
	(pc) =	sbr.ind lr, $3  }
0x3a: {  	_ = 	snop  }
0x3b: {  	_ = 	snop  }
0x3c: {  	p2 =	seq.s32 s10, $0x1;
	s10 =	sld [smem:$0x3FB4]  }
0x3d: {  	_ =	shalt  }
0x3e: {  	_ =	shalt  }
0x3f: {  	_ =	shalt  }
0x40: {  	_ =	shalt  }
0x41: {  	_ =	shalt  }
0x42: {  	_ =	shalt  }
0x43: {  	_ =	shalt  }
0x44: {  	_ =	shalt  }
0x45: {  	_ =	shalt  }
0x46: {  	_ =	shalt  }
0x47: {  	_ =	shalt  }
0x48: {  	_ =	shalt  }
0x49: {  	_ =	shalt  }
0x4a: {  	_ =	shalt  }
0x4b: {  	_ =	shalt  }
0x4c: {  	_ =	shalt  }
0x4d: {  	_ =	shalt  }
0x4e: {  	_ =	shalt  }
0x4f: {  	_ =	shalt  }
0x50: {  	_ =	shalt  }
0x51: {  	_ =	shalt  }
0x52: {  	_ =	shalt  }
0x53: {  	_ =	shalt  }
0x54: {  	_ =	shalt  }
0x55: {  	_ =	shalt  }
0x56: {  	_ =	shalt  }
0x57: {  	_ =	shalt  }
0x58: {  	_ =	shalt  }
0x59: {  	_ =	shalt  }
0x5a: {  	_ =	shalt  }
0x5b: {  	_ =	shalt  }
0x5c: {  	_ =	shalt  }
0x5d: {  	_ =	shalt  }
0x5e: {  	_ =	shalt  }
0x5f: {  	_ =	shalt  }
0x60: {  	_ =	shalt  }
0x61: {  	_ =	shalt  }
0x62: {  	_ =	shalt  }
0x63: {  	_ =	shalt  }
0x64: {  	_ =	shalt  }
0x65: {  	_ =	shalt  }
0x66: {  	_ =	shalt  }
0x67: {  	_ =	shalt  }
0x68: {  	_ =	shalt  }
0x69: {  	_ =	shalt  }
0x6a: {  	_ =	shalt  }
0x6b: {  	_ =	shalt  }
0x6c: {  	_ =	shalt  }
0x6d: {  	_ =	shalt  }
0x6e: {  	_ =	shalt  }
0x6f: {  	_ =	shalt  }
0x70: {  	_ =	shalt  }
0x71: {  	_ =	shalt  }
0x72: {  	_ =	shalt  }
0x73: {  	_ =	shalt  }
0x74: {  	_ =	shalt  }
0x75: {  	_ =	shalt  }
0x76: {  	_ =	shalt  }
0x77: {  	_ =	shalt  }
0x78: {  	_ =	shalt  }
0x79: {  	_ =	shalt  }
0x7a: {  	_ =	shalt  }
0x7b: {  	_ =	shalt  }
0x7c: {  	_ =	shalt  }
0x7d: {  	_ =	shalt  }
0x7e: {  	_ =	shalt  }
0x7f: {  	_ =	shalt  }
0x80: {  	_ =	shalt  }
0x81: {  	_ =	shalt  }
0x82: {  	_ =	shalt  }
0x83: {  	_ =	shalt  }
0x84: {  	_ =	shalt  }
0x85: {  	_ =	shalt  }
0x86: {  	_ =	shalt  }
0x87: {  	_ =	shalt  }
.Lfunc_end0:
.L_simem_size_0:
called_computation_lowered:
.L_overlay_start_0:
0x88: {  	s2 =	sld [smem:$0x3FD9]  }
0x89: {  	s3 =	sld [smem:$0x3FFE];
	_ =	sdelay $0x1  }
0x8a: {  	s1 =	srdreg.scid  }
0x8b: {  	s0 =	sand.u32 $0x1, s1  }
0x8c: {  	s14 =	sshll.u32 s0, $0xA;
	s2 =	sadd.s32 s3, s2  }
0x8d: {  	s2 =	sadd.s32 s2, s14  }
0x8e: {  	[smem:$0x3FC0] =	sst s2  }
0x8f: {  	_ = 	snop  }
0x90: {  	s2 =	sld [smem:$0x3FD0];
	_ =	sdelay $0x2  }
0x91: {  	s15 =	simm.s32 $0xA;
	s4 =	simm.s32 $0x10  }
0x92: {  	[smem:s4], [sflag:s15] =	dma.local [hbm:s2], $0x1  }
0x93: {  	_ =	swait.eq [sflag:s15], $0x1  }
0x94: {  	[sflag:s15] =	ssyncset.done $0x0  }
0x95: {  	[sflag:s15] =	ssyncadd.s32 $0xFFFFFFFF  }
0x96: {  	s16 =	sld [smem:$0x12];
	(tm) =	ssettm $0x1  }
0x97: {  	s17 =	sld [smem:$0x3FFB];
	_ =	sdelay $0x3  }
0x98: {  	_ =	strace s17  }
0x99: {  	s3 =	sld [smem:$0x3FFC];
	_ =	sdelay $0x3  }
0x9a: {  	_ =	strace s3  }
0x9b: {  	s3 =	sld [smem:$0x3FFD];
	_ =	sdelay $0x3  }
0x9c: {  	_ =	strace s3  }
0x9d: {  	_ =	strace $0x8FFFFFFF  }
0x9e: {  	s18 =	sld [smem:$0x3FDB];
	_ =	sdelay $0x1  }
0x9f: {  	s19 =	simm.s32 $_scs_section_size  }
0xa0: {  	s5 =	simm.s32 $_size__tile_overlayer_lowered;
	s6 =	simm.s32 $_tile_overlayer_lowered  }
0xa1: {  	s22 =	simm.s32 $0x1BFF;
	s21 =	sshll.u32 s6, $0x1;
	s3 =	sadd.s32 s19, s18  }
0xa2: {  	s7 =	simm.s32 $0x0;
	s20 =	sshll.u32 s5, $0x1;
	s5 =	sadd.s32 s21, s3  }
0xa3: {  	[timem:s7], [sflag:s22] =	dma.local [hbm:s5], s20  }
0xa4: {  	_ =	swait.ge [sflag:s22], s20  }
0xa5: {  	s4 =	ssub.s32 $0x0, s20;
	[sflag:s22] =	ssyncset.done $0x0  }
0xa6: {  	[sflag:s22] =	ssyncadd.s32 s4;
	_ =	sdelay $0x1  }
0xa7: {  	s23 =	simm.s32 $0x1B8B  }
0xa8: {  	_ =	swait.ge [sflag:s23], $0x1  }
0xa9: {  	[sflag:s23] =	ssyncset.done $0x0  }
0xaa: {  	s25 =	simm.s32 $0x1B8E;
	s24 =	sld [smem:$0x3FFE];
	[sflag:s23] =	ssyncadd.s32 $0xFFFFFFFF  }
0xab: {  	s26 =	simm.s32 $execute0_lowered;
	[smem:$0x3FD2] =	sst s25  }
0xac: {  	s5 =	sshll.u32 s26, $0x1;
	_ =	strace $0x80000046;
	[dreg:$0x1] =	wrdreg $0xFFFFFFFF  }
0xad: {  	s28 =	simm.s32 $_size_execute0_lowered;
	s3 =	sadd.s32 s3, s5;
	[dreg:$0x0] =	wrdreg $0x0  }
0xae: {  	s5 =	sshll.u32 s28, $0x1;
	[dreg:$0x2] =	wrdreg s3  }
0xaf: {  	[dreg:$0x3] =	wrdreg s5  }
0xb0: {  	[dreg:$0x4] =	wrdreg $0xC0  }
0xb1: {  	_ =	task [dreg:s7], $0x5FFFF  }
0xb2: {  	[dreg:$0x1] =	wrdreg $0xFFFFFFFF  }
0xb3: {  	[dreg:$0x0] =	wrdreg $0x60  }
0xb4: {  	[dreg:$0x2] =	wrdreg s16  }
0xb5: {  	[dreg:$0x3] =	wrdreg s24  }
0xb6: {  	[dreg:$0x4] =	wrdreg $0x9  }
0xb7: {  	_ =	task.clear_ibuf [dreg:s7], $0x5FFFF;
	_ =	strace $0x90000046  }
0xb8: {  	s29 =	simm.s32 $0x9;
	_ =	strace $0x80000048  }
0xb9: {  	_ =	swait.ge [sflag:s29], $0x1  }
0xba: {  	[sflag:s29] =	ssyncadd.s32 $0xFFFFFFFF  }
0xbb: {  	_ =	strace $0x90000048  }
0xbc: {  	_ =	sfence  }
0xbd: {  	s30 =	sld [smem:$0x0];
	_ =	sdelay $0x2  }
0xbe: {  	s31 =	sshll.u32 s1, $0xD;
	s1 =	sshrl.u32 s1, $0x2  }
0xbf: {  	s3 =	sand.u32 $0x4000, s31;
	s1 =	sadd.s32 s1, s30  }
0xc0: {  	s0 =	sor.u32 s3, s0;
	s1 =	sshll.u32 s1, $0x11  }
0xc1: {  	s0 =	sor.u32 s1, s0  }
0xc2: {  	s0 =	sadd.s32 $0x8F2B, s0  }
0xc3: {  	[sflag:s0] =	ssyncadd.remote.s32 $0x1  }
0xc4: {  	_ =	sfence.sel $0xFFFF  }
0xc5: {  	[dreg:$0x0] =	wrdreg $0xFFFFFFFF;
	(pc) =	sbr.abs _section_cstart, $3  }
0xc6: {  	[dreg:$0x1] =	wrdreg $0xFFFFFFFF  }
0xc7: {  	_ =	task.clear_ibuf [dreg:s7], $0x2FFFF;
	_ =	strace $0x9FFFFFFF  }
0xc8: {  	(tm) =	ssettm $0x7FFFFFFF  }
0xc9: {  	_ =	shalt  }
tec
execute0_lowered:
.L_overlay_start_1:
0x0: {  	(tag) =	ssettag $0x1  }
0x1: {  	s1 =	srdreg.scid;
	s2 =	rddreg [dreg:$0x0]  }
0x2: {  	s0 =	stileid.u32;
	s6 =	rddreg [dreg:$0x1];
	s1 =	sshll.u32 s1, $0x4  }
0x3: {  	s7 =	simm.s32 $0x1;
	s3 =	sshll.u32 s0, $0x5;
	s1 =	sand.u32 $0x10, s1  }
0x4: {  	s30 =	simm.s32 $0x2;
	s31 =	simm.s32 $0x3;
	s3 =	sor.u32 s3, s1  }
0x5: {  	s11 =	simm.s32 $0x0;
	s9 =	simm.s32 $0x0;
	s5 =	ssub.s32 $0x18A0, s3  }
0x6: {  	s4 =	sadd.s32 $0x67400, s6;
	s6 =	sadd.s32 $0x67800, s6;
	s8 =	sand.u32 $0x1F0, s5  }
0x7: {  	s1 =	rddreg [dreg:$0x2];
	_ =	strace $0x80000047;
	p0 =	sne.s32 s8, $0x0  }
0x8: {  	[sflag:s7] =	ssyncpa.u1 $0x0;
	s5 =	sshrl.u32 s5, $0x9;
	s7 =	simm.s32 @!p0 $0x0  }
0x9: {  	s10 =	smov.u32 s3;
	[sflag:s30] =	ssyncpa.u1 $0x0;
	s5 =	sadd.s32 s7, s5  }
0xa: {  	[sflag:s31] =	ssyncpa.u1 $0x0;
	s8 =	simm.s32 $0x0;
	s7 =	sadd.s32 $0x1, s5  }
.LBB2_1:
0xb: {  	p0 =	sge.u32 s9, s5  }
0xc: {  	s31 =	sadd.s32 $0xFFFFFFFF, s9;
	s12 =	sxor.u32 @!p0 $0xFFFFFFFF, s8;
	s13 =	sshrl.u32 @!p0 s10, $0x3  }
0xd: {  	s14 =	sand.u32 @!p0 $0x7, s10;
	s12 =	sand.u32 @!p0 $0x10, s12;
	s13 =	sadd.s32 @!p0 s4, s13  }
0xe: {  	[tilespmem:s12], [sflag:$0x2] =	stream.linear.gather @!p0 [hbm4b:s13+s14], $0x10, $0x38;
	[tilespmem:$0x40] =	vst v63  }
0xf: {  	p0 =	sge.u32 s31, s5  }
0x10: {  	s12 =	simm.s32 @!p0 $0x2  }
0x11: {  	_ =	swait.ge @!p0 [sflag:s12], $0x10  }
0x12: {  	[sflag:s12] =	ssyncset.done @!p0 $0x0  }
0x13: {  	[sflag:s12] =	ssyncadd.s32 @!p0 $0xFFFFFFF0;
	s12 =	sand.u32 @!p0 $0x10, s8  }
0x14: {  	(ifvalue) =	ssetifvalue @!p0 $0x7FFFFFFF;
	v0 =	vld.msk @!p0 [tilespmem:s12+$0x0 ss:$0x1], $0xffff;
	_ =	sdelay $0x4  }
0x15: {  	vm0 =	vgt.s32 @!p0 v0, $0x0  }
0x16: {  	v0 =	vnsel @!p0 vm0, $0x0, v0  }
0x17: {  	v0 =	vmin.u32 @!p0 v0, $0x18800;
	_ =	sdelay $0x3  }
0x18: {  	s13 =	simm.s32 @!p0 $0x0;
	s12 =	sor.u32 @!p0 $0x20, s12;
	(ifvalue) =	ssetifvalue @!p0 $0x7FFFFFFF;
	vm0 =	vmmov @!p0 $0xffff  }
0x19: {  	[tilespmem:s12], [sflag:$0x1] =	stream.indirect_vreg.gather @!p0 [hbm4b:s2+s13], $0x1, v0, vm0, $0x4038;
	[tilespmem:$0x40] =	vst v63  }
0x1a: {  	s13 =	simm.s32 @!p0 $0x1  }
0x1b: {  	_ =	swait.ge @!p0 [sflag:s13], $0x10  }
0x1c: {  	s14 =	sshrl.u32 @!p0 s11, $0x3;
	[sflag:s13] =	ssyncset.done @!p0 $0x0  }
0x1d: {  	s11 =	sand.u32 @!p0 $0x7, s11;
	[sflag:s13] =	ssyncadd.s32 @!p0 $0xFFFFFFF0;
	s13 =	sadd.s32 @!p0 s6, s14  }
0x1e: {  	[hbm4b:s13+s11] =	stream.linear.scatter @!p0 [tilespmem:s12], [sflag:$0x3], $0x10, $0x38;
	[tilespmem:$0x40] =	vst v63  }
0x1f: {  	s13 =	sadd.s32 $0x200, s10  }
0x20: {  	p1 =	sgt.s32 s13, $0x189F  }
0x21: {  	s13 =	smov.u32 @p1 s3;
	p1 =	sne.s32 s9, s7  }
.Ltmp0:
0x22: {  	p0 =	slt.u32 s9, $0x2;
	(pc) =	sbr.rel @p1 .LBB2_1-.Ltmp0, $4  }
0x23: {  	s12 =	simm.s32 @!p0 $0x3  }
0x24: {  	_ =	swait.ge @!p0 [sflag:s12], $0x10  }
0x25: {  	s8 =	sadd.s32 $0x10, s8;
	s11 =	smov.u32 s10;
	[sflag:s12] =	ssyncset.done @!p0 $0x0  }
0x26: {  	s9 =	sadd.s32 $0x1, s9;
	s10 =	smov.u32 s13;
	[sflag:s12] =	ssyncadd.s32 @!p0 $0xFFFFFFF0  }
0x27: {  	_ =	sfence.sel $0x180000  }
0x28: {  	s2 =	simm.s32 $0x2;
	[bflag:$0x0] =	sbarrier.arrive $0xFFFF  }
0x29: {  	s30 =	simm.s32 $0x3;
	[sflag:s2] =	ssyncpa.u1 $0x1  }
0x2a: {  	s31 =	simm.s32 $0x1;
	[sflag:s30] =	ssyncpa.u1 $0x1  }
0x2b: {  	[sflag:s31] =	ssyncpa.u1 $0x1  }
0x2c: {  	p0 =	sne.s32 s0, $0x0;
	_ =	strace $0x90000047  }
0x2d: {  	s0 =	sadd.s32 @!p0 $0x100000, s1;
	[bflag:$0x2] =	sbarrier.arrive $0xFFFF  }
0x2e: {  	[sflag:s0] =	ssyncadd.tile.s32 @!p0 $0x1;
	_ =	shalt  }
.Lfunc_end2:
_tile_overlayer_lowered:
.L_overlay_start_2:
0x2f: {  	(tag) =	ssettag $0x2  }
0x30: {  	s0 =	rddreg [dreg:$0x0];
	s2 =	stileid.u32  }
0x31: {  	s1 =	rddreg [dreg:$0x1];
	p0 =	sne.s32 s2, $0x0  }
0x32: {  	s3 =	rddreg [dreg:$0x2];
	[bflag:$0x3] =	sbarrier.arrive $0xFFFF;
	s2 =	simm.s32 @!p0 $0x1C01  }
0x33: {  	[timem:s3], [sflag:s2] =	dma.local @!p0 [hbm:s0], s1  }
0x34: {  	s0 =	simm.s32 @!p0 $0x1  }
0x35: {  	_ =	swait.ge @!p0 [sflag:s0], s1  }
0x36: {  	s1 =	ssub.s32 @!p0 $0x0, s1;
	[sflag:s0] =	ssyncset.done @!p0 $0x0  }
0x37: {  	[sflag:s0] =	ssyncadd.s32 @!p0 s1  }
0x38: {  	[bflag:$0x3] =	sbarrier.arrive $0xFFFF  }
0x39: {  	_ =	shalt  }

// kernel: kernel.10.cloned.1.call-start
scs
__scs_entry_jumppad:
0x0: {  	(pc) =	sbr.rel $0x88, $3  }
0x1: {  	(tag) =	ssettag $0x0;
	lr =	simm.s32 $0x1  }
0x2: {  	[smem:$0x3F99] =	sst lr;
	_ =	strace $0xD0000000  }
0x3: {  	_ = 	snop  }
0x4: {  	_ = 	snop  }
0x5: {  	_ = 	snop  }
0x6: {  	_ = 	snop  }
0x7: {  	_ = 	snop  }
__scs_overlays_trampoline_lowered:
0x8: {  	[smem:$0x3FA8] =	sst s0  }
0x9: {  	[smem:$0x3FA9] =	sst s1  }
0xa: {  	[smem:$0x3FAA] =	sst s2  }
0xb: {  	[smem:$0x3FAB] =	sst s3  }
0xc: {  	[smem:$0x3FAC] =	sst s4  }
0xd: {  	[smem:$0x3FAD] =	sst s5  }
0xe: {  	[smem:$0x3FAE] =	sst s6  }
0xf: {  	[smem:$0x3FAF] =	sst s7  }
0x10: {  	[smem:$0x3FB0] =	sst s8  }
0x11: {  	[smem:$0x3FB1] =	sst s9;
	s0 =	simm.s32 @!p0 $0x0  }
0x12: {  	s1 =	sld [smem:$0x3F97];
	s0 =	simm.s32 @p0 $0x1  }
0x13: {  	[smem:$0x3FB2] =	sst s0;
	s0 =	simm.s32 @!p1 $0x0  }
0x14: {  	s2 =	sld [smem:$0x3F96];
	s0 =	simm.s32 @p1 $0x1  }
0x15: {  	[smem:$0x3FB3] =	sst s0;
	s0 =	simm.s32 @!p2 $0x0  }
0x16: {  	s3 =	sld [smem:$0x3FDB];
	s0 =	simm.s32 @p2 $0x1  }
0x17: {  	s4 =	simm.s32 $0x1BF5;
	[smem:$0x3FB5] =	sst s0  }
0x18: {  	s0 =	sld [smem:$0x3F98];
	_ =	swait.ge [sflag:s4], $0x0  }
0x19: {  	s7 =	sld [smem:$0x3F99]  }
0x1a: {  	s8 =	sadd.s32 $0xFFFFE003, lr  }
0x1b: {  	s9 =	sadd.s32 $0xFFFFFEF7, lr;
	s5 =	simm.s32 $0xFFFFFFFF;
	p2 =	slt.u32 s8, $0xFFFFF086  }
0x1c: {  	p1 =	slt.u32 s9, $0xF7A;
	s5 =	simm.s32 @!p2 $0x0  }
0x1d: {  	s5 =	simm.s32 @p1 $0x1;
	p0 =	seq.s32 s7, s2  }
0x1e: {  	s7 =	smul.u32 @!p0 $0xF7A, s2;
	p2 =	seq.s32 @!p0 s5, $0x0  }
0x1f: {  	s9 =	smul.u32 $0xF7A, s1;
	s8 =	simm.s32 @!p0 $0x1BF5;
	p2 =	por !p2, p0  }
0x20: {  	[sflag:s8] =	ssyncset.s32 @!p0 $0xFFFFF086;
	s6 =	sadd.s32 @!p0 s3, s7;
	s7 =	simm.s32 @!p0 $0x108  }
0x21: {  	s3 =	sadd.s32 s3, s9;
	s6 =	sadd.s32 @!p0 $0x88, s6;
	s7 =	simm.s32 @p2 $0x1082  }
0x22: {  	[simem:s7], [sflag:s8] =	dma.local @!p0 [hbm:s6], $0xF7A  }
0x23: {  	s9 =	sor.u32 $0xD0000000, s2;
	s6 =	simm.s32 $0x108;
	_ =	swait.ge @!p0 [sflag:s8], $0x0  }
0x24: {  	s3 =	sadd.s32 $0x88, s3;
	s6 =	simm.s32 @!p1 $0x1082;
	[sflag:s4] =	ssyncset.s32 $0xFFFFF086  }
0x25: {  	[simem:s6], [sflag:s4] =	dma.local [hbm:s3], $0xF7A  }
0x26: {  	[smem:$0x3F99] =	sst s1;
	(tag) =	ssettag s2;
	_ =	strace s9  }
0x27: {  	s1 =	sld [smem:$0x3FA9]  }
0x28: {  	s2 =	sld [smem:$0x3FAA]  }
0x29: {  	s4 =	sld [smem:$0x3FAC]  }
0x2a: {  	p0 =	seq.s32 s5, $0x0;
	s5 =	sld [smem:$0x3FAD]  }
0x2b: {  	s6 =	sld [smem:$0x3FAE]  }
0x2c: {  	s7 =	sld [smem:$0x3FAF]  }
0x2d: {  	s3 =	simm.s32 $0x108;
	s8 =	sld [smem:$0x3FB0]  }
0x2e: {  	s3 =	simm.s32 @!p0 $0x1082;
	s9 =	sld [smem:$0x3FB1]  }
0x2f: {  	lr =	sadd.s32 s0, s3;
	s0 =	sld [smem:$0x3FA8]  }
0x30: {  	s3 =	sld [smem:$0x3FAB]  }
0x31: {  	[smem:$0x3FB4] =	sst s10  }
0x32: {  	s10 =	sld [smem:$0x3FB2];
	_ =	sdelay $0x3  }
0x33: {  	p0 =	seq.s32 s10, $0x1;
	s10 =	sld [smem:$0x3FB4];
	_ =	sdelay $0x3  }
0x34: {  	[smem:$0x3FB4] =	sst s10  }
0x35: {  	s10 =	sld [smem:$0x3FB3];
	_ =	sdelay $0x3  }
0x36: {  	p1 =	seq.s32 s10, $0x1;
	s10 =	sld [smem:$0x3FB4];
	_ =	sdelay $0x3  }
0x37: {  	[smem:$0x3FB4] =	sst s10  }
0x38: {  	s10 =	sld [smem:$0x3FB5]  }
0x39: {  	_ = 	snop;
	(pc) =	sbr.ind lr, $3  }
0x3a: {  	_ = 	snop  }
0x3b: {  	_ = 	snop  }
0x3c: {  	p2 =	seq.s32 s10, $0x1;
	s10 =	sld [smem:$0x3FB4]  }
0x3d: {  	_ =	shalt  }
0x3e: {  	_ =	shalt  }
0x3f: {  	_ =	shalt  }
0x40: {  	_ =	shalt  }
0x41: {  	_ =	shalt  }
0x42: {  	_ =	shalt  }
0x43: {  	_ =	shalt  }
0x44: {  	_ =	shalt  }
0x45: {  	_ =	shalt  }
0x46: {  	_ =	shalt  }
0x47: {  	_ =	shalt  }
0x48: {  	_ =	shalt  }
0x49: {  	_ =	shalt  }
0x4a: {  	_ =	shalt  }
0x4b: {  	_ =	shalt  }
0x4c: {  	_ =	shalt  }
0x4d: {  	_ =	shalt  }
0x4e: {  	_ =	shalt  }
0x4f: {  	_ =	shalt  }
0x50: {  	_ =	shalt  }
0x51: {  	_ =	shalt  }
0x52: {  	_ =	shalt  }
0x53: {  	_ =	shalt  }
0x54: {  	_ =	shalt  }
0x55: {  	_ =	shalt  }
0x56: {  	_ =	shalt  }
0x57: {  	_ =	shalt  }
0x58: {  	_ =	shalt  }
0x59: {  	_ =	shalt  }
0x5a: {  	_ =	shalt  }
0x5b: {  	_ =	shalt  }
0x5c: {  	_ =	shalt  }
0x5d: {  	_ =	shalt  }
0x5e: {  	_ =	shalt  }
0x5f: {  	_ =	shalt  }
0x60: {  	_ =	shalt  }
0x61: {  	_ =	shalt  }
0x62: {  	_ =	shalt  }
0x63: {  	_ =	shalt  }
0x64: {  	_ =	shalt  }
0x65: {  	_ =	shalt  }
0x66: {  	_ =	shalt  }
0x67: {  	_ =	shalt  }
0x68: {  	_ =	shalt  }
0x69: {  	_ =	shalt  }
0x6a: {  	_ =	shalt  }
0x6b: {  	_ =	shalt  }
0x6c: {  	_ =	shalt  }
0x6d: {  	_ =	shalt  }
0x6e: {  	_ =	shalt  }
0x6f: {  	_ =	shalt  }
0x70: {  	_ =	shalt  }
0x71: {  	_ =	shalt  }
0x72: {  	_ =	shalt  }
0x73: {  	_ =	shalt  }
0x74: {  	_ =	shalt  }
0x75: {  	_ =	shalt  }
0x76: {  	_ =	shalt  }
0x77: {  	_ =	shalt  }
0x78: {  	_ =	shalt  }
0x79: {  	_ =	shalt  }
0x7a: {  	_ =	shalt  }
0x7b: {  	_ =	shalt  }
0x7c: {  	_ =	shalt  }
0x7d: {  	_ =	shalt  }
0x7e: {  	_ =	shalt  }
0x7f: {  	_ =	shalt  }
0x80: {  	_ =	shalt  }
0x81: {  	_ =	shalt  }
0x82: {  	_ =	shalt  }
0x83: {  	_ =	shalt  }
0x84: {  	_ =	shalt  }
0x85: {  	_ =	shalt  }
0x86: {  	_ =	shalt  }
0x87: {  	_ =	shalt  }
.Lfunc_end0:
.L_simem_size_0:
called_computation.2_lowered:
.L_overlay_start_0:
0x88: {  	s2 =	sld [smem:$0x3FD9]  }
0x89: {  	s3 =	sld [smem:$0x3FFE];
	_ =	sdelay $0x1  }
0x8a: {  	s1 =	srdreg.scid  }
0x8b: {  	s0 =	sand.u32 $0x1, s1  }
0x8c: {  	s14 =	sshll.u32 s0, $0xA;
	s2 =	sadd.s32 s3, s2  }
0x8d: {  	s2 =	sadd.s32 s2, s14  }
0x8e: {  	[smem:$0x3FC0] =	sst s2  }
0x8f: {  	_ = 	snop  }
0x90: {  	s2 =	sld [smem:$0x3FD0];
	_ =	sdelay $0x2  }
0x91: {  	s15 =	simm.s32 $0xA;
	s4 =	simm.s32 $0x10  }
0x92: {  	[smem:s4], [sflag:s15] =	dma.local [hbm:s2], $0x1  }
0x93: {  	_ =	swait.eq [sflag:s15], $0x1  }
0x94: {  	[sflag:s15] =	ssyncset.done $0x0  }
0x95: {  	[sflag:s15] =	ssyncadd.s32 $0xFFFFFFFF  }
0x96: {  	s16 =	sld [smem:$0x10];
	(tm) =	ssettm $0x1  }
0x97: {  	s17 =	sld [smem:$0x3FFB];
	_ =	sdelay $0x3  }
0x98: {  	_ =	strace s17  }
0x99: {  	s3 =	sld [smem:$0x3FFC];
	_ =	sdelay $0x3  }
0x9a: {  	_ =	strace s3  }
0x9b: {  	s3 =	sld [smem:$0x3FFD];
	_ =	sdelay $0x3  }
0x9c: {  	_ =	strace s3  }
0x9d: {  	_ =	strace $0x8FFFFFFF  }
0x9e: {  	s18 =	sld [smem:$0x3FDB];
	_ =	sdelay $0x1  }
0x9f: {  	s19 =	simm.s32 $_scs_section_size  }
0xa0: {  	s5 =	simm.s32 $_size__tile_overlayer_lowered;
	s6 =	simm.s32 $_tile_overlayer_lowered  }
0xa1: {  	s22 =	simm.s32 $0x1BFF;
	s21 =	sshll.u32 s6, $0x1;
	s3 =	sadd.s32 s19, s18  }
0xa2: {  	s7 =	simm.s32 $0x0;
	s20 =	sshll.u32 s5, $0x1;
	s5 =	sadd.s32 s21, s3  }
0xa3: {  	[timem:s7], [sflag:s22] =	dma.local [hbm:s5], s20  }
0xa4: {  	_ =	swait.ge [sflag:s22], s20  }
0xa5: {  	s4 =	ssub.s32 $0x0, s20;
	[sflag:s22] =	ssyncset.done $0x0  }
0xa6: {  	[sflag:s22] =	ssyncadd.s32 s4;
	_ =	sdelay $0x1  }
0xa7: {  	s23 =	simm.s32 $0x1B8B  }
0xa8: {  	_ =	swait.ge [sflag:s23], $0x1  }
0xa9: {  	[sflag:s23] =	ssyncset.done $0x0  }
0xaa: {  	s25 =	simm.s32 $0x1B8E;
	s24 =	sld [smem:$0x3FFE];
	[sflag:s23] =	ssyncadd.s32 $0xFFFFFFFF  }
0xab: {  	s26 =	simm.s32 $execute0_lowered;
	[smem:$0x3FD2] =	sst s25  }
0xac: {  	s5 =	sshll.u32 s26, $0x1;
	_ =	strace $0x8000004C;
	[dreg:$0x1] =	wrdreg $0xFFFFFFFF  }
0xad: {  	s28 =	simm.s32 $_size_execute0_lowered;
	s3 =	sadd.s32 s3, s5;
	[dreg:$0x0] =	wrdreg $0x0  }
0xae: {  	s5 =	sshll.u32 s28, $0x1;
	[dreg:$0x2] =	wrdreg s3  }
0xaf: {  	[dreg:$0x3] =	wrdreg s5  }
0xb0: {  	[dreg:$0x4] =	wrdreg $0xC0  }
0xb1: {  	_ =	task [dreg:s7], $0x5FFFF  }
0xb2: {  	[dreg:$0x1] =	wrdreg $0xFFFFFFFF  }
0xb3: {  	[dreg:$0x0] =	wrdreg $0x60  }
0xb4: {  	[dreg:$0x2] =	wrdreg s24  }
0xb5: {  	[dreg:$0x3] =	wrdreg s16  }
0xb6: {  	[dreg:$0x4] =	wrdreg $0x9  }
0xb7: {  	_ =	task.clear_ibuf [dreg:s7], $0x5FFFF;
	_ =	strace $0x9000004C  }
0xb8: {  	s29 =	simm.s32 $0x9;
	_ =	strace $0x8000004E  }
0xb9: {  	_ =	swait.ge [sflag:s29], $0x1  }
0xba: {  	[sflag:s29] =	ssyncadd.s32 $0xFFFFFFFF  }
0xbb: {  	_ =	strace $0x9000004E  }
0xbc: {  	_ =	sfence  }
0xbd: {  	s30 =	sld [smem:$0x0];
	_ =	sdelay $0x2  }
0xbe: {  	s31 =	sshll.u32 s1, $0xD;
	s1 =	sshrl.u32 s1, $0x2  }
0xbf: {  	s3 =	sand.u32 $0x4000, s31;
	s1 =	sadd.s32 s1, s30  }
0xc0: {  	s0 =	sor.u32 s3, s0;
	s1 =	sshll.u32 s1, $0x11  }
0xc1: {  	s0 =	sor.u32 s1, s0  }
0xc2: {  	s0 =	sadd.s32 $0x8F2B, s0  }
0xc3: {  	[sflag:s0] =	ssyncadd.remote.s32 $0x1  }
0xc4: {  	_ =	sfence.sel $0xFFFF  }
0xc5: {  	[dreg:$0x0] =	wrdreg $0xFFFFFFFF;
	(pc) =	sbr.abs _section_cstart, $3  }
0xc6: {  	[dreg:$0x1] =	wrdreg $0xFFFFFFFF  }
0xc7: {  	_ =	task.clear_ibuf [dreg:s7], $0x2FFFF;
	_ =	strace $0x9FFFFFFF  }
0xc8: {  	(tm) =	ssettm $0x7FFFFFFF  }
0xc9: {  	_ =	shalt  }
tec
execute0_lowered:
.L_overlay_start_1:
0x0: {  	(tag) =	ssettag $0x1  }
0x1: {  	s6 =	rddreg [dreg:$0x0]  }
0x2: {  	s8 =	rddreg [dreg:$0x1];
	s3 =	srdreg.scid  }
0x3: {  	s0 =	stileid.u32;
	s2 =	simm.s32 $0x0;
	s13 =	simm.s32 $0x1  }
0x4: {  	s14 =	simm.s32 $0x18800;
	s15 =	simm.s32 $0x19480;
	s16 =	simm.s32 $0x1A100  }
0x5: {  	s17 =	simm.s32 $0x1D780;
	s18 =	simm.s32 $0x1D680;
	s19 =	simm.s32 $0x1BD80  }
0x6: {  	s20 =	simm.s32 $0x1CA00;
	s7 =	sand.u32 $0x1, s3;
	s30 =	sshll.u32 s0, $0x1  }
0x7: {  	s21 =	simm.s32 $0x1AD80;
	[smem:$0x7FF] =	sst s2;
	s5 =	sor.u32 s7, s30  }
0x8: {  	s3 =	sadd.s32 $0x69800, s6;
	s4 =	sadd.s32 $0x2400, s6;
	s22 =	smul.u32 $0xC40, s5  }
0x9: {  	_ =	strace $0x8000004D;
	s7 =	ssub.s32 $0x2, s7;
	s9 =	smul.u32 $0xC6, s5  }
.Ltmp0:
0xa: {  	s5 =	sadd.s32 $0x67C00, s6;
	s31 =	sshrl.u32 s7, $0x1;
	(pc) =	sbr.rel .LBB2_1-.Ltmp0, $4  }
0xb: {  	s12 =	ssub.s32 s7, s31;
	s10 =	sshrl.u32 s22, $0x3;
	s9 =	sadd.s32 s9, s6  }
0xc: {  	s12 =	smax.u32 s12, $0x1;
	v0 =	vmov s22;
	s22 =	simm.s32 $0x0;
	s11 =	sadd.s32 s10, s6  }
0xd: {  	s8 =	sadd.s32 s8, s10;
	s9 =	sadd.s32 $0x67E00, s9;
	s6 =	sadd.s32 $0x6CA00, s11  }
0xe: {  	s7 =	sadd.s32 $0x64200, s11;
	s10 =	sadd.s32 $0x6FC00, s11;
	s11 =	sadd.s32 $0x72E00, s11  }
.LBB2_5:
0xf: {  	[hbm4b:s10+s2] =	stream.linear.scatter [tilespmem:s19], [sflag:$0x1], $0xC40, $0x38;
	[tilespmem:$0x1DE00] =	vst v63  }
0x10: {  	s22 =	sadd.s32 $0x1, s22;
	_ =	swait.ge [sflag:s13], $0xC40  }
0x11: {  	p0 =	sne.s32 s22, s12;
	[sflag:s13] =	ssyncset.done $0x0  }
.Ltmp1:
0x12: {  	[sflag:s13] =	ssyncadd.s32 $0xFFFFF3C0;
	(pc) =	sbr.rel @!p0 .LBB2_6-.Ltmp1, $4  }
0x13: {  	[hbm4b:s11+s2] =	stream.linear.scatter [tilespmem:s20], [sflag:$0x1], $0xC40, $0x38;
	[tilespmem:$0x1DE00] =	vst v63  }
0x14: {  	_ =	swait.ge [sflag:s13], $0xC40  }
0x15: {  	[sflag:s13] =	ssyncset.done $0x0  }
0x16: {  	[sflag:s13] =	ssyncadd.s32 $0xFFFFF3C0  }
.LBB2_1:
0x17: {  	[tilespmem:s2], [sflag:$0x1] =	stream.linear.gather [hbm4b:s3+s2], $0x18800, $0x38;
	[tilespmem:$0x1DE00] =	vst v63  }
0x18: {  	_ =	swait.ge [sflag:s13], $0x18800  }
0x19: {  	[sflag:s13] =	ssyncset.done $0x0  }
0x1a: {  	[sflag:s13] =	ssyncadd.s32 $0xFFFE7800  }
0x1b: {  	[tilespmem:s14], [sflag:$0x1] =	stream.linear.gather [hbm4b:s6+s2], $0xC40, $0x38;
	[tilespmem:$0x1DE00] =	vst v63  }
0x1c: {  	_ =	swait.ge [sflag:s13], $0xC40  }
0x1d: {  	[sflag:s13] =	ssyncset.done $0x0  }
0x1e: {  	[sflag:s13] =	ssyncadd.s32 $0xFFFFF3C0  }
0x1f: {  	[tilespmem:s15], [sflag:$0x1] =	stream.linear.gather [hbm4b:s7+s2], $0xC40, $0x38;
	[tilespmem:$0x1DE00] =	vst v63  }
0x20: {  	_ =	swait.ge [sflag:s13], $0xC40  }
0x21: {  	[sflag:s13] =	ssyncset.done $0x0  }
0x22: {  	[sflag:s13] =	ssyncadd.s32 $0xFFFFF3C0  }
0x23: {  	[tilespmem:s16], [sflag:$0x1] =	stream.linear.gather [hbm4b:s8+s2], $0xC40, $0x38;
	[tilespmem:$0x1DE00] =	vst v63  }
0x24: {  	_ =	swait.ge [sflag:s13], $0xC40  }
0x25: {  	[sflag:s13] =	ssyncset.done $0x0  }
0x26: {  	[sflag:s13] =	ssyncadd.s32 $0xFFFFF3C0  }
0x27: {  	[tilespmem:s17], [sflag:$0x1] =	stream.linear.gather [hbm4b:s9+s2], $0x630, $0x38;
	[tilespmem:$0x1DE00] =	vst v63  }
0x28: {  	_ =	swait.ge [sflag:s13], $0x630  }
0x29: {  	[sflag:s13] =	ssyncset.done $0x0  }
0x2a: {  	[sflag:s13] =	ssyncadd.s32 $0xFFFFF9D0  }
0x2b: {  	[tilespmem:s18], [sflag:$0x1] =	stream.linear.gather [hbm4b:s5+s2], $0x100, $0x38;
	[tilespmem:$0x1DE00] =	vst v63  }
0x2c: {  	_ =	swait.ge [sflag:s13], $0x100  }
0x2d: {  	[sflag:s13] =	ssyncset.done $0x0  }
0x2e: {  	[sflag:s13] =	ssyncadd.s32 $0xFFFFFF00  }
0x2f: {  	v1 =	vld [tilespmem:$0x1D680]  }
0x30: {  	v2 =	vld [tilespmem:$0x1D690]  }
0x31: {  	v3 =	vld [tilespmem:$0x1D6A0]  }
0x32: {  	v4 =	vld [tilespmem:$0x1D6B0]  }
0x33: {  	v5 =	vld [tilespmem:$0x1D6C0]  }
0x34: {  	v6 =	vld [tilespmem:$0x1D6D0]  }
0x35: {  	v7 =	vld [tilespmem:$0x1D6E0]  }
0x36: {  	v8 =	vld [tilespmem:$0x1D6F0]  }
0x37: {  	v9 =	vld [tilespmem:$0x1D700]  }
0x38: {  	v10 =	vld [tilespmem:$0x1D710]  }
0x39: {  	v11 =	vld [tilespmem:$0x1D720]  }
.Ltmp2:
0x3a: {  	v12 =	vld [tilespmem:$0x1D730];
	(pc) =	sbr.rel .LBB2_2-.Ltmp2, $4  }
0x3b: {  	v13 =	vld [tilespmem:$0x1D740]  }
0x3c: {  	v14 =	vld [tilespmem:$0x1D750]  }
0x3d: {  	v15 =	vld [tilespmem:$0x1D760]  }
0x3e: {  	s23 =	simm.s32 $0x0;
	v16 =	vld [tilespmem:$0x1D770];
	[tilespmem:$0x1FFF0] =	vst v5  }
.LBB2_3:
0x3f: {  	v31 =	vimm.f32 $1.000000000e+00;
	v29 =	vimm.f32 $1.000000000e+00;
	v25 =	vimm.f32 $1.000000000e+00  }
0x40: {  	v24 =	vimm.f32 $1.000000000e+00;
	v30 =	vmovc v17;
	v28 =	vmovc v17;
	v27 =	vmov v17;
	v26 =	vmov v17  }
.LBB2_4:
0x41: {  	(erf) = vrcp.f32 v31;
	_ =	sdelay $0x8  }
0x42: {  	v18 =	vpop (erf)  }
0x43: {  	v18 =	vmul.f32 v30, v18;
	_ =	sdelay $0x1  }
0x44: {  	v18 =	vmul.f32 v18, v9;
	_ =	sdelay $0x1  }
0x45: {  	v18 =	vadd.f32 v18, v13;
	_ =	sdelay $0x1  }
0x46: {  	v19 =	vmul.f32 $1.442695020e+00, v18;
	_ =	sdelay $0x1  }
0x47: {  	(erf) = vpow2.f32 v19  }
0x48: {  	(erf) = vrcp.f32 v29;
	_ =	sdelay $0x7  }
0x49: {  	v19 =	vpop (erf)  }
0x4a: {  	v20 =	vpop (erf)  }
0x4b: {  	v20 =	vmul.f32 v28, v20;
	_ =	sdelay $0x1  }
0x4c: {  	v20 =	vmul.f32 v20, v10;
	_ =	sdelay $0x1  }
0x4d: {  	v20 =	vadd.f32 v20, v14;
	_ =	sdelay $0x1  }
0x4e: {  	v21 =	vmul.f32 $1.442695020e+00, v20;
	_ =	sdelay $0x1  }
0x4f: {  	(erf) = vpow2.f32 v21  }
0x50: {  	(erf) = vrcp.f32 v25;
	_ =	sdelay $0x7  }
0x51: {  	v21 =	vpop (erf)  }
0x52: {  	v22 =	vpop (erf)  }
0x53: {  	v22 =	vmul.f32 v27, v22;
	_ =	sdelay $0x1  }
0x54: {  	v22 =	vmul.f32 v22, v11;
	_ =	sdelay $0x1  }
0x55: {  	v22 =	vadd.f32 v22, v15;
	_ =	sdelay $0x1  }
0x56: {  	v23 =	vmul.f32 $1.442695020e+00, v22;
	_ =	sdelay $0x1  }
0x57: {  	(erf) = vpow2.f32 v23  }
0x58: {  	(erf) = vrcp.f32 v24;
	_ =	sdelay $0x7  }
0x59: {  	v23 =	vpop (erf)  }
0x5a: {  	v24 =	vpop (erf)  }
0x5b: {  	v24 =	vmul.f32 v26, v24;
	_ =	sdelay $0x1  }
0x5c: {  	v24 =	vmul.f32 v24, v12;
	_ =	sdelay $0x1  }
0x5d: {  	v24 =	vadd.f32 v24, v16;
	_ =	sdelay $0x1  }
0x5e: {  	v60 =	vmul.f32 $1.442695020e+00, v24;
	_ =	sdelay $0x1  }
0x5f: {  	(erf) = vpow2.f32 v60;
	_ =	sdelay $0x2  }
0x60: {  	v61 =	vadd.f32 $0.0e+00, v18  }
0x61: {  	v19 =	vadd.f32 $-1.000000000e+00, v19;
	v21 =	vadd.f32 $-1.000000000e+00, v21  }
0x62: {  	vm0 =	vgt.f32 v18, $0.0e+00;
	vm1 =	vgt.f32 v20, $0.0e+00  }
0x63: {  	v18 =	vsel vm0, v61, v19;
	v19 =	vsel vm1, v20, v21;
	_ =	sdelay $0x1  }
0x64: {  	v62 =	vadd.f32 $-1.000000000e+00, v23  }
0x65: {  	v18 =	vadd.f32 v19, v18;
	vm14 =	vgt.f32 v22, $0.0e+00;
	v19 =	vpop (erf)  }
0x66: {  	v20 =	vsel vm14, v22, v62;
	v19 =	vadd.f32 $-1.000000000e+00, v19  }
0x67: {  	v18 =	vadd.f32 v20, v18;
	vm15 =	vgt.f32 v24, $0.0e+00  }
0x68: {  	v63 =	vld [tilespmem:s24+$0x18800];
	v19 =	vsel vm15, v24, v19  }
0x69: {  	v18 =	vadd.f32 v19, v18;
	_ =	sdelay $0x1  }
0x6a: {  	v18 =	vmul.f32 $2.500000000e-01, v18;
	_ =	sdelay $0x1  }
0x6b: {  	v18 =	vsub.f32 v18, v63;
	_ =	sdelay $0x1  }
0x6c: {  	s23 =	sadd.s32 $0x1, s23;
	v18 =	vsub.f32 v18, v17  }
0x6d: {  	p0 =	seq.s32 s23, $0xC4  }
.Ltmp3:
0x6e: {  	v18 =	vadd.f32 v18, v63;
	(pc) =	sbr.rel @p0 .LBB2_5-.Ltmp3, $4  }
0x6f: {  	_ = 	snop  }
0x70: {  	v17 =	vadd.f32 v18, v17  }
0x71: {  	[tilespmem:s24+$0x1CA00] =	vst v18  }
0x72: {  	[tilespmem:s24+$0x1BD80] =	vst v17  }
.LBB2_2:
0x73: {  	s24 =	sshll.u32 s23, $0x3  }
0x74: {  	s24 =	sand.u32 $0x3FFFFFF8, s24  }
0x75: {  	v17 =	vld [tilespmem:s24+$0x1D780];
	_ =	sdelay $0x4  }
0x76: {  	(v2sf) =	vpush v17, $0x0  }
0x77: {  	(v2sf) =	vpush v17, $0x1;
	_ =	sdelay $0x8  }
0x78: {  	(v2sf) =	vpush v17, $0x2;
	_ =	sdelay $0x4  }
0x79: {  	s25 =	spop (v2sf)  }
0x7a: {  	s31 =	spop (v2sf)  }
0x7b: {  	s26 =	ssub.s32 s31, s25  }
0x7c: {  	s26 =	sadd.s32 $0x3FF, s26  }
0x7d: {  	s26 =	sshrl.u32 s26, $0xA  }
0x7e: {  	p0 =	seq.s32 s26, $0x0  }
.Ltmp4:
0x7f: {  	s24 =	sshll.u32 s23, $0x4;
	(pc) =	sbr.rel @p0 .LBB2_3-.Ltmp4, $3  }
0x80: {  	v17 =	vld.idx.msk [tilespmem:v0+s24+$0x0 ss:$0x1], $0xffff;
	_ =	sdelay $0x1  }
0x81: {  	v18 =	vld [tilespmem:s24+$0x19480]  }
0x82: {  	v19 =	vld [tilespmem:s24+$0x1A100];
	s28 =	spop (v2sf)  }
0x83: {  	v5 =	vld [tilespmem:$0x1FFF0]  }
0x84: {  	v21 =	vmul.f32 v17, v6;
	v22 =	vmul.f32 v17, v7  }
0x85: {  	v23 =	vmul.f32 v17, v8;
	v24 =	vmul.f32 v17, v4  }
0x86: {  	v25 =	vmul.f32 v17, v3;
	v26 =	vmul.f32 v17, v2  }
0x87: {  	v27 =	vmul.f32 v17, v1;
	v24 =	vadd.f32 v23, v24  }
0x88: {  	v25 =	vadd.f32 v22, v25;
	v26 =	vadd.f32 v21, v26;
	v20 =	vmul.f32 v17, v5  }
0x89: {  	v28 =	vmul.f32 $2.000000030e-01, v24  }
.Ltmp5:
0x8a: {  	v29 =	vmul.f32 $2.000000030e-01, v25;
	v30 =	vmul.f32 $2.000000030e-01, v26;
	v27 =	vadd.f32 v20, v27;
	(pc) =	sbr.rel .LBB2_8-.Ltmp5, $4  }
0x8b: {  	v33 =	vmax.f32 v24, v28  }
0x8c: {  	v34 =	vmax.f32 v25, v29;
	v35 =	vmax.f32 v26, v30;
	v31 =	vmul.f32 $2.000000030e-01, v27  }
0x8d: {  	v24 =	vimm.f32 $1.000000000e+00;
	v26 =	vmovc v17;
	v25 =	vimm.f32 $1.000000000e+00;
	v29 =	vimm.f32 $1.000000000e+00  }
0x8e: {  	s29 =	simm.s32 $0x0;
	p0 =	slt.s32 s28, $0x1;
	v28 =	vmovc v17;
	v30 =	vmovc v17;
	v36 =	vmax.f32 v27, v31;
	v27 =	vmov v17;
	v31 =	vimm.f32 $1.000000000e+00  }
.LBB2_10:
0x8f: {  	v39 =	vmov v32  }
0x90: {  	v53 =	vmovc v25;
	v55 =	vmovc v27;
	v46 =	vmov v36;
	v45 =	vmov v34;
	v42 =	vmov v24  }
0x91: {  	v51 =	vmovc v26;
	v40 =	vmovc v29;
	v49 =	vmov v35;
	v41 =	vmov v28;
	v48 =	vmov v33  }
.LBB2_15:
0x92: {  	v5 =	vmul.f32 v39, v1;
	v37 =	vmul.f32 v39, v3  }
0x93: {  	v38 =	vmul.f32 @p1 $1.442695020e+00, v58;
	v44 =	vmul.f32 v39, v2  }
0x94: {  	(erf) = vpow2.f32 @p1 v56;
	v50 =	vmul.f32 v39, v4  }
0x95: {  	(erf) = vpow2.f32 @p1 v57;
	v5 =	vadd.f32 v5, v20;
	v37 =	vadd.f32 v37, v22  }
0x96: {  	v56 =	vpop @p1 (erf);
	v44 =	vadd.f32 v44, v21;
	(erf) = vpow2.f32 @p1 v38;
	v60 =	vadd.f32 v50, v23  }
0x97: {  	v52 =	vmul.f32 $2.000000030e-01, v5;
	v54 =	vmul.f32 $2.000000030e-01, v37  }
0x98: {  	v50 =	vpop @p1 (erf);
	v61 =	vmul.f32 $2.000000030e-01, v44;
	v62 =	vmul.f32 $2.000000030e-01, v60  }
0x99: {  	v53 =	vmul.f32 @p1 v50, v53;
	v50 =	vmul.f32 @p1 v50, v55;
	v5 =	vmax.f32 v5, v52  }
0x9a: {  	v52 =	vmul.f32 @p1 v56, v32;
	v37 =	vmax.f32 v37, v54;
	v44 =	vmax.f32 v44, v61  }
0x9b: {  	v38 =	vmax.f32 v60, v62;
	v5 =	vnsel vm0, $0xF149F2CA, v5;
	v37 =	vnsel vm0, $0xF149F2CA, v37  }
0x9c: {  	v44 =	vnsel vm0, $0xF149F2CA, v44;
	v38 =	vnsel vm0, $0xF149F2CA, v38;
	v36 =	vmax.f32 v36, v5  }
0x9d: {  	v54 =	vpop @p1 (erf);
	v34 =	vmax.f32 v34, v37;
	v35 =	vmax.f32 v35, v44;
	v46 =	vsub.f32 v46, v36  }
0x9e: {  	v33 =	vmax.f32 v33, v38;
	v37 =	vsub.f32 v37, v34;
	v40 =	vmul.f32 @p1 v54, v40  }
0x9f: {  	v55 =	vpop @p1 (erf);
	v45 =	vsub.f32 v45, v34;
	v41 =	vmul.f32 @p1 v54, v41;
	v46 =	vmul.f32 $1.442695020e+00, v46  }
0xa0: {  	v49 =	vsub.f32 v49, v35;
	v59 =	vmul.f32 @p1 v55, v32;
	v37 =	vmul.f32 $1.442695020e+00, v37  }
0xa1: {  	v5 =	vsub.f32 v5, v36;
	v45 =	vmul.f32 $1.442695020e+00, v45;
	(erf) = vpow2.f32 v46  }
0xa2: {  	v44 =	vsub.f32 v44, v35;
	v63 =	vmul.f32 $1.442695020e+00, v49;
	(erf) = vpow2.f32 v37  }
0xa3: {  	v48 =	vsub.f32 v48, v33;
	v5 =	vmul.f32 $1.442695020e+00, v5;
	(erf) = vpow2.f32 v45  }
0xa4: {  	v57 =	vpop @p1 (erf);
	v44 =	vmul.f32 $1.442695020e+00, v44;
	(erf) = vpow2.f32 v63  }
0xa5: {  	v38 =	vsub.f32 v38, v33;
	v49 =	vmul.f32 $1.442695020e+00, v48;
	v37 =	vpop @p1 (erf);
	(erf) = vpow2.f32 v5  }
0xa6: {  	v40 =	vadd.f32 @p1 v40, v57;
	v46 =	vmul.f32 @p1 v57, v32;
	(erf) = vpow2.f32 v44  }
0xa7: {  	v38 =	vmul.f32 $1.442695020e+00, v38;
	(erf) = vpow2.f32 v49  }
0xa8: {  	v43 =	vadd.f32 @p1 v59, v43;
	v29 =	vpsel p1, v40, v29;
	v41 =	vadd.f32 @p1 v46, v41  }
0xa9: {  	v46 =	vadd.f32 @p1 v52, v50;
	v45 =	vpop @p1 (erf);
	v5 =	vmul.f32 @p1 v37, v42;
	(erf) = vpow2.f32 v38  }
0xaa: {  	v37 =	vmul.f32 @p1 v37, v51;
	v32 =	vmul.f32 @p1 v45, v32;
	v44 =	vadd.f32 @p1 v47, v55;
	v54 =	vpop (erf)  }
0xab: {  	v30 =	vpsel p1, v43, v30;
	v42 =	vadd.f32 @p1 v53, v56;
	v5 =	vadd.f32 @p1 v5, v45;
	v55 =	vpop (erf)  }
0xac: {  	v27 =	vpsel p1, v46, v27;
	v32 =	vadd.f32 @p1 v32, v37;
	v31 =	vpsel p1, v44, v31;
	v56 =	vpop (erf)  }
0xad: {  	v25 =	vpsel p1, v42, v25;
	v5 =	vpsel p1, v5, v24;
	v31 =	vmul.f32 v54, v31;
	v57 =	vpop (erf)  }
0xae: {  	v24 =	vpsel p1, v32, v26;
	v30 =	vmul.f32 v54, v30;
	v58 =	vmul.f32 v55, v39;
	v26 =	vpop (erf)  }
0xaf: {  	v28 =	vpsel p1, v41, v28;
	v25 =	vmul.f32 v56, v25;
	v27 =	vmul.f32 v56, v27;
	v59 =	vpop (erf)  }
0xb0: {  	v29 =	vmul.f32 v57, v29;
	v28 =	vmul.f32 v57, v28;
	v61 =	vpop (erf)  }
0xb1: {  	v60 =	vmul.f32 v26, v39;
	v25 =	vadd.f32 v25, v55;
	v5 =	vmul.f32 v61, v5  }
0xb2: {  	v31 =	vadd.f32 v31, v26;
	v27 =	vadd.f32 v58, v27;
	v26 =	vmul.f32 v59, v39;
	v62 =	vpop (erf)  }
0xb3: {  	v63 =	vmul.f32 v61, v24;
	v24 =	vadd.f32 v5, v62;
	v5 =	vmul.f32 v62, v39  }
0xb4: {  	v29 =	vadd.f32 v29, v59;
	v30 =	vadd.f32 v60, v30  }
0xb5: {  	v28 =	vadd.f32 v26, v28;
	v26 =	vadd.f32 v5, v63  }
.LBB2_16:
0xb6: {  	s29 =	sadd.s32 $0x1, s29  }
0xb7: {  	p1 =	seq.s32 s29, s26  }
.Ltmp6:
0xb8: {  	_ = 	snop;
	(pc) =	sbr.rel @p1 .LBB2_4-.Ltmp6, $1  }
0xb9: {  	_ =	sdelay $0x3  }
.LBB2_8:
0xba: {  	s30 =	sshll.u32 s29, $0xA  }
0xbb: {  	s31 =	sadd.s32 s25, s30  }
0xbc: {  	s30 =	sand.u32 $0xC00, s30;
	s0 =	sshrl.u32 s31, $0x3  }
.Ltmp7:
0xbd: {  	s1 =	sadd.s32 $0x1AD80, s30;
	s0 =	sadd.s32 s4, s0;
	(pc) =	sbr.rel @p0 .LBB2_16-.Ltmp7, $4  }
0xbe: {  	[tilespmem:s1], [sflag:$0x1] =	stream.linear.gather [hbm4b:s0+s2], $0x400, $0x38;
	[tilespmem:$0x1DE00] =	vst v63  }
0xbf: {  	_ =	swait.ge [sflag:s13], $0x400  }
0xc0: {  	[sflag:s13] =	ssyncset.done $0x0  }
0xc1: {  	[sflag:s13] =	ssyncadd.s32 $0xFFFFFC00  }
0xc2: {  	v32 =	vmov s31  }
0xc3: {  	v37 =	vsub.s32 v18, v32;
	v32 =	vsub.s32 v19, v32  }
0xc4: {  	vm0 =	vgt.s32 v37, $0x0;
	vm1 =	vlt.s32 v32, $0x400  }
0xc5: {  	v38 =	vnsel vm0, $0x0, v37;
	v32 =	vnsel vm1, $0x400, v32  }
0xc6: {  	v37 =	vsub.s32 v32, v38;
	v38 =	vadd.s32 s30, v38;
	s30 =	simm.s32 $0x0  }
0xc7: {  	v63 =	vmov s30  }
0xc8: {  	v39 =	vadd.s32 s30, v38;
	vm0 =	vlt.s32 v63, v37  }
0xc9: {  	v32 =	vnsel vm0, $0x0, v39;
	_ =	sdelay $0x4  }
0xca: {  	v32 =	vld.idx.msk [tilespmem:v32+s21+$0x0], vm0;
	_ =	sdelay $0x4  }
0xcb: {  	v32 =	vnsel vm0, $0x0, v32;
	_ =	sdelay $0x3  }
0xcc: {  	p2 =	seq.s32 s28, $0x1  }
.Ltmp8:
0xcd: {  	v32 =	vld.idx.msk [tilespmem:v32+s2+$0x0], vm0;
	(pc) =	sbr.rel @p2 .LBB2_10-.Ltmp8, $2  }
0xce: {  	_ =	sdelay $0x2  }
0xcf: {  	p1 =	por $0x0, $0x0;
	s30 =	simm.s32 $0x1;
	vm0 =	vmmov vm0  }
0xd0: {  	v39 =	vmul.f32 v32, v1;
	_ =	sdelay $0x1  }
0xd1: {  	v39 =	vadd.f32 v39, v20;
	_ =	sdelay $0x1  }
0xd2: {  	v55 =	vmov s30;
	v40 =	vmul.f32 $2.000000030e-01, v39  }
0xd3: {  	v41 =	vadd.s32 s30, v38;
	vm1 =	vlt.s32 v55, v37  }
0xd4: {  	v42 =	vmul.f32 v32, v3;
	v39 =	vmax.f32 v39, v40;
	v40 =	vnsel vm1, $0x0, v41;
	_ =	sdelay $0x1  }
0xd5: {  	v56 =	vadd.f32 v42, v22;
	v39 =	vnsel vm0, $0xF149F2CA, v39  }
0xd6: {  	v44 =	vmax.f32 v36, v39  }
0xd7: {  	v43 =	vmul.f32 v32, v2;
	v58 =	vmul.f32 $2.000000030e-01, v56;
	v36 =	vsub.f32 v36, v44  }
0xd8: {  	v40 =	vld.idx.msk [tilespmem:v40+s21+$0x0], vm1  }
0xd9: {  	v57 =	vadd.f32 v43, v21;
	v41 =	vmax.f32 v56, v58;
	v36 =	vmul.f32 $1.442695020e+00, v36  }
0xda: {  	v45 =	vmul.f32 v32, v4;
	v41 =	vnsel vm0, $0xF149F2CA, v41  }
0xdb: {  	v59 =	vmul.f32 $2.000000030e-01, v57;
	v50 =	vmax.f32 v34, v41;
	(erf) = vpow2.f32 v36  }
0xdc: {  	v60 =	vadd.f32 v45, v23;
	v41 =	vsub.f32 v41, v50  }
0xdd: {  	v42 =	vmax.f32 v57, v59;
	v40 =	vnsel vm1, $0x0, v40  }
0xde: {  	v61 =	vmul.f32 $2.000000030e-01, v60;
	v42 =	vnsel vm0, $0xF149F2CA, v42;
	v41 =	vmul.f32 $1.442695020e+00, v41  }
0xdf: {  	v52 =	vmax.f32 v35, v42;
	v39 =	vsub.f32 v39, v44;
	v34 =	vsub.f32 v34, v50  }
0xe0: {  	v35 =	vsub.f32 v35, v52;
	v36 =	vmax.f32 v60, v61;
	(erf) = vpow2.f32 v41  }
0xe1: {  	p2 =	seq.s32 s28, $0x2;
	v42 =	vsub.f32 v42, v52;
	v34 =	vmul.f32 $1.442695020e+00, v34;
	v36 =	vnsel vm0, $0xF149F2CA, v36  }
.Ltmp9:
0xe2: {  	v53 =	vmovc v25;
	v51 =	vmovc v26;
	v35 =	vmul.f32 $1.442695020e+00, v35;
	v62 =	vmul.f32 $1.442695020e+00, v39;
	v54 =	vmax.f32 v33, v36;
	v39 =	vld.idx.msk [tilespmem:v40+s2+$0x0], vm1;
	(pc) =	sbr.rel @p2 .LBB2_12-.Ltmp9, $4  }
0xe3: {  	v55 =	vmovc v27;
	v46 =	vmovc v44;
	v45 =	vmov v50;
	(erf) = vpow2.f32 v34;
	v33 =	vsub.f32 v33, v54  }
0xe4: {  	v56 =	vmul.f32 $1.442695020e+00, v42;
	vm0 =	vmmov vm1;
	v63 =	vpop (erf);
	(erf) = vpow2.f32 v35  }
0xe5: {  	v49 =	vmovc v52;
	v42 =	vmovc v24;
	v58 =	vsub.f32 v36, v54;
	v57 =	vmul.f32 $1.442695020e+00, v33;
	v47 =	vmul.f32 v63, v31  }
0xe6: {  	s30 =	simm.s32 $0x2;
	p1 =	por $0x1, $0x1;
	v41 =	vmovc v28;
	v48 =	vmovc v54;
	v40 =	vmov v29;
	v43 =	vmul.f32 v63, v30;
	(erf) = vpow2.f32 v62  }
.LBB2_13:
0xe7: {  	v33 =	vadd.s32 s30, v38;
	v34 =	vmul.f32 v39, v1;
	v35 =	vmul.f32 $1.442695020e+00, v58;
	v36 =	vmovc v39;
	s0 =	smov.u32 s30;
	s30 =	sadd.s32 $0x1, s30  }
0xe8: {  	v5 =	vmov s0;
	p2 =	seq.s32 s28, s30;
	v58 =	vmul.f32 v36, v2;
	v59 =	vmul.f32 v36, v3  }
0xe9: {  	vm1 =	vlt.s32 v5, v37;
	v34 =	vadd.f32 v34, v20;
	(erf) = vpow2.f32 v56;
	v39 =	vpop (erf)  }
0xea: {  	v33 =	vnsel vm1, $0x0, v33;
	v56 =	vadd.f32 v59, v22;
	v59 =	vmul.f32 v36, v4  }
0xeb: {  	v5 =	vmul.f32 $2.000000030e-01, v34;
	(erf) = vpow2.f32 v57  }
0xec: {  	v57 =	vadd.f32 v58, v21;
	v62 =	vmul.f32 $2.000000030e-01, v56;
	v61 =	vpop (erf);
	(erf) = vpow2.f32 v35  }
0xed: {  	v35 =	vadd.f32 v59, v23;
	v59 =	vmul.f32 v39, v32;
	v34 =	vmax.f32 v34, v5;
	v60 =	vpop (erf)  }
0xee: {  	v53 =	vmul.f32 v61, v53;
	v34 =	vnsel vm0, $0xF149F2CA, v34;
	v56 =	vmax.f32 v56, v62  }
0xef: {  	v55 =	vmul.f32 v61, v55;
	v33 =	vld.idx.msk [tilespmem:v33+s21+$0x0], vm1;
	v44 =	vmax.f32 v44, v34;
	v56 =	vnsel vm0, $0xF149F2CA, v56;
	v58 =	vpop (erf)  }
0xf0: {  	v62 =	vmul.f32 $2.000000030e-01, v35;
	v61 =	vsub.f32 v46, v44;
	v63 =	vmul.f32 v58, v32;
	v46 =	vmovc v44  }
0xf1: {  	v5 =	vmul.f32 $2.000000030e-01, v57;
	v53 =	vadd.f32 v53, v39;
	v50 =	vmax.f32 v50, v56  }
0xf2: {  	v34 =	vsub.f32 v34, v44;
	v47 =	vadd.f32 v47, v58;
	v61 =	vmul.f32 $1.442695020e+00, v61;
	v58 =	vpop (erf)  }
0xf3: {  	v5 =	vmax.f32 v57, v5;
	v35 =	vmax.f32 v35, v62;
	v43 =	vadd.f32 v63, v43  }
0xf4: {  	v56 =	vsub.f32 v56, v50;
	v57 =	vmul.f32 v58, v32;
	(erf) = vpow2.f32 v61;
	v39 =	vpop (erf)  }
0xf5: {  	v33 =	vnsel vm1, $0x0, v33;
	v61 =	vsub.f32 v45, v50;
	v42 =	vmul.f32 v39, v42;
	v62 =	vpop (erf)  }
0xf6: {  	v5 =	vnsel vm0, $0xF149F2CA, v5;
	v56 =	vmul.f32 $1.442695020e+00, v56;
	v45 =	vmovc v50;
	v51 =	vmul.f32 v39, v51  }
0xf7: {  	v52 =	vmax.f32 v52, v5;
	v35 =	vnsel vm0, $0xF149F2CA, v35;
	v39 =	vmul.f32 v60, v40  }
0xf8: {  	v63 =	vsub.f32 v49, v52;
	v49 =	vmovc v52;
	v61 =	vmul.f32 $1.442695020e+00, v61;
	v42 =	vadd.f32 v42, v62  }
0xf9: {  	v5 =	vsub.f32 v5, v52;
	v40 =	vadd.f32 v39, v58;
	(erf) = vpow2.f32 v56  }
0xfa: {  	v41 =	vmul.f32 v60, v41;
	v54 =	vmax.f32 v54, v35;
	v39 =	vld.idx.msk [tilespmem:v33+s2+$0x0], vm1;
	v33 =	vmul.f32 $1.442695020e+00, v63  }
.Ltmp10:
0xfb: {  	v58 =	vsub.f32 v35, v54;
	v56 =	vmul.f32 $1.442695020e+00, v5;
	v5 =	vsub.f32 v48, v54;
	v48 =	vmovc v54;
	(pc) =	sbr.rel @!p2 .LBB2_13-.Ltmp10, $4  }
0xfc: {  	v41 =	vadd.f32 v57, v41;
	v35 =	vmul.f32 v62, v32;
	v32 =	vmovc v36;
	(erf) = vpow2.f32 v61  }
0xfd: {  	v55 =	vadd.f32 v59, v55;
	v34 =	vmul.f32 $1.442695020e+00, v34;
	v36 =	vpop (erf);
	(erf) = vpow2.f32 v33  }
0xfe: {  	v51 =	vadd.f32 v35, v51;
	v47 =	vmul.f32 v36, v47;
	v43 =	vmul.f32 v36, v43  }
0xff: {  	vm0 =	vmmov vm1;
	v57 =	vmul.f32 $1.442695020e+00, v5;
	(erf) = vpow2.f32 v34  }
.Ltmp11:
0x100: {  	(pc) =	sbr.rel .LBB2_15-.Ltmp11, $2  }
0x101: {  	_ =	sdelay $0x2  }
0x102: {  	v36 =	vmovc v44;
	v34 =	vmov v50;
	v35 =	vmov v52;
	v33 =	vmov v54  }
.LBB2_12:
.Ltmp12:
0x103: {  	(pc) =	sbr.rel .LBB2_15-.Ltmp12, $4  }
0x104: {  	_ = 	snop  }
0x105: {  	v53 =	vmovc v25;
	v36 =	vmov v44;
	v55 =	vmov v27;
	v46 =	vmov v44  }
0x106: {  	v34 =	vmovc v50;
	v45 =	vmovc v50;
	v42 =	vmov v24;
	v51 =	vmov v26;
	v35 =	vmov v52  }
0x107: {  	v40 =	vmovc v29;
	v49 =	vmovc v52;
	v33 =	vmov v54;
	v41 =	vmov v28;
	v48 =	vmov v54  }
.LBB2_6:
0x108: {  	_ =	sfence.sel $0x180000  }
0x109: {  	[bflag:$0x0] =	sbarrier.arrive $0xFFFF  }
0x10a: {  	_ =	strace $0x9000004D  }
0x10b: {  	s0 =	stileid.u32;
	[bflag:$0x2] =	sbarrier.arrive $0xFFFF  }
0x10c: {  	p0 =	sne.s32 s0, $0x0;
	s0 =	rddreg [dreg:$0x2]  }
0x10d: {  	s0 =	sadd.s32 @!p0 $0x100000, s0  }
0x10e: {  	[sflag:s0] =	ssyncadd.tile.s32 @!p0 $0x1;
	_ =	shalt  }
.Lfunc_end2:
_tile_overlayer_lowered:
.L_overlay_start_2:
0x10f: {  	(tag) =	ssettag $0x2  }
0x110: {  	s0 =	rddreg [dreg:$0x0];
	s2 =	stileid.u32  }
0x111: {  	s1 =	rddreg [dreg:$0x1];
	p0 =	sne.s32 s2, $0x0  }
0x112: {  	s3 =	rddreg [dreg:$0x2];
	[bflag:$0x3] =	sbarrier.arrive $0xFFFF;
	s2 =	simm.s32 @!p0 $0x1C01  }
0x113: {  	[timem:s3], [sflag:s2] =	dma.local @!p0 [hbm:s0], s1  }
0x114: {  	s0 =	simm.s32 @!p0 $0x1  }
0x115: {  	_ =	swait.ge @!p0 [sflag:s0], s1  }
0x116: {  	s1 =	ssub.s32 @!p0 $0x0, s1;
	[sflag:s0] =	ssyncset.done @!p0 $0x0  }
0x117: {  	[sflag:s0] =	ssyncadd.s32 @!p0 s1  }
0x118: {  	[bflag:$0x3] =	sbarrier.arrive $0xFFFF  }
0x119: {  	_ =	shalt  }

// kernel: kernel.13.cloned.1.call-start
scs
__scs_entry_jumppad:
0x0: {  	(pc) =	sbr.rel $0x88, $3  }
0x1: {  	(tag) =	ssettag $0x0;
	lr =	simm.s32 $0x1  }
0x2: {  	[smem:$0x3F99] =	sst lr;
	_ =	strace $0xD0000000  }
0x3: {  	_ = 	snop  }
0x4: {  	_ = 	snop  }
0x5: {  	_ = 	snop  }
0x6: {  	_ = 	snop  }
0x7: {  	_ = 	snop  }
__scs_overlays_trampoline_lowered:
0x8: {  	[smem:$0x3FA8] =	sst s0  }
0x9: {  	[smem:$0x3FA9] =	sst s1  }
0xa: {  	[smem:$0x3FAA] =	sst s2  }
0xb: {  	[smem:$0x3FAB] =	sst s3  }
0xc: {  	[smem:$0x3FAC] =	sst s4  }
0xd: {  	[smem:$0x3FAD] =	sst s5  }
0xe: {  	[smem:$0x3FAE] =	sst s6  }
0xf: {  	[smem:$0x3FAF] =	sst s7  }
0x10: {  	[smem:$0x3FB0] =	sst s8  }
0x11: {  	[smem:$0x3FB1] =	sst s9;
	s0 =	simm.s32 @!p0 $0x0  }
0x12: {  	s1 =	sld [smem:$0x3F97];
	s0 =	simm.s32 @p0 $0x1  }
0x13: {  	[smem:$0x3FB2] =	sst s0;
	s0 =	simm.s32 @!p1 $0x0  }
0x14: {  	s2 =	sld [smem:$0x3F96];
	s0 =	simm.s32 @p1 $0x1  }
0x15: {  	[smem:$0x3FB3] =	sst s0;
	s0 =	simm.s32 @!p2 $0x0  }
0x16: {  	s3 =	sld [smem:$0x3FDB];
	s0 =	simm.s32 @p2 $0x1  }
0x17: {  	s4 =	simm.s32 $0x1BF5;
	[smem:$0x3FB5] =	sst s0  }
0x18: {  	s0 =	sld [smem:$0x3F98];
	_ =	swait.ge [sflag:s4], $0x0  }
0x19: {  	s7 =	sld [smem:$0x3F99]  }
0x1a: {  	s8 =	sadd.s32 $0xFFFFE003, lr  }
0x1b: {  	s9 =	sadd.s32 $0xFFFFFEF7, lr;
	s5 =	simm.s32 $0xFFFFFFFF;
	p2 =	slt.u32 s8, $0xFFFFF086  }
0x1c: {  	p1 =	slt.u32 s9, $0xF7A;
	s5 =	simm.s32 @!p2 $0x0  }
0x1d: {  	s5 =	simm.s32 @p1 $0x1;
	p0 =	seq.s32 s7, s2  }
0x1e: {  	s7 =	smul.u32 @!p0 $0xF7A, s2;
	p2 =	seq.s32 @!p0 s5, $0x0  }
0x1f: {  	s9 =	smul.u32 $0xF7A, s1;
	s8 =	simm.s32 @!p0 $0x1BF5;
	p2 =	por !p2, p0  }
0x20: {  	[sflag:s8] =	ssyncset.s32 @!p0 $0xFFFFF086;
	s6 =	sadd.s32 @!p0 s3, s7;
	s7 =	simm.s32 @!p0 $0x108  }
0x21: {  	s3 =	sadd.s32 s3, s9;
	s6 =	sadd.s32 @!p0 $0x88, s6;
	s7 =	simm.s32 @p2 $0x1082  }
0x22: {  	[simem:s7], [sflag:s8] =	dma.local @!p0 [hbm:s6], $0xF7A  }
0x23: {  	s9 =	sor.u32 $0xD0000000, s2;
	s6 =	simm.s32 $0x108;
	_ =	swait.ge @!p0 [sflag:s8], $0x0  }
0x24: {  	s3 =	sadd.s32 $0x88, s3;
	s6 =	simm.s32 @!p1 $0x1082;
	[sflag:s4] =	ssyncset.s32 $0xFFFFF086  }
0x25: {  	[simem:s6], [sflag:s4] =	dma.local [hbm:s3], $0xF7A  }
0x26: {  	[smem:$0x3F99] =	sst s1;
	(tag) =	ssettag s2;
	_ =	strace s9  }
0x27: {  	s1 =	sld [smem:$0x3FA9]  }
0x28: {  	s2 =	sld [smem:$0x3FAA]  }
0x29: {  	s4 =	sld [smem:$0x3FAC]  }
0x2a: {  	p0 =	seq.s32 s5, $0x0;
	s5 =	sld [smem:$0x3FAD]  }
0x2b: {  	s6 =	sld [smem:$0x3FAE]  }
0x2c: {  	s7 =	sld [smem:$0x3FAF]  }
0x2d: {  	s3 =	simm.s32 $0x108;
	s8 =	sld [smem:$0x3FB0]  }
0x2e: {  	s3 =	simm.s32 @!p0 $0x1082;
	s9 =	sld [smem:$0x3FB1]  }
0x2f: {  	lr =	sadd.s32 s0, s3;
	s0 =	sld [smem:$0x3FA8]  }
0x30: {  	s3 =	sld [smem:$0x3FAB]  }
0x31: {  	[smem:$0x3FB4] =	sst s10  }
0x32: {  	s10 =	sld [smem:$0x3FB2];
	_ =	sdelay $0x3  }
0x33: {  	p0 =	seq.s32 s10, $0x1;
	s10 =	sld [smem:$0x3FB4];
	_ =	sdelay $0x3  }
0x34: {  	[smem:$0x3FB4] =	sst s10  }
0x35: {  	s10 =	sld [smem:$0x3FB3];
	_ =	sdelay $0x3  }
0x36: {  	p1 =	seq.s32 s10, $0x1;
	s10 =	sld [smem:$0x3FB4];
	_ =	sdelay $0x3  }
0x37: {  	[smem:$0x3FB4] =	sst s10  }
0x38: {  	s10 =	sld [smem:$0x3FB5]  }
0x39: {  	_ = 	snop;
	(pc) =	sbr.ind lr, $3  }
0x3a: {  	_ = 	snop  }
0x3b: {  	_ = 	snop  }
0x3c: {  	p2 =	seq.s32 s10, $0x1;
	s10 =	sld [smem:$0x3FB4]  }
0x3d: {  	_ =	shalt  }
0x3e: {  	_ =	shalt  }
0x3f: {  	_ =	shalt  }
0x40: {  	_ =	shalt  }
0x41: {  	_ =	shalt  }
0x42: {  	_ =	shalt  }
0x43: {  	_ =	shalt  }
0x44: {  	_ =	shalt  }
0x45: {  	_ =	shalt  }
0x46: {  	_ =	shalt  }
0x47: {  	_ =	shalt  }
0x48: {  	_ =	shalt  }
0x49: {  	_ =	shalt  }
0x4a: {  	_ =	shalt  }
0x4b: {  	_ =	shalt  }
0x4c: {  	_ =	shalt  }
0x4d: {  	_ =	shalt  }
0x4e: {  	_ =	shalt  }
0x4f: {  	_ =	shalt  }
0x50: {  	_ =	shalt  }
0x51: {  	_ =	shalt  }
0x52: {  	_ =	shalt  }
0x53: {  	_ =	shalt  }
0x54: {  	_ =	shalt  }
0x55: {  	_ =	shalt  }
0x56: {  	_ =	shalt  }
0x57: {  	_ =	shalt  }
0x58: {  	_ =	shalt  }
0x59: {  	_ =	shalt  }
0x5a: {  	_ =	shalt  }
0x5b: {  	_ =	shalt  }
0x5c: {  	_ =	shalt  }
0x5d: {  	_ =	shalt  }
0x5e: {  	_ =	shalt  }
0x5f: {  	_ =	shalt  }
0x60: {  	_ =	shalt  }
0x61: {  	_ =	shalt  }
0x62: {  	_ =	shalt  }
0x63: {  	_ =	shalt  }
0x64: {  	_ =	shalt  }
0x65: {  	_ =	shalt  }
0x66: {  	_ =	shalt  }
0x67: {  	_ =	shalt  }
0x68: {  	_ =	shalt  }
0x69: {  	_ =	shalt  }
0x6a: {  	_ =	shalt  }
0x6b: {  	_ =	shalt  }
0x6c: {  	_ =	shalt  }
0x6d: {  	_ =	shalt  }
0x6e: {  	_ =	shalt  }
0x6f: {  	_ =	shalt  }
0x70: {  	_ =	shalt  }
0x71: {  	_ =	shalt  }
0x72: {  	_ =	shalt  }
0x73: {  	_ =	shalt  }
0x74: {  	_ =	shalt  }
0x75: {  	_ =	shalt  }
0x76: {  	_ =	shalt  }
0x77: {  	_ =	shalt  }
0x78: {  	_ =	shalt  }
0x79: {  	_ =	shalt  }
0x7a: {  	_ =	shalt  }
0x7b: {  	_ =	shalt  }
0x7c: {  	_ =	shalt  }
0x7d: {  	_ =	shalt  }
0x7e: {  	_ =	shalt  }
0x7f: {  	_ =	shalt  }
0x80: {  	_ =	shalt  }
0x81: {  	_ =	shalt  }
0x82: {  	_ =	shalt  }
0x83: {  	_ =	shalt  }
0x84: {  	_ =	shalt  }
0x85: {  	_ =	shalt  }
0x86: {  	_ =	shalt  }
0x87: {  	_ =	shalt  }
.Lfunc_end0:
.L_simem_size_0:
called_computation.3_lowered:
.L_overlay_start_0:
0x88: {  	s2 =	sld [smem:$0x3FD9]  }
0x89: {  	s3 =	sld [smem:$0x3FFE];
	_ =	sdelay $0x1  }
0x8a: {  	s1 =	srdreg.scid  }
0x8b: {  	s0 =	sand.u32 $0x1, s1  }
0x8c: {  	s14 =	sshll.u32 s0, $0xA;
	s2 =	sadd.s32 s3, s2  }
0x8d: {  	s2 =	sadd.s32 s2, s14  }
0x8e: {  	[smem:$0x3FC0] =	sst s2  }
0x8f: {  	_ = 	snop  }
0x90: {  	s2 =	sld [smem:$0x3FD0];
	_ =	sdelay $0x2  }
0x91: {  	s15 =	simm.s32 $0xA;
	s4 =	simm.s32 $0x10  }
0x92: {  	[smem:s4], [sflag:s15] =	dma.local [hbm:s2], $0x1  }
0x93: {  	_ =	swait.eq [sflag:s15], $0x1  }
0x94: {  	[sflag:s15] =	ssyncset.done $0x0  }
0x95: {  	[sflag:s15] =	ssyncadd.s32 $0xFFFFFFFF  }
0x96: {  	s16 =	sld [smem:$0x10];
	(tm) =	ssettm $0x1  }
0x97: {  	s17 =	sld [smem:$0x3FFB];
	_ =	sdelay $0x3  }
0x98: {  	_ =	strace s17  }
0x99: {  	s3 =	sld [smem:$0x3FFC];
	_ =	sdelay $0x3  }
0x9a: {  	_ =	strace s3  }
0x9b: {  	s3 =	sld [smem:$0x3FFD];
	_ =	sdelay $0x3  }
0x9c: {  	_ =	strace s3  }
0x9d: {  	_ =	strace $0x8FFFFFFF  }
0x9e: {  	s18 =	sld [smem:$0x3FDB];
	_ =	sdelay $0x1  }
0x9f: {  	s19 =	simm.s32 $_scs_section_size  }
0xa0: {  	s5 =	simm.s32 $_size__tile_overlayer_lowered;
	s6 =	simm.s32 $_tile_overlayer_lowered  }
0xa1: {  	s22 =	simm.s32 $0x1BFF;
	s21 =	sshll.u32 s6, $0x1;
	s3 =	sadd.s32 s19, s18  }
0xa2: {  	s7 =	simm.s32 $0x0;
	s20 =	sshll.u32 s5, $0x1;
	s5 =	sadd.s32 s21, s3  }
0xa3: {  	[timem:s7], [sflag:s22] =	dma.local [hbm:s5], s20  }
0xa4: {  	_ =	swait.ge [sflag:s22], s20  }
0xa5: {  	s4 =	ssub.s32 $0x0, s20;
	[sflag:s22] =	ssyncset.done $0x0  }
0xa6: {  	[sflag:s22] =	ssyncadd.s32 s4;
	_ =	sdelay $0x1  }
0xa7: {  	s23 =	simm.s32 $0x1B8B  }
0xa8: {  	_ =	swait.ge [sflag:s23], $0x1  }
0xa9: {  	[sflag:s23] =	ssyncset.done $0x0  }
0xaa: {  	s25 =	simm.s32 $0x1B8E;
	s24 =	sld [smem:$0x3FFE];
	[sflag:s23] =	ssyncadd.s32 $0xFFFFFFFF  }
0xab: {  	s26 =	simm.s32 $execute0_lowered;
	[smem:$0x3FD2] =	sst s25  }
0xac: {  	s5 =	sshll.u32 s26, $0x1;
	_ =	strace $0x8000004F;
	[dreg:$0x1] =	wrdreg $0xFFFFFFFF  }
0xad: {  	s28 =	simm.s32 $_size_execute0_lowered;
	s3 =	sadd.s32 s3, s5;
	[dreg:$0x0] =	wrdreg $0x0  }
0xae: {  	s5 =	sshll.u32 s28, $0x1;
	[dreg:$0x2] =	wrdreg s3  }
0xaf: {  	[dreg:$0x3] =	wrdreg s5  }
0xb0: {  	[dreg:$0x4] =	wrdreg $0xC0  }
0xb1: {  	_ =	task [dreg:s7], $0x5FFFF  }
0xb2: {  	[dreg:$0x1] =	wrdreg $0xFFFFFFFF  }
0xb3: {  	[dreg:$0x0] =	wrdreg $0x60  }
0xb4: {  	[dreg:$0x2] =	wrdreg s24  }
0xb5: {  	[dreg:$0x3] =	wrdreg s16  }
0xb6: {  	[dreg:$0x4] =	wrdreg $0x9  }
0xb7: {  	_ =	task.clear_ibuf [dreg:s7], $0x5FFFF;
	_ =	strace $0x9000004F  }
0xb8: {  	s29 =	simm.s32 $0x9;
	_ =	strace $0x80000051  }
0xb9: {  	_ =	swait.ge [sflag:s29], $0x1  }
0xba: {  	[sflag:s29] =	ssyncadd.s32 $0xFFFFFFFF  }
0xbb: {  	_ =	strace $0x90000051  }
0xbc: {  	_ =	sfence  }
0xbd: {  	s30 =	sld [smem:$0x0];
	_ =	sdelay $0x2  }
0xbe: {  	s31 =	sshll.u32 s1, $0xD;
	s1 =	sshrl.u32 s1, $0x2  }
0xbf: {  	s3 =	sand.u32 $0x4000, s31;
	s1 =	sadd.s32 s1, s30  }
0xc0: {  	s0 =	sor.u32 s3, s0;
	s1 =	sshll.u32 s1, $0x11  }
0xc1: {  	s0 =	sor.u32 s1, s0  }
0xc2: {  	s0 =	sadd.s32 $0x8F2B, s0  }
0xc3: {  	[sflag:s0] =	ssyncadd.remote.s32 $0x1  }
0xc4: {  	_ =	sfence.sel $0xFFFF  }
0xc5: {  	[dreg:$0x0] =	wrdreg $0xFFFFFFFF;
	(pc) =	sbr.abs _section_cstart, $3  }
0xc6: {  	[dreg:$0x1] =	wrdreg $0xFFFFFFFF  }
0xc7: {  	_ =	task.clear_ibuf [dreg:s7], $0x2FFFF;
	_ =	strace $0x9FFFFFFF  }
0xc8: {  	(tm) =	ssettm $0x7FFFFFFF  }
0xc9: {  	_ =	shalt  }
tec
execute0_lowered:
.L_overlay_start_1:
0x0: {  	(tag) =	ssettag $0x1  }
0x1: {  	s6 =	rddreg [dreg:$0x0]  }
0x2: {  	s8 =	rddreg [dreg:$0x1];
	s3 =	srdreg.scid  }
0x3: {  	s0 =	stileid.u32;
	s2 =	simm.s32 $0x0;
	s13 =	simm.s32 $0x1  }
0x4: {  	s14 =	simm.s32 $0x18800;
	s15 =	simm.s32 $0x19480;
	s16 =	simm.s32 $0x1A100  }
0x5: {  	s17 =	simm.s32 $0x1D780;
	s18 =	simm.s32 $0x1D680;
	s19 =	simm.s32 $0x1BD80  }
0x6: {  	s20 =	simm.s32 $0x1CA00;
	s7 =	sand.u32 $0x1, s3;
	s30 =	sshll.u32 s0, $0x1  }
0x7: {  	s21 =	simm.s32 $0x1AD80;
	[smem:$0x7FF] =	sst s2;
	s5 =	sor.u32 s7, s30  }
0x8: {  	s3 =	sadd.s32 $0x6FC00, s6;
	s4 =	sadd.s32 $0x2400, s6;
	s22 =	smul.u32 $0xC40, s5  }
0x9: {  	_ =	strace $0x80000050;
	s7 =	ssub.s32 $0x2, s7;
	s9 =	smul.u32 $0xC6, s5  }
.Ltmp0:
0xa: {  	s5 =	sadd.s32 $0x67C00, s6;
	s31 =	sshrl.u32 s7, $0x1;
	(pc) =	sbr.rel .LBB2_1-.Ltmp0, $4  }
0xb: {  	s12 =	ssub.s32 s7, s31;
	s10 =	sshrl.u32 s22, $0x3;
	s9 =	sadd.s32 s9, s6  }
0xc: {  	s12 =	smax.u32 s12, $0x1;
	v0 =	vmov s22;
	s22 =	simm.s32 $0x0;
	s11 =	sadd.s32 s10, s6  }
0xd: {  	s8 =	sadd.s32 s8, s10;
	s9 =	sadd.s32 $0x67E00, s9;
	s6 =	sadd.s32 $0x72E00, s11  }
0xe: {  	s7 =	sadd.s32 $0x64200, s11;
	s10 =	sadd.s32 $0x76000, s11;
	s11 =	sadd.s32 $0x79200, s11  }
.LBB2_5:
0xf: {  	[hbm4b:s10+s2] =	stream.linear.scatter [tilespmem:s19], [sflag:$0x1], $0xC40, $0x38;
	[tilespmem:$0x1DE00] =	vst v63  }
0x10: {  	s22 =	sadd.s32 $0x1, s22;
	_ =	swait.ge [sflag:s13], $0xC40  }
0x11: {  	p0 =	sne.s32 s22, s12;
	[sflag:s13] =	ssyncset.done $0x0  }
.Ltmp1:
0x12: {  	[sflag:s13] =	ssyncadd.s32 $0xFFFFF3C0;
	(pc) =	sbr.rel @!p0 .LBB2_6-.Ltmp1, $4  }
0x13: {  	[hbm4b:s11+s2] =	stream.linear.scatter [tilespmem:s20], [sflag:$0x1], $0xC40, $0x38;
	[tilespmem:$0x1DE00] =	vst v63  }
0x14: {  	_ =	swait.ge [sflag:s13], $0xC40  }
0x15: {  	[sflag:s13] =	ssyncset.done $0x0  }
0x16: {  	[sflag:s13] =	ssyncadd.s32 $0xFFFFF3C0  }
.LBB2_1:
0x17: {  	[tilespmem:s2], [sflag:$0x1] =	stream.linear.gather [hbm4b:s3+s2], $0x18800, $0x38;
	[tilespmem:$0x1DE00] =	vst v63  }
0x18: {  	_ =	swait.ge [sflag:s13], $0x18800  }
0x19: {  	[sflag:s13] =	ssyncset.done $0x0  }
0x1a: {  	[sflag:s13] =	ssyncadd.s32 $0xFFFE7800  }
0x1b: {  	[tilespmem:s14], [sflag:$0x1] =	stream.linear.gather [hbm4b:s6+s2], $0xC40, $0x38;
	[tilespmem:$0x1DE00] =	vst v63  }
0x1c: {  	_ =	swait.ge [sflag:s13], $0xC40  }
0x1d: {  	[sflag:s13] =	ssyncset.done $0x0  }
0x1e: {  	[sflag:s13] =	ssyncadd.s32 $0xFFFFF3C0  }
0x1f: {  	[tilespmem:s15], [sflag:$0x1] =	stream.linear.gather [hbm4b:s7+s2], $0xC40, $0x38;
	[tilespmem:$0x1DE00] =	vst v63  }
0x20: {  	_ =	swait.ge [sflag:s13], $0xC40  }
0x21: {  	[sflag:s13] =	ssyncset.done $0x0  }
0x22: {  	[sflag:s13] =	ssyncadd.s32 $0xFFFFF3C0  }
0x23: {  	[tilespmem:s16], [sflag:$0x1] =	stream.linear.gather [hbm4b:s8+s2], $0xC40, $0x38;
	[tilespmem:$0x1DE00] =	vst v63  }
0x24: {  	_ =	swait.ge [sflag:s13], $0xC40  }
0x25: {  	[sflag:s13] =	ssyncset.done $0x0  }
0x26: {  	[sflag:s13] =	ssyncadd.s32 $0xFFFFF3C0  }
0x27: {  	[tilespmem:s17], [sflag:$0x1] =	stream.linear.gather [hbm4b:s9+s2], $0x630, $0x38;
	[tilespmem:$0x1DE00] =	vst v63  }
0x28: {  	_ =	swait.ge [sflag:s13], $0x630  }
0x29: {  	[sflag:s13] =	ssyncset.done $0x0  }
0x2a: {  	[sflag:s13] =	ssyncadd.s32 $0xFFFFF9D0  }
0x2b: {  	[tilespmem:s18], [sflag:$0x1] =	stream.linear.gather [hbm4b:s5+s2], $0x100, $0x38;
	[tilespmem:$0x1DE00] =	vst v63  }
0x2c: {  	_ =	swait.ge [sflag:s13], $0x100  }
0x2d: {  	[sflag:s13] =	ssyncset.done $0x0  }
0x2e: {  	[sflag:s13] =	ssyncadd.s32 $0xFFFFFF00  }
0x2f: {  	v1 =	vld [tilespmem:$0x1D680]  }
0x30: {  	v2 =	vld [tilespmem:$0x1D690]  }
0x31: {  	v3 =	vld [tilespmem:$0x1D6A0]  }
0x32: {  	v4 =	vld [tilespmem:$0x1D6B0]  }
0x33: {  	v5 =	vld [tilespmem:$0x1D6C0]  }
0x34: {  	v6 =	vld [tilespmem:$0x1D6D0]  }
0x35: {  	v7 =	vld [tilespmem:$0x1D6E0]  }
0x36: {  	v8 =	vld [tilespmem:$0x1D6F0]  }
0x37: {  	v9 =	vld [tilespmem:$0x1D700]  }
0x38: {  	v10 =	vld [tilespmem:$0x1D710]  }
0x39: {  	v11 =	vld [tilespmem:$0x1D720]  }
.Ltmp2:
0x3a: {  	v12 =	vld [tilespmem:$0x1D730];
	(pc) =	sbr.rel .LBB2_2-.Ltmp2, $4  }
0x3b: {  	v13 =	vld [tilespmem:$0x1D740]  }
0x3c: {  	v14 =	vld [tilespmem:$0x1D750]  }
0x3d: {  	v15 =	vld [tilespmem:$0x1D760]  }
0x3e: {  	s23 =	simm.s32 $0x0;
	v16 =	vld [tilespmem:$0x1D770];
	[tilespmem:$0x1FFF0] =	vst v5  }
.LBB2_3:
0x3f: {  	v31 =	vimm.f32 $1.000000000e+00;
	v29 =	vimm.f32 $1.000000000e+00;
	v25 =	vimm.f32 $1.000000000e+00  }
0x40: {  	v24 =	vimm.f32 $1.000000000e+00;
	v30 =	vmovc v17;
	v28 =	vmovc v17;
	v27 =	vmov v17;
	v26 =	vmov v17  }
.LBB2_4:
0x41: {  	(erf) = vrcp.f32 v31;
	_ =	sdelay $0x8  }
0x42: {  	v18 =	vpop (erf)  }
0x43: {  	v18 =	vmul.f32 v30, v18;
	_ =	sdelay $0x1  }
0x44: {  	v18 =	vmul.f32 v18, v9;
	_ =	sdelay $0x1  }
0x45: {  	v18 =	vadd.f32 v18, v13;
	_ =	sdelay $0x1  }
0x46: {  	v19 =	vmul.f32 $1.442695020e+00, v18;
	_ =	sdelay $0x1  }
0x47: {  	(erf) = vpow2.f32 v19  }
0x48: {  	(erf) = vrcp.f32 v29;
	_ =	sdelay $0x7  }
0x49: {  	v19 =	vpop (erf)  }
0x4a: {  	v20 =	vpop (erf)  }
0x4b: {  	v20 =	vmul.f32 v28, v20;
	_ =	sdelay $0x1  }
0x4c: {  	v20 =	vmul.f32 v20, v10;
	_ =	sdelay $0x1  }
0x4d: {  	v20 =	vadd.f32 v20, v14;
	_ =	sdelay $0x1  }
0x4e: {  	v21 =	vmul.f32 $1.442695020e+00, v20;
	_ =	sdelay $0x1  }
0x4f: {  	(erf) = vpow2.f32 v21  }
0x50: {  	(erf) = vrcp.f32 v25;
	_ =	sdelay $0x7  }
0x51: {  	v21 =	vpop (erf)  }
0x52: {  	v22 =	vpop (erf)  }
0x53: {  	v22 =	vmul.f32 v27, v22;
	_ =	sdelay $0x1  }
0x54: {  	v22 =	vmul.f32 v22, v11;
	_ =	sdelay $0x1  }
0x55: {  	v22 =	vadd.f32 v22, v15;
	_ =	sdelay $0x1  }
0x56: {  	v23 =	vmul.f32 $1.442695020e+00, v22;
	_ =	sdelay $0x1  }
0x57: {  	(erf) = vpow2.f32 v23  }
0x58: {  	(erf) = vrcp.f32 v24;
	_ =	sdelay $0x7  }
0x59: {  	v23 =	vpop (erf)  }
0x5a: {  	v24 =	vpop (erf)  }
0x5b: {  	v24 =	vmul.f32 v26, v24;
	_ =	sdelay $0x1  }
0x5c: {  	v24 =	vmul.f32 v24, v12;
	_ =	sdelay $0x1  }
0x5d: {  	v24 =	vadd.f32 v24, v16;
	_ =	sdelay $0x1  }
0x5e: {  	v60 =	vmul.f32 $1.442695020e+00, v24;
	_ =	sdelay $0x1  }
0x5f: {  	(erf) = vpow2.f32 v60;
	_ =	sdelay $0x2  }
0x60: {  	v61 =	vadd.f32 $0.0e+00, v18  }
0x61: {  	v19 =	vadd.f32 $-1.000000000e+00, v19;
	v21 =	vadd.f32 $-1.000000000e+00, v21  }
0x62: {  	vm0 =	vgt.f32 v18, $0.0e+00;
	vm1 =	vgt.f32 v20, $0.0e+00  }
0x63: {  	v18 =	vsel vm0, v61, v19;
	v19 =	vsel vm1, v20, v21;
	_ =	sdelay $0x1  }
0x64: {  	v62 =	vadd.f32 $-1.000000000e+00, v23  }
0x65: {  	v18 =	vadd.f32 v19, v18;
	vm14 =	vgt.f32 v22, $0.0e+00;
	v19 =	vpop (erf)  }
0x66: {  	v20 =	vsel vm14, v22, v62;
	v19 =	vadd.f32 $-1.000000000e+00, v19  }
0x67: {  	v18 =	vadd.f32 v20, v18;
	vm15 =	vgt.f32 v24, $0.0e+00  }
0x68: {  	v63 =	vld [tilespmem:s24+$0x18800];
	v19 =	vsel vm15, v24, v19  }
0x69: {  	v18 =	vadd.f32 v19, v18;
	_ =	sdelay $0x1  }
0x6a: {  	v18 =	vmul.f32 $2.500000000e-01, v18;
	_ =	sdelay $0x1  }
0x6b: {  	v18 =	vsub.f32 v18, v63;
	_ =	sdelay $0x1  }
0x6c: {  	s23 =	sadd.s32 $0x1, s23;
	v18 =	vsub.f32 v18, v17  }
0x6d: {  	p0 =	seq.s32 s23, $0xC4  }
.Ltmp3:
0x6e: {  	v18 =	vadd.f32 v18, v63;
	(pc) =	sbr.rel @p0 .LBB2_5-.Ltmp3, $4  }
0x6f: {  	_ = 	snop  }
0x70: {  	v17 =	vadd.f32 v18, v17  }
0x71: {  	[tilespmem:s24+$0x1CA00] =	vst v18  }
0x72: {  	[tilespmem:s24+$0x1BD80] =	vst v17  }
.LBB2_2:
0x73: {  	s24 =	sshll.u32 s23, $0x3  }
0x74: {  	s24 =	sand.u32 $0x3FFFFFF8, s24  }
0x75: {  	v17 =	vld [tilespmem:s24+$0x1D780];
	_ =	sdelay $0x4  }
0x76: {  	(v2sf) =	vpush v17, $0x0  }
0x77: {  	(v2sf) =	vpush v17, $0x1;
	_ =	sdelay $0x8  }
0x78: {  	(v2sf) =	vpush v17, $0x2;
	_ =	sdelay $0x4  }
0x79: {  	s25 =	spop (v2sf)  }
0x7a: {  	s31 =	spop (v2sf)  }
0x7b: {  	s26 =	ssub.s32 s31, s25  }
0x7c: {  	s26 =	sadd.s32 $0x3FF, s26  }
0x7d: {  	s26 =	sshrl.u32 s26, $0xA  }
0x7e: {  	p0 =	seq.s32 s26, $0x0  }
.Ltmp4:
0x7f: {  	s24 =	sshll.u32 s23, $0x4;
	(pc) =	sbr.rel @p0 .LBB2_3-.Ltmp4, $3  }
0x80: {  	v17 =	vld.idx.msk [tilespmem:v0+s24+$0x0 ss:$0x1], $0xffff;
	_ =	sdelay $0x1  }
0x81: {  	v18 =	vld [tilespmem:s24+$0x19480]  }
0x82: {  	v19 =	vld [tilespmem:s24+$0x1A100];
	s28 =	spop (v2sf)  }
0x83: {  	v5 =	vld [tilespmem:$0x1FFF0]  }
0x84: {  	v21 =	vmul.f32 v17, v6;
	v22 =	vmul.f32 v17, v7  }
0x85: {  	v23 =	vmul.f32 v17, v8;
	v24 =	vmul.f32 v17, v4  }
0x86: {  	v25 =	vmul.f32 v17, v3;
	v26 =	vmul.f32 v17, v2  }
0x87: {  	v27 =	vmul.f32 v17, v1;
	v24 =	vadd.f32 v23, v24  }
0x88: {  	v25 =	vadd.f32 v22, v25;
	v26 =	vadd.f32 v21, v26;
	v20 =	vmul.f32 v17, v5  }
0x89: {  	v28 =	vmul.f32 $2.000000030e-01, v24  }
.Ltmp5:
0x8a: {  	v29 =	vmul.f32 $2.000000030e-01, v25;
	v30 =	vmul.f32 $2.000000030e-01, v26;
	v27 =	vadd.f32 v20, v27;
	(pc) =	sbr.rel .LBB2_8-.Ltmp5, $4  }
0x8b: {  	v33 =	vmax.f32 v24, v28  }
0x8c: {  	v34 =	vmax.f32 v25, v29;
	v35 =	vmax.f32 v26, v30;
	v31 =	vmul.f32 $2.000000030e-01, v27  }
0x8d: {  	v24 =	vimm.f32 $1.000000000e+00;
	v26 =	vmovc v17;
	v25 =	vimm.f32 $1.000000000e+00;
	v29 =	vimm.f32 $1.000000000e+00  }
0x8e: {  	s29 =	simm.s32 $0x0;
	p0 =	slt.s32 s28, $0x1;
	v28 =	vmovc v17;
	v30 =	vmovc v17;
	v36 =	vmax.f32 v27, v31;
	v27 =	vmov v17;
	v31 =	vimm.f32 $1.000000000e+00  }
.LBB2_10:
0x8f: {  	v39 =	vmov v32  }
0x90: {  	v53 =	vmovc v25;
	v55 =	vmovc v27;
	v46 =	vmov v36;
	v45 =	vmov v34;
	v42 =	vmov v24  }
0x91: {  	v51 =	vmovc v26;
	v40 =	vmovc v29;
	v49 =	vmov v35;
	v41 =	vmov v28;
	v48 =	vmov v33  }
.LBB2_15:
0x92: {  	v5 =	vmul.f32 v39, v1;
	v37 =	vmul.f32 v39, v3  }
0x93: {  	v38 =	vmul.f32 @p1 $1.442695020e+00, v58;
	v44 =	vmul.f32 v39, v2  }
0x94: {  	(erf) = vpow2.f32 @p1 v56;
	v50 =	vmul.f32 v39, v4  }
0x95: {  	(erf) = vpow2.f32 @p1 v57;
	v5 =	vadd.f32 v5, v20;
	v37 =	vadd.f32 v37, v22  }
0x96: {  	v56 =	vpop @p1 (erf);
	v44 =	vadd.f32 v44, v21;
	(erf) = vpow2.f32 @p1 v38;
	v60 =	vadd.f32 v50, v23  }
0x97: {  	v52 =	vmul.f32 $2.000000030e-01, v5;
	v54 =	vmul.f32 $2.000000030e-01, v37  }
0x98: {  	v50 =	vpop @p1 (erf);
	v61 =	vmul.f32 $2.000000030e-01, v44;
	v62 =	vmul.f32 $2.000000030e-01, v60  }
0x99: {  	v53 =	vmul.f32 @p1 v50, v53;
	v50 =	vmul.f32 @p1 v50, v55;
	v5 =	vmax.f32 v5, v52  }
0x9a: {  	v52 =	vmul.f32 @p1 v56, v32;
	v37 =	vmax.f32 v37, v54;
	v44 =	vmax.f32 v44, v61  }
0x9b: {  	v38 =	vmax.f32 v60, v62;
	v5 =	vnsel vm0, $0xF149F2CA, v5;
	v37 =	vnsel vm0, $0xF149F2CA, v37  }
0x9c: {  	v44 =	vnsel vm0, $0xF149F2CA, v44;
	v38 =	vnsel vm0, $0xF149F2CA, v38;
	v36 =	vmax.f32 v36, v5  }
0x9d: {  	v54 =	vpop @p1 (erf);
	v34 =	vmax.f32 v34, v37;
	v35 =	vmax.f32 v35, v44;
	v46 =	vsub.f32 v46, v36  }
0x9e: {  	v33 =	vmax.f32 v33, v38;
	v37 =	vsub.f32 v37, v34;
	v40 =	vmul.f32 @p1 v54, v40  }
0x9f: {  	v55 =	vpop @p1 (erf);
	v45 =	vsub.f32 v45, v34;
	v41 =	vmul.f32 @p1 v54, v41;
	v46 =	vmul.f32 $1.442695020e+00, v46  }
0xa0: {  	v49 =	vsub.f32 v49, v35;
	v59 =	vmul.f32 @p1 v55, v32;
	v37 =	vmul.f32 $1.442695020e+00, v37  }
0xa1: {  	v5 =	vsub.f32 v5, v36;
	v45 =	vmul.f32 $1.442695020e+00, v45;
	(erf) = vpow2.f32 v46  }
0xa2: {  	v44 =	vsub.f32 v44, v35;
	v63 =	vmul.f32 $1.442695020e+00, v49;
	(erf) = vpow2.f32 v37  }
0xa3: {  	v48 =	vsub.f32 v48, v33;
	v5 =	vmul.f32 $1.442695020e+00, v5;
	(erf) = vpow2.f32 v45  }
0xa4: {  	v57 =	vpop @p1 (erf);
	v44 =	vmul.f32 $1.442695020e+00, v44;
	(erf) = vpow2.f32 v63  }
0xa5: {  	v38 =	vsub.f32 v38, v33;
	v49 =	vmul.f32 $1.442695020e+00, v48;
	v37 =	vpop @p1 (erf);
	(erf) = vpow2.f32 v5  }
0xa6: {  	v40 =	vadd.f32 @p1 v40, v57;
	v46 =	vmul.f32 @p1 v57, v32;
	(erf) = vpow2.f32 v44  }
0xa7: {  	v38 =	vmul.f32 $1.442695020e+00, v38;
	(erf) = vpow2.f32 v49  }
0xa8: {  	v43 =	vadd.f32 @p1 v59, v43;
	v29 =	vpsel p1, v40, v29;
	v41 =	vadd.f32 @p1 v46, v41  }
0xa9: {  	v46 =	vadd.f32 @p1 v52, v50;
	v45 =	vpop @p1 (erf);
	v5 =	vmul.f32 @p1 v37, v42;
	(erf) = vpow2.f32 v38  }
0xaa: {  	v37 =	vmul.f32 @p1 v37, v51;
	v32 =	vmul.f32 @p1 v45, v32;
	v44 =	vadd.f32 @p1 v47, v55;
	v54 =	vpop (erf)  }
0xab: {  	v30 =	vpsel p1, v43, v30;
	v42 =	vadd.f32 @p1 v53, v56;
	v5 =	vadd.f32 @p1 v5, v45;
	v55 =	vpop (erf)  }
0xac: {  	v27 =	vpsel p1, v46, v27;
	v32 =	vadd.f32 @p1 v32, v37;
	v31 =	vpsel p1, v44, v31;
	v56 =	vpop (erf)  }
0xad: {  	v25 =	vpsel p1, v42, v25;
	v5 =	vpsel p1, v5, v24;
	v31 =	vmul.f32 v54, v31;
	v57 =	vpop (erf)  }
0xae: {  	v24 =	vpsel p1, v32, v26;
	v30 =	vmul.f32 v54, v30;
	v58 =	vmul.f32 v55, v39;
	v26 =	vpop (erf)  }
0xaf: {  	v28 =	vpsel p1, v41, v28;
	v25 =	vmul.f32 v56, v25;
	v27 =	vmul.f32 v56, v27;
	v59 =	vpop (erf)  }
0xb0: {  	v29 =	vmul.f32 v57, v29;
	v28 =	vmul.f32 v57, v28;
	v61 =	vpop (erf)  }
0xb1: {  	v60 =	vmul.f32 v26, v39;
	v25 =	vadd.f32 v25, v55;
	v5 =	vmul.f32 v61, v5  }
0xb2: {  	v31 =	vadd.f32 v31, v26;
	v27 =	vadd.f32 v58, v27;
	v26 =	vmul.f32 v59, v39;
	v62 =	vpop (erf)  }
0xb3: {  	v63 =	vmul.f32 v61, v24;
	v24 =	vadd.f32 v5, v62;
	v5 =	vmul.f32 v62, v39  }
0xb4: {  	v29 =	vadd.f32 v29, v59;
	v30 =	vadd.f32 v60, v30  }
0xb5: {  	v28 =	vadd.f32 v26, v28;
	v26 =	vadd.f32 v5, v63  }
.LBB2_16:
0xb6: {  	s29 =	sadd.s32 $0x1, s29  }
0xb7: {  	p1 =	seq.s32 s29, s26  }
.Ltmp6:
0xb8: {  	_ = 	snop;
	(pc) =	sbr.rel @p1 .LBB2_4-.Ltmp6, $1  }
0xb9: {  	_ =	sdelay $0x3  }
.LBB2_8:
0xba: {  	s30 =	sshll.u32 s29, $0xA  }
0xbb: {  	s31 =	sadd.s32 s25, s30  }
0xbc: {  	s30 =	sand.u32 $0xC00, s30;
	s0 =	sshrl.u32 s31, $0x3  }
.Ltmp7:
0xbd: {  	s1 =	sadd.s32 $0x1AD80, s30;
	s0 =	sadd.s32 s4, s0;
	(pc) =	sbr.rel @p0 .LBB2_16-.Ltmp7, $4  }
0xbe: {  	[tilespmem:s1], [sflag:$0x1] =	stream.linear.gather [hbm4b:s0+s2], $0x400, $0x38;
	[tilespmem:$0x1DE00] =	vst v63  }
0xbf: {  	_ =	swait.ge [sflag:s13], $0x400  }
0xc0: {  	[sflag:s13] =	ssyncset.done $0x0  }
0xc1: {  	[sflag:s13] =	ssyncadd.s32 $0xFFFFFC00  }
0xc2: {  	v32 =	vmov s31  }
0xc3: {  	v37 =	vsub.s32 v18, v32;
	v32 =	vsub.s32 v19, v32  }
0xc4: {  	vm0 =	vgt.s32 v37, $0x0;
	vm1 =	vlt.s32 v32, $0x400  }
0xc5: {  	v38 =	vnsel vm0, $0x0, v37;
	v32 =	vnsel vm1, $0x400, v32  }
0xc6: {  	v37 =	vsub.s32 v32, v38;
	v38 =	vadd.s32 s30, v38;
	s30 =	simm.s32 $0x0  }
0xc7: {  	v63 =	vmov s30  }
0xc8: {  	v39 =	vadd.s32 s30, v38;
	vm0 =	vlt.s32 v63, v37  }
0xc9: {  	v32 =	vnsel vm0, $0x0, v39;
	_ =	sdelay $0x4  }
0xca: {  	v32 =	vld.idx.msk [tilespmem:v32+s21+$0x0], vm0;
	_ =	sdelay $0x4  }
0xcb: {  	v32 =	vnsel vm0, $0x0, v32;
	_ =	sdelay $0x3  }
0xcc: {  	p2 =	seq.s32 s28, $0x1  }
.Ltmp8:
0xcd: {  	v32 =	vld.idx.msk [tilespmem:v32+s2+$0x0], vm0;
	(pc) =	sbr.rel @p2 .LBB2_10-.Ltmp8, $2  }
0xce: {  	_ =	sdelay $0x2  }
0xcf: {  	p1 =	por $0x0, $0x0;
	s30 =	simm.s32 $0x1;
	vm0 =	vmmov vm0  }
0xd0: {  	v39 =	vmul.f32 v32, v1;
	_ =	sdelay $0x1  }
0xd1: {  	v39 =	vadd.f32 v39, v20;
	_ =	sdelay $0x1  }
0xd2: {  	v55 =	vmov s30;
	v40 =	vmul.f32 $2.000000030e-01, v39  }
0xd3: {  	v41 =	vadd.s32 s30, v38;
	vm1 =	vlt.s32 v55, v37  }
0xd4: {  	v42 =	vmul.f32 v32, v3;
	v39 =	vmax.f32 v39, v40;
	v40 =	vnsel vm1, $0x0, v41;
	_ =	sdelay $0x1  }
0xd5: {  	v56 =	vadd.f32 v42, v22;
	v39 =	vnsel vm0, $0xF149F2CA, v39  }
0xd6: {  	v44 =	vmax.f32 v36, v39  }
0xd7: {  	v43 =	vmul.f32 v32, v2;
	v58 =	vmul.f32 $2.000000030e-01, v56;
	v36 =	vsub.f32 v36, v44  }
0xd8: {  	v40 =	vld.idx.msk [tilespmem:v40+s21+$0x0], vm1  }
0xd9: {  	v57 =	vadd.f32 v43, v21;
	v41 =	vmax.f32 v56, v58;
	v36 =	vmul.f32 $1.442695020e+00, v36  }
0xda: {  	v45 =	vmul.f32 v32, v4;
	v41 =	vnsel vm0, $0xF149F2CA, v41  }
0xdb: {  	v59 =	vmul.f32 $2.000000030e-01, v57;
	v50 =	vmax.f32 v34, v41;
	(erf) = vpow2.f32 v36  }
0xdc: {  	v60 =	vadd.f32 v45, v23;
	v41 =	vsub.f32 v41, v50  }
0xdd: {  	v42 =	vmax.f32 v57, v59;
	v40 =	vnsel vm1, $0x0, v40  }
0xde: {  	v61 =	vmul.f32 $2.000000030e-01, v60;
	v42 =	vnsel vm0, $0xF149F2CA, v42;
	v41 =	vmul.f32 $1.442695020e+00, v41  }
0xdf: {  	v52 =	vmax.f32 v35, v42;
	v39 =	vsub.f32 v39, v44;
	v34 =	vsub.f32 v34, v50  }
0xe0: {  	v35 =	vsub.f32 v35, v52;
	v36 =	vmax.f32 v60, v61;
	(erf) = vpow2.f32 v41  }
0xe1: {  	p2 =	seq.s32 s28, $0x2;
	v42 =	vsub.f32 v42, v52;
	v34 =	vmul.f32 $1.442695020e+00, v34;
	v36 =	vnsel vm0, $0xF149F2CA, v36  }
.Ltmp9:
0xe2: {  	v53 =	vmovc v25;
	v51 =	vmovc v26;
	v35 =	vmul.f32 $1.442695020e+00, v35;
	v62 =	vmul.f32 $1.442695020e+00, v39;
	v54 =	vmax.f32 v33, v36;
	v39 =	vld.idx.msk [tilespmem:v40+s2+$0x0], vm1;
	(pc) =	sbr.rel @p2 .LBB2_12-.Ltmp9, $4  }
0xe3: {  	v55 =	vmovc v27;
	v46 =	vmovc v44;
	v45 =	vmov v50;
	(erf) = vpow2.f32 v34;
	v33 =	vsub.f32 v33, v54  }
0xe4: {  	v56 =	vmul.f32 $1.442695020e+00, v42;
	vm0 =	vmmov vm1;
	v63 =	vpop (erf);
	(erf) = vpow2.f32 v35  }
0xe5: {  	v49 =	vmovc v52;
	v42 =	vmovc v24;
	v58 =	vsub.f32 v36, v54;
	v57 =	vmul.f32 $1.442695020e+00, v33;
	v47 =	vmul.f32 v63, v31  }
0xe6: {  	s30 =	simm.s32 $0x2;
	p1 =	por $0x1, $0x1;
	v41 =	vmovc v28;
	v48 =	vmovc v54;
	v40 =	vmov v29;
	v43 =	vmul.f32 v63, v30;
	(erf) = vpow2.f32 v62  }
.LBB2_13:
0xe7: {  	v33 =	vadd.s32 s30, v38;
	v34 =	vmul.f32 v39, v1;
	v35 =	vmul.f32 $1.442695020e+00, v58;
	v36 =	vmovc v39;
	s0 =	smov.u32 s30;
	s30 =	sadd.s32 $0x1, s30  }
0xe8: {  	v5 =	vmov s0;
	p2 =	seq.s32 s28, s30;
	v58 =	vmul.f32 v36, v2;
	v59 =	vmul.f32 v36, v3  }
0xe9: {  	vm1 =	vlt.s32 v5, v37;
	v34 =	vadd.f32 v34, v20;
	(erf) = vpow2.f32 v56;
	v39 =	vpop (erf)  }
0xea: {  	v33 =	vnsel vm1, $0x0, v33;
	v56 =	vadd.f32 v59, v22;
	v59 =	vmul.f32 v36, v4  }
0xeb: {  	v5 =	vmul.f32 $2.000000030e-01, v34;
	(erf) = vpow2.f32 v57  }
0xec: {  	v57 =	vadd.f32 v58, v21;
	v62 =	vmul.f32 $2.000000030e-01, v56;
	v61 =	vpop (erf);
	(erf) = vpow2.f32 v35  }
0xed: {  	v35 =	vadd.f32 v59, v23;
	v59 =	vmul.f32 v39, v32;
	v34 =	vmax.f32 v34, v5;
	v60 =	vpop (erf)  }
0xee: {  	v53 =	vmul.f32 v61, v53;
	v34 =	vnsel vm0, $0xF149F2CA, v34;
	v56 =	vmax.f32 v56, v62  }
0xef: {  	v55 =	vmul.f32 v61, v55;
	v33 =	vld.idx.msk [tilespmem:v33+s21+$0x0], vm1;
	v44 =	vmax.f32 v44, v34;
	v56 =	vnsel vm0, $0xF149F2CA, v56;
	v58 =	vpop (erf)  }
0xf0: {  	v62 =	vmul.f32 $2.000000030e-01, v35;
	v61 =	vsub.f32 v46, v44;
	v63 =	vmul.f32 v58, v32;
	v46 =	vmovc v44  }
0xf1: {  	v5 =	vmul.f32 $2.000000030e-01, v57;
	v53 =	vadd.f32 v53, v39;
	v50 =	vmax.f32 v50, v56  }
0xf2: {  	v34 =	vsub.f32 v34, v44;
	v47 =	vadd.f32 v47, v58;
	v61 =	vmul.f32 $1.442695020e+00, v61;
	v58 =	vpop (erf)  }
0xf3: {  	v5 =	vmax.f32 v57, v5;
	v35 =	vmax.f32 v35, v62;
	v43 =	vadd.f32 v63, v43  }
0xf4: {  	v56 =	vsub.f32 v56, v50;
	v57 =	vmul.f32 v58, v32;
	(erf) = vpow2.f32 v61;
	v39 =	vpop (erf)  }
0xf5: {  	v33 =	vnsel vm1, $0x0, v33;
	v61 =	vsub.f32 v45, v50;
	v42 =	vmul.f32 v39, v42;
	v62 =	vpop (erf)  }
0xf6: {  	v5 =	vnsel vm0, $0xF149F2CA, v5;
	v56 =	vmul.f32 $1.442695020e+00, v56;
	v45 =	vmovc v50;
	v51 =	vmul.f32 v39, v51  }
0xf7: {  	v52 =	vmax.f32 v52, v5;
	v35 =	vnsel vm0, $0xF149F2CA, v35;
	v39 =	vmul.f32 v60, v40  }
0xf8: {  	v63 =	vsub.f32 v49, v52;
	v49 =	vmovc v52;
	v61 =	vmul.f32 $1.442695020e+00, v61;
	v42 =	vadd.f32 v42, v62  }
0xf9: {  	v5 =	vsub.f32 v5, v52;
	v40 =	vadd.f32 v39, v58;
	(erf) = vpow2.f32 v56  }
0xfa: {  	v41 =	vmul.f32 v60, v41;
	v54 =	vmax.f32 v54, v35;
	v39 =	vld.idx.msk [tilespmem:v33+s2+$0x0], vm1;
	v33 =	vmul.f32 $1.442695020e+00, v63  }
.Ltmp10:
0xfb: {  	v58 =	vsub.f32 v35, v54;
	v56 =	vmul.f32 $1.442695020e+00, v5;
	v5 =	vsub.f32 v48, v54;
	v48 =	vmovc v54;
	(pc) =	sbr.rel @!p2 .LBB2_13-.Ltmp10, $4  }
0xfc: {  	v41 =	vadd.f32 v57, v41;
	v35 =	vmul.f32 v62, v32;
	v32 =	vmovc v36;
	(erf) = vpow2.f32 v61  }
0xfd: {  	v55 =	vadd.f32 v59, v55;
	v34 =	vmul.f32 $1.442695020e+00, v34;
	v36 =	vpop (erf);
	(erf) = vpow2.f32 v33  }
0xfe: {  	v51 =	vadd.f32 v35, v51;
	v47 =	vmul.f32 v36, v47;
	v43 =	vmul.f32 v36, v43  }
0xff: {  	vm0 =	vmmov vm1;
	v57 =	vmul.f32 $1.442695020e+00, v5;
	(erf) = vpow2.f32 v34  }
.Ltmp11:
0x100: {  	(pc) =	sbr.rel .LBB2_15-.Ltmp11, $2  }
0x101: {  	_ =	sdelay $0x2  }
0x102: {  	v36 =	vmovc v44;
	v34 =	vmov v50;
	v35 =	vmov v52;
	v33 =	vmov v54  }
.LBB2_12:
.Ltmp12:
0x103: {  	(pc) =	sbr.rel .LBB2_15-.Ltmp12, $4  }
0x104: {  	_ = 	snop  }
0x105: {  	v53 =	vmovc v25;
	v36 =	vmov v44;
	v55 =	vmov v27;
	v46 =	vmov v44  }
0x106: {  	v34 =	vmovc v50;
	v45 =	vmovc v50;
	v42 =	vmov v24;
	v51 =	vmov v26;
	v35 =	vmov v52  }
0x107: {  	v40 =	vmovc v29;
	v49 =	vmovc v52;
	v33 =	vmov v54;
	v41 =	vmov v28;
	v48 =	vmov v54  }
.LBB2_6:
0x108: {  	_ =	sfence.sel $0x180000  }
0x109: {  	[bflag:$0x0] =	sbarrier.arrive $0xFFFF  }
0x10a: {  	_ =	strace $0x90000050  }
0x10b: {  	s0 =	stileid.u32;
	[bflag:$0x2] =	sbarrier.arrive $0xFFFF  }
0x10c: {  	p0 =	sne.s32 s0, $0x0;
	s0 =	rddreg [dreg:$0x2]  }
0x10d: {  	s0 =	sadd.s32 @!p0 $0x100000, s0  }
0x10e: {  	[sflag:s0] =	ssyncadd.tile.s32 @!p0 $0x1;
	_ =	shalt  }
.Lfunc_end2:
_tile_overlayer_lowered:
.L_overlay_start_2:
0x10f: {  	(tag) =	ssettag $0x2  }
0x110: {  	s0 =	rddreg [dreg:$0x0];
	s2 =	stileid.u32  }
0x111: {  	s1 =	rddreg [dreg:$0x1];
	p0 =	sne.s32 s2, $0x0  }
0x112: {  	s3 =	rddreg [dreg:$0x2];
	[bflag:$0x3] =	sbarrier.arrive $0xFFFF;
	s2 =	simm.s32 @!p0 $0x1C01  }
0x113: {  	[timem:s3], [sflag:s2] =	dma.local @!p0 [hbm:s0], s1  }
0x114: {  	s0 =	simm.s32 @!p0 $0x1  }
0x115: {  	_ =	swait.ge @!p0 [sflag:s0], s1  }
0x116: {  	s1 =	ssub.s32 @!p0 $0x0, s1;
	[sflag:s0] =	ssyncset.done @!p0 $0x0  }
0x117: {  	[sflag:s0] =	ssyncadd.s32 @!p0 s1  }
0x118: {  	[bflag:$0x3] =	sbarrier.arrive $0xFFFF  }
0x119: {  	_ =	shalt  }

// kernel: kernel.16.cloned.1.call-start
scs
__scs_entry_jumppad:
0x0: {  	(pc) =	sbr.rel $0x88, $3  }
0x1: {  	(tag) =	ssettag $0x0;
	lr =	simm.s32 $0x1  }
0x2: {  	[smem:$0x3F99] =	sst lr;
	_ =	strace $0xD0000000  }
0x3: {  	_ = 	snop  }
0x4: {  	_ = 	snop  }
0x5: {  	_ = 	snop  }
0x6: {  	_ = 	snop  }
0x7: {  	_ = 	snop  }
__scs_overlays_trampoline_lowered:
0x8: {  	[smem:$0x3FA8] =	sst s0  }
0x9: {  	[smem:$0x3FA9] =	sst s1  }
0xa: {  	[smem:$0x3FAA] =	sst s2  }
0xb: {  	[smem:$0x3FAB] =	sst s3  }
0xc: {  	[smem:$0x3FAC] =	sst s4  }
0xd: {  	[smem:$0x3FAD] =	sst s5  }
0xe: {  	[smem:$0x3FAE] =	sst s6  }
0xf: {  	[smem:$0x3FAF] =	sst s7  }
0x10: {  	[smem:$0x3FB0] =	sst s8  }
0x11: {  	[smem:$0x3FB1] =	sst s9;
	s0 =	simm.s32 @!p0 $0x0  }
0x12: {  	s1 =	sld [smem:$0x3F97];
	s0 =	simm.s32 @p0 $0x1  }
0x13: {  	[smem:$0x3FB2] =	sst s0;
	s0 =	simm.s32 @!p1 $0x0  }
0x14: {  	s2 =	sld [smem:$0x3F96];
	s0 =	simm.s32 @p1 $0x1  }
0x15: {  	[smem:$0x3FB3] =	sst s0;
	s0 =	simm.s32 @!p2 $0x0  }
0x16: {  	s3 =	sld [smem:$0x3FDB];
	s0 =	simm.s32 @p2 $0x1  }
0x17: {  	s4 =	simm.s32 $0x1BF5;
	[smem:$0x3FB5] =	sst s0  }
0x18: {  	s0 =	sld [smem:$0x3F98];
	_ =	swait.ge [sflag:s4], $0x0  }
0x19: {  	s7 =	sld [smem:$0x3F99]  }
0x1a: {  	s8 =	sadd.s32 $0xFFFFE003, lr  }
0x1b: {  	s9 =	sadd.s32 $0xFFFFFEF7, lr;
	s5 =	simm.s32 $0xFFFFFFFF;
	p2 =	slt.u32 s8, $0xFFFFF086  }
0x1c: {  	p1 =	slt.u32 s9, $0xF7A;
	s5 =	simm.s32 @!p2 $0x0  }
0x1d: {  	s5 =	simm.s32 @p1 $0x1;
	p0 =	seq.s32 s7, s2  }
0x1e: {  	s7 =	smul.u32 @!p0 $0xF7A, s2;
	p2 =	seq.s32 @!p0 s5, $0x0  }
0x1f: {  	s9 =	smul.u32 $0xF7A, s1;
	s8 =	simm.s32 @!p0 $0x1BF5;
	p2 =	por !p2, p0  }
0x20: {  	[sflag:s8] =	ssyncset.s32 @!p0 $0xFFFFF086;
	s6 =	sadd.s32 @!p0 s3, s7;
	s7 =	simm.s32 @!p0 $0x108  }
0x21: {  	s3 =	sadd.s32 s3, s9;
	s6 =	sadd.s32 @!p0 $0x88, s6;
	s7 =	simm.s32 @p2 $0x1082  }
0x22: {  	[simem:s7], [sflag:s8] =	dma.local @!p0 [hbm:s6], $0xF7A  }
0x23: {  	s9 =	sor.u32 $0xD0000000, s2;
	s6 =	simm.s32 $0x108;
	_ =	swait.ge @!p0 [sflag:s8], $0x0  }
0x24: {  	s3 =	sadd.s32 $0x88, s3;
	s6 =	simm.s32 @!p1 $0x1082;
	[sflag:s4] =	ssyncset.s32 $0xFFFFF086  }
0x25: {  	[simem:s6], [sflag:s4] =	dma.local [hbm:s3], $0xF7A  }
0x26: {  	[smem:$0x3F99] =	sst s1;
	(tag) =	ssettag s2;
	_ =	strace s9  }
0x27: {  	s1 =	sld [smem:$0x3FA9]  }
0x28: {  	s2 =	sld [smem:$0x3FAA]  }
0x29: {  	s4 =	sld [smem:$0x3FAC]  }
0x2a: {  	p0 =	seq.s32 s5, $0x0;
	s5 =	sld [smem:$0x3FAD]  }
0x2b: {  	s6 =	sld [smem:$0x3FAE]  }
0x2c: {  	s7 =	sld [smem:$0x3FAF]  }
0x2d: {  	s3 =	simm.s32 $0x108;
	s8 =	sld [smem:$0x3FB0]  }
0x2e: {  	s3 =	simm.s32 @!p0 $0x1082;
	s9 =	sld [smem:$0x3FB1]  }
0x2f: {  	lr =	sadd.s32 s0, s3;
	s0 =	sld [smem:$0x3FA8]  }
0x30: {  	s3 =	sld [smem:$0x3FAB]  }
0x31: {  	[smem:$0x3FB4] =	sst s10  }
0x32: {  	s10 =	sld [smem:$0x3FB2];
	_ =	sdelay $0x3  }
0x33: {  	p0 =	seq.s32 s10, $0x1;
	s10 =	sld [smem:$0x3FB4];
	_ =	sdelay $0x3  }
0x34: {  	[smem:$0x3FB4] =	sst s10  }
0x35: {  	s10 =	sld [smem:$0x3FB3];
	_ =	sdelay $0x3  }
0x36: {  	p1 =	seq.s32 s10, $0x1;
	s10 =	sld [smem:$0x3FB4];
	_ =	sdelay $0x3  }
0x37: {  	[smem:$0x3FB4] =	sst s10  }
0x38: {  	s10 =	sld [smem:$0x3FB5]  }
0x39: {  	_ = 	snop;
	(pc) =	sbr.ind lr, $3  }
0x3a: {  	_ = 	snop  }
0x3b: {  	_ = 	snop  }
0x3c: {  	p2 =	seq.s32 s10, $0x1;
	s10 =	sld [smem:$0x3FB4]  }
0x3d: {  	_ =	shalt  }
0x3e: {  	_ =	shalt  }
0x3f: {  	_ =	shalt  }
0x40: {  	_ =	shalt  }
0x41: {  	_ =	shalt  }
0x42: {  	_ =	shalt  }
0x43: {  	_ =	shalt  }
0x44: {  	_ =	shalt  }
0x45: {  	_ =	shalt  }
0x46: {  	_ =	shalt  }
0x47: {  	_ =	shalt  }
0x48: {  	_ =	shalt  }
0x49: {  	_ =	shalt  }
0x4a: {  	_ =	shalt  }
0x4b: {  	_ =	shalt  }
0x4c: {  	_ =	shalt  }
0x4d: {  	_ =	shalt  }
0x4e: {  	_ =	shalt  }
0x4f: {  	_ =	shalt  }
0x50: {  	_ =	shalt  }
0x51: {  	_ =	shalt  }
0x52: {  	_ =	shalt  }
0x53: {  	_ =	shalt  }
0x54: {  	_ =	shalt  }
0x55: {  	_ =	shalt  }
0x56: {  	_ =	shalt  }
0x57: {  	_ =	shalt  }
0x58: {  	_ =	shalt  }
0x59: {  	_ =	shalt  }
0x5a: {  	_ =	shalt  }
0x5b: {  	_ =	shalt  }
0x5c: {  	_ =	shalt  }
0x5d: {  	_ =	shalt  }
0x5e: {  	_ =	shalt  }
0x5f: {  	_ =	shalt  }
0x60: {  	_ =	shalt  }
0x61: {  	_ =	shalt  }
0x62: {  	_ =	shalt  }
0x63: {  	_ =	shalt  }
0x64: {  	_ =	shalt  }
0x65: {  	_ =	shalt  }
0x66: {  	_ =	shalt  }
0x67: {  	_ =	shalt  }
0x68: {  	_ =	shalt  }
0x69: {  	_ =	shalt  }
0x6a: {  	_ =	shalt  }
0x6b: {  	_ =	shalt  }
0x6c: {  	_ =	shalt  }
0x6d: {  	_ =	shalt  }
0x6e: {  	_ =	shalt  }
0x6f: {  	_ =	shalt  }
0x70: {  	_ =	shalt  }
0x71: {  	_ =	shalt  }
0x72: {  	_ =	shalt  }
0x73: {  	_ =	shalt  }
0x74: {  	_ =	shalt  }
0x75: {  	_ =	shalt  }
0x76: {  	_ =	shalt  }
0x77: {  	_ =	shalt  }
0x78: {  	_ =	shalt  }
0x79: {  	_ =	shalt  }
0x7a: {  	_ =	shalt  }
0x7b: {  	_ =	shalt  }
0x7c: {  	_ =	shalt  }
0x7d: {  	_ =	shalt  }
0x7e: {  	_ =	shalt  }
0x7f: {  	_ =	shalt  }
0x80: {  	_ =	shalt  }
0x81: {  	_ =	shalt  }
0x82: {  	_ =	shalt  }
0x83: {  	_ =	shalt  }
0x84: {  	_ =	shalt  }
0x85: {  	_ =	shalt  }
0x86: {  	_ =	shalt  }
0x87: {  	_ =	shalt  }
.Lfunc_end0:
.L_simem_size_0:
called_computation.4_lowered:
.L_overlay_start_0:
0x88: {  	s2 =	sld [smem:$0x3FD9]  }
0x89: {  	s3 =	sld [smem:$0x3FFE];
	_ =	sdelay $0x1  }
0x8a: {  	s1 =	srdreg.scid  }
0x8b: {  	s0 =	sand.u32 $0x1, s1  }
0x8c: {  	s14 =	sshll.u32 s0, $0xA;
	s2 =	sadd.s32 s3, s2  }
0x8d: {  	s2 =	sadd.s32 s2, s14  }
0x8e: {  	[smem:$0x3FC0] =	sst s2  }
0x8f: {  	_ = 	snop  }
0x90: {  	s2 =	sld [smem:$0x3FD0];
	_ =	sdelay $0x2  }
0x91: {  	s15 =	simm.s32 $0xA;
	s4 =	simm.s32 $0x10  }
0x92: {  	[smem:s4], [sflag:s15] =	dma.local [hbm:s2], $0x1  }
0x93: {  	_ =	swait.eq [sflag:s15], $0x1  }
0x94: {  	s16 =	sld [smem:$0x10];
	[sflag:s15] =	ssyncset.done $0x0  }
0x95: {  	s17 =	sld [smem:$0x11];
	[sflag:s15] =	ssyncadd.s32 $0xFFFFFFFF  }
0x96: {  	s18 =	sld [smem:$0x12];
	(tm) =	ssettm $0x1  }
0x97: {  	s5 =	sld [smem:$0x3FFB];
	_ =	sdelay $0x3  }
0x98: {  	_ =	strace s5  }
0x99: {  	s5 =	sld [smem:$0x3FFC];
	_ =	sdelay $0x3  }
0x9a: {  	_ =	strace s5  }
0x9b: {  	s5 =	sld [smem:$0x3FFD];
	_ =	sdelay $0x3  }
0x9c: {  	_ =	strace s5  }
0x9d: {  	_ =	strace $0x8FFFFFFF  }
0x9e: {  	s19 =	sld [smem:$0x3FDB];
	_ =	sdelay $0x1  }
0x9f: {  	s6 =	simm.s32 $_scs_section_size  }
0xa0: {  	s7 =	simm.s32 $_size__tile_overlayer_lowered;
	s8 =	simm.s32 $_tile_overlayer_lowered  }
0xa1: {  	s22 =	simm.s32 $0x1BFF;
	s21 =	sshll.u32 s8, $0x1;
	s5 =	sadd.s32 s6, s19  }
0xa2: {  	s9 =	simm.s32 $0x0;
	s20 =	sshll.u32 s7, $0x1;
	s7 =	sadd.s32 s21, s5  }
0xa3: {  	[timem:s9], [sflag:s22] =	dma.local [hbm:s7], s20  }
0xa4: {  	_ =	swait.ge [sflag:s22], s20  }
0xa5: {  	s6 =	ssub.s32 $0x0, s20;
	[sflag:s22] =	ssyncset.done $0x0  }
0xa6: {  	[sflag:s22] =	ssyncadd.s32 s6;
	_ =	sdelay $0x1  }
0xa7: {  	s23 =	simm.s32 $0x1B8B  }
0xa8: {  	_ =	swait.ge [sflag:s23], $0x1  }
0xa9: {  	[sflag:s23] =	ssyncset.done $0x0  }
0xaa: {  	s25 =	simm.s32 $0x1B8E;
	s24 =	sld [smem:$0x3FFE];
	[sflag:s23] =	ssyncadd.s32 $0xFFFFFFFF  }
0xab: {  	s26 =	simm.s32 $execute0_lowered;
	[smem:$0x3FD2] =	sst s25  }
0xac: {  	s7 =	sshll.u32 s26, $0x1;
	_ =	strace $0x80000052;
	[dreg:$0x1] =	wrdreg $0xFFFFFFFF  }
0xad: {  	s28 =	simm.s32 $_size_execute0_lowered;
	s5 =	sadd.s32 s5, s7;
	[dreg:$0x0] =	wrdreg $0x0  }
0xae: {  	s7 =	sshll.u32 s28, $0x1;
	[dreg:$0x2] =	wrdreg s5  }
0xaf: {  	[dreg:$0x3] =	wrdreg s7  }
0xb0: {  	[dreg:$0x4] =	wrdreg $0xC0  }
0xb1: {  	_ =	task [dreg:s9], $0x5FFFF  }
0xb2: {  	[dreg:$0x1] =	wrdreg $0xFFFFFFFF  }
0xb3: {  	[dreg:$0x0] =	wrdreg $0x60  }
0xb4: {  	[dreg:$0x2] =	wrdreg s24  }
0xb5: {  	[dreg:$0x3] =	wrdreg s16  }
0xb6: {  	[dreg:$0x4] =	wrdreg s18  }
0xb7: {  	[dreg:$0x5] =	wrdreg s17  }
0xb8: {  	[dreg:$0x6] =	wrdreg $0x9  }
0xb9: {  	_ =	task.clear_ibuf [dreg:s9], $0x7FFFF;
	_ =	strace $0x90000052  }
0xba: {  	s29 =	simm.s32 $0x9;
	_ =	strace $0x80000054  }
0xbb: {  	_ =	swait.ge [sflag:s29], $0x1  }
0xbc: {  	[sflag:s29] =	ssyncadd.s32 $0xFFFFFFFF  }
0xbd: {  	_ =	strace $0x90000054  }
0xbe: {  	_ =	sfence  }
0xbf: {  	s30 =	sld [smem:$0x0];
	_ =	sdelay $0x2  }
0xc0: {  	s31 =	sshll.u32 s1, $0xD;
	s1 =	sshrl.u32 s1, $0x2  }
0xc1: {  	s3 =	sand.u32 $0x4000, s31;
	s1 =	sadd.s32 s1, s30  }
0xc2: {  	s0 =	sor.u32 s3, s0;
	s1 =	sshll.u32 s1, $0x11  }
0xc3: {  	s0 =	sor.u32 s1, s0  }
0xc4: {  	s0 =	sadd.s32 $0x8F2B, s0  }
0xc5: {  	[sflag:s0] =	ssyncadd.remote.s32 $0x1  }
0xc6: {  	_ =	sfence.sel $0xFFFF  }
0xc7: {  	[dreg:$0x0] =	wrdreg $0xFFFFFFFF;
	(pc) =	sbr.abs _section_cstart, $3  }
0xc8: {  	[dreg:$0x1] =	wrdreg $0xFFFFFFFF  }
0xc9: {  	_ =	task.clear_ibuf [dreg:s9], $0x2FFFF;
	_ =	strace $0x9FFFFFFF  }
0xca: {  	(tm) =	ssettm $0x7FFFFFFF  }
0xcb: {  	_ =	shalt  }
tec
execute0_lowered:
.L_overlay_start_1:
0x0: {  	(tag) =	ssettag $0x1  }
0x1: {  	s6 =	rddreg [dreg:$0x0]  }
0x2: {  	s8 =	rddreg [dreg:$0x1]  }
0x3: {  	s10 =	rddreg [dreg:$0x2]  }
0x4: {  	s1 =	srdreg.scid;
	s0 =	stileid.u32  }
0x5: {  	s11 =	rddreg [dreg:$0x3];
	s2 =	simm.s32 $0x0;
	s15 =	simm.s32 $0x19480  }
0x6: {  	s16 =	simm.s32 $0x1A100;
	s17 =	simm.s32 $0x1D780;
	s18 =	simm.s32 $0x1D680  }
0x7: {  	s19 =	simm.s32 $0x1BD80;
	s20 =	simm.s32 $0x1CA00;
	s21 =	simm.s32 $0x1AD80  }
0x8: {  	s5 =	sand.u32 $0x1, s1;
	s3 =	sshll.u32 s0, $0x1;
	[smem:$0x7FF] =	sst s2  }
0x9: {  	s4 =	sor.u32 s5, s3;
	_ =	strace $0x80000053;
	s3 =	sadd.s32 $0x76000, s6  }
0xa: {  	s13 =	ssub.s32 $0x2, s5;
	s5 =	sadd.s32 $0x67C00, s6;
	s22 =	smul.u32 $0xC40, s4  }
0xb: {  	s7 =	smul.u32 $0xC6, s4;
	s4 =	sadd.s32 $0x2400, s6;
	s31 =	sshrl.u32 s13, $0x1  }
.Ltmp0:
0xc: {  	s13 =	ssub.s32 s13, s31;
	s12 =	sshrl.u32 s22, $0x3;
	(pc) =	sbr.rel .LBB2_1-.Ltmp0, $4  }
0xd: {  	s14 =	sadd.s32 s7, s6;
	v0 =	vmov s22;
	s22 =	simm.s32 $0x0;
	s9 =	sadd.s32 s12, s6  }
0xe: {  	s8 =	sadd.s32 s8, s12;
	s10 =	sadd.s32 s10, s12;
	s11 =	sadd.s32 s11, s12  }
0xf: {  	s12 =	smax.u32 s13, $0x1;
	s13 =	simm.s32 $0x1;
	s6 =	sadd.s32 $0x79200, s9  }
0x10: {  	s7 =	sadd.s32 $0x64200, s9;
	s9 =	sadd.s32 $0x67E00, s14;
	s14 =	simm.s32 $0x18800  }
.LBB2_5:
0x11: {  	[hbm4b:s10+s2] =	stream.linear.scatter [tilespmem:s19], [sflag:$0x1], $0xC40, $0x38;
	[tilespmem:$0x1DE00] =	vst v63  }
0x12: {  	s22 =	sadd.s32 $0x1, s22;
	_ =	swait.ge [sflag:s13], $0xC40  }
0x13: {  	p0 =	sne.s32 s22, s12;
	[sflag:s13] =	ssyncset.done $0x0  }
.Ltmp1:
0x14: {  	[sflag:s13] =	ssyncadd.s32 $0xFFFFF3C0;
	(pc) =	sbr.rel @!p0 .LBB2_6-.Ltmp1, $4  }
0x15: {  	[hbm4b:s11+s2] =	stream.linear.scatter [tilespmem:s20], [sflag:$0x1], $0xC40, $0x38;
	[tilespmem:$0x1DE00] =	vst v63  }
0x16: {  	_ =	swait.ge [sflag:s13], $0xC40  }
0x17: {  	[sflag:s13] =	ssyncset.done $0x0  }
0x18: {  	[sflag:s13] =	ssyncadd.s32 $0xFFFFF3C0  }
.LBB2_1:
0x19: {  	[tilespmem:s2], [sflag:$0x1] =	stream.linear.gather [hbm4b:s3+s2], $0x18800, $0x38;
	[tilespmem:$0x1DE00] =	vst v63  }
0x1a: {  	_ =	swait.ge [sflag:s13], $0x18800  }
0x1b: {  	[sflag:s13] =	ssyncset.done $0x0  }
0x1c: {  	[sflag:s13] =	ssyncadd.s32 $0xFFFE7800  }
0x1d: {  	[tilespmem:s14], [sflag:$0x1] =	stream.linear.gather [hbm4b:s6+s2], $0xC40, $0x38;
	[tilespmem:$0x1DE00] =	vst v63  }
0x1e: {  	_ =	swait.ge [sflag:s13], $0xC40  }
0x1f: {  	[sflag:s13] =	ssyncset.done $0x0  }
0x20: {  	[sflag:s13] =	ssyncadd.s32 $0xFFFFF3C0  }
0x21: {  	[tilespmem:s15], [sflag:$0x1] =	stream.linear.gather [hbm4b:s7+s2], $0xC40, $0x38;
	[tilespmem:$0x1DE00] =	vst v63  }
0x22: {  	_ =	swait.ge [sflag:s13], $0xC40  }
0x23: {  	[sflag:s13] =	ssyncset.done $0x0  }
0x24: {  	[sflag:s13] =	ssyncadd.s32 $0xFFFFF3C0  }
0x25: {  	[tilespmem:s16], [sflag:$0x1] =	stream.linear.gather [hbm4b:s8+s2], $0xC40, $0x38;
	[tilespmem:$0x1DE00] =	vst v63  }
0x26: {  	_ =	swait.ge [sflag:s13], $0xC40  }
0x27: {  	[sflag:s13] =	ssyncset.done $0x0  }
0x28: {  	[sflag:s13] =	ssyncadd.s32 $0xFFFFF3C0  }
0x29: {  	[tilespmem:s17], [sflag:$0x1] =	stream.linear.gather [hbm4b:s9+s2], $0x630, $0x38;
	[tilespmem:$0x1DE00] =	vst v63  }
0x2a: {  	_ =	swait.ge [sflag:s13], $0x630  }
0x2b: {  	[sflag:s13] =	ssyncset.done $0x0  }
0x2c: {  	[sflag:s13] =	ssyncadd.s32 $0xFFFFF9D0  }
0x2d: {  	[tilespmem:s18], [sflag:$0x1] =	stream.linear.gather [hbm4b:s5+s2], $0x100, $0x38;
	[tilespmem:$0x1DE00] =	vst v63  }
0x2e: {  	_ =	swait.ge [sflag:s13], $0x100  }
0x2f: {  	[sflag:s13] =	ssyncset.done $0x0  }
0x30: {  	[sflag:s13] =	ssyncadd.s32 $0xFFFFFF00  }
0x31: {  	v1 =	vld [tilespmem:$0x1D680]  }
0x32: {  	v2 =	vld [tilespmem:$0x1D690]  }
0x33: {  	v3 =	vld [tilespmem:$0x1D6A0]  }
0x34: {  	v4 =	vld [tilespmem:$0x1D6B0]  }
0x35: {  	v5 =	vld [tilespmem:$0x1D6C0]  }
0x36: {  	v6 =	vld [tilespmem:$0x1D6D0]  }
0x37: {  	v7 =	vld [tilespmem:$0x1D6E0]  }
0x38: {  	v8 =	vld [tilespmem:$0x1D6F0]  }
0x39: {  	v9 =	vld [tilespmem:$0x1D700]  }
0x3a: {  	v10 =	vld [tilespmem:$0x1D710]  }
0x3b: {  	v11 =	vld [tilespmem:$0x1D720]  }
.Ltmp2:
0x3c: {  	v12 =	vld [tilespmem:$0x1D730];
	(pc) =	sbr.rel .LBB2_2-.Ltmp2, $4  }
0x3d: {  	v13 =	vld [tilespmem:$0x1D740]  }
0x3e: {  	v14 =	vld [tilespmem:$0x1D750]  }
0x3f: {  	v15 =	vld [tilespmem:$0x1D760]  }
0x40: {  	s23 =	simm.s32 $0x0;
	v16 =	vld [tilespmem:$0x1D770];
	[tilespmem:$0x1FFF0] =	vst v5  }
.LBB2_3:
0x41: {  	v31 =	vimm.f32 $1.000000000e+00;
	v29 =	vimm.f32 $1.000000000e+00;
	v25 =	vimm.f32 $1.000000000e+00  }
0x42: {  	v24 =	vimm.f32 $1.000000000e+00;
	v30 =	vmovc v17;
	v28 =	vmovc v17;
	v27 =	vmov v17;
	v26 =	vmov v17  }
.LBB2_4:
0x43: {  	(erf) = vrcp.f32 v31;
	_ =	sdelay $0x8  }
0x44: {  	v18 =	vpop (erf)  }
0x45: {  	v18 =	vmul.f32 v30, v18;
	_ =	sdelay $0x1  }
0x46: {  	v18 =	vmul.f32 v18, v9;
	_ =	sdelay $0x1  }
0x47: {  	v18 =	vadd.f32 v18, v13;
	_ =	sdelay $0x1  }
0x48: {  	v19 =	vmul.f32 $1.442695020e+00, v18;
	_ =	sdelay $0x1  }
0x49: {  	(erf) = vpow2.f32 v19  }
0x4a: {  	(erf) = vrcp.f32 v29;
	_ =	sdelay $0x7  }
0x4b: {  	v19 =	vpop (erf)  }
0x4c: {  	v20 =	vpop (erf)  }
0x4d: {  	v20 =	vmul.f32 v28, v20;
	_ =	sdelay $0x1  }
0x4e: {  	v20 =	vmul.f32 v20, v10;
	_ =	sdelay $0x1  }
0x4f: {  	v20 =	vadd.f32 v20, v14;
	_ =	sdelay $0x1  }
0x50: {  	v21 =	vmul.f32 $1.442695020e+00, v20;
	_ =	sdelay $0x1  }
0x51: {  	(erf) = vpow2.f32 v21  }
0x52: {  	(erf) = vrcp.f32 v25;
	_ =	sdelay $0x7  }
0x53: {  	v21 =	vpop (erf)  }
0x54: {  	v22 =	vpop (erf)  }
0x55: {  	v22 =	vmul.f32 v27, v22;
	_ =	sdelay $0x1  }
0x56: {  	v22 =	vmul.f32 v22, v11;
	_ =	sdelay $0x1  }
0x57: {  	v22 =	vadd.f32 v22, v15;
	_ =	sdelay $0x1  }
0x58: {  	v23 =	vmul.f32 $1.442695020e+00, v22;
	_ =	sdelay $0x1  }
0x59: {  	(erf) = vpow2.f32 v23  }
0x5a: {  	(erf) = vrcp.f32 v24;
	_ =	sdelay $0x7  }
0x5b: {  	v23 =	vpop (erf)  }
0x5c: {  	v24 =	vpop (erf)  }
0x5d: {  	v24 =	vmul.f32 v26, v24;
	_ =	sdelay $0x1  }
0x5e: {  	v24 =	vmul.f32 v24, v12;
	_ =	sdelay $0x1  }
0x5f: {  	v24 =	vadd.f32 v24, v16;
	_ =	sdelay $0x1  }
0x60: {  	v60 =	vmul.f32 $1.442695020e+00, v24;
	_ =	sdelay $0x1  }
0x61: {  	(erf) = vpow2.f32 v60;
	_ =	sdelay $0x2  }
0x62: {  	v61 =	vadd.f32 $0.0e+00, v18  }
0x63: {  	v19 =	vadd.f32 $-1.000000000e+00, v19;
	v21 =	vadd.f32 $-1.000000000e+00, v21  }
0x64: {  	vm0 =	vgt.f32 v18, $0.0e+00;
	vm1 =	vgt.f32 v20, $0.0e+00  }
0x65: {  	v18 =	vsel vm0, v61, v19;
	v19 =	vsel vm1, v20, v21;
	_ =	sdelay $0x1  }
0x66: {  	v62 =	vadd.f32 $-1.000000000e+00, v23  }
0x67: {  	v18 =	vadd.f32 v19, v18;
	vm14 =	vgt.f32 v22, $0.0e+00;
	v19 =	vpop (erf)  }
0x68: {  	v20 =	vsel vm14, v22, v62;
	v19 =	vadd.f32 $-1.000000000e+00, v19  }
0x69: {  	v18 =	vadd.f32 v20, v18;
	vm15 =	vgt.f32 v24, $0.0e+00  }
0x6a: {  	v63 =	vld [tilespmem:s24+$0x18800];
	v19 =	vsel vm15, v24, v19  }
0x6b: {  	v18 =	vadd.f32 v19, v18;
	_ =	sdelay $0x1  }
0x6c: {  	v18 =	vmul.f32 $2.500000000e-01, v18;
	_ =	sdelay $0x1  }
0x6d: {  	v18 =	vsub.f32 v18, v63;
	_ =	sdelay $0x1  }
0x6e: {  	s23 =	sadd.s32 $0x1, s23;
	v18 =	vsub.f32 v18, v17  }
0x6f: {  	p0 =	seq.s32 s23, $0xC4  }
.Ltmp3:
0x70: {  	v18 =	vadd.f32 v18, v63;
	(pc) =	sbr.rel @p0 .LBB2_5-.Ltmp3, $4  }
0x71: {  	_ = 	snop  }
0x72: {  	v17 =	vadd.f32 v18, v17  }
0x73: {  	[tilespmem:s24+$0x1CA00] =	vst v18  }
0x74: {  	[tilespmem:s24+$0x1BD80] =	vst v17  }
.LBB2_2:
0x75: {  	s24 =	sshll.u32 s23, $0x3  }
0x76: {  	s24 =	sand.u32 $0x3FFFFFF8, s24  }
0x77: {  	v17 =	vld [tilespmem:s24+$0x1D780];
	_ =	sdelay $0x4  }
0x78: {  	(v2sf) =	vpush v17, $0x0  }
0x79: {  	(v2sf) =	vpush v17, $0x1;
	_ =	sdelay $0x8  }
0x7a: {  	(v2sf) =	vpush v17, $0x2;
	_ =	sdelay $0x4  }
0x7b: {  	s25 =	spop (v2sf)  }
0x7c: {  	s31 =	spop (v2sf)  }
0x7d: {  	s26 =	ssub.s32 s31, s25  }
0x7e: {  	s26 =	sadd.s32 $0x3FF, s26  }
0x7f: {  	s26 =	sshrl.u32 s26, $0xA  }
0x80: {  	p0 =	seq.s32 s26, $0x0  }
.Ltmp4:
0x81: {  	s24 =	sshll.u32 s23, $0x4;
	(pc) =	sbr.rel @p0 .LBB2_3-.Ltmp4, $3  }
0x82: {  	v17 =	vld.idx.msk [tilespmem:v0+s24+$0x0 ss:$0x1], $0xffff;
	_ =	sdelay $0x1  }
0x83: {  	v18 =	vld [tilespmem:s24+$0x19480]  }
0x84: {  	v19 =	vld [tilespmem:s24+$0x1A100];
	s28 =	spop (v2sf)  }
0x85: {  	v5 =	vld [tilespmem:$0x1FFF0]  }
0x86: {  	v21 =	vmul.f32 v17, v6;
	v22 =	vmul.f32 v17, v7  }
0x87: {  	v23 =	vmul.f32 v17, v8;
	v24 =	vmul.f32 v17, v4  }
0x88: {  	v25 =	vmul.f32 v17, v3;
	v26 =	vmul.f32 v17, v2  }
0x89: {  	v27 =	vmul.f32 v17, v1;
	v24 =	vadd.f32 v23, v24  }
0x8a: {  	v25 =	vadd.f32 v22, v25;
	v26 =	vadd.f32 v21, v26;
	v20 =	vmul.f32 v17, v5  }
0x8b: {  	v28 =	vmul.f32 $2.000000030e-01, v24  }
.Ltmp5:
0x8c: {  	v29 =	vmul.f32 $2.000000030e-01, v25;
	v30 =	vmul.f32 $2.000000030e-01, v26;
	v27 =	vadd.f32 v20, v27;
	(pc) =	sbr.rel .LBB2_8-.Ltmp5, $4  }
0x8d: {  	v33 =	vmax.f32 v24, v28  }
0x8e: {  	v34 =	vmax.f32 v25, v29;
	v35 =	vmax.f32 v26, v30;
	v31 =	vmul.f32 $2.000000030e-01, v27  }
0x8f: {  	v24 =	vimm.f32 $1.000000000e+00;
	v26 =	vmovc v17;
	v25 =	vimm.f32 $1.000000000e+00;
	v29 =	vimm.f32 $1.000000000e+00  }
0x90: {  	s29 =	simm.s32 $0x0;
	p0 =	slt.s32 s28, $0x1;
	v28 =	vmovc v17;
	v30 =	vmovc v17;
	v36 =	vmax.f32 v27, v31;
	v27 =	vmov v17;
	v31 =	vimm.f32 $1.000000000e+00  }
.LBB2_10:
0x91: {  	v39 =	vmov v32  }
0x92: {  	v53 =	vmovc v25;
	v55 =	vmovc v27;
	v46 =	vmov v36;
	v45 =	vmov v34;
	v42 =	vmov v24  }
0x93: {  	v51 =	vmovc v26;
	v40 =	vmovc v29;
	v49 =	vmov v35;
	v41 =	vmov v28;
	v48 =	vmov v33  }
.LBB2_15:
0x94: {  	v5 =	vmul.f32 v39, v1;
	v37 =	vmul.f32 v39, v3  }
0x95: {  	v38 =	vmul.f32 @p1 $1.442695020e+00, v58;
	v44 =	vmul.f32 v39, v2  }
0x96: {  	(erf) = vpow2.f32 @p1 v56;
	v50 =	vmul.f32 v39, v4  }
0x97: {  	(erf) = vpow2.f32 @p1 v57;
	v5 =	vadd.f32 v5, v20;
	v37 =	vadd.f32 v37, v22  }
0x98: {  	v56 =	vpop @p1 (erf);
	v44 =	vadd.f32 v44, v21;
	(erf) = vpow2.f32 @p1 v38;
	v60 =	vadd.f32 v50, v23  }
0x99: {  	v52 =	vmul.f32 $2.000000030e-01, v5;
	v54 =	vmul.f32 $2.000000030e-01, v37  }
0x9a: {  	v50 =	vpop @p1 (erf);
	v61 =	vmul.f32 $2.000000030e-01, v44;
	v62 =	vmul.f32 $2.000000030e-01, v60  }
0x9b: {  	v53 =	vmul.f32 @p1 v50, v53;
	v50 =	vmul.f32 @p1 v50, v55;
	v5 =	vmax.f32 v5, v52  }
0x9c: {  	v52 =	vmul.f32 @p1 v56, v32;
	v37 =	vmax.f32 v37, v54;
	v44 =	vmax.f32 v44, v61  }
0x9d: {  	v38 =	vmax.f32 v60, v62;
	v5 =	vnsel vm0, $0xF149F2CA, v5;
	v37 =	vnsel vm0, $0xF149F2CA, v37  }
0x9e: {  	v44 =	vnsel vm0, $0xF149F2CA, v44;
	v38 =	vnsel vm0, $0xF149F2CA, v38;
	v36 =	vmax.f32 v36, v5  }
0x9f: {  	v54 =	vpop @p1 (erf);
	v34 =	vmax.f32 v34, v37;
	v35 =	vmax.f32 v35, v44;
	v46 =	vsub.f32 v46, v36  }
0xa0: {  	v33 =	vmax.f32 v33, v38;
	v37 =	vsub.f32 v37, v34;
	v40 =	vmul.f32 @p1 v54, v40  }
0xa1: {  	v55 =	vpop @p1 (erf);
	v45 =	vsub.f32 v45, v34;
	v41 =	vmul.f32 @p1 v54, v41;
	v46 =	vmul.f32 $1.442695020e+00, v46  }
0xa2: {  	v49 =	vsub.f32 v49, v35;
	v59 =	vmul.f32 @p1 v55, v32;
	v37 =	vmul.f32 $1.442695020e+00, v37  }
0xa3: {  	v5 =	vsub.f32 v5, v36;
	v45 =	vmul.f32 $1.442695020e+00, v45;
	(erf) = vpow2.f32 v46  }
0xa4: {  	v44 =	vsub.f32 v44, v35;
	v63 =	vmul.f32 $1.442695020e+00, v49;
	(erf) = vpow2.f32 v37  }
0xa5: {  	v48 =	vsub.f32 v48, v33;
	v5 =	vmul.f32 $1.442695020e+00, v5;
	(erf) = vpow2.f32 v45  }
0xa6: {  	v57 =	vpop @p1 (erf);
	v44 =	vmul.f32 $1.442695020e+00, v44;
	(erf) = vpow2.f32 v63  }
0xa7: {  	v38 =	vsub.f32 v38, v33;
	v49 =	vmul.f32 $1.442695020e+00, v48;
	v37 =	vpop @p1 (erf);
	(erf) = vpow2.f32 v5  }
0xa8: {  	v40 =	vadd.f32 @p1 v40, v57;
	v46 =	vmul.f32 @p1 v57, v32;
	(erf) = vpow2.f32 v44  }
0xa9: {  	v38 =	vmul.f32 $1.442695020e+00, v38;
	(erf) = vpow2.f32 v49  }
0xaa: {  	v43 =	vadd.f32 @p1 v59, v43;
	v29 =	vpsel p1, v40, v29;
	v41 =	vadd.f32 @p1 v46, v41  }
0xab: {  	v46 =	vadd.f32 @p1 v52, v50;
	v45 =	vpop @p1 (erf);
	v5 =	vmul.f32 @p1 v37, v42;
	(erf) = vpow2.f32 v38  }
0xac: {  	v37 =	vmul.f32 @p1 v37, v51;
	v32 =	vmul.f32 @p1 v45, v32;
	v44 =	vadd.f32 @p1 v47, v55;
	v54 =	vpop (erf)  }
0xad: {  	v30 =	vpsel p1, v43, v30;
	v42 =	vadd.f32 @p1 v53, v56;
	v5 =	vadd.f32 @p1 v5, v45;
	v55 =	vpop (erf)  }
0xae: {  	v27 =	vpsel p1, v46, v27;
	v32 =	vadd.f32 @p1 v32, v37;
	v31 =	vpsel p1, v44, v31;
	v56 =	vpop (erf)  }
0xaf: {  	v25 =	vpsel p1, v42, v25;
	v5 =	vpsel p1, v5, v24;
	v31 =	vmul.f32 v54, v31;
	v57 =	vpop (erf)  }
0xb0: {  	v24 =	vpsel p1, v32, v26;
	v30 =	vmul.f32 v54, v30;
	v58 =	vmul.f32 v55, v39;
	v26 =	vpop (erf)  }
0xb1: {  	v28 =	vpsel p1, v41, v28;
	v25 =	vmul.f32 v56, v25;
	v27 =	vmul.f32 v56, v27;
	v59 =	vpop (erf)  }
0xb2: {  	v29 =	vmul.f32 v57, v29;
	v28 =	vmul.f32 v57, v28;
	v61 =	vpop (erf)  }
0xb3: {  	v60 =	vmul.f32 v26, v39;
	v25 =	vadd.f32 v25, v55;
	v5 =	vmul.f32 v61, v5  }
0xb4: {  	v31 =	vadd.f32 v31, v26;
	v27 =	vadd.f32 v58, v27;
	v26 =	vmul.f32 v59, v39;
	v62 =	vpop (erf)  }
0xb5: {  	v63 =	vmul.f32 v61, v24;
	v24 =	vadd.f32 v5, v62;
	v5 =	vmul.f32 v62, v39  }
0xb6: {  	v29 =	vadd.f32 v29, v59;
	v30 =	vadd.f32 v60, v30  }
0xb7: {  	v28 =	vadd.f32 v26, v28;
	v26 =	vadd.f32 v5, v63  }
.LBB2_16:
0xb8: {  	s29 =	sadd.s32 $0x1, s29  }
0xb9: {  	p1 =	seq.s32 s29, s26  }
.Ltmp6:
0xba: {  	_ = 	snop;
	(pc) =	sbr.rel @p1 .LBB2_4-.Ltmp6, $1  }
0xbb: {  	_ =	sdelay $0x3  }
.LBB2_8:
0xbc: {  	s30 =	sshll.u32 s29, $0xA  }
0xbd: {  	s31 =	sadd.s32 s25, s30  }
0xbe: {  	s30 =	sand.u32 $0xC00, s30;
	s1 =	sshrl.u32 s31, $0x3  }
.Ltmp7:
0xbf: {  	s0 =	sadd.s32 $0x1AD80, s30;
	s1 =	sadd.s32 s4, s1;
	(pc) =	sbr.rel @p0 .LBB2_16-.Ltmp7, $4  }
0xc0: {  	[tilespmem:s0], [sflag:$0x1] =	stream.linear.gather [hbm4b:s1+s2], $0x400, $0x38;
	[tilespmem:$0x1DE00] =	vst v63  }
0xc1: {  	_ =	swait.ge [sflag:s13], $0x400  }
0xc2: {  	[sflag:s13] =	ssyncset.done $0x0  }
0xc3: {  	[sflag:s13] =	ssyncadd.s32 $0xFFFFFC00  }
0xc4: {  	v32 =	vmov s31  }
0xc5: {  	v37 =	vsub.s32 v18, v32;
	v32 =	vsub.s32 v19, v32  }
0xc6: {  	vm0 =	vgt.s32 v37, $0x0;
	vm1 =	vlt.s32 v32, $0x400  }
0xc7: {  	v38 =	vnsel vm0, $0x0, v37;
	v32 =	vnsel vm1, $0x400, v32  }
0xc8: {  	v37 =	vsub.s32 v32, v38;
	v38 =	vadd.s32 s30, v38;
	s30 =	simm.s32 $0x0  }
0xc9: {  	v63 =	vmov s30  }
0xca: {  	v39 =	vadd.s32 s30, v38;
	vm0 =	vlt.s32 v63, v37  }
0xcb: {  	v32 =	vnsel vm0, $0x0, v39;
	_ =	sdelay $0x4  }
0xcc: {  	v32 =	vld.idx.msk [tilespmem:v32+s21+$0x0], vm0;
	_ =	sdelay $0x4  }
0xcd: {  	v32 =	vnsel vm0, $0x0, v32;
	_ =	sdelay $0x3  }
0xce: {  	p2 =	seq.s32 s28, $0x1  }
.Ltmp8:
0xcf: {  	v32 =	vld.idx.msk [tilespmem:v32+s2+$0x0], vm0;
	(pc) =	sbr.rel @p2 .LBB2_10-.Ltmp8, $2  }
0xd0: {  	_ =	sdelay $0x2  }
0xd1: {  	p1 =	por $0x0, $0x0;
	s30 =	simm.s32 $0x1;
	vm0 =	vmmov vm0  }
0xd2: {  	v39 =	vmul.f32 v32, v1;
	_ =	sdelay $0x1  }
0xd3: {  	v39 =	vadd.f32 v39, v20;
	_ =	sdelay $0x1  }
0xd4: {  	v55 =	vmov s30;
	v40 =	vmul.f32 $2.000000030e-01, v39  }
0xd5: {  	v41 =	vadd.s32 s30, v38;
	vm1 =	vlt.s32 v55, v37  }
0xd6: {  	v42 =	vmul.f32 v32, v3;
	v39 =	vmax.f32 v39, v40;
	v40 =	vnsel vm1, $0x0, v41;
	_ =	sdelay $0x1  }
0xd7: {  	v56 =	vadd.f32 v42, v22;
	v39 =	vnsel vm0, $0xF149F2CA, v39  }
0xd8: {  	v44 =	vmax.f32 v36, v39  }
0xd9: {  	v43 =	vmul.f32 v32, v2;
	v58 =	vmul.f32 $2.000000030e-01, v56;
	v36 =	vsub.f32 v36, v44  }
0xda: {  	v40 =	vld.idx.msk [tilespmem:v40+s21+$0x0], vm1  }
0xdb: {  	v57 =	vadd.f32 v43, v21;
	v41 =	vmax.f32 v56, v58;
	v36 =	vmul.f32 $1.442695020e+00, v36  }
0xdc: {  	v45 =	vmul.f32 v32, v4;
	v41 =	vnsel vm0, $0xF149F2CA, v41  }
0xdd: {  	v59 =	vmul.f32 $2.000000030e-01, v57;
	v50 =	vmax.f32 v34, v41;
	(erf) = vpow2.f32 v36  }
0xde: {  	v60 =	vadd.f32 v45, v23;
	v41 =	vsub.f32 v41, v50  }
0xdf: {  	v42 =	vmax.f32 v57, v59;
	v40 =	vnsel vm1, $0x0, v40  }
0xe0: {  	v61 =	vmul.f32 $2.000000030e-01, v60;
	v42 =	vnsel vm0, $0xF149F2CA, v42;
	v41 =	vmul.f32 $1.442695020e+00, v41  }
0xe1: {  	v52 =	vmax.f32 v35, v42;
	v39 =	vsub.f32 v39, v44;
	v34 =	vsub.f32 v34, v50  }
0xe2: {  	v35 =	vsub.f32 v35, v52;
	v36 =	vmax.f32 v60, v61;
	(erf) = vpow2.f32 v41  }
0xe3: {  	p2 =	seq.s32 s28, $0x2;
	v42 =	vsub.f32 v42, v52;
	v34 =	vmul.f32 $1.442695020e+00, v34;
	v36 =	vnsel vm0, $0xF149F2CA, v36  }
.Ltmp9:
0xe4: {  	v53 =	vmovc v25;
	v51 =	vmovc v26;
	v35 =	vmul.f32 $1.442695020e+00, v35;
	v62 =	vmul.f32 $1.442695020e+00, v39;
	v54 =	vmax.f32 v33, v36;
	v39 =	vld.idx.msk [tilespmem:v40+s2+$0x0], vm1;
	(pc) =	sbr.rel @p2 .LBB2_12-.Ltmp9, $4  }
0xe5: {  	v55 =	vmovc v27;
	v46 =	vmovc v44;
	v45 =	vmov v50;
	(erf) = vpow2.f32 v34;
	v33 =	vsub.f32 v33, v54  }
0xe6: {  	v56 =	vmul.f32 $1.442695020e+00, v42;
	vm0 =	vmmov vm1;
	v63 =	vpop (erf);
	(erf) = vpow2.f32 v35  }
0xe7: {  	v49 =	vmovc v52;
	v42 =	vmovc v24;
	v58 =	vsub.f32 v36, v54;
	v57 =	vmul.f32 $1.442695020e+00, v33;
	v47 =	vmul.f32 v63, v31  }
0xe8: {  	s30 =	simm.s32 $0x2;
	p1 =	por $0x1, $0x1;
	v41 =	vmovc v28;
	v48 =	vmovc v54;
	v40 =	vmov v29;
	v43 =	vmul.f32 v63, v30;
	(erf) = vpow2.f32 v62  }
.LBB2_13:
0xe9: {  	v33 =	vadd.s32 s30, v38;
	v34 =	vmul.f32 v39, v1;
	v35 =	vmul.f32 $1.442695020e+00, v58;
	v36 =	vmovc v39;
	s0 =	smov.u32 s30;
	s30 =	sadd.s32 $0x1, s30  }
0xea: {  	v5 =	vmov s0;
	p2 =	seq.s32 s28, s30;
	v58 =	vmul.f32 v36, v2;
	v59 =	vmul.f32 v36, v3  }
0xeb: {  	vm1 =	vlt.s32 v5, v37;
	v34 =	vadd.f32 v34, v20;
	(erf) = vpow2.f32 v56;
	v39 =	vpop (erf)  }
0xec: {  	v33 =	vnsel vm1, $0x0, v33;
	v56 =	vadd.f32 v59, v22;
	v59 =	vmul.f32 v36, v4  }
0xed: {  	v5 =	vmul.f32 $2.000000030e-01, v34;
	(erf) = vpow2.f32 v57  }
0xee: {  	v57 =	vadd.f32 v58, v21;
	v62 =	vmul.f32 $2.000000030e-01, v56;
	v61 =	vpop (erf);
	(erf) = vpow2.f32 v35  }
0xef: {  	v35 =	vadd.f32 v59, v23;
	v59 =	vmul.f32 v39, v32;
	v34 =	vmax.f32 v34, v5;
	v60 =	vpop (erf)  }
0xf0: {  	v53 =	vmul.f32 v61, v53;
	v34 =	vnsel vm0, $0xF149F2CA, v34;
	v56 =	vmax.f32 v56, v62  }
0xf1: {  	v55 =	vmul.f32 v61, v55;
	v33 =	vld.idx.msk [tilespmem:v33+s21+$0x0], vm1;
	v44 =	vmax.f32 v44, v34;
	v56 =	vnsel vm0, $0xF149F2CA, v56;
	v58 =	vpop (erf)  }
0xf2: {  	v62 =	vmul.f32 $2.000000030e-01, v35;
	v61 =	vsub.f32 v46, v44;
	v63 =	vmul.f32 v58, v32;
	v46 =	vmovc v44  }
0xf3: {  	v5 =	vmul.f32 $2.000000030e-01, v57;
	v53 =	vadd.f32 v53, v39;
	v50 =	vmax.f32 v50, v56  }
0xf4: {  	v34 =	vsub.f32 v34, v44;
	v47 =	vadd.f32 v47, v58;
	v61 =	vmul.f32 $1.442695020e+00, v61;
	v58 =	vpop (erf)  }
0xf5: {  	v5 =	vmax.f32 v57, v5;
	v35 =	vmax.f32 v35, v62;
	v43 =	vadd.f32 v63, v43  }
0xf6: {  	v56 =	vsub.f32 v56, v50;
	v57 =	vmul.f32 v58, v32;
	(erf) = vpow2.f32 v61;
	v39 =	vpop (erf)  }
0xf7: {  	v33 =	vnsel vm1, $0x0, v33;
	v61 =	vsub.f32 v45, v50;
	v42 =	vmul.f32 v39, v42;
	v62 =	vpop (erf)  }
0xf8: {  	v5 =	vnsel vm0, $0xF149F2CA, v5;
	v56 =	vmul.f32 $1.442695020e+00, v56;
	v45 =	vmovc v50;
	v51 =	vmul.f32 v39, v51  }
0xf9: {  	v52 =	vmax.f32 v52, v5;
	v35 =	vnsel vm0, $0xF149F2CA, v35;
	v39 =	vmul.f32 v60, v40  }
0xfa: {  	v63 =	vsub.f32 v49, v52;
	v49 =	vmovc v52;
	v61 =	vmul.f32 $1.442695020e+00, v61;
	v42 =	vadd.f32 v42, v62  }
0xfb: {  	v5 =	vsub.f32 v5, v52;
	v40 =	vadd.f32 v39, v58;
	(erf) = vpow2.f32 v56  }
0xfc: {  	v41 =	vmul.f32 v60, v41;
	v54 =	vmax.f32 v54, v35;
	v39 =	vld.idx.msk [tilespmem:v33+s2+$0x0], vm1;
	v33 =	vmul.f32 $1.442695020e+00, v63  }
.Ltmp10:
0xfd: {  	v58 =	vsub.f32 v35, v54;
	v56 =	vmul.f32 $1.442695020e+00, v5;
	v5 =	vsub.f32 v48, v54;
	v48 =	vmovc v54;
	(pc) =	sbr.rel @!p2 .LBB2_13-.Ltmp10, $4  }
0xfe: {  	v41 =	vadd.f32 v57, v41;
	v35 =	vmul.f32 v62, v32;
	v32 =	vmovc v36;
	(erf) = vpow2.f32 v61  }
0xff: {  	v55 =	vadd.f32 v59, v55;
	v34 =	vmul.f32 $1.442695020e+00, v34;
	v36 =	vpop (erf);
	(erf) = vpow2.f32 v33  }
0x100: {  	v51 =	vadd.f32 v35, v51;
	v47 =	vmul.f32 v36, v47;
	v43 =	vmul.f32 v36, v43  }
0x101: {  	vm0 =	vmmov vm1;
	v57 =	vmul.f32 $1.442695020e+00, v5;
	(erf) = vpow2.f32 v34  }
.Ltmp11:
0x102: {  	(pc) =	sbr.rel .LBB2_15-.Ltmp11, $2  }
0x103: {  	_ =	sdelay $0x2  }
0x104: {  	v36 =	vmovc v44;
	v34 =	vmov v50;
	v35 =	vmov v52;
	v33 =	vmov v54  }
.LBB2_12:
.Ltmp12:
0x105: {  	(pc) =	sbr.rel .LBB2_15-.Ltmp12, $4  }
0x106: {  	_ = 	snop  }
0x107: {  	v53 =	vmovc v25;
	v36 =	vmov v44;
	v55 =	vmov v27;
	v46 =	vmov v44  }
0x108: {  	v34 =	vmovc v50;
	v45 =	vmovc v50;
	v42 =	vmov v24;
	v51 =	vmov v26;
	v35 =	vmov v52  }
0x109: {  	v40 =	vmovc v29;
	v49 =	vmovc v52;
	v33 =	vmov v54;
	v41 =	vmov v28;
	v48 =	vmov v54  }
.LBB2_6:
0x10a: {  	_ =	sfence.sel $0x180000  }
0x10b: {  	[bflag:$0x0] =	sbarrier.arrive $0xFFFF  }
0x10c: {  	_ =	strace $0x90000053  }
0x10d: {  	s0 =	stileid.u32;
	[bflag:$0x2] =	sbarrier.arrive $0xFFFF  }
0x10e: {  	p0 =	sne.s32 s0, $0x0;
	s0 =	rddreg [dreg:$0x4]  }
0x10f: {  	s0 =	sadd.s32 @!p0 $0x100000, s0  }
0x110: {  	[sflag:s0] =	ssyncadd.tile.s32 @!p0 $0x1;
	_ =	shalt  }
.Lfunc_end2:
_tile_overlayer_lowered:
.L_overlay_start_2:
0x111: {  	(tag) =	ssettag $0x2  }
0x112: {  	s0 =	rddreg [dreg:$0x0];
	s2 =	stileid.u32  }
0x113: {  	s1 =	rddreg [dreg:$0x1];
	p0 =	sne.s32 s2, $0x0  }
0x114: {  	s3 =	rddreg [dreg:$0x2];
	[bflag:$0x3] =	sbarrier.arrive $0xFFFF;
	s2 =	simm.s32 @!p0 $0x1C01  }
0x115: {  	[timem:s3], [sflag:s2] =	dma.local @!p0 [hbm:s0], s1  }
0x116: {  	s0 =	simm.s32 @!p0 $0x1  }
0x117: {  	_ =	swait.ge @!p0 [sflag:s0], s1  }
0x118: {  	s1 =	ssub.s32 @!p0 $0x0, s1;
	[sflag:s0] =	ssyncset.done @!p0 $0x0  }
0x119: {  	[sflag:s0] =	ssyncadd.s32 @!p0 s1  }
0x11a: {  	[bflag:$0x3] =	sbarrier.arrive $0xFFFF  }
0x11b: {  	_ =	shalt  }

// kernel: kernel.7.cloned.1.call-start
scs
__scs_entry_jumppad:
0x0: {  	(pc) =	sbr.rel $0x88, $3  }
0x1: {  	(tag) =	ssettag $0x0;
	lr =	simm.s32 $0x1  }
0x2: {  	[smem:$0x3F99] =	sst lr;
	_ =	strace $0xD0000000  }
0x3: {  	_ = 	snop  }
0x4: {  	_ = 	snop  }
0x5: {  	_ = 	snop  }
0x6: {  	_ = 	snop  }
0x7: {  	_ = 	snop  }
__scs_overlays_trampoline_lowered:
0x8: {  	[smem:$0x3FA8] =	sst s0  }
0x9: {  	[smem:$0x3FA9] =	sst s1  }
0xa: {  	[smem:$0x3FAA] =	sst s2  }
0xb: {  	[smem:$0x3FAB] =	sst s3  }
0xc: {  	[smem:$0x3FAC] =	sst s4  }
0xd: {  	[smem:$0x3FAD] =	sst s5  }
0xe: {  	[smem:$0x3FAE] =	sst s6  }
0xf: {  	[smem:$0x3FAF] =	sst s7  }
0x10: {  	[smem:$0x3FB0] =	sst s8  }
0x11: {  	[smem:$0x3FB1] =	sst s9;
	s0 =	simm.s32 @!p0 $0x0  }
0x12: {  	s1 =	sld [smem:$0x3F97];
	s0 =	simm.s32 @p0 $0x1  }
0x13: {  	[smem:$0x3FB2] =	sst s0;
	s0 =	simm.s32 @!p1 $0x0  }
0x14: {  	s2 =	sld [smem:$0x3F96];
	s0 =	simm.s32 @p1 $0x1  }
0x15: {  	[smem:$0x3FB3] =	sst s0;
	s0 =	simm.s32 @!p2 $0x0  }
0x16: {  	s3 =	sld [smem:$0x3FDB];
	s0 =	simm.s32 @p2 $0x1  }
0x17: {  	s4 =	simm.s32 $0x1BF5;
	[smem:$0x3FB5] =	sst s0  }
0x18: {  	s0 =	sld [smem:$0x3F98];
	_ =	swait.ge [sflag:s4], $0x0  }
0x19: {  	s7 =	sld [smem:$0x3F99]  }
0x1a: {  	s8 =	sadd.s32 $0xFFFFE003, lr  }
0x1b: {  	s9 =	sadd.s32 $0xFFFFFEF7, lr;
	s5 =	simm.s32 $0xFFFFFFFF;
	p2 =	slt.u32 s8, $0xFFFFF086  }
0x1c: {  	p1 =	slt.u32 s9, $0xF7A;
	s5 =	simm.s32 @!p2 $0x0  }
0x1d: {  	s5 =	simm.s32 @p1 $0x1;
	p0 =	seq.s32 s7, s2  }
0x1e: {  	s7 =	smul.u32 @!p0 $0xF7A, s2;
	p2 =	seq.s32 @!p0 s5, $0x0  }
0x1f: {  	s9 =	smul.u32 $0xF7A, s1;
	s8 =	simm.s32 @!p0 $0x1BF5;
	p2 =	por !p2, p0  }
0x20: {  	[sflag:s8] =	ssyncset.s32 @!p0 $0xFFFFF086;
	s6 =	sadd.s32 @!p0 s3, s7;
	s7 =	simm.s32 @!p0 $0x108  }
0x21: {  	s3 =	sadd.s32 s3, s9;
	s6 =	sadd.s32 @!p0 $0x88, s6;
	s7 =	simm.s32 @p2 $0x1082  }
0x22: {  	[simem:s7], [sflag:s8] =	dma.local @!p0 [hbm:s6], $0xF7A  }
0x23: {  	s9 =	sor.u32 $0xD0000000, s2;
	s6 =	simm.s32 $0x108;
	_ =	swait.ge @!p0 [sflag:s8], $0x0  }
0x24: {  	s3 =	sadd.s32 $0x88, s3;
	s6 =	simm.s32 @!p1 $0x1082;
	[sflag:s4] =	ssyncset.s32 $0xFFFFF086  }
0x25: {  	[simem:s6], [sflag:s4] =	dma.local [hbm:s3], $0xF7A  }
0x26: {  	[smem:$0x3F99] =	sst s1;
	(tag) =	ssettag s2;
	_ =	strace s9  }
0x27: {  	s1 =	sld [smem:$0x3FA9]  }
0x28: {  	s2 =	sld [smem:$0x3FAA]  }
0x29: {  	s4 =	sld [smem:$0x3FAC]  }
0x2a: {  	p0 =	seq.s32 s5, $0x0;
	s5 =	sld [smem:$0x3FAD]  }
0x2b: {  	s6 =	sld [smem:$0x3FAE]  }
0x2c: {  	s7 =	sld [smem:$0x3FAF]  }
0x2d: {  	s3 =	simm.s32 $0x108;
	s8 =	sld [smem:$0x3FB0]  }
0x2e: {  	s3 =	simm.s32 @!p0 $0x1082;
	s9 =	sld [smem:$0x3FB1]  }
0x2f: {  	lr =	sadd.s32 s0, s3;
	s0 =	sld [smem:$0x3FA8]  }
0x30: {  	s3 =	sld [smem:$0x3FAB]  }
0x31: {  	[smem:$0x3FB4] =	sst s10  }
0x32: {  	s10 =	sld [smem:$0x3FB2];
	_ =	sdelay $0x3  }
0x33: {  	p0 =	seq.s32 s10, $0x1;
	s10 =	sld [smem:$0x3FB4];
	_ =	sdelay $0x3  }
0x34: {  	[smem:$0x3FB4] =	sst s10  }
0x35: {  	s10 =	sld [smem:$0x3FB3];
	_ =	sdelay $0x3  }
0x36: {  	p1 =	seq.s32 s10, $0x1;
	s10 =	sld [smem:$0x3FB4];
	_ =	sdelay $0x3  }
0x37: {  	[smem:$0x3FB4] =	sst s10  }
0x38: {  	s10 =	sld [smem:$0x3FB5]  }
0x39: {  	_ = 	snop;
	(pc) =	sbr.ind lr, $3  }
0x3a: {  	_ = 	snop  }
0x3b: {  	_ = 	snop  }
0x3c: {  	p2 =	seq.s32 s10, $0x1;
	s10 =	sld [smem:$0x3FB4]  }
0x3d: {  	_ =	shalt  }
0x3e: {  	_ =	shalt  }
0x3f: {  	_ =	shalt  }
0x40: {  	_ =	shalt  }
0x41: {  	_ =	shalt  }
0x42: {  	_ =	shalt  }
0x43: {  	_ =	shalt  }
0x44: {  	_ =	shalt  }
0x45: {  	_ =	shalt  }
0x46: {  	_ =	shalt  }
0x47: {  	_ =	shalt  }
0x48: {  	_ =	shalt  }
0x49: {  	_ =	shalt  }
0x4a: {  	_ =	shalt  }
0x4b: {  	_ =	shalt  }
0x4c: {  	_ =	shalt  }
0x4d: {  	_ =	shalt  }
0x4e: {  	_ =	shalt  }
0x4f: {  	_ =	shalt  }
0x50: {  	_ =	shalt  }
0x51: {  	_ =	shalt  }
0x52: {  	_ =	shalt  }
0x53: {  	_ =	shalt  }
0x54: {  	_ =	shalt  }
0x55: {  	_ =	shalt  }
0x56: {  	_ =	shalt  }
0x57: {  	_ =	shalt  }
0x58: {  	_ =	shalt  }
0x59: {  	_ =	shalt  }
0x5a: {  	_ =	shalt  }
0x5b: {  	_ =	shalt  }
0x5c: {  	_ =	shalt  }
0x5d: {  	_ =	shalt  }
0x5e: {  	_ =	shalt  }
0x5f: {  	_ =	shalt  }
0x60: {  	_ =	shalt  }
0x61: {  	_ =	shalt  }
0x62: {  	_ =	shalt  }
0x63: {  	_ =	shalt  }
0x64: {  	_ =	shalt  }
0x65: {  	_ =	shalt  }
0x66: {  	_ =	shalt  }
0x67: {  	_ =	shalt  }
0x68: {  	_ =	shalt  }
0x69: {  	_ =	shalt  }
0x6a: {  	_ =	shalt  }
0x6b: {  	_ =	shalt  }
0x6c: {  	_ =	shalt  }
0x6d: {  	_ =	shalt  }
0x6e: {  	_ =	shalt  }
0x6f: {  	_ =	shalt  }
0x70: {  	_ =	shalt  }
0x71: {  	_ =	shalt  }
0x72: {  	_ =	shalt  }
0x73: {  	_ =	shalt  }
0x74: {  	_ =	shalt  }
0x75: {  	_ =	shalt  }
0x76: {  	_ =	shalt  }
0x77: {  	_ =	shalt  }
0x78: {  	_ =	shalt  }
0x79: {  	_ =	shalt  }
0x7a: {  	_ =	shalt  }
0x7b: {  	_ =	shalt  }
0x7c: {  	_ =	shalt  }
0x7d: {  	_ =	shalt  }
0x7e: {  	_ =	shalt  }
0x7f: {  	_ =	shalt  }
0x80: {  	_ =	shalt  }
0x81: {  	_ =	shalt  }
0x82: {  	_ =	shalt  }
0x83: {  	_ =	shalt  }
0x84: {  	_ =	shalt  }
0x85: {  	_ =	shalt  }
0x86: {  	_ =	shalt  }
0x87: {  	_ =	shalt  }
.Lfunc_end0:
.L_simem_size_0:
called_computation.1_lowered:
.L_overlay_start_0:
0x88: {  	s2 =	sld [smem:$0x3FD9]  }
0x89: {  	s3 =	sld [smem:$0x3FFE];
	_ =	sdelay $0x1  }
0x8a: {  	s1 =	srdreg.scid  }
0x8b: {  	s0 =	sand.u32 $0x1, s1  }
0x8c: {  	s14 =	sshll.u32 s0, $0xA;
	s2 =	sadd.s32 s3, s2  }
0x8d: {  	s2 =	sadd.s32 s2, s14  }
0x8e: {  	[smem:$0x3FC0] =	sst s2  }
0x8f: {  	_ = 	snop  }
0x90: {  	s2 =	sld [smem:$0x3FD0];
	_ =	sdelay $0x2  }
0x91: {  	s15 =	simm.s32 $0xA;
	s4 =	simm.s32 $0x10  }
0x92: {  	[smem:s4], [sflag:s15] =	dma.local [hbm:s2], $0x1  }
0x93: {  	_ =	swait.eq [sflag:s15], $0x1  }
0x94: {  	[sflag:s15] =	ssyncset.done $0x0  }
0x95: {  	s16 =	sld [smem:$0x10];
	[sflag:s15] =	ssyncadd.s32 $0xFFFFFFFF  }
0x96: {  	s17 =	sld [smem:$0x11];
	(tm) =	ssettm $0x1  }
0x97: {  	s18 =	sld [smem:$0x3FFB];
	_ =	sdelay $0x3  }
0x98: {  	_ =	strace s18  }
0x99: {  	s4 =	sld [smem:$0x3FFC];
	_ =	sdelay $0x3  }
0x9a: {  	_ =	strace s4  }
0x9b: {  	s4 =	sld [smem:$0x3FFD];
	_ =	sdelay $0x3  }
0x9c: {  	_ =	strace s4  }
0x9d: {  	_ =	strace $0x8FFFFFFF  }
0x9e: {  	s19 =	sld [smem:$0x3FDB];
	_ =	sdelay $0x1  }
0x9f: {  	s5 =	simm.s32 $_scs_section_size  }
0xa0: {  	s6 =	simm.s32 $_size__tile_overlayer_lowered;
	s7 =	simm.s32 $_tile_overlayer_lowered  }
0xa1: {  	s22 =	simm.s32 $0x1BFF;
	s21 =	sshll.u32 s7, $0x1;
	s4 =	sadd.s32 s5, s19  }
0xa2: {  	s8 =	simm.s32 $0x0;
	s20 =	sshll.u32 s6, $0x1;
	s6 =	sadd.s32 s21, s4  }
0xa3: {  	[timem:s8], [sflag:s22] =	dma.local [hbm:s6], s20  }
0xa4: {  	_ =	swait.ge [sflag:s22], s20  }
0xa5: {  	s5 =	ssub.s32 $0x0, s20;
	[sflag:s22] =	ssyncset.done $0x0  }
0xa6: {  	[sflag:s22] =	ssyncadd.s32 s5;
	_ =	sdelay $0x1  }
0xa7: {  	s23 =	simm.s32 $0x1B8B  }
0xa8: {  	_ =	swait.ge [sflag:s23], $0x1  }
0xa9: {  	[sflag:s23] =	ssyncset.done $0x0  }
0xaa: {  	s25 =	simm.s32 $0x1B8E;
	s24 =	sld [smem:$0x3FFE];
	[sflag:s23] =	ssyncadd.s32 $0xFFFFFFFF  }
0xab: {  	s26 =	simm.s32 $execute0_lowered;
	[smem:$0x3FD2] =	sst s25  }
0xac: {  	s6 =	sshll.u32 s26, $0x1;
	_ =	strace $0x80000049;
	[dreg:$0x1] =	wrdreg $0xFFFFFFFF  }
0xad: {  	s28 =	simm.s32 $_size_execute0_lowered;
	s4 =	sadd.s32 s4, s6;
	[dreg:$0x0] =	wrdreg $0x0  }
0xae: {  	s6 =	sshll.u32 s28, $0x1;
	[dreg:$0x2] =	wrdreg s4  }
0xaf: {  	[dreg:$0x3] =	wrdreg s6  }
0xb0: {  	[dreg:$0x4] =	wrdreg $0xC0  }
0xb1: {  	_ =	task [dreg:s8], $0x5FFFF  }
0xb2: {  	[dreg:$0x1] =	wrdreg $0xFFFFFFFF  }
0xb3: {  	[dreg:$0x0] =	wrdreg $0x60  }
0xb4: {  	[dreg:$0x2] =	wrdreg s17  }
0xb5: {  	[dreg:$0x3] =	wrdreg s24  }
0xb6: {  	[dreg:$0x4] =	wrdreg s16  }
0xb7: {  	[dreg:$0x5] =	wrdreg $0x9  }
0xb8: {  	_ =	task.clear_ibuf [dreg:s8], $0x6FFFF;
	_ =	strace $0x90000049  }
0xb9: {  	s29 =	simm.s32 $0x9;
	_ =	strace $0x8000004B  }
0xba: {  	_ =	swait.ge [sflag:s29], $0x1  }
0xbb: {  	[sflag:s29] =	ssyncadd.s32 $0xFFFFFFFF  }
0xbc: {  	_ =	strace $0x9000004B  }
0xbd: {  	_ =	sfence  }
0xbe: {  	s30 =	sld [smem:$0x0];
	_ =	sdelay $0x2  }
0xbf: {  	s31 =	sshll.u32 s1, $0xD;
	s1 =	sshrl.u32 s1, $0x2  }
0xc0: {  	s3 =	sand.u32 $0x4000, s31;
	s1 =	sadd.s32 s1, s30  }
0xc1: {  	s0 =	sor.u32 s3, s0;
	s1 =	sshll.u32 s1, $0x11  }
0xc2: {  	s0 =	sor.u32 s1, s0  }
0xc3: {  	s0 =	sadd.s32 $0x8F2B, s0  }
0xc4: {  	[sflag:s0] =	ssyncadd.remote.s32 $0x1  }
0xc5: {  	_ =	sfence.sel $0xFFFF  }
0xc6: {  	[dreg:$0x0] =	wrdreg $0xFFFFFFFF;
	(pc) =	sbr.abs _section_cstart, $3  }
0xc7: {  	[dreg:$0x1] =	wrdreg $0xFFFFFFFF  }
0xc8: {  	_ =	task.clear_ibuf [dreg:s8], $0x2FFFF;
	_ =	strace $0x9FFFFFFF  }
0xc9: {  	(tm) =	ssettm $0x7FFFFFFF  }
tec
execute0_lowered:
.L_overlay_start_1:
0x0: {  	(tag) =	ssettag $0x1  }
0x1: {  	s1 =	rddreg [dreg:$0x0]  }
0x2: {  	s6 =	rddreg [dreg:$0x1];
	s2 =	srdreg.scid  }
0x3: {  	s0 =	stileid.u32;
	s8 =	rddreg [dreg:$0x2];
	s3 =	simm.s32 $0x0  }
0x4: {  	s13 =	simm.s32 $0x1;
	s14 =	simm.s32 $0x18800;
	s15 =	simm.s32 $0x19480  }
0x5: {  	s16 =	simm.s32 $0x1A100;
	s17 =	simm.s32 $0x1D780;
	s18 =	simm.s32 $0x1D680  }
0x6: {  	s19 =	simm.s32 $0x1BD80;
	s7 =	sand.u32 $0x1, s2;
	s4 =	sshll.u32 s0, $0x1  }
0x7: {  	s20 =	simm.s32 $0x1CA00;
	[smem:$0x7FF] =	sst s3;
	s5 =	sor.u32 s7, s4  }
0x8: {  	s21 =	simm.s32 $0x1AD80;
	_ =	strace $0x8000004A;
	s22 =	smul.u32 $0xC40, s5  }
0x9: {  	s4 =	sadd.s32 $0x2400, s6;
	s7 =	ssub.s32 $0x2, s7;
	s9 =	smul.u32 $0xC6, s5  }
.Ltmp0:
0xa: {  	s5 =	sadd.s32 $0x67C00, s6;
	s31 =	sshrl.u32 s7, $0x1;
	(pc) =	sbr.rel .LBB2_1-.Ltmp0, $4  }
0xb: {  	s12 =	ssub.s32 s7, s31;
	s10 =	sshrl.u32 s22, $0x3;
	s9 =	sadd.s32 s9, s6  }
0xc: {  	s12 =	smax.u32 s12, $0x1;
	v0 =	vmov s22;
	s22 =	simm.s32 $0x0;
	s11 =	sadd.s32 s10, s6  }
0xd: {  	s6 =	sadd.s32 s1, s10;
	s8 =	sadd.s32 s8, s10;
	s9 =	sadd.s32 $0x67E00, s9  }
0xe: {  	s7 =	sadd.s32 $0x64200, s11;
	s10 =	sadd.s32 $0x69800, s11;
	s11 =	sadd.s32 $0x6CA00, s11  }
.LBB2_5:
0xf: {  	[hbm4b:s10+s3] =	stream.linear.scatter [tilespmem:s19], [sflag:$0x1], $0xC40, $0x38;
	[tilespmem:$0x1DE00] =	vst v63  }
0x10: {  	s22 =	sadd.s32 $0x1, s22;
	_ =	swait.ge [sflag:s13], $0xC40  }
0x11: {  	p0 =	sne.s32 s22, s12;
	[sflag:s13] =	ssyncset.done $0x0  }
.Ltmp1:
0x12: {  	[sflag:s13] =	ssyncadd.s32 $0xFFFFF3C0;
	(pc) =	sbr.rel @!p0 .LBB2_6-.Ltmp1, $4  }
0x13: {  	[hbm4b:s11+s3] =	stream.linear.scatter [tilespmem:s20], [sflag:$0x1], $0xC40, $0x38;
	[tilespmem:$0x1DE00] =	vst v63  }
0x14: {  	_ =	swait.ge [sflag:s13], $0xC40  }
0x15: {  	[sflag:s13] =	ssyncset.done $0x0  }
0x16: {  	[sflag:s13] =	ssyncadd.s32 $0xFFFFF3C0  }
.LBB2_1:
0x17: {  	[tilespmem:s3], [sflag:$0x1] =	stream.linear.gather [hbm4b:s1+s3], $0x18800, $0x38;
	[tilespmem:$0x1DE00] =	vst v63  }
0x18: {  	_ =	swait.ge [sflag:s13], $0x18800  }
0x19: {  	[sflag:s13] =	ssyncset.done $0x0  }
0x1a: {  	[sflag:s13] =	ssyncadd.s32 $0xFFFE7800  }
0x1b: {  	[tilespmem:s14], [sflag:$0x1] =	stream.linear.gather [hbm4b:s6+s3], $0xC40, $0x38;
	[tilespmem:$0x1DE00] =	vst v63  }
0x1c: {  	_ =	swait.ge [sflag:s13], $0xC40  }
0x1d: {  	[sflag:s13] =	ssyncset.done $0x0  }
0x1e: {  	[sflag:s13] =	ssyncadd.s32 $0xFFFFF3C0  }
0x1f: {  	[tilespmem:s15], [sflag:$0x1] =	stream.linear.gather [hbm4b:s7+s3], $0xC40, $0x38;
	[tilespmem:$0x1DE00] =	vst v63  }
0x20: {  	_ =	swait.ge [sflag:s13], $0xC40  }
0x21: {  	[sflag:s13] =	ssyncset.done $0x0  }
0x22: {  	[sflag:s13] =	ssyncadd.s32 $0xFFFFF3C0  }
0x23: {  	[tilespmem:s16], [sflag:$0x1] =	stream.linear.gather [hbm4b:s8+s3], $0xC40, $0x38;
	[tilespmem:$0x1DE00] =	vst v63  }
0x24: {  	_ =	swait.ge [sflag:s13], $0xC40  }
0x25: {  	[sflag:s13] =	ssyncset.done $0x0  }
0x26: {  	[sflag:s13] =	ssyncadd.s32 $0xFFFFF3C0  }
0x27: {  	[tilespmem:s17], [sflag:$0x1] =	stream.linear.gather [hbm4b:s9+s3], $0x630, $0x38;
	[tilespmem:$0x1DE00] =	vst v63  }
0x28: {  	_ =	swait.ge [sflag:s13], $0x630  }
0x29: {  	[sflag:s13] =	ssyncset.done $0x0  }
0x2a: {  	[sflag:s13] =	ssyncadd.s32 $0xFFFFF9D0  }
0x2b: {  	[tilespmem:s18], [sflag:$0x1] =	stream.linear.gather [hbm4b:s5+s3], $0x100, $0x38;
	[tilespmem:$0x1DE00] =	vst v63  }
0x2c: {  	_ =	swait.ge [sflag:s13], $0x100  }
0x2d: {  	[sflag:s13] =	ssyncset.done $0x0  }
0x2e: {  	[sflag:s13] =	ssyncadd.s32 $0xFFFFFF00  }
0x2f: {  	v1 =	vld [tilespmem:$0x1D680]  }
0x30: {  	v2 =	vld [tilespmem:$0x1D690]  }
0x31: {  	v3 =	vld [tilespmem:$0x1D6A0]  }
0x32: {  	v4 =	vld [tilespmem:$0x1D6B0]  }
0x33: {  	v5 =	vld [tilespmem:$0x1D6C0]  }
0x34: {  	v6 =	vld [tilespmem:$0x1D6D0]  }
0x35: {  	v7 =	vld [tilespmem:$0x1D6E0]  }
0x36: {  	v8 =	vld [tilespmem:$0x1D6F0]  }
0x37: {  	v9 =	vld [tilespmem:$0x1D700]  }
0x38: {  	v10 =	vld [tilespmem:$0x1D710]  }
0x39: {  	v11 =	vld [tilespmem:$0x1D720]  }
.Ltmp2:
0x3a: {  	v12 =	vld [tilespmem:$0x1D730];
	(pc) =	sbr.rel .LBB2_2-.Ltmp2, $4  }
0x3b: {  	v13 =	vld [tilespmem:$0x1D740]  }
0x3c: {  	v14 =	vld [tilespmem:$0x1D750]  }
0x3d: {  	v15 =	vld [tilespmem:$0x1D760]  }
0x3e: {  	s23 =	simm.s32 $0x0;
	v16 =	vld [tilespmem:$0x1D770];
	[tilespmem:$0x1FFF0] =	vst v5  }
.LBB2_3:
0x3f: {  	v31 =	vimm.f32 $1.000000000e+00;
	v29 =	vimm.f32 $1.000000000e+00;
	v25 =	vimm.f32 $1.000000000e+00  }
0x40: {  	v24 =	vimm.f32 $1.000000000e+00;
	v30 =	vmovc v17;
	v28 =	vmovc v17;
	v27 =	vmov v17;
	v26 =	vmov v17  }
.LBB2_4:
0x41: {  	(erf) = vrcp.f32 v31;
	_ =	sdelay $0x8  }
0x42: {  	v18 =	vpop (erf)  }
0x43: {  	v18 =	vmul.f32 v30, v18;
	_ =	sdelay $0x1  }
0x44: {  	v18 =	vmul.f32 v18, v9;
	_ =	sdelay $0x1  }
0x45: {  	v18 =	vadd.f32 v18, v13;
	_ =	sdelay $0x1  }
0x46: {  	v19 =	vmul.f32 $1.442695020e+00, v18;
	_ =	sdelay $0x1  }
0x47: {  	(erf) = vpow2.f32 v19  }
0x48: {  	(erf) = vrcp.f32 v29;
	_ =	sdelay $0x7  }
0x49: {  	v19 =	vpop (erf)  }
0x4a: {  	v20 =	vpop (erf)  }
0x4b: {  	v20 =	vmul.f32 v28, v20;
	_ =	sdelay $0x1  }
0x4c: {  	v20 =	vmul.f32 v20, v10;
	_ =	sdelay $0x1  }
0x4d: {  	v20 =	vadd.f32 v20, v14;
	_ =	sdelay $0x1  }
0x4e: {  	v21 =	vmul.f32 $1.442695020e+00, v20;
	_ =	sdelay $0x1  }
0x4f: {  	(erf) = vpow2.f32 v21  }
0x50: {  	(erf) = vrcp.f32 v25;
	_ =	sdelay $0x7  }
0x51: {  	v21 =	vpop (erf)  }
0x52: {  	v22 =	vpop (erf)  }
0x53: {  	v22 =	vmul.f32 v27, v22;
	_ =	sdelay $0x1  }
0x54: {  	v22 =	vmul.f32 v22, v11;
	_ =	sdelay $0x1  }
0x55: {  	v22 =	vadd.f32 v22, v15;
	_ =	sdelay $0x1  }
0x56: {  	v23 =	vmul.f32 $1.442695020e+00, v22;
	_ =	sdelay $0x1  }
0x57: {  	(erf) = vpow2.f32 v23  }
0x58: {  	(erf) = vrcp.f32 v24;
	_ =	sdelay $0x7  }
0x59: {  	v23 =	vpop (erf)  }
0x5a: {  	v24 =	vpop (erf)  }
0x5b: {  	v24 =	vmul.f32 v26, v24;
	_ =	sdelay $0x1  }
0x5c: {  	v24 =	vmul.f32 v24, v12;
	_ =	sdelay $0x1  }
0x5d: {  	v24 =	vadd.f32 v24, v16;
	_ =	sdelay $0x1  }
0x5e: {  	v60 =	vmul.f32 $1.442695020e+00, v24;
	_ =	sdelay $0x1  }
0x5f: {  	(erf) = vpow2.f32 v60;
	_ =	sdelay $0x2  }
0x60: {  	v61 =	vadd.f32 $0.0e+00, v18  }
0x61: {  	v19 =	vadd.f32 $-1.000000000e+00, v19;
	v21 =	vadd.f32 $-1.000000000e+00, v21  }
0x62: {  	vm0 =	vgt.f32 v18, $0.0e+00;
	vm1 =	vgt.f32 v20, $0.0e+00  }
0x63: {  	v18 =	vsel vm0, v61, v19;
	v19 =	vsel vm1, v20, v21;
	_ =	sdelay $0x1  }
0x64: {  	v62 =	vadd.f32 $-1.000000000e+00, v23  }
0x65: {  	v18 =	vadd.f32 v19, v18;
	vm14 =	vgt.f32 v22, $0.0e+00;
	v19 =	vpop (erf)  }
0x66: {  	v20 =	vsel vm14, v22, v62;
	v19 =	vadd.f32 $-1.000000000e+00, v19  }
0x67: {  	v18 =	vadd.f32 v20, v18;
	vm15 =	vgt.f32 v24, $0.0e+00  }
0x68: {  	v63 =	vld [tilespmem:s24+$0x18800];
	v19 =	vsel vm15, v24, v19  }
0x69: {  	v18 =	vadd.f32 v19, v18;
	_ =	sdelay $0x1  }
0x6a: {  	v18 =	vmul.f32 $2.500000000e-01, v18;
	_ =	sdelay $0x1  }
0x6b: {  	v18 =	vsub.f32 v18, v63;
	_ =	sdelay $0x1  }
0x6c: {  	s23 =	sadd.s32 $0x1, s23;
	v18 =	vsub.f32 v18, v17  }
0x6d: {  	p0 =	seq.s32 s23, $0xC4  }
.Ltmp3:
0x6e: {  	v18 =	vadd.f32 v18, v63;
	(pc) =	sbr.rel @p0 .LBB2_5-.Ltmp3, $4  }
0x6f: {  	_ = 	snop  }
0x70: {  	v17 =	vadd.f32 v18, v17  }
0x71: {  	[tilespmem:s24+$0x1CA00] =	vst v18  }
0x72: {  	[tilespmem:s24+$0x1BD80] =	vst v17  }
.LBB2_2:
0x73: {  	s24 =	sshll.u32 s23, $0x3  }
0x74: {  	s24 =	sand.u32 $0x3FFFFFF8, s24  }
0x75: {  	v17 =	vld [tilespmem:s24+$0x1D780];
	_ =	sdelay $0x4  }
0x76: {  	(v2sf) =	vpush v17, $0x0  }
0x77: {  	(v2sf) =	vpush v17, $0x1;
	_ =	sdelay $0x8  }
0x78: {  	(v2sf) =	vpush v17, $0x2;
	_ =	sdelay $0x4  }
0x79: {  	s25 =	spop (v2sf)  }
0x7a: {  	s31 =	spop (v2sf)  }
0x7b: {  	s26 =	ssub.s32 s31, s25  }
0x7c: {  	s26 =	sadd.s32 $0x3FF, s26  }
0x7d: {  	s26 =	sshrl.u32 s26, $0xA  }
0x7e: {  	p0 =	seq.s32 s26, $0x0  }
.Ltmp4:
0x7f: {  	s24 =	sshll.u32 s23, $0x4;
	(pc) =	sbr.rel @p0 .LBB2_3-.Ltmp4, $3  }
0x80: {  	v17 =	vld.idx.msk [tilespmem:v0+s24+$0x0 ss:$0x1], $0xffff;
	_ =	sdelay $0x1  }
0x81: {  	v18 =	vld [tilespmem:s24+$0x19480]  }
0x82: {  	v19 =	vld [tilespmem:s24+$0x1A100];
	s28 =	spop (v2sf)  }
0x83: {  	v5 =	vld [tilespmem:$0x1FFF0]  }
0x84: {  	v21 =	vmul.f32 v17, v6;
	v22 =	vmul.f32 v17, v7  }
0x85: {  	v23 =	vmul.f32 v17, v8;
	v24 =	vmul.f32 v17, v4  }
0x86: {  	v25 =	vmul.f32 v17, v3;
	v26 =	vmul.f32 v17, v2  }
0x87: {  	v27 =	vmul.f32 v17, v1;
	v24 =	vadd.f32 v23, v24  }
0x88: {  	v25 =	vadd.f32 v22, v25;
	v26 =	vadd.f32 v21, v26;
	v20 =	vmul.f32 v17, v5  }
0x89: {  	v28 =	vmul.f32 $2.000000030e-01, v24  }
.Ltmp5:
0x8a: {  	v29 =	vmul.f32 $2.000000030e-01, v25;
	v30 =	vmul.f32 $2.000000030e-01, v26;
	v27 =	vadd.f32 v20, v27;
	(pc) =	sbr.rel .LBB2_8-.Ltmp5, $4  }
0x8b: {  	v33 =	vmax.f32 v24, v28  }
0x8c: {  	v34 =	vmax.f32 v25, v29;
	v35 =	vmax.f32 v26, v30;
	v31 =	vmul.f32 $2.000000030e-01, v27  }
0x8d: {  	v24 =	vimm.f32 $1.000000000e+00;
	v26 =	vmovc v17;
	v25 =	vimm.f32 $1.000000000e+00;
	v29 =	vimm.f32 $1.000000000e+00  }
0x8e: {  	s29 =	simm.s32 $0x0;
	p0 =	slt.s32 s28, $0x1;
	v28 =	vmovc v17;
	v30 =	vmovc v17;
	v36 =	vmax.f32 v27, v31;
	v27 =	vmov v17;
	v31 =	vimm.f32 $1.000000000e+00  }
.LBB2_10:
0x8f: {  	v39 =	vmov v32  }
0x90: {  	v53 =	vmovc v25;
	v55 =	vmovc v27;
	v46 =	vmov v36;
	v45 =	vmov v34;
	v42 =	vmov v24  }
0x91: {  	v51 =	vmovc v26;
	v40 =	vmovc v29;
	v49 =	vmov v35;
	v41 =	vmov v28;
	v48 =	vmov v33  }
.LBB2_15:
0x92: {  	v5 =	vmul.f32 v39, v1;
	v37 =	vmul.f32 v39, v3  }
0x93: {  	v38 =	vmul.f32 @p1 $1.442695020e+00, v58;
	v44 =	vmul.f32 v39, v2  }
0x94: {  	(erf) = vpow2.f32 @p1 v56;
	v50 =	vmul.f32 v39, v4  }
0x95: {  	(erf) = vpow2.f32 @p1 v57;
	v5 =	vadd.f32 v5, v20;
	v37 =	vadd.f32 v37, v22  }
0x96: {  	v56 =	vpop @p1 (erf);
	v44 =	vadd.f32 v44, v21;
	(erf) = vpow2.f32 @p1 v38;
	v60 =	vadd.f32 v50, v23  }
0x97: {  	v52 =	vmul.f32 $2.000000030e-01, v5;
	v54 =	vmul.f32 $2.000000030e-01, v37  }
0x98: {  	v50 =	vpop @p1 (erf);
	v61 =	vmul.f32 $2.000000030e-01, v44;
	v62 =	vmul.f32 $2.000000030e-01, v60  }
0x99: {  	v53 =	vmul.f32 @p1 v50, v53;
	v50 =	vmul.f32 @p1 v50, v55;
	v5 =	vmax.f32 v5, v52  }
0x9a: {  	v52 =	vmul.f32 @p1 v56, v32;
	v37 =	vmax.f32 v37, v54;
	v44 =	vmax.f32 v44, v61  }
0x9b: {  	v38 =	vmax.f32 v60, v62;
	v5 =	vnsel vm0, $0xF149F2CA, v5;
	v37 =	vnsel vm0, $0xF149F2CA, v37  }
0x9c: {  	v44 =	vnsel vm0, $0xF149F2CA, v44;
	v38 =	vnsel vm0, $0xF149F2CA, v38;
	v36 =	vmax.f32 v36, v5  }
0x9d: {  	v54 =	vpop @p1 (erf);
	v34 =	vmax.f32 v34, v37;
	v35 =	vmax.f32 v35, v44;
	v46 =	vsub.f32 v46, v36  }
0x9e: {  	v33 =	vmax.f32 v33, v38;
	v37 =	vsub.f32 v37, v34;
	v40 =	vmul.f32 @p1 v54, v40  }
0x9f: {  	v55 =	vpop @p1 (erf);
	v45 =	vsub.f32 v45, v34;
	v41 =	vmul.f32 @p1 v54, v41;
	v46 =	vmul.f32 $1.442695020e+00, v46  }
0xa0: {  	v49 =	vsub.f32 v49, v35;
	v59 =	vmul.f32 @p1 v55, v32;
	v37 =	vmul.f32 $1.442695020e+00, v37  }
0xa1: {  	v5 =	vsub.f32 v5, v36;
	v45 =	vmul.f32 $1.442695020e+00, v45;
	(erf) = vpow2.f32 v46  }
0xa2: {  	v44 =	vsub.f32 v44, v35;
	v63 =	vmul.f32 $1.442695020e+00, v49;
	(erf) = vpow2.f32 v37  }
0xa3: {  	v48 =	vsub.f32 v48, v33;
	v5 =	vmul.f32 $1.442695020e+00, v5;
	(erf) = vpow2.f32 v45  }
0xa4: {  	v57 =	vpop @p1 (erf);
	v44 =	vmul.f32 $1.442695020e+00, v44;
	(erf) = vpow2.f32 v63  }
0xa5: {  	v38 =	vsub.f32 v38, v33;
	v49 =	vmul.f32 $1.442695020e+00, v48;
	v37 =	vpop @p1 (erf);
	(erf) = vpow2.f32 v5  }
0xa6: {  	v40 =	vadd.f32 @p1 v40, v57;
	v46 =	vmul.f32 @p1 v57, v32;
	(erf) = vpow2.f32 v44  }
0xa7: {  	v38 =	vmul.f32 $1.442695020e+00, v38;
	(erf) = vpow2.f32 v49  }
0xa8: {  	v43 =	vadd.f32 @p1 v59, v43;
	v29 =	vpsel p1, v40, v29;
	v41 =	vadd.f32 @p1 v46, v41  }
0xa9: {  	v46 =	vadd.f32 @p1 v52, v50;
	v45 =	vpop @p1 (erf);
	v5 =	vmul.f32 @p1 v37, v42;
	(erf) = vpow2.f32 v38  }
0xaa: {  	v37 =	vmul.f32 @p1 v37, v51;
	v32 =	vmul.f32 @p1 v45, v32;
	v44 =	vadd.f32 @p1 v47, v55;
	v54 =	vpop (erf)  }
0xab: {  	v30 =	vpsel p1, v43, v30;
	v42 =	vadd.f32 @p1 v53, v56;
	v5 =	vadd.f32 @p1 v5, v45;
	v55 =	vpop (erf)  }
0xac: {  	v27 =	vpsel p1, v46, v27;
	v32 =	vadd.f32 @p1 v32, v37;
	v31 =	vpsel p1, v44, v31;
	v56 =	vpop (erf)  }
0xad: {  	v25 =	vpsel p1, v42, v25;
	v5 =	vpsel p1, v5, v24;
	v31 =	vmul.f32 v54, v31;
	v57 =	vpop (erf)  }
0xae: {  	v24 =	vpsel p1, v32, v26;
	v30 =	vmul.f32 v54, v30;
	v58 =	vmul.f32 v55, v39;
	v26 =	vpop (erf)  }
0xaf: {  	v28 =	vpsel p1, v41, v28;
	v25 =	vmul.f32 v56, v25;
	v27 =	vmul.f32 v56, v27;
	v59 =	vpop (erf)  }
0xb0: {  	v29 =	vmul.f32 v57, v29;
	v28 =	vmul.f32 v57, v28;
	v61 =	vpop (erf)  }
0xb1: {  	v60 =	vmul.f32 v26, v39;
	v25 =	vadd.f32 v25, v55;
	v5 =	vmul.f32 v61, v5  }
0xb2: {  	v31 =	vadd.f32 v31, v26;
	v27 =	vadd.f32 v58, v27;
	v26 =	vmul.f32 v59, v39;
	v62 =	vpop (erf)  }
0xb3: {  	v63 =	vmul.f32 v61, v24;
	v24 =	vadd.f32 v5, v62;
	v5 =	vmul.f32 v62, v39  }
0xb4: {  	v29 =	vadd.f32 v29, v59;
	v30 =	vadd.f32 v60, v30  }
0xb5: {  	v28 =	vadd.f32 v26, v28;
	v26 =	vadd.f32 v5, v63  }
.LBB2_16:
0xb6: {  	s29 =	sadd.s32 $0x1, s29  }
0xb7: {  	p1 =	seq.s32 s29, s26  }
.Ltmp6:
0xb8: {  	_ = 	snop;
	(pc) =	sbr.rel @p1 .LBB2_4-.Ltmp6, $1  }
0xb9: {  	_ =	sdelay $0x3  }
.LBB2_8:
0xba: {  	s30 =	sshll.u32 s29, $0xA  }
0xbb: {  	s31 =	sadd.s32 s25, s30  }
0xbc: {  	s30 =	sand.u32 $0xC00, s30;
	s2 =	sshrl.u32 s31, $0x3  }
.Ltmp7:
0xbd: {  	s0 =	sadd.s32 $0x1AD80, s30;
	s2 =	sadd.s32 s4, s2;
	(pc) =	sbr.rel @p0 .LBB2_16-.Ltmp7, $4  }
0xbe: {  	[tilespmem:s0], [sflag:$0x1] =	stream.linear.gather [hbm4b:s2+s3], $0x400, $0x38;
	[tilespmem:$0x1DE00] =	vst v63  }
0xbf: {  	_ =	swait.ge [sflag:s13], $0x400  }
0xc0: {  	[sflag:s13] =	ssyncset.done $0x0  }
0xc1: {  	[sflag:s13] =	ssyncadd.s32 $0xFFFFFC00  }
0xc2: {  	v32 =	vmov s31  }
0xc3: {  	v37 =	vsub.s32 v18, v32;
	v32 =	vsub.s32 v19, v32  }
0xc4: {  	vm0 =	vgt.s32 v37, $0x0;
	vm1 =	vlt.s32 v32, $0x400  }
0xc5: {  	v38 =	vnsel vm0, $0x0, v37;
	v32 =	vnsel vm1, $0x400, v32  }
0xc6: {  	v37 =	vsub.s32 v32, v38;
	v38 =	vadd.s32 s30, v38;
	s30 =	simm.s32 $0x0  }
0xc7: {  	v63 =	vmov s30  }
0xc8: {  	v39 =	vadd.s32 s30, v38;
	vm0 =	vlt.s32 v63, v37  }
0xc9: {  	v32 =	vnsel vm0, $0x0, v39;
	_ =	sdelay $0x4  }
0xca: {  	v32 =	vld.idx.msk [tilespmem:v32+s21+$0x0], vm0;
	_ =	sdelay $0x4  }
0xcb: {  	v32 =	vnsel vm0, $0x0, v32;
	_ =	sdelay $0x3  }
0xcc: {  	p2 =	seq.s32 s28, $0x1  }
.Ltmp8:
0xcd: {  	v32 =	vld.idx.msk [tilespmem:v32+s3+$0x0], vm0;
	(pc) =	sbr.rel @p2 .LBB2_10-.Ltmp8, $2  }
0xce: {  	_ =	sdelay $0x2  }
0xcf: {  	p1 =	por $0x0, $0x0;
	s30 =	simm.s32 $0x1;
	vm0 =	vmmov vm0  }
0xd0: {  	v39 =	vmul.f32 v32, v1;
	_ =	sdelay $0x1  }
0xd1: {  	v39 =	vadd.f32 v39, v20;
	_ =	sdelay $0x1  }
0xd2: {  	v55 =	vmov s30;
	v40 =	vmul.f32 $2.000000030e-01, v39  }
0xd3: {  	v41 =	vadd.s32 s30, v38;
	vm1 =	vlt.s32 v55, v37  }
0xd4: {  	v42 =	vmul.f32 v32, v3;
	v39 =	vmax.f32 v39, v40;
	v40 =	vnsel vm1, $0x0, v41;
	_ =	sdelay $0x1  }
0xd5: {  	v56 =	vadd.f32 v42, v22;
	v39 =	vnsel vm0, $0xF149F2CA, v39  }
0xd6: {  	v44 =	vmax.f32 v36, v39  }
0xd7: {  	v43 =	vmul.f32 v32, v2;
	v58 =	vmul.f32 $2.000000030e-01, v56;
	v36 =	vsub.f32 v36, v44  }
0xd8: {  	v40 =	vld.idx.msk [tilespmem:v40+s21+$0x0], vm1  }
0xd9: {  	v57 =	vadd.f32 v43, v21;
	v41 =	vmax.f32 v56, v58;
	v36 =	vmul.f32 $1.442695020e+00, v36  }
0xda: {  	v45 =	vmul.f32 v32, v4;
	v41 =	vnsel vm0, $0xF149F2CA, v41  }
0xdb: {  	v59 =	vmul.f32 $2.000000030e-01, v57;
	v50 =	vmax.f32 v34, v41;
	(erf) = vpow2.f32 v36  }
0xdc: {  	v60 =	vadd.f32 v45, v23;
	v41 =	vsub.f32 v41, v50  }
0xdd: {  	v42 =	vmax.f32 v57, v59;
	v40 =	vnsel vm1, $0x0, v40  }
0xde: {  	v61 =	vmul.f32 $2.000000030e-01, v60;
	v42 =	vnsel vm0, $0xF149F2CA, v42;
	v41 =	vmul.f32 $1.442695020e+00, v41  }
0xdf: {  	v52 =	vmax.f32 v35, v42;
	v39 =	vsub.f32 v39, v44;
	v34 =	vsub.f32 v34, v50  }
0xe0: {  	v35 =	vsub.f32 v35, v52;
	v36 =	vmax.f32 v60, v61;
	(erf) = vpow2.f32 v41  }
0xe1: {  	p2 =	seq.s32 s28, $0x2;
	v42 =	vsub.f32 v42, v52;
	v34 =	vmul.f32 $1.442695020e+00, v34;
	v36 =	vnsel vm0, $0xF149F2CA, v36  }
.Ltmp9:
0xe2: {  	v53 =	vmovc v25;
	v51 =	vmovc v26;
	v35 =	vmul.f32 $1.442695020e+00, v35;
	v62 =	vmul.f32 $1.442695020e+00, v39;
	v54 =	vmax.f32 v33, v36;
	v39 =	vld.idx.msk [tilespmem:v40+s3+$0x0], vm1;
	(pc) =	sbr.rel @p2 .LBB2_12-.Ltmp9, $4  }
0xe3: {  	v55 =	vmovc v27;
	v46 =	vmovc v44;
	v45 =	vmov v50;
	(erf) = vpow2.f32 v34;
	v33 =	vsub.f32 v33, v54  }
0xe4: {  	v56 =	vmul.f32 $1.442695020e+00, v42;
	vm0 =	vmmov vm1;
	v63 =	vpop (erf);
	(erf) = vpow2.f32 v35  }
0xe5: {  	v49 =	vmovc v52;
	v42 =	vmovc v24;
	v58 =	vsub.f32 v36, v54;
	v57 =	vmul.f32 $1.442695020e+00, v33;
	v47 =	vmul.f32 v63, v31  }
0xe6: {  	s30 =	simm.s32 $0x2;
	p1 =	por $0x1, $0x1;
	v41 =	vmovc v28;
	v48 =	vmovc v54;
	v40 =	vmov v29;
	v43 =	vmul.f32 v63, v30;
	(erf) = vpow2.f32 v62  }
.LBB2_13:
0xe7: {  	v33 =	vadd.s32 s30, v38;
	v34 =	vmul.f32 v39, v1;
	v35 =	vmul.f32 $1.442695020e+00, v58;
	v36 =	vmovc v39;
	s0 =	smov.u32 s30;
	s30 =	sadd.s32 $0x1, s30  }
0xe8: {  	v5 =	vmov s0;
	p2 =	seq.s32 s28, s30;
	v58 =	vmul.f32 v36, v2;
	v59 =	vmul.f32 v36, v3  }
0xe9: {  	vm1 =	vlt.s32 v5, v37;
	v34 =	vadd.f32 v34, v20;
	(erf) = vpow2.f32 v56;
	v39 =	vpop (erf)  }
0xea: {  	v33 =	vnsel vm1, $0x0, v33;
	v56 =	vadd.f32 v59, v22;
	v59 =	vmul.f32 v36, v4  }
0xeb: {  	v5 =	vmul.f32 $2.000000030e-01, v34;
	(erf) = vpow2.f32 v57  }
0xec: {  	v57 =	vadd.f32 v58, v21;
	v62 =	vmul.f32 $2.000000030e-01, v56;
	v61 =	vpop (erf);
	(erf) = vpow2.f32 v35  }
0xed: {  	v35 =	vadd.f32 v59, v23;
	v59 =	vmul.f32 v39, v32;
	v34 =	vmax.f32 v34, v5;
	v60 =	vpop (erf)  }
0xee: {  	v53 =	vmul.f32 v61, v53;
	v34 =	vnsel vm0, $0xF149F2CA, v34;
	v56 =	vmax.f32 v56, v62  }
0xef: {  	v55 =	vmul.f32 v61, v55;
	v33 =	vld.idx.msk [tilespmem:v33+s21+$0x0], vm1;
	v44 =	vmax.f32 v44, v34;
	v56 =	vnsel vm0, $0xF149F2CA, v56;
	v58 =	vpop (erf)  }
0xf0: {  	v62 =	vmul.f32 $2.000000030e-01, v35;
	v61 =	vsub.f32 v46, v44;
	v63 =	vmul.f32 v58, v32;
	v46 =	vmovc v44  }
0xf1: {  	v5 =	vmul.f32 $2.000000030e-01, v57;
	v53 =	vadd.f32 v53, v39;
	v50 =	vmax.f32 v50, v56  }
0xf2: {  	v34 =	vsub.f32 v34, v44;
	v47 =	vadd.f32 v47, v58;
	v61 =	vmul.f32 $1.442695020e+00, v61;
	v58 =	vpop (erf)  }
0xf3: {  	v5 =	vmax.f32 v57, v5;
	v35 =	vmax.f32 v35, v62;
	v43 =	vadd.f32 v63, v43  }
0xf4: {  	v56 =	vsub.f32 v56, v50;
	v57 =	vmul.f32 v58, v32;
	(erf) = vpow2.f32 v61;
	v39 =	vpop (erf)  }
0xf5: {  	v33 =	vnsel vm1, $0x0, v33;
	v61 =	vsub.f32 v45, v50;
	v42 =	vmul.f32 v39, v42;
	v62 =	vpop (erf)  }
0xf6: {  	v5 =	vnsel vm0, $0xF149F2CA, v5;
	v56 =	vmul.f32 $1.442695020e+00, v56;
	v45 =	vmovc v50;
	v51 =	vmul.f32 v39, v51  }
0xf7: {  	v52 =	vmax.f32 v52, v5;
	v35 =	vnsel vm0, $0xF149F2CA, v35;
	v39 =	vmul.f32 v60, v40  }
0xf8: {  	v63 =	vsub.f32 v49, v52;
	v49 =	vmovc v52;
	v61 =	vmul.f32 $1.442695020e+00, v61;
	v42 =	vadd.f32 v42, v62  }
0xf9: {  	v5 =	vsub.f32 v5, v52;
	v40 =	vadd.f32 v39, v58;
	(erf) = vpow2.f32 v56  }
0xfa: {  	v41 =	vmul.f32 v60, v41;
	v54 =	vmax.f32 v54, v35;
	v39 =	vld.idx.msk [tilespmem:v33+s3+$0x0], vm1;
	v33 =	vmul.f32 $1.442695020e+00, v63  }
.Ltmp10:
0xfb: {  	v58 =	vsub.f32 v35, v54;
	v56 =	vmul.f32 $1.442695020e+00, v5;
	v5 =	vsub.f32 v48, v54;
	v48 =	vmovc v54;
	(pc) =	sbr.rel @!p2 .LBB2_13-.Ltmp10, $4  }
0xfc: {  	v41 =	vadd.f32 v57, v41;
	v35 =	vmul.f32 v62, v32;
	v32 =	vmovc v36;
	(erf) = vpow2.f32 v61  }
0xfd: {  	v55 =	vadd.f32 v59, v55;
	v34 =	vmul.f32 $1.442695020e+00, v34;
	v36 =	vpop (erf);
	(erf) = vpow2.f32 v33  }
0xfe: {  	v51 =	vadd.f32 v35, v51;
	v47 =	vmul.f32 v36, v47;
	v43 =	vmul.f32 v36, v43  }
0xff: {  	vm0 =	vmmov vm1;
	v57 =	vmul.f32 $1.442695020e+00, v5;
	(erf) = vpow2.f32 v34  }
.Ltmp11:
0x100: {  	(pc) =	sbr.rel .LBB2_15-.Ltmp11, $2  }
0x101: {  	_ =	sdelay $0x2  }
0x102: {  	v36 =	vmovc v44;
	v34 =	vmov v50;
	v35 =	vmov v52;
	v33 =	vmov v54  }
.LBB2_12:
.Ltmp12:
0x103: {  	(pc) =	sbr.rel .LBB2_15-.Ltmp12, $4  }
0x104: {  	_ = 	snop  }
0x105: {  	v53 =	vmovc v25;
	v36 =	vmov v44;
	v55 =	vmov v27;
	v46 =	vmov v44  }
0x106: {  	v34 =	vmovc v50;
	v45 =	vmovc v50;
	v42 =	vmov v24;
	v51 =	vmov v26;
	v35 =	vmov v52  }
0x107: {  	v40 =	vmovc v29;
	v49 =	vmovc v52;
	v33 =	vmov v54;
	v41 =	vmov v28;
	v48 =	vmov v54  }
.LBB2_6:
0x108: {  	_ =	sfence.sel $0x180000  }
0x109: {  	[bflag:$0x0] =	sbarrier.arrive $0xFFFF  }
0x10a: {  	_ =	strace $0x9000004A  }
0x10b: {  	s0 =	stileid.u32;
	[bflag:$0x2] =	sbarrier.arrive $0xFFFF  }
0x10c: {  	p0 =	sne.s32 s0, $0x0;
	s0 =	rddreg [dreg:$0x3]  }
0x10d: {  	s0 =	sadd.s32 @!p0 $0x100000, s0  }
0x10e: {  	[sflag:s0] =	ssyncadd.tile.s32 @!p0 $0x1;
	_ =	shalt  }
.Lfunc_end2:
_tile_overlayer_lowered:
.L_overlay_start_2:
0x10f: {  	(tag) =	ssettag $0x2  }
0x110: {  	s0 =	rddreg [dreg:$0x0];
	s2 =	stileid.u32  }
0x111: {  	s1 =	rddreg [dreg:$0x1];
	p0 =	sne.s32 s2, $0x0  }
0x112: {  	s3 =	rddreg [dreg:$0x2];
	[bflag:$0x3] =	sbarrier.arrive $0xFFFF;
	s2 =	simm.s32 @!p0 $0x1C01  }
0x113: {  	[timem:s3], [sflag:s2] =	dma.local @!p0 [hbm:s0], s1  }
0x114: {  	s0 =	simm.s32 @!p0 $0x1  }
0x115: {  	_ =	swait.ge @!p0 [sflag:s0], s1  }
0x116: {  	s1 =	ssub.s32 @!p0 $0x0, s1;
	[sflag:s0] =	ssyncset.done @!p0 $0x0  }
0x117: {  	[sflag:s0] =	ssyncadd.s32 @!p0 s1  }
0x118: {  	[bflag:$0x3] =	sbarrier.arrive $0xFFFF  }
0x119: {  	_ =	shalt  }

</sc_bundles>
